<compile_context>
chip_gen: v7x
topology: tpu7x:2x2x1
jax: 0.10.2.dev20260603
libtpu: 0.0.44.dev20260713+nightly
codegen_flags: <defaults>
</compile_context>

<pallas_src>
import functools
import math

import jax
import jax.numpy as jnp
from jax import lax
from jax.experimental import pallas as pl
from jax.experimental.pallas import tpu as pltpu
from jax.experimental.pallas import tpu_sc as plsc

VOCAB_ = 1000000
DIM_ = 64
SCALE_ = math.sqrt(DIM_)

NC = 2
NS = 16
NW = NC * NS
LANES = 16

NB = 4096
NJ = 200
B_TOTAL = NB * NJ
C = 256


def _sc_embed():
  b_per_w = B_TOTAL // NW
  nchunks = b_per_w // C
  assert nchunks % 2 == 0 and nchunks >= 6
  blocks_per_chunk = C // 128
  mesh = plsc.VectorSubcoreMesh(core_axis_name="c", subcore_axis_name="s")

  @functools.partial(
      pl.kernel,
      out_type=jax.ShapeDtypeStruct((NJ, 8, NB // 128, 8, 128),
                                    jnp.float32),
      mesh=mesh,
      scratch_types=[
          pltpu.VMEM((b_per_w,), jnp.int32),
          pltpu.VMEM((C, DIM_), jnp.float32),
          pltpu.VMEM((C, DIM_), jnp.float32),
          pltpu.VMEM((128, 129), jnp.float32),
          pltpu.VMEM((128, 129), jnp.float32),
          pltpu.SemaphoreType.DMA,
          pltpu.SemaphoreType.DMA,
          pltpu.SemaphoreType.DMA,
          pltpu.SemaphoreType.DMA,
      ],
      compiler_params=pltpu.CompilerParams(use_tc_tiling_on_sc=False,
                                           needs_layout_passes=False),
  )
  def embed(x_hbm, table_hbm, out_hbm, idx_all, r0, r1, t0, t1,
            sg0, sg1, ts0, ts1):
    wid = lax.axis_index("s") * NC + lax.axis_index("c")
    wbase = wid * b_per_w
    gblock0 = wid * (b_per_w // 128)

    iota16 = lax.iota(jnp.int32, 16)

    def g_start(k, rows, sem):
      pltpu.async_copy(table_hbm.at[idx_all.at[pl.ds(k * C, C)]], rows, sem)

    def g_wait(rows, sem):
      pltpu.make_async_copy(
          table_hbm.at[idx_all.at[pl.ds(0, C)]], rows, sem).wait()

    def transpose(k, rows, tbuf):
      del k
      for blk in range(blocks_per_chunk):
        drow = [jnp.int32(blk * 64 + c * 16) + iota16 for c in range(4)]

        @plsc.parallel_loop(0, 128, 1, unroll=8)
        def _(r):
          bv = jnp.broadcast_to(r, (LANES,))
          for c in range(4):
            val = rows[blk * 128 + r, pl.ds(c * 16, 16)]
            plsc.store_scatter(tbuf, [drow[c], bv], val * SCALE_)

    def s_start(k, tbuf, sem):
      for blk in range(blocks_per_chunk):
        g = gblock0 + k * blocks_per_chunk + blk
        j = lax.shift_right_logical(g, 5)
        bt = g & 31
        for dt in range(8):
          pltpu.async_copy(
              tbuf.at[pl.ds(blk * 64 + dt * 8, 8), pl.ds(0, 128)],
              out_hbm.at[j, dt, bt], sem)

    def s_wait(tbuf, sem):
      for _ in range(blocks_per_chunk * 8):
        pltpu.make_async_copy(
            tbuf.at[pl.ds(0, 8), pl.ds(0, 128)],
            out_hbm.at[0, 0, 0], sem).wait()

    pltpu.sync_copy(x_hbm.at[pl.ds(wbase, b_per_w)], idx_all)

    g_start(0, r0, sg0)

    @pl.loop(0, nchunks, step=2)
    def _(k0):
      g_wait(r0, sg0)
      g_start(k0 + 1, r1, sg1)

      @pl.when(k0 >= 2)
      def _():
        s_wait(t0, ts0)
      transpose(k0, r0, t0)
      s_start(k0, t0, ts0)

      g_wait(r1, sg1)

      @pl.when(k0 + 2 < nchunks)
      def _():
        g_start(k0 + 2, r0, sg0)

      @pl.when(k0 >= 2)
      def _():
        s_wait(t1, ts1)
      transpose(k0 + 1, r1, t1)
      s_start(k0 + 1, t1, ts1)

    s_wait(t0, ts0)
    s_wait(t1, ts1)

  return embed


def kernel(x, table):
  flat = x.T.reshape(B_TOTAL)
  out5 = _sc_embed()(flat, table)
  out = out5.transpose(2, 4, 0, 1, 3).reshape(NB, NJ, DIM_)
  return out

# --- scband reference (transcript-rebuilt; emitter-appended) ---
"""Pipeline reference for scband-embedder-15453292331244 (READ-ONLY COPY).

The authoritative reference and input builder live on the scoring server;
editing this copy changes nothing except your own understanding.
"""

import jax, jax.numpy as jnp
import numpy as np
import math

VOCAB = 1000000
DIM = 64

def setup_inputs(seed: int = 0) -> dict:
    key = jax.random.key(seed)
    k_idx, k_tab = jax.random.split(key)
    x = jax.random.randint(k_idx, (4096, 200), 0, VOCAB, dtype=jnp.int64 if jax.config.jax_enable_x64 else jnp.int32)
    table = jax.random.normal(k_tab, (VOCAB, DIM), dtype=jnp.float32)
    return {"x": x, "table": table}

def reference(x, table):
    # embedding lookup followed by scaling with sqrt(embedding_dim)
    emb = jnp.take(table, x, axis=0)
    return emb * math.sqrt(DIM)

if __name__ == "__main__":
    import jax
    _d = setup_inputs()
    print(jax.jit(kernel)(*tuple(_d.values())))

</pallas_src>

<mosaic_0001>
#map = affine_map<(d0, d1) -> (0)>
#map1 = affine_map<(d0, d1) -> (0, 0)>
#map2 = affine_map<(d0, d1) -> (0, 0, 0, 0, 0)>
module attributes {stable_mosaic.version = 14 : i64} {
  func.func @embed(%arg0: i32, %arg1: i32, %arg2: memref<819200xi32, #tpu.memory_space<hbm>>, %arg3: memref<1000000x64xf32, #tpu.memory_space<hbm>>, %arg4: memref<200x8x32x8x128xf32, #tpu.memory_space<hbm>>, %arg5: memref<25600xi32, #tpu.memory_space<vmem>>, %arg6: memref<256x64xf32, #tpu.memory_space<vmem>>, %arg7: memref<256x64xf32, #tpu.memory_space<vmem>>, %arg8: memref<128x129xf32, #tpu.memory_space<vmem>>, %arg9: memref<128x129xf32, #tpu.memory_space<vmem>>, %arg10: memref<!tpu.dma_semaphore, #tpu.memory_space<semaphore_mem>>, %arg11: memref<!tpu.dma_semaphore, #tpu.memory_space<semaphore_mem>>, %arg12: memref<!tpu.dma_semaphore, #tpu.memory_space<semaphore_mem>>, %arg13: memref<!tpu.dma_semaphore, #tpu.memory_space<semaphore_mem>>) attributes {dimension_semantics = [#tpu.dimension_semantics<core_parallel>, #tpu.dimension_semantics<subcore_parallel>], iteration_bounds = array<i64: 2, 16>, scalar_prefetch = 0 : i64, scratch_operands = 9 : i64, tpu.core_type = #tpu.core_type<sc_vector_subcore>, window_params = [{transform_indices = #map}, {transform_indices = #map1}, {transform_indices = #map2}]} {
    %mul3A = arith.constant 2 : i32
    %mul3A_0 = arith.muli %arg1, %mul3A : i32
    %add3A = arith.addi %mul3A_0, %arg0 : i32
    %mul3A_1 = arith.constant 25600 : i32
    %mul3A_2 = arith.muli %add3A, %mul3A_1 : i32
    %mul3A_3 = arith.constant 200 : i32
    %mul3A_4 = arith.muli %add3A, %mul3A_3 : i32
    %iota3A = tpu.iota {dimensions = array<i32: 0>} : vector<16xi32>
    "tpu.region"() ({
      %run_scoped3A = tpu.sem_alloc : memref<!tpu.dma_semaphore, #tpu.memory_space<semaphore_mem>>
      %dma_start3A_556 = tpu.memref_slice %arg2[%mul3A_2] : memref<819200xi32, #tpu.memory_space<hbm>> -> memref<25600xi32, #tpu.memory_space<hbm>>
      %dma_start3A_557 = tpu.memref_slice %arg2[%mul3A_2] : memref<819200xi32, #tpu.memory_space<hbm>> -> memref<25600xi32, #tpu.memory_space<hbm>>
      tpu.enqueue_dma source(%dma_start3A_557 : memref<25600xi32, #tpu.memory_space<hbm>>) target(%arg5 : memref<25600xi32, #tpu.memory_space<vmem>>) target_semaphore(%run_scoped3A : memref<!tpu.dma_semaphore, #tpu.memory_space<semaphore_mem>>)
      %dma_wait3A_558 = tpu.memref_slice %arg2[%mul3A_2] : memref<819200xi32, #tpu.memory_space<hbm>> -> memref<25600xi32, #tpu.memory_space<hbm>>
      %dma_wait3A_559 = tpu.memref_slice %arg2[%mul3A_2] : memref<819200xi32, #tpu.memory_space<hbm>> -> memref<25600xi32, #tpu.memory_space<hbm>>
      tpu.wait_dma2 semaphore(%run_scoped3A : memref<!tpu.dma_semaphore, #tpu.memory_space<semaphore_mem>>) src(%dma_wait3A_559 : memref<25600xi32, #tpu.memory_space<hbm>>) dst(%arg5 : memref<25600xi32, #tpu.memory_space<vmem>>)
      tpu.yield
    }) : () -> ()
    %dma_start3A = arith.constant 0 : i32
    %dma_start3A_5 = tpu.memref_slice %arg5[%dma_start3A] : memref<25600xi32, #tpu.memory_space<vmem>> -> memref<256xi32, #tpu.memory_space<vmem>>
    %dma_start3A_6 = arith.constant 0 : i32
    %dma_start3A_7 = arith.constant 0 : i32
    %dma_start3A_8 = tpu.memref_slice %arg3[%dma_start3A_6, %dma_start3A_7] : memref<1000000x64xf32, #tpu.memory_space<hbm>> -> memref<1000000x64xf32, #tpu.memory_space<hbm>>
    tpu.enqueue_indirect_dma source(%dma_start3A_8 : memref<1000000x64xf32, #tpu.memory_space<hbm>>) target(%arg6 : memref<256x64xf32, #tpu.memory_space<vmem>>) offsets(%dma_start3A_5 : memref<256xi32, #tpu.memory_space<vmem>>) semaphore(%arg10 : memref<!tpu.dma_semaphore, #tpu.memory_space<semaphore_mem>>)
    %scan3A = arith.constant 0 : i32
    %scan3A_9 = arith.constant 50 : i32
    %scan3A_10 = arith.addi %scan3A, %scan3A_9 : i32
    %scan3A_11 = arith.constant 1 : i32
    scf.for %scan3A_556 = %scan3A to %scan3A_10 step %scan3A_11  : i32 {
      %mul3A_557 = arith.constant 2 : i32
      %mul3A_558 = arith.muli %scan3A_556, %mul3A_557 : i32
      %add3A_559 = arith.constant 0 : i32
      %add3A_560 = arith.addi %add3A_559, %mul3A_558 : i32
      %dma_wait3A_561 = arith.constant 0 : i32
      %dma_wait3A_562 = tpu.memref_slice %arg5[%dma_wait3A_561] : memref<25600xi32, #tpu.memory_space<vmem>> -> memref<256xi32, #tpu.memory_space<vmem>>
      %dma_wait3A_563 = arith.constant 0 : i32
      %dma_wait3A_564 = arith.constant 0 : i32
      %dma_wait3A_565 = tpu.memref_slice %arg3[%dma_wait3A_563, %dma_wait3A_564] : memref<1000000x64xf32, #tpu.memory_space<hbm>> -> memref<1000000x64xf32, #tpu.memory_space<hbm>>
      tpu.wait_indirect_dma semaphore(%arg10 : memref<!tpu.dma_semaphore, #tpu.memory_space<semaphore_mem>>) src(%dma_wait3A_565 : memref<1000000x64xf32, #tpu.memory_space<hbm>>) dst(%arg6 : memref<256x64xf32, #tpu.memory_space<vmem>>)
      %add3A_566 = arith.constant 1 : i32
      %add3A_567 = arith.addi %add3A_560, %add3A_566 : i32
      %mul3A_568 = arith.constant 256 : i32
      %mul3A_569 = arith.muli %add3A_567, %mul3A_568 : i32
      %dma_start3A_570 = tpu.memref_slice %arg5[%mul3A_569] : memref<25600xi32, #tpu.memory_space<vmem>> -> memref<256xi32, #tpu.memory_space<vmem>>
      %dma_start3A_571 = arith.constant 0 : i32
      %dma_start3A_572 = arith.constant 0 : i32
      %dma_start3A_573 = tpu.memref_slice %arg3[%dma_start3A_571, %dma_start3A_572] : memref<1000000x64xf32, #tpu.memory_space<hbm>> -> memref<1000000x64xf32, #tpu.memory_space<hbm>>
      tpu.enqueue_indirect_dma source(%dma_start3A_573 : memref<1000000x64xf32, #tpu.memory_space<hbm>>) target(%arg7 : memref<256x64xf32, #tpu.memory_space<vmem>>) offsets(%dma_start3A_570 : memref<256xi32, #tpu.memory_space<vmem>>) semaphore(%arg11 : memref<!tpu.dma_semaphore, #tpu.memory_space<semaphore_mem>>)
      %ge3A = arith.constant 2 : i32
      %ge3A_574 = arith.cmpi sge, %add3A_560, %ge3A : i32
      %convert_element_type3A = arith.extui %ge3A_574 : i1 to i32
      %cond3A = arith.constant 0 : i32
      %cond3A_575 = arith.cmpi ne, %convert_element_type3A, %cond3A : i32
      scf.if %cond3A_575 {
        %dma_wait3A_1169 = arith.constant 0 : i32
        %dma_wait3A_1170 = arith.constant 0 : i32
        %dma_wait3A_1171 = arith.constant 0 : i32
        %dma_wait3A_1172 = arith.constant 0 : i32
        %dma_wait3A_1173 = arith.constant 0 : i32
        %dma_wait3A_1174 = tpu.memref_slice %arg8[%dma_wait3A_1172, %dma_wait3A_1173] : memref<128x129xf32, #tpu.memory_space<vmem>> -> memref<8x128xf32, #tpu.memory_space<vmem>>
        %dma_wait3A_1175 = arith.constant 0 : i32
        %dma_wait3A_1176 = arith.constant 0 : i32
        %dma_wait3A_1177 = tpu.memref_slice %arg4[%dma_wait3A_1169, %dma_wait3A_1170, %dma_wait3A_1171, %dma_wait3A_1175, %dma_wait3A_1176] : memref<200x8x32x8x128xf32, #tpu.memory_space<hbm>> -> memref<1x1x1x8x128xf32, #tpu.memory_space<hbm>>
        %dma_wait3A_1178 = tpu.memref_squeeze %dma_wait3A_1177 : memref<1x1x1x8x128xf32, #tpu.memory_space<hbm>> -> memref<8x128xf32, #tpu.memory_space<hbm>>
        %dma_wait3A_1179 = arith.constant 0 : i32
        %dma_wait3A_1180 = arith.constant 0 : i32
        %dma_wait3A_1181 = tpu.memref_slice %arg4[%dma_wait3A_1169, %dma_wait3A_1170, %dma_wait3A_1171, %dma_wait3A_1179, %dma_wait3A_1180] : memref<200x8x32x8x128xf32, #tpu.memory_space<hbm>> -> memref<1x1x1x8x128xf32, #tpu.memory_space<hbm>>
        %dma_wait3A_1182 = tpu.memref_squeeze %dma_wait3A_1181 : memref<1x1x1x8x128xf32, #tpu.memory_space<hbm>> -> memref<8x128xf32, #tpu.memory_space<hbm>>
        %dma_wait3A_1183 = arith.constant 0 : i32
        %dma_wait3A_1184 = arith.constant 0 : i32
        %dma_wait3A_1185 = tpu.memref_slice %arg8[%dma_wait3A_1183, %dma_wait3A_1184] : memref<128x129xf32, #tpu.memory_space<vmem>> -> memref<8x128xf32, #tpu.memory_space<vmem>>
        tpu.wait_dma2 semaphore(%arg12 : memref<!tpu.dma_semaphore, #tpu.memory_space<semaphore_mem>>) src(%dma_wait3A_1185 : memref<8x128xf32, #tpu.memory_space<vmem>>) dst(%dma_wait3A_1182 : memref<8x128xf32, #tpu.memory_space<hbm>>)
        %dma_wait3A_1186 = arith.constant 0 : i32
        %dma_wait3A_1187 = arith.constant 0 : i32
        %dma_wait3A_1188 = arith.constant 0 : i32
        %dma_wait3A_1189 = arith.constant 0 : i32
        %dma_wait3A_1190 = arith.constant 0 : i32
        %dma_wait3A_1191 = tpu.memref_slice %arg8[%dma_wait3A_1189, %dma_wait3A_1190] : memref<128x129xf32, #tpu.memory_space<vmem>> -> memref<8x128xf32, #tpu.memory_space<vmem>>
        %dma_wait3A_1192 = arith.constant 0 : i32
        %dma_wait3A_1193 = arith.constant 0 : i32
        %dma_wait3A_1194 = tpu.memref_slice %arg4[%dma_wait3A_1186, %dma_wait3A_1187, %dma_wait3A_1188, %dma_wait3A_1192, %dma_wait3A_1193] : memref<200x8x32x8x128xf32, #tpu.memory_space<hbm>> -> memref<1x1x1x8x128xf32, #tpu.memory_space<hbm>>
        %dma_wait3A_1195 = tpu.memref_squeeze %dma_wait3A_1194 : memref<1x1x1x8x128xf32, #tpu.memory_space<hbm>> -> memref<8x128xf32, #tpu.memory_space<hbm>>
        %dma_wait3A_1196 = arith.constant 0 : i32
        %dma_wait3A_1197 = arith.constant 0 : i32
        %dma_wait3A_1198 = tpu.memref_slice %arg4[%dma_wait3A_1186, %dma_wait3A_1187, %dma_wait3A_1188, %dma_wait3A_1196, %dma_wait3A_1197] : memref<200x8x32x8x128xf32, #tpu.memory_space<hbm>> -> memref<1x1x1x8x128xf32, #tpu.memory_space<hbm>>
        %dma_wait3A_1199 = tpu.memref_squeeze %dma_wait3A_1198 : memref<1x1x1x8x128xf32, #tpu.memory_space<hbm>> -> memref<8x128xf32, #tpu.memory_space<hbm>>
        %dma_wait3A_1200 = arith.constant 0 : i32
        %dma_wait3A_1201 = arith.constant 0 : i32
        %dma_wait3A_1202 = tpu.memref_slice %arg8[%dma_wait3A_1200, %dma_wait3A_1201] : memref<128x129xf32, #tpu.memory_space<vmem>> -> memref<8x128xf32, #tpu.memory_space<vmem>>
        tpu.wait_dma2 semaphore(%arg12 : memref<!tpu.dma_semaphore, #tpu.memory_space<semaphore_mem>>) src(%dma_wait3A_1202 : memref<8x128xf32, #tpu.memory_space<vmem>>) dst(%dma_wait3A_1199 : memref<8x128xf32, #tpu.memory_space<hbm>>)
        %dma_wait3A_1203 = arith.constant 0 : i32
        %dma_wait3A_1204 = arith.constant 0 : i32
        %dma_wait3A_1205 = arith.constant 0 : i32
        %dma_wait3A_1206 = arith.constant 0 : i32
        %dma_wait3A_1207 = arith.constant 0 : i32
        %dma_wait3A_1208 = tpu.memref_slice %arg8[%dma_wait3A_1206, %dma_wait3A_1207] : memref<128x129xf32, #tpu.memory_space<vmem>> -> memref<8x128xf32, #tpu.memory_space<vmem>>
        %dma_wait3A_1209 = arith.constant 0 : i32
        %dma_wait3A_1210 = arith.constant 0 : i32
        %dma_wait3A_1211 = tpu.memref_slice %arg4[%dma_wait3A_1203, %dma_wait3A_1204, %dma_wait3A_1205, %dma_wait3A_1209, %dma_wait3A_1210] : memref<200x8x32x8x128xf32, #tpu.memory_space<hbm>> -> memref<1x1x1x8x128xf32, #tpu.memory_space<hbm>>
        %dma_wait3A_1212 = tpu.memref_squeeze %dma_wait3A_1211 : memref<1x1x1x8x128xf32, #tpu.memory_space<hbm>> -> memref<8x128xf32, #tpu.memory_space<hbm>>
        %dma_wait3A_1213 = arith.constant 0 : i32
        %dma_wait3A_1214 = arith.constant 0 : i32
        %dma_wait3A_1215 = tpu.memref_slice %arg4[%dma_wait3A_1203, %dma_wait3A_1204, %dma_wait3A_1205, %dma_wait3A_1213, %dma_wait3A_1214] : memref<200x8x32x8x128xf32, #tpu.memory_space<hbm>> -> memref<1x1x1x8x128xf32, #tpu.memory_space<hbm>>
        %dma_wait3A_1216 = tpu.memref_squeeze %dma_wait3A_1215 : memref<1x1x1x8x128xf32, #tpu.memory_space<hbm>> -> memref<8x128xf32, #tpu.memory_space<hbm>>
        %dma_wait3A_1217 = arith.constant 0 : i32
        %dma_wait3A_1218 = arith.constant 0 : i32
        %dma_wait3A_1219 = tpu.memref_slice %arg8[%dma_wait3A_1217, %dma_wait3A_1218] : memref<128x129xf32, #tpu.memory_space<vmem>> -> memref<8x128xf32, #tpu.memory_space<vmem>>
        tpu.wait_dma2 semaphore(%arg12 : memref<!tpu.dma_semaphore, #tpu.memory_space<semaphore_mem>>) src(%dma_wait3A_1219 : memref<8x128xf32, #tpu.memory_space<vmem>>) dst(%dma_wait3A_1216 : memref<8x128xf32, #tpu.memory_space<hbm>>)
        %dma_wait3A_1220 = arith.constant 0 : i32
        %dma_wait3A_1221 = arith.constant 0 : i32
        %dma_wait3A_1222 = arith.constant 0 : i32
        %dma_wait3A_1223 = arith.constant 0 : i32
        %dma_wait3A_1224 = arith.constant 0 : i32
        %dma_wait3A_1225 = tpu.memref_slice %arg8[%dma_wait3A_1223, %dma_wait3A_1224] : memref<128x129xf32, #tpu.memory_space<vmem>> -> memref<8x128xf32, #tpu.memory_space<vmem>>
        %dma_wait3A_1226 = arith.constant 0 : i32
        %dma_wait3A_1227 = arith.constant 0 : i32
        %dma_wait3A_1228 = tpu.memref_slice %arg4[%dma_wait3A_1220, %dma_wait3A_1221, %dma_wait3A_1222, %dma_wait3A_1226, %dma_wait3A_1227] : memref<200x8x32x8x128xf32, #tpu.memory_space<hbm>> -> memref<1x1x1x8x128xf32, #tpu.memory_space<hbm>>
        %dma_wait3A_1229 = tpu.memref_squeeze %dma_wait3A_1228 : memref<1x1x1x8x128xf32, #tpu.memory_space<hbm>> -> memref<8x128xf32, #tpu.memory_space<hbm>>
        %dma_wait3A_1230 = arith.constant 0 : i32
        %dma_wait3A_1231 = arith.constant 0 : i32
        %dma_wait3A_1232 = tpu.memref_slice %arg4[%dma_wait3A_1220, %dma_wait3A_1221, %dma_wait3A_1222, %dma_wait3A_1230, %dma_wait3A_1231] : memref<200x8x32x8x128xf32, #tpu.memory_space<hbm>> -> memref<1x1x1x8x128xf32, #tpu.memory_space<hbm>>
        %dma_wait3A_1233 = tpu.memref_squeeze %dma_wait3A_1232 : memref<1x1x1x8x128xf32, #tpu.memory_space<hbm>> -> memref<8x128xf32, #tpu.memory_space<hbm>>
        %dma_wait3A_1234 = arith.constant 0 : i32
        %dma_wait3A_1235 = arith.constant 0 : i32
        %dma_wait3A_1236 = tpu.memref_slice %arg8[%dma_wait3A_1234, %dma_wait3A_1235] : memref<128x129xf32, #tpu.memory_space<vmem>> -> memref<8x128xf32, #tpu.memory_space<vmem>>
        tpu.wait_dma2 semaphore(%arg12 : memref<!tpu.dma_semaphore, #tpu.memory_space<semaphore_mem>>) src(%dma_wait3A_1236 : memref<8x128xf32, #tpu.memory_space<vmem>>) dst(%dma_wait3A_1233 : memref<8x128xf32, #tpu.memory_space<hbm>>)
        %dma_wait3A_1237 = arith.constant 0 : i32
        %dma_wait3A_1238 = arith.constant 0 : i32
        %dma_wait3A_1239 = arith.constant 0 : i32
        %dma_wait3A_1240 = arith.constant 0 : i32
        %dma_wait3A_1241 = arith.constant 0 : i32
        %dma_wait3A_1242 = tpu.memref_slice %arg8[%dma_wait3A_1240, %dma_wait3A_1241] : memref<128x129xf32, #tpu.memory_space<vmem>> -> memref<8x128xf32, #tpu.memory_space<vmem>>
        %dma_wait3A_1243 = arith.constant 0 : i32
        %dma_wait3A_1244 = arith.constant 0 : i32
        %dma_wait3A_1245 = tpu.memref_slice %arg4[%dma_wait3A_1237, %dma_wait3A_1238, %dma_wait3A_1239, %dma_wait3A_1243, %dma_wait3A_1244] : memref<200x8x32x8x128xf32, #tpu.memory_space<hbm>> -> memref<1x1x1x8x128xf32, #tpu.memory_space<hbm>>
        %dma_wait3A_1246 = tpu.memref_squeeze %dma_wait3A_1245 : memref<1x1x1x8x128xf32, #tpu.memory_space<hbm>> -> memref<8x128xf32, #tpu.memory_space<hbm>>
        %dma_wait3A_1247 = arith.constant 0 : i32
        %dma_wait3A_1248 = arith.constant 0 : i32
        %dma_wait3A_1249 = tpu.memref_slice %arg4[%dma_wait3A_1237, %dma_wait3A_1238, %dma_wait3A_1239, %dma_wait3A_1247, %dma_wait3A_1248] : memref<200x8x32x8x128xf32, #tpu.memory_space<hbm>> -> memref<1x1x1x8x128xf32, #tpu.memory_space<hbm>>
        %dma_wait3A_1250 = tpu.memref_squeeze %dma_wait3A_1249 : memref<1x1x1x8x128xf32, #tpu.memory_space<hbm>> -> memref<8x128xf32, #tpu.memory_space<hbm>>
        %dma_wait3A_1251 = arith.constant 0 : i32
        %dma_wait3A_1252 = arith.constant 0 : i32
        %dma_wait3A_1253 = tpu.memref_slice %arg8[%dma_wait3A_1251, %dma_wait3A_1252] : memref<128x129xf32, #tpu.memory_space<vmem>> -> memref<8x128xf32, #tpu.memory_space<vmem>>
        tpu.wait_dma2 semaphore(%arg12 : memref<!tpu.dma_semaphore, #tpu.memory_space<semaphore_mem>>) src(%dma_wait3A_1253 : memref<8x128xf32, #tpu.memory_space<vmem>>) dst(%dma_wait3A_1250 : memref<8x128xf32, #tpu.memory_space<hbm>>)
        %dma_wait3A_1254 = arith.constant 0 : i32
        %dma_wait3A_1255 = arith.constant 0 : i32
        %dma_wait3A_1256 = arith.constant 0 : i32
        %dma_wait3A_1257 = arith.constant 0 : i32
        %dma_wait3A_1258 = arith.constant 0 : i32
        %dma_wait3A_1259 = tpu.memref_slice %arg8[%dma_wait3A_1257, %dma_wait3A_1258] : memref<128x129xf32, #tpu.memory_space<vmem>> -> memref<8x128xf32, #tpu.memory_space<vmem>>
        %dma_wait3A_1260 = arith.constant 0 : i32
        %dma_wait3A_1261 = arith.constant 0 : i32
        %dma_wait3A_1262 = tpu.memref_slice %arg4[%dma_wait3A_1254, %dma_wait3A_1255, %dma_wait3A_1256, %dma_wait3A_1260, %dma_wait3A_1261] : memref<200x8x32x8x128xf32, #tpu.memory_space<hbm>> -> memref<1x1x1x8x128xf32, #tpu.memory_space<hbm>>
        %dma_wait3A_1263 = tpu.memref_squeeze %dma_wait3A_1262 : memref<1x1x1x8x128xf32, #tpu.memory_space<hbm>> -> memref<8x128xf32, #tpu.memory_space<hbm>>
        %dma_wait3A_1264 = arith.constant 0 : i32
        %dma_wait3A_1265 = arith.constant 0 : i32
        %dma_wait3A_1266 = tpu.memref_slice %arg4[%dma_wait3A_1254, %dma_wait3A_1255, %dma_wait3A_1256, %dma_wait3A_1264, %dma_wait3A_1265] : memref<200x8x32x8x128xf32, #tpu.memory_space<hbm>> -> memref<1x1x1x8x128xf32, #tpu.memory_space<hbm>>
        %dma_wait3A_1267 = tpu.memref_squeeze %dma_wait3A_1266 : memref<1x1x1x8x128xf32, #tpu.memory_space<hbm>> -> memref<8x128xf32, #tpu.memory_space<hbm>>
        %dma_wait3A_1268 = arith.constant 0 : i32
        %dma_wait3A_1269 = arith.constant 0 : i32
        %dma_wait3A_1270 = tpu.memref_slice %arg8[%dma_wait3A_1268, %dma_wait3A_1269] : memref<128x129xf32, #tpu.memory_space<vmem>> -> memref<8x128xf32, #tpu.memory_space<vmem>>
        tpu.wait_dma2 semaphore(%arg12 : memref<!tpu.dma_semaphore, #tpu.memory_space<semaphore_mem>>) src(%dma_wait3A_1270 : memref<8x128xf32, #tpu.memory_space<vmem>>) dst(%dma_wait3A_1267 : memref<8x128xf32, #tpu.memory_space<hbm>>)
        %dma_wait3A_1271 = arith.constant 0 : i32
        %dma_wait3A_1272 = arith.constant 0 : i32
        %dma_wait3A_1273 = arith.constant 0 : i32
        %dma_wait3A_1274 = arith.constant 0 : i32
        %dma_wait3A_1275 = arith.constant 0 : i32
        %dma_wait3A_1276 = tpu.memref_slice %arg8[%dma_wait3A_1274, %dma_wait3A_1275] : memref<128x129xf32, #tpu.memory_space<vmem>> -> memref<8x128xf32, #tpu.memory_space<vmem>>
        %dma_wait3A_1277 = arith.constant 0 : i32
        %dma_wait3A_1278 = arith.constant 0 : i32
        %dma_wait3A_1279 = tpu.memref_slice %arg4[%dma_wait3A_1271, %dma_wait3A_1272, %dma_wait3A_1273, %dma_wait3A_1277, %dma_wait3A_1278] : memref<200x8x32x8x128xf32, #tpu.memory_space<hbm>> -> memref<1x1x1x8x128xf32, #tpu.memory_space<hbm>>
        %dma_wait3A_1280 = tpu.memref_squeeze %dma_wait3A_1279 : memref<1x1x1x8x128xf32, #tpu.memory_space<hbm>> -> memref<8x128xf32, #tpu.memory_space<hbm>>
        %dma_wait3A_1281 = arith.constant 0 : i32
        %dma_wait3A_1282 = arith.constant 0 : i32
        %dma_wait3A_1283 = tpu.memref_slice %arg4[%dma_wait3A_1271, %dma_wait3A_1272, %dma_wait3A_1273, %dma_wait3A_1281, %dma_wait3A_1282] : memref<200x8x32x8x128xf32, #tpu.memory_space<hbm>> -> memref<1x1x1x8x128xf32, #tpu.memory_space<hbm>>
        %dma_wait3A_1284 = tpu.memref_squeeze %dma_wait3A_1283 : memref<1x1x1x8x128xf32, #tpu.memory_space<hbm>> -> memref<8x128xf32, #tpu.memory_space<hbm>>
        %dma_wait3A_1285 = arith.constant 0 : i32
        %dma_wait3A_1286 = arith.constant 0 : i32
        %dma_wait3A_1287 = tpu.memref_slice %arg8[%dma_wait3A_1285, %dma_wait3A_1286] : memref<128x129xf32, #tpu.memory_space<vmem>> -> memref<8x128xf32, #tpu.memory_space<vmem>>
        tpu.wait_dma2 semaphore(%arg12 : memref<!tpu.dma_semaphore, #tpu.memory_space<semaphore_mem>>) src(%dma_wait3A_1287 : memref<8x128xf32, #tpu.memory_space<vmem>>) dst(%dma_wait3A_1284 : memref<8x128xf32, #tpu.memory_space<hbm>>)
        %dma_wait3A_1288 = arith.constant 0 : i32
        %dma_wait3A_1289 = arith.constant 0 : i32
        %dma_wait3A_1290 = arith.constant 0 : i32
        %dma_wait3A_1291 = arith.constant 0 : i32
        %dma_wait3A_1292 = arith.constant 0 : i32
        %dma_wait3A_1293 = tpu.memref_slice %arg8[%dma_wait3A_1291, %dma_wait3A_1292] : memref<128x129xf32, #tpu.memory_space<vmem>> -> memref<8x128xf32, #tpu.memory_space<vmem>>
        %dma_wait3A_1294 = arith.constant 0 : i32
        %dma_wait3A_1295 = arith.constant 0 : i32
        %dma_wait3A_1296 = tpu.memref_slice %arg4[%dma_wait3A_1288, %dma_wait3A_1289, %dma_wait3A_1290, %dma_wait3A_1294, %dma_wait3A_1295] : memref<200x8x32x8x128xf32, #tpu.memory_space<hbm>> -> memref<1x1x1x8x128xf32, #tpu.memory_space<hbm>>
        %dma_wait3A_1297 = tpu.memref_squeeze %dma_wait3A_1296 : memref<1x1x1x8x128xf32, #tpu.memory_space<hbm>> -> memref<8x128xf32, #tpu.memory_space<hbm>>
        %dma_wait3A_1298 = arith.constant 0 : i32
        %dma_wait3A_1299 = arith.constant 0 : i32
        %dma_wait3A_1300 = tpu.memref_slice %arg4[%dma_wait3A_1288, %dma_wait3A_1289, %dma_wait3A_1290, %dma_wait3A_1298, %dma_wait3A_1299] : memref<200x8x32x8x128xf32, #tpu.memory_space<hbm>> -> memref<1x1x1x8x128xf32, #tpu.memory_space<hbm>>
        %dma_wait3A_1301 = tpu.memref_squeeze %dma_wait3A_1300 : memref<1x1x1x8x128xf32, #tpu.memory_space<hbm>> -> memref<8x128xf32, #tpu.memory_space<hbm>>
        %dma_wait3A_1302 = arith.constant 0 : i32
        %dma_wait3A_1303 = arith.constant 0 : i32
        %dma_wait3A_1304 = tpu.memref_slice %arg8[%dma_wait3A_1302, %dma_wait3A_1303] : memref<128x129xf32, #tpu.memory_space<vmem>> -> memref<8x128xf32, #tpu.memory_space<vmem>>
        tpu.wait_dma2 semaphore(%arg12 : memref<!tpu.dma_semaphore, #tpu.memory_space<semaphore_mem>>) src(%dma_wait3A_1304 : memref<8x128xf32, #tpu.memory_space<vmem>>) dst(%dma_wait3A_1301 : memref<8x128xf32, #tpu.memory_space<hbm>>)
        %dma_wait3A_1305 = arith.constant 0 : i32
        %dma_wait3A_1306 = arith.constant 0 : i32
        %dma_wait3A_1307 = arith.constant 0 : i32
        %dma_wait3A_1308 = arith.constant 0 : i32
        %dma_wait3A_1309 = arith.constant 0 : i32
        %dma_wait3A_1310 = tpu.memref_slice %arg8[%dma_wait3A_1308, %dma_wait3A_1309] : memref<128x129xf32, #tpu.memory_space<vmem>> -> memref<8x128xf32, #tpu.memory_space<vmem>>
        %dma_wait3A_1311 = arith.constant 0 : i32
        %dma_wait3A_1312 = arith.constant 0 : i32
        %dma_wait3A_1313 = tpu.memref_slice %arg4[%dma_wait3A_1305, %dma_wait3A_1306, %dma_wait3A_1307, %dma_wait3A_1311, %dma_wait3A_1312] : memref<200x8x32x8x128xf32, #tpu.memory_space<hbm>> -> memref<1x1x1x8x128xf32, #tpu.memory_space<hbm>>
        %dma_wait3A_1314 = tpu.memref_squeeze %dma_wait3A_1313 : memref<1x1x1x8x128xf32, #tpu.memory_space<hbm>> -> memref<8x128xf32, #tpu.memory_space<hbm>>
        %dma_wait3A_1315 = arith.constant 0 : i32
        %dma_wait3A_1316 = arith.constant 0 : i32
        %dma_wait3A_1317 = tpu.memref_slice %arg4[%dma_wait3A_1305, %dma_wait3A_1306, %dma_wait3A_1307, %dma_wait3A_1315, %dma_wait3A_1316] : memref<200x8x32x8x128xf32, #tpu.memory_space<hbm>> -> memref<1x1x1x8x128xf32, #tpu.memory_space<hbm>>
        %dma_wait3A_1318 = tpu.memref_squeeze %dma_wait3A_1317 : memref<1x1x1x8x128xf32, #tpu.memory_space<hbm>> -> memref<8x128xf32, #tpu.memory_space<hbm>>
        %dma_wait3A_1319 = arith.constant 0 : i32
        %dma_wait3A_1320 = arith.constant 0 : i32
        %dma_wait3A_1321 = tpu.memref_slice %arg8[%dma_wait3A_1319, %dma_wait3A_1320] : memref<128x129xf32, #tpu.memory_space<vmem>> -> memref<8x128xf32, #tpu.memory_space<vmem>>
        tpu.wait_dma2 semaphore(%arg12 : memref<!tpu.dma_semaphore, #tpu.memory_space<semaphore_mem>>) src(%dma_wait3A_1321 : memref<8x128xf32, #tpu.memory_space<vmem>>) dst(%dma_wait3A_1318 : memref<8x128xf32, #tpu.memory_space<hbm>>)
        %dma_wait3A_1322 = arith.constant 0 : i32
        %dma_wait3A_1323 = arith.constant 0 : i32
        %dma_wait3A_1324 = arith.constant 0 : i32
        %dma_wait3A_1325 = arith.constant 0 : i32
        %dma_wait3A_1326 = arith.constant 0 : i32
        %dma_wait3A_1327 = tpu.memref_slice %arg8[%dma_wait3A_1325, %dma_wait3A_1326] : memref<128x129xf32, #tpu.memory_space<vmem>> -> memref<8x128xf32, #tpu.memory_space<vmem>>
        %dma_wait3A_1328 = arith.constant 0 : i32
        %dma_wait3A_1329 = arith.constant 0 : i32
        %dma_wait3A_1330 = tpu.memref_slice %arg4[%dma_wait3A_1322, %dma_wait3A_1323, %dma_wait3A_1324, %dma_wait3A_1328, %dma_wait3A_1329] : memref<200x8x32x8x128xf32, #tpu.memory_space<hbm>> -> memref<1x1x1x8x128xf32, #tpu.memory_space<hbm>>
        %dma_wait3A_1331 = tpu.memref_squeeze %dma_wait3A_1330 : memref<1x1x1x8x128xf32, #tpu.memory_space<hbm>> -> memref<8x128xf32, #tpu.memory_space<hbm>>
        %dma_wait3A_1332 = arith.constant 0 : i32
        %dma_wait3A_1333 = arith.constant 0 : i32
        %dma_wait3A_1334 = tpu.memref_slice %arg4[%dma_wait3A_1322, %dma_wait3A_1323, %dma_wait3A_1324, %dma_wait3A_1332, %dma_wait3A_1333] : memref<200x8x32x8x128xf32, #tpu.memory_space<hbm>> -> memref<1x1x1x8x128xf32, #tpu.memory_space<hbm>>
        %dma_wait3A_1335 = tpu.memref_squeeze %dma_wait3A_1334 : memref<1x1x1x8x128xf32, #tpu.memory_space<hbm>> -> memref<8x128xf32, #tpu.memory_space<hbm>>
        %dma_wait3A_1336 = arith.constant 0 : i32
        %dma_wait3A_1337 = arith.constant 0 : i32
        %dma_wait3A_1338 = tpu.memref_slice %arg8[%dma_wait3A_1336, %dma_wait3A_1337] : memref<128x129xf32, #tpu.memory_space<vmem>> -> memref<8x128xf32, #tpu.memory_space<vmem>>
        tpu.wait_dma2 semaphore(%arg12 : memref<!tpu.dma_semaphore, #tpu.memory_space<semaphore_mem>>) src(%dma_wait3A_1338 : memref<8x128xf32, #tpu.memory_space<vmem>>) dst(%dma_wait3A_1335 : memref<8x128xf32, #tpu.memory_space<hbm>>)
        %dma_wait3A_1339 = arith.constant 0 : i32
        %dma_wait3A_1340 = arith.constant 0 : i32
        %dma_wait3A_1341 = arith.constant 0 : i32
        %dma_wait3A_1342 = arith.constant 0 : i32
        %dma_wait3A_1343 = arith.constant 0 : i32
        %dma_wait3A_1344 = tpu.memref_slice %arg8[%dma_wait3A_1342, %dma_wait3A_1343] : memref<128x129xf32, #tpu.memory_space<vmem>> -> memref<8x128xf32, #tpu.memory_space<vmem>>
        %dma_wait3A_1345 = arith.constant 0 : i32
        %dma_wait3A_1346 = arith.constant 0 : i32
        %dma_wait3A_1347 = tpu.memref_slice %arg4[%dma_wait3A_1339, %dma_wait3A_1340, %dma_wait3A_1341, %dma_wait3A_1345, %dma_wait3A_1346] : memref<200x8x32x8x128xf32, #tpu.memory_space<hbm>> -> memref<1x1x1x8x128xf32, #tpu.memory_space<hbm>>
        %dma_wait3A_1348 = tpu.memref_squeeze %dma_wait3A_1347 : memref<1x1x1x8x128xf32, #tpu.memory_space<hbm>> -> memref<8x128xf32, #tpu.memory_space<hbm>>
        %dma_wait3A_1349 = arith.constant 0 : i32
        %dma_wait3A_1350 = arith.constant 0 : i32
        %dma_wait3A_1351 = tpu.memref_slice %arg4[%dma_wait3A_1339, %dma_wait3A_1340, %dma_wait3A_1341, %dma_wait3A_1349, %dma_wait3A_1350] : memref<200x8x32x8x128xf32, #tpu.memory_space<hbm>> -> memref<1x1x1x8x128xf32, #tpu.memory_space<hbm>>
        %dma_wait3A_1352 = tpu.memref_squeeze %dma_wait3A_1351 : memref<1x1x1x8x128xf32, #tpu.memory_space<hbm>> -> memref<8x128xf32, #tpu.memory_space<hbm>>
        %dma_wait3A_1353 = arith.constant 0 : i32
        %dma_wait3A_1354 = arith.constant 0 : i32
        %dma_wait3A_1355 = tpu.memref_slice %arg8[%dma_wait3A_1353, %dma_wait3A_1354] : memref<128x129xf32, #tpu.memory_space<vmem>> -> memref<8x128xf32, #tpu.memory_space<vmem>>
        tpu.wait_dma2 semaphore(%arg12 : memref<!tpu.dma_semaphore, #tpu.memory_space<semaphore_mem>>) src(%dma_wait3A_1355 : memref<8x128xf32, #tpu.memory_space<vmem>>) dst(%dma_wait3A_1352 : memref<8x128xf32, #tpu.memory_space<hbm>>)
        %dma_wait3A_1356 = arith.constant 0 : i32
        %dma_wait3A_1357 = arith.constant 0 : i32
        %dma_wait3A_1358 = arith.constant 0 : i32
        %dma_wait3A_1359 = arith.constant 0 : i32
        %dma_wait3A_1360 = arith.constant 0 : i32
        %dma_wait3A_1361 = tpu.memref_slice %arg8[%dma_wait3A_1359, %dma_wait3A_1360] : memref<128x129xf32, #tpu.memory_space<vmem>> -> memref<8x128xf32, #tpu.memory_space<vmem>>
        %dma_wait3A_1362 = arith.constant 0 : i32
        %dma_wait3A_1363 = arith.constant 0 : i32
        %dma_wait3A_1364 = tpu.memref_slice %arg4[%dma_wait3A_1356, %dma_wait3A_1357, %dma_wait3A_1358, %dma_wait3A_1362, %dma_wait3A_1363] : memref<200x8x32x8x128xf32, #tpu.memory_space<hbm>> -> memref<1x1x1x8x128xf32, #tpu.memory_space<hbm>>
        %dma_wait3A_1365 = tpu.memref_squeeze %dma_wait3A_1364 : memref<1x1x1x8x128xf32, #tpu.memory_space<hbm>> -> memref<8x128xf32, #tpu.memory_space<hbm>>
        %dma_wait3A_1366 = arith.constant 0 : i32
        %dma_wait3A_1367 = arith.constant 0 : i32
        %dma_wait3A_1368 = tpu.memref_slice %arg4[%dma_wait3A_1356, %dma_wait3A_1357, %dma_wait3A_1358, %dma_wait3A_1366, %dma_wait3A_1367] : memref<200x8x32x8x128xf32, #tpu.memory_space<hbm>> -> memref<1x1x1x8x128xf32, #tpu.memory_space<hbm>>
        %dma_wait3A_1369 = tpu.memref_squeeze %dma_wait3A_1368 : memref<1x1x1x8x128xf32, #tpu.memory_space<hbm>> -> memref<8x128xf32, #tpu.memory_space<hbm>>
        %dma_wait3A_1370 = arith.constant 0 : i32
        %dma_wait3A_1371 = arith.constant 0 : i32
        %dma_wait3A_1372 = tpu.memref_slice %arg8[%dma_wait3A_1370, %dma_wait3A_1371] : memref<128x129xf32, #tpu.memory_space<vmem>> -> memref<8x128xf32, #tpu.memory_space<vmem>>
        tpu.wait_dma2 semaphore(%arg12 : memref<!tpu.dma_semaphore, #tpu.memory_space<semaphore_mem>>) src(%dma_wait3A_1372 : memref<8x128xf32, #tpu.memory_space<vmem>>) dst(%dma_wait3A_1369 : memref<8x128xf32, #tpu.memory_space<hbm>>)
        %dma_wait3A_1373 = arith.constant 0 : i32
        %dma_wait3A_1374 = arith.constant 0 : i32
        %dma_wait3A_1375 = arith.constant 0 : i32
        %dma_wait3A_1376 = arith.constant 0 : i32
        %dma_wait3A_1377 = arith.constant 0 : i32
        %dma_wait3A_1378 = tpu.memref_slice %arg8[%dma_wait3A_1376, %dma_wait3A_1377] : memref<128x129xf32, #tpu.memory_space<vmem>> -> memref<8x128xf32, #tpu.memory_space<vmem>>
        %dma_wait3A_1379 = arith.constant 0 : i32
        %dma_wait3A_1380 = arith.constant 0 : i32
        %dma_wait3A_1381 = tpu.memref_slice %arg4[%dma_wait3A_1373, %dma_wait3A_1374, %dma_wait3A_1375, %dma_wait3A_1379, %dma_wait3A_1380] : memref<200x8x32x8x128xf32, #tpu.memory_space<hbm>> -> memref<1x1x1x8x128xf32, #tpu.memory_space<hbm>>
        %dma_wait3A_1382 = tpu.memref_squeeze %dma_wait3A_1381 : memref<1x1x1x8x128xf32, #tpu.memory_space<hbm>> -> memref<8x128xf32, #tpu.memory_space<hbm>>
        %dma_wait3A_1383 = arith.constant 0 : i32
        %dma_wait3A_1384 = arith.constant 0 : i32
        %dma_wait3A_1385 = tpu.memref_slice %arg4[%dma_wait3A_1373, %dma_wait3A_1374, %dma_wait3A_1375, %dma_wait3A_1383, %dma_wait3A_1384] : memref<200x8x32x8x128xf32, #tpu.memory_space<hbm>> -> memref<1x1x1x8x128xf32, #tpu.memory_space<hbm>>
        %dma_wait3A_1386 = tpu.memref_squeeze %dma_wait3A_1385 : memref<1x1x1x8x128xf32, #tpu.memory_space<hbm>> -> memref<8x128xf32, #tpu.memory_space<hbm>>
        %dma_wait3A_1387 = arith.constant 0 : i32
        %dma_wait3A_1388 = arith.constant 0 : i32
        %dma_wait3A_1389 = tpu.memref_slice %arg8[%dma_wait3A_1387, %dma_wait3A_1388] : memref<128x129xf32, #tpu.memory_space<vmem>> -> memref<8x128xf32, #tpu.memory_space<vmem>>
        tpu.wait_dma2 semaphore(%arg12 : memref<!tpu.dma_semaphore, #tpu.memory_space<semaphore_mem>>) src(%dma_wait3A_1389 : memref<8x128xf32, #tpu.memory_space<vmem>>) dst(%dma_wait3A_1386 : memref<8x128xf32, #tpu.memory_space<hbm>>)
        %dma_wait3A_1390 = arith.constant 0 : i32
        %dma_wait3A_1391 = arith.constant 0 : i32
        %dma_wait3A_1392 = arith.constant 0 : i32
        %dma_wait3A_1393 = arith.constant 0 : i32
        %dma_wait3A_1394 = arith.constant 0 : i32
        %dma_wait3A_1395 = tpu.memref_slice %arg8[%dma_wait3A_1393, %dma_wait3A_1394] : memref<128x129xf32, #tpu.memory_space<vmem>> -> memref<8x128xf32, #tpu.memory_space<vmem>>
        %dma_wait3A_1396 = arith.constant 0 : i32
        %dma_wait3A_1397 = arith.constant 0 : i32
        %dma_wait3A_1398 = tpu.memref_slice %arg4[%dma_wait3A_1390, %dma_wait3A_1391, %dma_wait3A_1392, %dma_wait3A_1396, %dma_wait3A_1397] : memref<200x8x32x8x128xf32, #tpu.memory_space<hbm>> -> memref<1x1x1x8x128xf32, #tpu.memory_space<hbm>>
        %dma_wait3A_1399 = tpu.memref_squeeze %dma_wait3A_1398 : memref<1x1x1x8x128xf32, #tpu.memory_space<hbm>> -> memref<8x128xf32, #tpu.memory_space<hbm>>
        %dma_wait3A_1400 = arith.constant 0 : i32
        %dma_wait3A_1401 = arith.constant 0 : i32
        %dma_wait3A_1402 = tpu.memref_slice %arg4[%dma_wait3A_1390, %dma_wait3A_1391, %dma_wait3A_1392, %dma_wait3A_1400, %dma_wait3A_1401] : memref<200x8x32x8x128xf32, #tpu.memory_space<hbm>> -> memref<1x1x1x8x128xf32, #tpu.memory_space<hbm>>
        %dma_wait3A_1403 = tpu.memref_squeeze %dma_wait3A_1402 : memref<1x1x1x8x128xf32, #tpu.memory_space<hbm>> -> memref<8x128xf32, #tpu.memory_space<hbm>>
        %dma_wait3A_1404 = arith.constant 0 : i32
        %dma_wait3A_1405 = arith.constant 0 : i32
        %dma_wait3A_1406 = tpu.memref_slice %arg8[%dma_wait3A_1404, %dma_wait3A_1405] : memref<128x129xf32, #tpu.memory_space<vmem>> -> memref<8x128xf32, #tpu.memory_space<vmem>>
        tpu.wait_dma2 semaphore(%arg12 : memref<!tpu.dma_semaphore, #tpu.memory_space<semaphore_mem>>) src(%dma_wait3A_1406 : memref<8x128xf32, #tpu.memory_space<vmem>>) dst(%dma_wait3A_1403 : memref<8x128xf32, #tpu.memory_space<hbm>>)
        %dma_wait3A_1407 = arith.constant 0 : i32
        %dma_wait3A_1408 = arith.constant 0 : i32
        %dma_wait3A_1409 = arith.constant 0 : i32
        %dma_wait3A_1410 = arith.constant 0 : i32
        %dma_wait3A_1411 = arith.constant 0 : i32
        %dma_wait3A_1412 = tpu.memref_slice %arg8[%dma_wait3A_1410, %dma_wait3A_1411] : memref<128x129xf32, #tpu.memory_space<vmem>> -> memref<8x128xf32, #tpu.memory_space<vmem>>
        %dma_wait3A_1413 = arith.constant 0 : i32
        %dma_wait3A_1414 = arith.constant 0 : i32
        %dma_wait3A_1415 = tpu.memref_slice %arg4[%dma_wait3A_1407, %dma_wait3A_1408, %dma_wait3A_1409, %dma_wait3A_1413, %dma_wait3A_1414] : memref<200x8x32x8x128xf32, #tpu.memory_space<hbm>> -> memref<1x1x1x8x128xf32, #tpu.memory_space<hbm>>
        %dma_wait3A_1416 = tpu.memref_squeeze %dma_wait3A_1415 : memref<1x1x1x8x128xf32, #tpu.memory_space<hbm>> -> memref<8x128xf32, #tpu.memory_space<hbm>>
        %dma_wait3A_1417 = arith.constant 0 : i32
        %dma_wait3A_1418 = arith.constant 0 : i32
        %dma_wait3A_1419 = tpu.memref_slice %arg4[%dma_wait3A_1407, %dma_wait3A_1408, %dma_wait3A_1409, %dma_wait3A_1417, %dma_wait3A_1418] : memref<200x8x32x8x128xf32, #tpu.memory_space<hbm>> -> memref<1x1x1x8x128xf32, #tpu.memory_space<hbm>>
        %dma_wait3A_1420 = tpu.memref_squeeze %dma_wait3A_1419 : memref<1x1x1x8x128xf32, #tpu.memory_space<hbm>> -> memref<8x128xf32, #tpu.memory_space<hbm>>
        %dma_wait3A_1421 = arith.constant 0 : i32
        %dma_wait3A_1422 = arith.constant 0 : i32
        %dma_wait3A_1423 = tpu.memref_slice %arg8[%dma_wait3A_1421, %dma_wait3A_1422] : memref<128x129xf32, #tpu.memory_space<vmem>> -> memref<8x128xf32, #tpu.memory_space<vmem>>
        tpu.wait_dma2 semaphore(%arg12 : memref<!tpu.dma_semaphore, #tpu.memory_space<semaphore_mem>>) src(%dma_wait3A_1423 : memref<8x128xf32, #tpu.memory_space<vmem>>) dst(%dma_wait3A_1420 : memref<8x128xf32, #tpu.memory_space<hbm>>)
        %dma_wait3A_1424 = arith.constant 0 : i32
        %dma_wait3A_1425 = arith.constant 0 : i32
        %dma_wait3A_1426 = arith.constant 0 : i32
        %dma_wait3A_1427 = arith.constant 0 : i32
        %dma_wait3A_1428 = arith.constant 0 : i32
        %dma_wait3A_1429 = tpu.memref_slice %arg8[%dma_wait3A_1427, %dma_wait3A_1428] : memref<128x129xf32, #tpu.memory_space<vmem>> -> memref<8x128xf32, #tpu.memory_space<vmem>>
        %dma_wait3A_1430 = arith.constant 0 : i32
        %dma_wait3A_1431 = arith.constant 0 : i32
        %dma_wait3A_1432 = tpu.memref_slice %arg4[%dma_wait3A_1424, %dma_wait3A_1425, %dma_wait3A_1426, %dma_wait3A_1430, %dma_wait3A_1431] : memref<200x8x32x8x128xf32, #tpu.memory_space<hbm>> -> memref<1x1x1x8x128xf32, #tpu.memory_space<hbm>>
        %dma_wait3A_1433 = tpu.memref_squeeze %dma_wait3A_1432 : memref<1x1x1x8x128xf32, #tpu.memory_space<hbm>> -> memref<8x128xf32, #tpu.memory_space<hbm>>
        %dma_wait3A_1434 = arith.constant 0 : i32
        %dma_wait3A_1435 = arith.constant 0 : i32
        %dma_wait3A_1436 = tpu.memref_slice %arg4[%dma_wait3A_1424, %dma_wait3A_1425, %dma_wait3A_1426, %dma_wait3A_1434, %dma_wait3A_1435] : memref<200x8x32x8x128xf32, #tpu.memory_space<hbm>> -> memref<1x1x1x8x128xf32, #tpu.memory_space<hbm>>
        %dma_wait3A_1437 = tpu.memref_squeeze %dma_wait3A_1436 : memref<1x1x1x8x128xf32, #tpu.memory_space<hbm>> -> memref<8x128xf32, #tpu.memory_space<hbm>>
        %dma_wait3A_1438 = arith.constant 0 : i32
        %dma_wait3A_1439 = arith.constant 0 : i32
        %dma_wait3A_1440 = tpu.memref_slice %arg8[%dma_wait3A_1438, %dma_wait3A_1439] : memref<128x129xf32, #tpu.memory_space<vmem>> -> memref<8x128xf32, #tpu.memory_space<vmem>>
        tpu.wait_dma2 semaphore(%arg12 : memref<!tpu.dma_semaphore, #tpu.memory_space<semaphore_mem>>) src(%dma_wait3A_1440 : memref<8x128xf32, #tpu.memory_space<vmem>>) dst(%dma_wait3A_1437 : memref<8x128xf32, #tpu.memory_space<hbm>>)
      } else {
      }
      %add3A_576 = arith.constant 0 : i32
      %add3A_577 = vector.broadcast %add3A_576 : i32 to vector<16xi32>
      %add3A_578 = arith.addi %add3A_577, %iota3A : vector<16xi32>
      %add3A_579 = arith.constant 16 : i32
      %add3A_580 = vector.broadcast %add3A_579 : i32 to vector<16xi32>
      %add3A_581 = arith.addi %add3A_580, %iota3A : vector<16xi32>
      %add3A_582 = arith.constant 32 : i32
      %add3A_583 = vector.broadcast %add3A_582 : i32 to vector<16xi32>
      %add3A_584 = arith.addi %add3A_583, %iota3A : vector<16xi32>
      %add3A_585 = arith.constant 48 : i32
      %add3A_586 = vector.broadcast %add3A_585 : i32 to vector<16xi32>
      %add3A_587 = arith.addi %add3A_586, %iota3A : vector<16xi32>
      %parallel_loop3A = arith.constant 0 : i32
      %parallel_loop3A_588 = arith.constant 128 : i32
      %parallel_loop3A_589 = arith.constant 1 : i32
      scf.for %parallel_loop3A_1169 = %parallel_loop3A to %parallel_loop3A_588 step %parallel_loop3A_589  : i32 {
        %parallel_loop3A_1170 = vector.broadcast %parallel_loop3A_1169 : i32 to vector<16xi32>
        %parallel_loop3A_1171 = arith.constant 0 : i32
        %parallel_loop3A_1172 = arith.addi %parallel_loop3A_1171, %parallel_loop3A_1169 : i32
        %parallel_loop3A_1173 = arith.index_cast %parallel_loop3A_1172 : i32 to index
        %parallel_loop3A_1174 = arith.constant 0 : index
        %parallel_loop3A_1175 = tpu.vector_load %arg6[%parallel_loop3A_1173, %parallel_loop3A_1174] {strides = array<i32>} : memref<256x64xf32, #tpu.memory_space<vmem>>, vector<16xf32>,
        %parallel_loop3A_1176 = arith.constant 8.000000e+00 : f32
        %parallel_loop3A_1177 = vector.broadcast %parallel_loop3A_1176 : f32 to vector<16xf32>
        %parallel_loop3A_1178 = arith.mulf %parallel_loop3A_1175, %parallel_loop3A_1177 : vector<16xf32>
        tpu.vector_store_idx %arg8[%add3A_578, %parallel_loop3A_1170], %parallel_loop3A_1178 : memref<128x129xf32, #tpu.memory_space<vmem>>[vector<16xi32>, vector<16xi32>], vector<16xf32>,
        %parallel_loop3A_1179 = arith.constant 0 : i32
        %parallel_loop3A_1180 = arith.addi %parallel_loop3A_1179, %parallel_loop3A_1169 : i32
        %parallel_loop3A_1181 = arith.index_cast %parallel_loop3A_1180 : i32 to index
        %parallel_loop3A_1182 = arith.constant 16 : index
        %parallel_loop3A_1183 = tpu.vector_load %arg6[%parallel_loop3A_1181, %parallel_loop3A_1182] {strides = array<i32>} : memref<256x64xf32, #tpu.memory_space<vmem>>, vector<16xf32>,
        %parallel_loop3A_1184 = arith.constant 8.000000e+00 : f32
        %parallel_loop3A_1185 = vector.broadcast %parallel_loop3A_1184 : f32 to vector<16xf32>
        %parallel_loop3A_1186 = arith.mulf %parallel_loop3A_1183, %parallel_loop3A_1185 : vector<16xf32>
        tpu.vector_store_idx %arg8[%add3A_581, %parallel_loop3A_1170], %parallel_loop3A_1186 : memref<128x129xf32, #tpu.memory_space<vmem>>[vector<16xi32>, vector<16xi32>], vector<16xf32>,
        %parallel_loop3A_1187 = arith.constant 0 : i32
        %parallel_loop3A_1188 = arith.addi %parallel_loop3A_1187, %parallel_loop3A_1169 : i32
        %parallel_loop3A_1189 = arith.index_cast %parallel_loop3A_1188 : i32 to index
        %parallel_loop3A_1190 = arith.constant 32 : index
        %parallel_loop3A_1191 = tpu.vector_load %arg6[%parallel_loop3A_1189, %parallel_loop3A_1190] {strides = array<i32>} : memref<256x64xf32, #tpu.memory_space<vmem>>, vector<16xf32>,
        %parallel_loop3A_1192 = arith.constant 8.000000e+00 : f32
        %parallel_loop3A_1193 = vector.broadcast %parallel_loop3A_1192 : f32 to vector<16xf32>
        %parallel_loop3A_1194 = arith.mulf %parallel_loop3A_1191, %parallel_loop3A_1193 : vector<16xf32>
        tpu.vector_store_idx %arg8[%add3A_584, %parallel_loop3A_1170], %parallel_loop3A_1194 : memref<128x129xf32, #tpu.memory_space<vmem>>[vector<16xi32>, vector<16xi32>], vector<16xf32>,
        %parallel_loop3A_1195 = arith.constant 0 : i32
        %parallel_loop3A_1196 = arith.addi %parallel_loop3A_1195, %parallel_loop3A_1169 : i32
        %parallel_loop3A_1197 = arith.index_cast %parallel_loop3A_1196 : i32 to index
        %parallel_loop3A_1198 = arith.constant 48 : index
        %parallel_loop3A_1199 = tpu.vector_load %arg6[%parallel_loop3A_1197, %parallel_loop3A_1198] {strides = array<i32>} : memref<256x64xf32, #tpu.memory_space<vmem>>, vector<16xf32>,
        %parallel_loop3A_1200 = arith.constant 8.000000e+00 : f32
        %parallel_loop3A_1201 = vector.broadcast %parallel_loop3A_1200 : f32 to vector<16xf32>
        %parallel_loop3A_1202 = arith.mulf %parallel_loop3A_1199, %parallel_loop3A_1201 : vector<16xf32>
        tpu.vector_store_idx %arg8[%add3A_587, %parallel_loop3A_1170], %parallel_loop3A_1202 : memref<128x129xf32, #tpu.memory_space<vmem>>[vector<16xi32>, vector<16xi32>], vector<16xf32>,
      } {sc.loop_unroll_factor = 8 : i64, sc.parallel_access}
      %add3A_590 = arith.constant 64 : i32
      %add3A_591 = vector.broadcast %add3A_590 : i32 to vector<16xi32>
      %add3A_592 = arith.addi %add3A_591, %iota3A : vector<16xi32>
      %add3A_593 = arith.constant 80 : i32
      %add3A_594 = vector.broadcast %add3A_593 : i32 to vector<16xi32>
      %add3A_595 = arith.addi %add3A_594, %iota3A : vector<16xi32>
      %add3A_596 = arith.constant 96 : i32
      %add3A_597 = vector.broadcast %add3A_596 : i32 to vector<16xi32>
      %add3A_598 = arith.addi %add3A_597, %iota3A : vector<16xi32>
      %add3A_599 = arith.constant 112 : i32
      %add3A_600 = vector.broadcast %add3A_599 : i32 to vector<16xi32>
      %add3A_601 = arith.addi %add3A_600, %iota3A : vector<16xi32>
      %parallel_loop3A_602 = arith.constant 0 : i32
      %parallel_loop3A_603 = arith.constant 128 : i32
      %parallel_loop3A_604 = arith.constant 1 : i32
      scf.for %parallel_loop3A_1169 = %parallel_loop3A_602 to %parallel_loop3A_603 step %parallel_loop3A_604  : i32 {
        %parallel_loop3A_1170 = vector.broadcast %parallel_loop3A_1169 : i32 to vector<16xi32>
        %parallel_loop3A_1171 = arith.constant 128 : i32
        %parallel_loop3A_1172 = arith.addi %parallel_loop3A_1171, %parallel_loop3A_1169 : i32
        %parallel_loop3A_1173 = arith.index_cast %parallel_loop3A_1172 : i32 to index
        %parallel_loop3A_1174 = arith.constant 0 : index
        %parallel_loop3A_1175 = tpu.vector_load %arg6[%parallel_loop3A_1173, %parallel_loop3A_1174] {strides = array<i32>} : memref<256x64xf32, #tpu.memory_space<vmem>>, vector<16xf32>,
        %parallel_loop3A_1176 = arith.constant 8.000000e+00 : f32
        %parallel_loop3A_1177 = vector.broadcast %parallel_loop3A_1176 : f32 to vector<16xf32>
        %parallel_loop3A_1178 = arith.mulf %parallel_loop3A_1175, %parallel_loop3A_1177 : vector<16xf32>
        tpu.vector_store_idx %arg8[%add3A_592, %parallel_loop3A_1170], %parallel_loop3A_1178 : memref<128x129xf32, #tpu.memory_space<vmem>>[vector<16xi32>, vector<16xi32>], vector<16xf32>,
        %parallel_loop3A_1179 = arith.constant 128 : i32
        %parallel_loop3A_1180 = arith.addi %parallel_loop3A_1179, %parallel_loop3A_1169 : i32
        %parallel_loop3A_1181 = arith.index_cast %parallel_loop3A_1180 : i32 to index
        %parallel_loop3A_1182 = arith.constant 16 : index
        %parallel_loop3A_1183 = tpu.vector_load %arg6[%parallel_loop3A_1181, %parallel_loop3A_1182] {strides = array<i32>} : memref<256x64xf32, #tpu.memory_space<vmem>>, vector<16xf32>,
        %parallel_loop3A_1184 = arith.constant 8.000000e+00 : f32
        %parallel_loop3A_1185 = vector.broadcast %parallel_loop3A_1184 : f32 to vector<16xf32>
        %parallel_loop3A_1186 = arith.mulf %parallel_loop3A_1183, %parallel_loop3A_1185 : vector<16xf32>
        tpu.vector_store_idx %arg8[%add3A_595, %parallel_loop3A_1170], %parallel_loop3A_1186 : memref<128x129xf32, #tpu.memory_space<vmem>>[vector<16xi32>, vector<16xi32>], vector<16xf32>,
        %parallel_loop3A_1187 = arith.constant 128 : i32
        %parallel_loop3A_1188 = arith.addi %parallel_loop3A_1187, %parallel_loop3A_1169 : i32
        %parallel_loop3A_1189 = arith.index_cast %parallel_loop3A_1188 : i32 to index
        %parallel_loop3A_1190 = arith.constant 32 : index
        %parallel_loop3A_1191 = tpu.vector_load %arg6[%parallel_loop3A_1189, %parallel_loop3A_1190] {strides = array<i32>} : memref<256x64xf32, #tpu.memory_space<vmem>>, vector<16xf32>,
        %parallel_loop3A_1192 = arith.constant 8.000000e+00 : f32
        %parallel_loop3A_1193 = vector.broadcast %parallel_loop3A_1192 : f32 to vector<16xf32>
        %parallel_loop3A_1194 = arith.mulf %parallel_loop3A_1191, %parallel_loop3A_1193 : vector<16xf32>
        tpu.vector_store_idx %arg8[%add3A_598, %parallel_loop3A_1170], %parallel_loop3A_1194 : memref<128x129xf32, #tpu.memory_space<vmem>>[vector<16xi32>, vector<16xi32>], vector<16xf32>,
        %parallel_loop3A_1195 = arith.constant 128 : i32
        %parallel_loop3A_1196 = arith.addi %parallel_loop3A_1195, %parallel_loop3A_1169 : i32
        %parallel_loop3A_1197 = arith.index_cast %parallel_loop3A_1196 : i32 to index
        %parallel_loop3A_1198 = arith.constant 48 : index
        %parallel_loop3A_1199 = tpu.vector_load %arg6[%parallel_loop3A_1197, %parallel_loop3A_1198] {strides = array<i32>} : memref<256x64xf32, #tpu.memory_space<vmem>>, vector<16xf32>,
        %parallel_loop3A_1200 = arith.constant 8.000000e+00 : f32
        %parallel_loop3A_1201 = vector.broadcast %parallel_loop3A_1200 : f32 to vector<16xf32>
        %parallel_loop3A_1202 = arith.mulf %parallel_loop3A_1199, %parallel_loop3A_1201 : vector<16xf32>
        tpu.vector_store_idx %arg8[%add3A_601, %parallel_loop3A_1170], %parallel_loop3A_1202 : memref<128x129xf32, #tpu.memory_space<vmem>>[vector<16xi32>, vector<16xi32>], vector<16xf32>,
      } {sc.loop_unroll_factor = 8 : i64, sc.parallel_access}
      %mul3A_605 = arith.constant 2 : i32
      %mul3A_606 = arith.muli %add3A_560, %mul3A_605 : i32
      %add3A_607 = arith.addi %mul3A_4, %mul3A_606 : i32
      %add3A_608 = arith.constant 0 : i32
      %add3A_609 = arith.addi %add3A_607, %add3A_608 : i32
      %shift_right_logical3A = arith.constant 5 : i32
      %shift_right_logical3A_610 = arith.shrui %add3A_609, %shift_right_logical3A : i32
      %and3A = arith.constant 31 : i32
      %and3A_611 = arith.andi %add3A_609, %and3A : i32
      %dma_start3A_612 = arith.constant 0 : i32
      %dma_start3A_613 = arith.constant 0 : i32
      %dma_start3A_614 = arith.constant 0 : i32
      %dma_start3A_615 = tpu.memref_slice %arg8[%dma_start3A_613, %dma_start3A_614] : memref<128x129xf32, #tpu.memory_space<vmem>> -> memref<8x128xf32, #tpu.memory_space<vmem>>
      %dma_start3A_616 = arith.constant 0 : i32
      %dma_start3A_617 = arith.constant 0 : i32
      %dma_start3A_618 = tpu.memref_slice %arg4[%shift_right_logical3A_610, %dma_start3A_612, %and3A_611, %dma_start3A_616, %dma_start3A_617] : memref<200x8x32x8x128xf32, #tpu.memory_space<hbm>> -> memref<1x1x1x8x128xf32, #tpu.memory_space<hbm>>
      %dma_start3A_619 = tpu.memref_squeeze %dma_start3A_618 : memref<1x1x1x8x128xf32, #tpu.memory_space<hbm>> -> memref<8x128xf32, #tpu.memory_space<hbm>>
      %dma_start3A_620 = arith.constant 0 : i32
      %dma_start3A_621 = arith.constant 0 : i32
      %dma_start3A_622 = tpu.memref_slice %arg4[%shift_right_logical3A_610, %dma_start3A_612, %and3A_611, %dma_start3A_620, %dma_start3A_621] : memref<200x8x32x8x128xf32, #tpu.memory_space<hbm>> -> memref<1x1x1x8x128xf32, #tpu.memory_space<hbm>>
      %dma_start3A_623 = tpu.memref_squeeze %dma_start3A_622 : memref<1x1x1x8x128xf32, #tpu.memory_space<hbm>> -> memref<8x128xf32, #tpu.memory_space<hbm>>
      %dma_start3A_624 = arith.constant 0 : i32
      %dma_start3A_625 = arith.constant 0 : i32
      %dma_start3A_626 = tpu.memref_slice %arg8[%dma_start3A_624, %dma_start3A_625] : memref<128x129xf32, #tpu.memory_space<vmem>> -> memref<8x128xf32, #tpu.memory_space<vmem>>
      tpu.enqueue_dma source(%dma_start3A_626 : memref<8x128xf32, #tpu.memory_space<vmem>>) target(%dma_start3A_623 : memref<8x128xf32, #tpu.memory_space<hbm>>) target_semaphore(%arg12 : memref<!tpu.dma_semaphore, #tpu.memory_space<semaphore_mem>>)
      %dma_start3A_627 = arith.constant 1 : i32
      %dma_start3A_628 = arith.constant 8 : i32
      %dma_start3A_629 = arith.constant 0 : i32
      %dma_start3A_630 = tpu.memref_slice %arg8[%dma_start3A_628, %dma_start3A_629] : memref<128x129xf32, #tpu.memory_space<vmem>> -> memref<8x128xf32, #tpu.memory_space<vmem>>
      %dma_start3A_631 = arith.constant 0 : i32
      %dma_start3A_632 = arith.constant 0 : i32
      %dma_start3A_633 = tpu.memref_slice %arg4[%shift_right_logical3A_610, %dma_start3A_627, %and3A_611, %dma_start3A_631, %dma_start3A_632] : memref<200x8x32x8x128xf32, #tpu.memory_space<hbm>> -> memref<1x1x1x8x128xf32, #tpu.memory_space<hbm>>
      %dma_start3A_634 = tpu.memref_squeeze %dma_start3A_633 : memref<1x1x1x8x128xf32, #tpu.memory_space<hbm>> -> memref<8x128xf32, #tpu.memory_space<hbm>>
      %dma_start3A_635 = arith.constant 0 : i32
      %dma_start3A_636 = arith.constant 0 : i32
      %dma_start3A_637 = tpu.memref_slice %arg4[%shift_right_logical3A_610, %dma_start3A_627, %and3A_611, %dma_start3A_635, %dma_start3A_636] : memref<200x8x32x8x128xf32, #tpu.memory_space<hbm>> -> memref<1x1x1x8x128xf32, #tpu.memory_space<hbm>>
      %dma_start3A_638 = tpu.memref_squeeze %dma_start3A_637 : memref<1x1x1x8x128xf32, #tpu.memory_space<hbm>> -> memref<8x128xf32, #tpu.memory_space<hbm>>
      %dma_start3A_639 = arith.constant 8 : i32
      %dma_start3A_640 = arith.constant 0 : i32
      %dma_start3A_641 = tpu.memref_slice %arg8[%dma_start3A_639, %dma_start3A_640] : memref<128x129xf32, #tpu.memory_space<vmem>> -> memref<8x128xf32, #tpu.memory_space<vmem>>
      tpu.enqueue_dma source(%dma_start3A_641 : memref<8x128xf32, #tpu.memory_space<vmem>>) target(%dma_start3A_638 : memref<8x128xf32, #tpu.memory_space<hbm>>) target_semaphore(%arg12 : memref<!tpu.dma_semaphore, #tpu.memory_space<semaphore_mem>>)
      %dma_start3A_642 = arith.constant 2 : i32
      %dma_start3A_643 = arith.constant 16 : i32
      %dma_start3A_644 = arith.constant 0 : i32
      %dma_start3A_645 = tpu.memref_slice %arg8[%dma_start3A_643, %dma_start3A_644] : memref<128x129xf32, #tpu.memory_space<vmem>> -> memref<8x128xf32, #tpu.memory_space<vmem>>
      %dma_start3A_646 = arith.constant 0 : i32
      %dma_start3A_647 = arith.constant 0 : i32
      %dma_start3A_648 = tpu.memref_slice %arg4[%shift_right_logical3A_610, %dma_start3A_642, %and3A_611, %dma_start3A_646, %dma_start3A_647] : memref<200x8x32x8x128xf32, #tpu.memory_space<hbm>> -> memref<1x1x1x8x128xf32, #tpu.memory_space<hbm>>
      %dma_start3A_649 = tpu.memref_squeeze %dma_start3A_648 : memref<1x1x1x8x128xf32, #tpu.memory_space<hbm>> -> memref<8x128xf32, #tpu.memory_space<hbm>>
      %dma_start3A_650 = arith.constant 0 : i32
      %dma_start3A_651 = arith.constant 0 : i32
      %dma_start3A_652 = tpu.memref_slice %arg4[%shift_right_logical3A_610, %dma_start3A_642, %and3A_611, %dma_start3A_650, %dma_start3A_651] : memref<200x8x32x8x128xf32, #tpu.memory_space<hbm>> -> memref<1x1x1x8x128xf32, #tpu.memory_space<hbm>>
      %dma_start3A_653 = tpu.memref_squeeze %dma_start3A_652 : memref<1x1x1x8x128xf32, #tpu.memory_space<hbm>> -> memref<8x128xf32, #tpu.memory_space<hbm>>
      %dma_start3A_654 = arith.constant 16 : i32
      %dma_start3A_655 = arith.constant 0 : i32
      %dma_start3A_656 = tpu.memref_slice %arg8[%dma_start3A_654, %dma_start3A_655] : memref<128x129xf32, #tpu.memory_space<vmem>> -> memref<8x128xf32, #tpu.memory_space<vmem>>
      tpu.enqueue_dma source(%dma_start3A_656 : memref<8x128xf32, #tpu.memory_space<vmem>>) target(%dma_start3A_653 : memref<8x128xf32, #tpu.memory_space<hbm>>) target_semaphore(%arg12 : memref<!tpu.dma_semaphore, #tpu.memory_space<semaphore_mem>>)
      %dma_start3A_657 = arith.constant 3 : i32
      %dma_start3A_658 = arith.constant 24 : i32
      %dma_start3A_659 = arith.constant 0 : i32
      %dma_start3A_660 = tpu.memref_slice %arg8[%dma_start3A_658, %dma_start3A_659] : memref<128x129xf32, #tpu.memory_space<vmem>> -> memref<8x128xf32, #tpu.memory_space<vmem>>
      %dma_start3A_661 = arith.constant 0 : i32
      %dma_start3A_662 = arith.constant 0 : i32
      %dma_start3A_663 = tpu.memref_slice %arg4[%shift_right_logical3A_610, %dma_start3A_657, %and3A_611, %dma_start3A_661, %dma_start3A_662] : memref<200x8x32x8x128xf32, #tpu.memory_space<hbm>> -> memref<1x1x1x8x128xf32, #tpu.memory_space<hbm>>
      %dma_start3A_664 = tpu.memref_squeeze %dma_start3A_663 : memref<1x1x1x8x128xf32, #tpu.memory_space<hbm>> -> memref<8x128xf32, #tpu.memory_space<hbm>>
      %dma_start3A_665 = arith.constant 0 : i32
      %dma_start3A_666 = arith.constant 0 : i32
      %dma_start3A_667 = tpu.memref_slice %arg4[%shift_right_logical3A_610, %dma_start3A_657, %and3A_611, %dma_start3A_665, %dma_start3A_666] : memref<200x8x32x8x128xf32, #tpu.memory_space<hbm>> -> memref<1x1x1x8x128xf32, #tpu.memory_space<hbm>>
      %dma_start3A_668 = tpu.memref_squeeze %dma_start3A_667 : memref<1x1x1x8x128xf32, #tpu.memory_space<hbm>> -> memref<8x128xf32, #tpu.memory_space<hbm>>
      %dma_start3A_669 = arith.constant 24 : i32
      %dma_start3A_670 = arith.constant 0 : i32
      %dma_start3A_671 = tpu.memref_slice %arg8[%dma_start3A_669, %dma_start3A_670] : memref<128x129xf32, #tpu.memory_space<vmem>> -> memref<8x128xf32, #tpu.memory_space<vmem>>
      tpu.enqueue_dma source(%dma_start3A_671 : memref<8x128xf32, #tpu.memory_space<vmem>>) target(%dma_start3A_668 : memref<8x128xf32, #tpu.memory_space<hbm>>) target_semaphore(%arg12 : memref<!tpu.dma_semaphore, #tpu.memory_space<semaphore_mem>>)
      %dma_start3A_672 = arith.constant 4 : i32
      %dma_start3A_673 = arith.constant 32 : i32
      %dma_start3A_674 = arith.constant 0 : i32
      %dma_start3A_675 = tpu.memref_slice %arg8[%dma_start3A_673, %dma_start3A_674] : memref<128x129xf32, #tpu.memory_space<vmem>> -> memref<8x128xf32, #tpu.memory_space<vmem>>
      %dma_start3A_676 = arith.constant 0 : i32
      %dma_start3A_677 = arith.constant 0 : i32
      %dma_start3A_678 = tpu.memref_slice %arg4[%shift_right_logical3A_610, %dma_start3A_672, %and3A_611, %dma_start3A_676, %dma_start3A_677] : memref<200x8x32x8x128xf32, #tpu.memory_space<hbm>> -> memref<1x1x1x8x128xf32, #tpu.memory_space<hbm>>
      %dma_start3A_679 = tpu.memref_squeeze %dma_start3A_678 : memref<1x1x1x8x128xf32, #tpu.memory_space<hbm>> -> memref<8x128xf32, #tpu.memory_space<hbm>>
      %dma_start3A_680 = arith.constant 0 : i32
      %dma_start3A_681 = arith.constant 0 : i32
      %dma_start3A_682 = tpu.memref_slice %arg4[%shift_right_logical3A_610, %dma_start3A_672, %and3A_611, %dma_start3A_680, %dma_start3A_681] : memref<200x8x32x8x128xf32, #tpu.memory_space<hbm>> -> memref<1x1x1x8x128xf32, #tpu.memory_space<hbm>>
      %dma_start3A_683 = tpu.memref_squeeze %dma_start3A_682 : memref<1x1x1x8x128xf32, #tpu.memory_space<hbm>> -> memref<8x128xf32, #tpu.memory_space<hbm>>
      %dma_start3A_684 = arith.constant 32 : i32
      %dma_start3A_685 = arith.constant 0 : i32
      %dma_start3A_686 = tpu.memref_slice %arg8[%dma_start3A_684, %dma_start3A_685] : memref<128x129xf32, #tpu.memory_space<vmem>> -> memref<8x128xf32, #tpu.memory_space<vmem>>
      tpu.enqueue_dma source(%dma_start3A_686 : memref<8x128xf32, #tpu.memory_space<vmem>>) target(%dma_start3A_683 : memref<8x128xf32, #tpu.memory_space<hbm>>) target_semaphore(%arg12 : memref<!tpu.dma_semaphore, #tpu.memory_space<semaphore_mem>>)
      %dma_start3A_687 = arith.constant 5 : i32
      %dma_start3A_688 = arith.constant 40 : i32
      %dma_start3A_689 = arith.constant 0 : i32
      %dma_start3A_690 = tpu.memref_slice %arg8[%dma_start3A_688, %dma_start3A_689] : memref<128x129xf32, #tpu.memory_space<vmem>> -> memref<8x128xf32, #tpu.memory_space<vmem>>
      %dma_start3A_691 = arith.constant 0 : i32
      %dma_start3A_692 = arith.constant 0 : i32
      %dma_start3A_693 = tpu.memref_slice %arg4[%shift_right_logical3A_610, %dma_start3A_687, %and3A_611, %dma_start3A_691, %dma_start3A_692] : memref<200x8x32x8x128xf32, #tpu.memory_space<hbm>> -> memref<1x1x1x8x128xf32, #tpu.memory_space<hbm>>
      %dma_start3A_694 = tpu.memref_squeeze %dma_start3A_693 : memref<1x1x1x8x128xf32, #tpu.memory_space<hbm>> -> memref<8x128xf32, #tpu.memory_space<hbm>>
      %dma_start3A_695 = arith.constant 0 : i32
      %dma_start3A_696 = arith.constant 0 : i32
      %dma_start3A_697 = tpu.memref_slice %arg4[%shift_right_logical3A_610, %dma_start3A_687, %and3A_611, %dma_start3A_695, %dma_start3A_696] : memref<200x8x32x8x128xf32, #tpu.memory_space<hbm>> -> memref<1x1x1x8x128xf32, #tpu.memory_space<hbm>>
      %dma_start3A_698 = tpu.memref_squeeze %dma_start3A_697 : memref<1x1x1x8x128xf32, #tpu.memory_space<hbm>> -> memref<8x128xf32, #tpu.memory_space<hbm>>
      %dma_start3A_699 = arith.constant 40 : i32
      %dma_start3A_700 = arith.constant 0 : i32
      %dma_start3A_701 = tpu.memref_slice %arg8[%dma_start3A_699, %dma_start3A_700] : memref<128x129xf32, #tpu.memory_space<vmem>> -> memref<8x128xf32, #tpu.memory_space<vmem>>
      tpu.enqueue_dma source(%dma_start3A_701 : memref<8x128xf32, #tpu.memory_space<vmem>>) target(%dma_start3A_698 : memref<8x128xf32, #tpu.memory_space<hbm>>) target_semaphore(%arg12 : memref<!tpu.dma_semaphore, #tpu.memory_space<semaphore_mem>>)
      %dma_start3A_702 = arith.constant 6 : i32
      %dma_start3A_703 = arith.constant 48 : i32
      %dma_start3A_704 = arith.constant 0 : i32
      %dma_start3A_705 = tpu.memref_slice %arg8[%dma_start3A_703, %dma_start3A_704] : memref<128x129xf32, #tpu.memory_space<vmem>> -> memref<8x128xf32, #tpu.memory_space<vmem>>
      %dma_start3A_706 = arith.constant 0 : i32
      %dma_start3A_707 = arith.constant 0 : i32
      %dma_start3A_708 = tpu.memref_slice %arg4[%shift_right_logical3A_610, %dma_start3A_702, %and3A_611, %dma_start3A_706, %dma_start3A_707] : memref<200x8x32x8x128xf32, #tpu.memory_space<hbm>> -> memref<1x1x1x8x128xf32, #tpu.memory_space<hbm>>
      %dma_start3A_709 = tpu.memref_squeeze %dma_start3A_708 : memref<1x1x1x8x128xf32, #tpu.memory_space<hbm>> -> memref<8x128xf32, #tpu.memory_space<hbm>>
      %dma_start3A_710 = arith.constant 0 : i32
      %dma_start3A_711 = arith.constant 0 : i32
      %dma_start3A_712 = tpu.memref_slice %arg4[%shift_right_logical3A_610, %dma_start3A_702, %and3A_611, %dma_start3A_710, %dma_start3A_711] : memref<200x8x32x8x128xf32, #tpu.memory_space<hbm>> -> memref<1x1x1x8x128xf32, #tpu.memory_space<hbm>>
      %dma_start3A_713 = tpu.memref_squeeze %dma_start3A_712 : memref<1x1x1x8x128xf32, #tpu.memory_space<hbm>> -> memref<8x128xf32, #tpu.memory_space<hbm>>
      %dma_start3A_714 = arith.constant 48 : i32
      %dma_start3A_715 = arith.constant 0 : i32
      %dma_start3A_716 = tpu.memref_slice %arg8[%dma_start3A_714, %dma_start3A_715] : memref<128x129xf32, #tpu.memory_space<vmem>> -> memref<8x128xf32, #tpu.memory_space<vmem>>
      tpu.enqueue_dma source(%dma_start3A_716 : memref<8x128xf32, #tpu.memory_space<vmem>>) target(%dma_start3A_713 : memref<8x128xf32, #tpu.memory_space<hbm>>) target_semaphore(%arg12 : memref<!tpu.dma_semaphore, #tpu.memory_space<semaphore_mem>>)
      %dma_start3A_717 = arith.constant 7 : i32
      %dma_start3A_718 = arith.constant 56 : i32
      %dma_start3A_719 = arith.constant 0 : i32
      %dma_start3A_720 = tpu.memref_slice %arg8[%dma_start3A_718, %dma_start3A_719] : memref<128x129xf32, #tpu.memory_space<vmem>> -> memref<8x128xf32, #tpu.memory_space<vmem>>
      %dma_start3A_721 = arith.constant 0 : i32
      %dma_start3A_722 = arith.constant 0 : i32
      %dma_start3A_723 = tpu.memref_slice %arg4[%shift_right_logical3A_610, %dma_start3A_717, %and3A_611, %dma_start3A_721, %dma_start3A_722] : memref<200x8x32x8x128xf32, #tpu.memory_space<hbm>> -> memref<1x1x1x8x128xf32, #tpu.memory_space<hbm>>
      %dma_start3A_724 = tpu.memref_squeeze %dma_start3A_723 : memref<1x1x1x8x128xf32, #tpu.memory_space<hbm>> -> memref<8x128xf32, #tpu.memory_space<hbm>>
      %dma_start3A_725 = arith.constant 0 : i32
      %dma_start3A_726 = arith.constant 0 : i32
      %dma_start3A_727 = tpu.memref_slice %arg4[%shift_right_logical3A_610, %dma_start3A_717, %and3A_611, %dma_start3A_725, %dma_start3A_726] : memref<200x8x32x8x128xf32, #tpu.memory_space<hbm>> -> memref<1x1x1x8x128xf32, #tpu.memory_space<hbm>>
      %dma_start3A_728 = tpu.memref_squeeze %dma_start3A_727 : memref<1x1x1x8x128xf32, #tpu.memory_space<hbm>> -> memref<8x128xf32, #tpu.memory_space<hbm>>
      %dma_start3A_729 = arith.constant 56 : i32
      %dma_start3A_730 = arith.constant 0 : i32
      %dma_start3A_731 = tpu.memref_slice %arg8[%dma_start3A_729, %dma_start3A_730] : memref<128x129xf32, #tpu.memory_space<vmem>> -> memref<8x128xf32, #tpu.memory_space<vmem>>
      tpu.enqueue_dma source(%dma_start3A_731 : memref<8x128xf32, #tpu.memory_space<vmem>>) target(%dma_start3A_728 : memref<8x128xf32, #tpu.memory_space<hbm>>) target_semaphore(%arg12 : memref<!tpu.dma_semaphore, #tpu.memory_space<semaphore_mem>>)
      %mul3A_732 = arith.constant 2 : i32
      %mul3A_733 = arith.muli %add3A_560, %mul3A_732 : i32
      %add3A_734 = arith.addi %mul3A_4, %mul3A_733 : i32
      %add3A_735 = arith.constant 1 : i32
      %add3A_736 = arith.addi %add3A_734, %add3A_735 : i32
      %shift_right_logical3A_737 = arith.constant 5 : i32
      %shift_right_logical3A_738 = arith.shrui %add3A_736, %shift_right_logical3A_737 : i32
      %and3A_739 = arith.constant 31 : i32
      %and3A_740 = arith.andi %add3A_736, %and3A_739 : i32
      %dma_start3A_741 = arith.constant 0 : i32
      %dma_start3A_742 = arith.constant 64 : i32
      %dma_start3A_743 = arith.constant 0 : i32
      %dma_start3A_744 = tpu.memref_slice %arg8[%dma_start3A_742, %dma_start3A_743] : memref<128x129xf32, #tpu.memory_space<vmem>> -> memref<8x128xf32, #tpu.memory_space<vmem>>
      %dma_start3A_745 = arith.constant 0 : i32
      %dma_start3A_746 = arith.constant 0 : i32
      %dma_start3A_747 = tpu.memref_slice %arg4[%shift_right_logical3A_738, %dma_start3A_741, %and3A_740, %dma_start3A_745, %dma_start3A_746] : memref<200x8x32x8x128xf32, #tpu.memory_space<hbm>> -> memref<1x1x1x8x128xf32, #tpu.memory_space<hbm>>
      %dma_start3A_748 = tpu.memref_squeeze %dma_start3A_747 : memref<1x1x1x8x128xf32, #tpu.memory_space<hbm>> -> memref<8x128xf32, #tpu.memory_space<hbm>>
      %dma_start3A_749 = arith.constant 0 : i32
      %dma_start3A_750 = arith.constant 0 : i32
      %dma_start3A_751 = tpu.memref_slice %arg4[%shift_right_logical3A_738, %dma_start3A_741, %and3A_740, %dma_start3A_749, %dma_start3A_750] : memref<200x8x32x8x128xf32, #tpu.memory_space<hbm>> -> memref<1x1x1x8x128xf32, #tpu.memory_space<hbm>>
      %dma_start3A_752 = tpu.memref_squeeze %dma_start3A_751 : memref<1x1x1x8x128xf32, #tpu.memory_space<hbm>> -> memref<8x128xf32, #tpu.memory_space<hbm>>
      %dma_start3A_753 = arith.constant 64 : i32
      %dma_start3A_754 = arith.constant 0 : i32
      %dma_start3A_755 = tpu.memref_slice %arg8[%dma_start3A_753, %dma_start3A_754] : memref<128x129xf32, #tpu.memory_space<vmem>> -> memref<8x128xf32, #tpu.memory_space<vmem>>
      tpu.enqueue_dma source(%dma_start3A_755 : memref<8x128xf32, #tpu.memory_space<vmem>>) target(%dma_start3A_752 : memref<8x128xf32, #tpu.memory_space<hbm>>) target_semaphore(%arg12 : memref<!tpu.dma_semaphore, #tpu.memory_space<semaphore_mem>>)
      %dma_start3A_756 = arith.constant 1 : i32
      %dma_start3A_757 = arith.constant 72 : i32
      %dma_start3A_758 = arith.constant 0 : i32
      %dma_start3A_759 = tpu.memref_slice %arg8[%dma_start3A_757, %dma_start3A_758] : memref<128x129xf32, #tpu.memory_space<vmem>> -> memref<8x128xf32, #tpu.memory_space<vmem>>
      %dma_start3A_760 = arith.constant 0 : i32
      %dma_start3A_761 = arith.constant 0 : i32
      %dma_start3A_762 = tpu.memref_slice %arg4[%shift_right_logical3A_738, %dma_start3A_756, %and3A_740, %dma_start3A_760, %dma_start3A_761] : memref<200x8x32x8x128xf32, #tpu.memory_space<hbm>> -> memref<1x1x1x8x128xf32, #tpu.memory_space<hbm>>
      %dma_start3A_763 = tpu.memref_squeeze %dma_start3A_762 : memref<1x1x1x8x128xf32, #tpu.memory_space<hbm>> -> memref<8x128xf32, #tpu.memory_space<hbm>>
      %dma_start3A_764 = arith.constant 0 : i32
      %dma_start3A_765 = arith.constant 0 : i32
      %dma_start3A_766 = tpu.memref_slice %arg4[%shift_right_logical3A_738, %dma_start3A_756, %and3A_740, %dma_start3A_764, %dma_start3A_765] : memref<200x8x32x8x128xf32, #tpu.memory_space<hbm>> -> memref<1x1x1x8x128xf32, #tpu.memory_space<hbm>>
      %dma_start3A_767 = tpu.memref_squeeze %dma_start3A_766 : memref<1x1x1x8x128xf32, #tpu.memory_space<hbm>> -> memref<8x128xf32, #tpu.memory_space<hbm>>
      %dma_start3A_768 = arith.constant 72 : i32
      %dma_start3A_769 = arith.constant 0 : i32
      %dma_start3A_770 = tpu.memref_slice %arg8[%dma_start3A_768, %dma_start3A_769] : memref<128x129xf32, #tpu.memory_space<vmem>> -> memref<8x128xf32, #tpu.memory_space<vmem>>
      tpu.enqueue_dma source(%dma_start3A_770 : memref<8x128xf32, #tpu.memory_space<vmem>>) target(%dma_start3A_767 : memref<8x128xf32, #tpu.memory_space<hbm>>) target_semaphore(%arg12 : memref<!tpu.dma_semaphore, #tpu.memory_space<semaphore_mem>>)
      %dma_start3A_771 = arith.constant 2 : i32
      %dma_start3A_772 = arith.constant 80 : i32
      %dma_start3A_773 = arith.constant 0 : i32
      %dma_start3A_774 = tpu.memref_slice %arg8[%dma_start3A_772, %dma_start3A_773] : memref<128x129xf32, #tpu.memory_space<vmem>> -> memref<8x128xf32, #tpu.memory_space<vmem>>
      %dma_start3A_775 = arith.constant 0 : i32
      %dma_start3A_776 = arith.constant 0 : i32
      %dma_start3A_777 = tpu.memref_slice %arg4[%shift_right_logical3A_738, %dma_start3A_771, %and3A_740, %dma_start3A_775, %dma_start3A_776] : memref<200x8x32x8x128xf32, #tpu.memory_space<hbm>> -> memref<1x1x1x8x128xf32, #tpu.memory_space<hbm>>
      %dma_start3A_778 = tpu.memref_squeeze %dma_start3A_777 : memref<1x1x1x8x128xf32, #tpu.memory_space<hbm>> -> memref<8x128xf32, #tpu.memory_space<hbm>>
      %dma_start3A_779 = arith.constant 0 : i32
      %dma_start3A_780 = arith.constant 0 : i32
      %dma_start3A_781 = tpu.memref_slice %arg4[%shift_right_logical3A_738, %dma_start3A_771, %and3A_740, %dma_start3A_779, %dma_start3A_780] : memref<200x8x32x8x128xf32, #tpu.memory_space<hbm>> -> memref<1x1x1x8x128xf32, #tpu.memory_space<hbm>>
      %dma_start3A_782 = tpu.memref_squeeze %dma_start3A_781 : memref<1x1x1x8x128xf32, #tpu.memory_space<hbm>> -> memref<8x128xf32, #tpu.memory_space<hbm>>
      %dma_start3A_783 = arith.constant 80 : i32
      %dma_start3A_784 = arith.constant 0 : i32
      %dma_start3A_785 = tpu.memref_slice %arg8[%dma_start3A_783, %dma_start3A_784] : memref<128x129xf32, #tpu.memory_space<vmem>> -> memref<8x128xf32, #tpu.memory_space<vmem>>
      tpu.enqueue_dma source(%dma_start3A_785 : memref<8x128xf32, #tpu.memory_space<vmem>>) target(%dma_start3A_782 : memref<8x128xf32, #tpu.memory_space<hbm>>) target_semaphore(%arg12 : memref<!tpu.dma_semaphore, #tpu.memory_space<semaphore_mem>>)
      %dma_start3A_786 = arith.constant 3 : i32
      %dma_start3A_787 = arith.constant 88 : i32
      %dma_start3A_788 = arith.constant 0 : i32
      %dma_start3A_789 = tpu.memref_slice %arg8[%dma_start3A_787, %dma_start3A_788] : memref<128x129xf32, #tpu.memory_space<vmem>> -> memref<8x128xf32, #tpu.memory_space<vmem>>
      %dma_start3A_790 = arith.constant 0 : i32
      %dma_start3A_791 = arith.constant 0 : i32
      %dma_start3A_792 = tpu.memref_slice %arg4[%shift_right_logical3A_738, %dma_start3A_786, %and3A_740, %dma_start3A_790, %dma_start3A_791] : memref<200x8x32x8x128xf32, #tpu.memory_space<hbm>> -> memref<1x1x1x8x128xf32, #tpu.memory_space<hbm>>
      %dma_start3A_793 = tpu.memref_squeeze %dma_start3A_792 : memref<1x1x1x8x128xf32, #tpu.memory_space<hbm>> -> memref<8x128xf32, #tpu.memory_space<hbm>>
      %dma_start3A_794 = arith.constant 0 : i32
      %dma_start3A_795 = arith.constant 0 : i32
      %dma_start3A_796 = tpu.memref_slice %arg4[%shift_right_logical3A_738, %dma_start3A_786, %and3A_740, %dma_start3A_794, %dma_start3A_795] : memref<200x8x32x8x128xf32, #tpu.memory_space<hbm>> -> memref<1x1x1x8x128xf32, #tpu.memory_space<hbm>>
      %dma_start3A_797 = tpu.memref_squeeze %dma_start3A_796 : memref<1x1x1x8x128xf32, #tpu.memory_space<hbm>> -> memref<8x128xf32, #tpu.memory_space<hbm>>
      %dma_start3A_798 = arith.constant 88 : i32
      %dma_start3A_799 = arith.constant 0 : i32
      %dma_start3A_800 = tpu.memref_slice %arg8[%dma_start3A_798, %dma_start3A_799] : memref<128x129xf32, #tpu.memory_space<vmem>> -> memref<8x128xf32, #tpu.memory_space<vmem>>
      tpu.enqueue_dma source(%dma_start3A_800 : memref<8x128xf32, #tpu.memory_space<vmem>>) target(%dma_start3A_797 : memref<8x128xf32, #tpu.memory_space<hbm>>) target_semaphore(%arg12 : memref<!tpu.dma_semaphore, #tpu.memory_space<semaphore_mem>>)
      %dma_start3A_801 = arith.constant 4 : i32
      %dma_start3A_802 = arith.constant 96 : i32
      %dma_start3A_803 = arith.constant 0 : i32
      %dma_start3A_804 = tpu.memref_slice %arg8[%dma_start3A_802, %dma_start3A_803] : memref<128x129xf32, #tpu.memory_space<vmem>> -> memref<8x128xf32, #tpu.memory_space<vmem>>
      %dma_start3A_805 = arith.constant 0 : i32
      %dma_start3A_806 = arith.constant 0 : i32
      %dma_start3A_807 = tpu.memref_slice %arg4[%shift_right_logical3A_738, %dma_start3A_801, %and3A_740, %dma_start3A_805, %dma_start3A_806] : memref<200x8x32x8x128xf32, #tpu.memory_space<hbm>> -> memref<1x1x1x8x128xf32, #tpu.memory_space<hbm>>
      %dma_start3A_808 = tpu.memref_squeeze %dma_start3A_807 : memref<1x1x1x8x128xf32, #tpu.memory_space<hbm>> -> memref<8x128xf32, #tpu.memory_space<hbm>>
      %dma_start3A_809 = arith.constant 0 : i32
      %dma_start3A_810 = arith.constant 0 : i32
      %dma_start3A_811 = tpu.memref_slice %arg4[%shift_right_logical3A_738, %dma_start3A_801, %and3A_740, %dma_start3A_809, %dma_start3A_810] : memref<200x8x32x8x128xf32, #tpu.memory_space<hbm>> -> memref<1x1x1x8x128xf32, #tpu.memory_space<hbm>>
      %dma_start3A_812 = tpu.memref_squeeze %dma_start3A_811 : memref<1x1x1x8x128xf32, #tpu.memory_space<hbm>> -> memref<8x128xf32, #tpu.memory_space<hbm>>
      %dma_start3A_813 = arith.constant 96 : i32
      %dma_start3A_814 = arith.constant 0 : i32
      %dma_start3A_815 = tpu.memref_slice %arg8[%dma_start3A_813, %dma_start3A_814] : memref<128x129xf32, #tpu.memory_space<vmem>> -> memref<8x128xf32, #tpu.memory_space<vmem>>
      tpu.enqueue_dma source(%dma_start3A_815 : memref<8x128xf32, #tpu.memory_space<vmem>>) target(%dma_start3A_812 : memref<8x128xf32, #tpu.memory_space<hbm>>) target_semaphore(%arg12 : memref<!tpu.dma_semaphore, #tpu.memory_space<semaphore_mem>>)
      %dma_start3A_816 = arith.constant 5 : i32
      %dma_start3A_817 = arith.constant 104 : i32
      %dma_start3A_818 = arith.constant 0 : i32
      %dma_start3A_819 = tpu.memref_slice %arg8[%dma_start3A_817, %dma_start3A_818] : memref<128x129xf32, #tpu.memory_space<vmem>> -> memref<8x128xf32, #tpu.memory_space<vmem>>
      %dma_start3A_820 = arith.constant 0 : i32
      %dma_start3A_821 = arith.constant 0 : i32
      %dma_start3A_822 = tpu.memref_slice %arg4[%shift_right_logical3A_738, %dma_start3A_816, %and3A_740, %dma_start3A_820, %dma_start3A_821] : memref<200x8x32x8x128xf32, #tpu.memory_space<hbm>> -> memref<1x1x1x8x128xf32, #tpu.memory_space<hbm>>
      %dma_start3A_823 = tpu.memref_squeeze %dma_start3A_822 : memref<1x1x1x8x128xf32, #tpu.memory_space<hbm>> -> memref<8x128xf32, #tpu.memory_space<hbm>>
      %dma_start3A_824 = arith.constant 0 : i32
      %dma_start3A_825 = arith.constant 0 : i32
      %dma_start3A_826 = tpu.memref_slice %arg4[%shift_right_logical3A_738, %dma_start3A_816, %and3A_740, %dma_start3A_824, %dma_start3A_825] : memref<200x8x32x8x128xf32, #tpu.memory_space<hbm>> -> memref<1x1x1x8x128xf32, #tpu.memory_space<hbm>>
      %dma_start3A_827 = tpu.memref_squeeze %dma_start3A_826 : memref<1x1x1x8x128xf32, #tpu.memory_space<hbm>> -> memref<8x128xf32, #tpu.memory_space<hbm>>
      %dma_start3A_828 = arith.constant 104 : i32
      %dma_start3A_829 = arith.constant 0 : i32
      %dma_start3A_830 = tpu.memref_slice %arg8[%dma_start3A_828, %dma_start3A_829] : memref<128x129xf32, #tpu.memory_space<vmem>> -> memref<8x128xf32, #tpu.memory_space<vmem>>
      tpu.enqueue_dma source(%dma_start3A_830 : memref<8x128xf32, #tpu.memory_space<vmem>>) target(%dma_start3A_827 : memref<8x128xf32, #tpu.memory_space<hbm>>) target_semaphore(%arg12 : memref<!tpu.dma_semaphore, #tpu.memory_space<semaphore_mem>>)
      %dma_start3A_831 = arith.constant 6 : i32
      %dma_start3A_832 = arith.constant 112 : i32
      %dma_start3A_833 = arith.constant 0 : i32
      %dma_start3A_834 = tpu.memref_slice %arg8[%dma_start3A_832, %dma_start3A_833] : memref<128x129xf32, #tpu.memory_space<vmem>> -> memref<8x128xf32, #tpu.memory_space<vmem>>
      %dma_start3A_835 = arith.constant 0 : i32
      %dma_start3A_836 = arith.constant 0 : i32
      %dma_start3A_837 = tpu.memref_slice %arg4[%shift_right_logical3A_738, %dma_start3A_831, %and3A_740, %dma_start3A_835, %dma_start3A_836] : memref<200x8x32x8x128xf32, #tpu.memory_space<hbm>> -> memref<1x1x1x8x128xf32, #tpu.memory_space<hbm>>
      %dma_start3A_838 = tpu.memref_squeeze %dma_start3A_837 : memref<1x1x1x8x128xf32, #tpu.memory_space<hbm>> -> memref<8x128xf32, #tpu.memory_space<hbm>>
      %dma_start3A_839 = arith.constant 0 : i32
      %dma_start3A_840 = arith.constant 0 : i32
      %dma_start3A_841 = tpu.memref_slice %arg4[%shift_right_logical3A_738, %dma_start3A_831, %and3A_740, %dma_start3A_839, %dma_start3A_840] : memref<200x8x32x8x128xf32, #tpu.memory_space<hbm>> -> memref<1x1x1x8x128xf32, #tpu.memory_space<hbm>>
      %dma_start3A_842 = tpu.memref_squeeze %dma_start3A_841 : memref<1x1x1x8x128xf32, #tpu.memory_space<hbm>> -> memref<8x128xf32, #tpu.memory_space<hbm>>
      %dma_start3A_843 = arith.constant 112 : i32
      %dma_start3A_844 = arith.constant 0 : i32
      %dma_start3A_845 = tpu.memref_slice %arg8[%dma_start3A_843, %dma_start3A_844] : memref<128x129xf32, #tpu.memory_space<vmem>> -> memref<8x128xf32, #tpu.memory_space<vmem>>
      tpu.enqueue_dma source(%dma_start3A_845 : memref<8x128xf32, #tpu.memory_space<vmem>>) target(%dma_start3A_842 : memref<8x128xf32, #tpu.memory_space<hbm>>) target_semaphore(%arg12 : memref<!tpu.dma_semaphore, #tpu.memory_space<semaphore_mem>>)
      %dma_start3A_846 = arith.constant 7 : i32
      %dma_start3A_847 = arith.constant 120 : i32
      %dma_start3A_848 = arith.constant 0 : i32
      %dma_start3A_849 = tpu.memref_slice %arg8[%dma_start3A_847, %dma_start3A_848] : memref<128x129xf32, #tpu.memory_space<vmem>> -> memref<8x128xf32, #tpu.memory_space<vmem>>
      %dma_start3A_850 = arith.constant 0 : i32
      %dma_start3A_851 = arith.constant 0 : i32
      %dma_start3A_852 = tpu.memref_slice %arg4[%shift_right_logical3A_738, %dma_start3A_846, %and3A_740, %dma_start3A_850, %dma_start3A_851] : memref<200x8x32x8x128xf32, #tpu.memory_space<hbm>> -> memref<1x1x1x8x128xf32, #tpu.memory_space<hbm>>
      %dma_start3A_853 = tpu.memref_squeeze %dma_start3A_852 : memref<1x1x1x8x128xf32, #tpu.memory_space<hbm>> -> memref<8x128xf32, #tpu.memory_space<hbm>>
      %dma_start3A_854 = arith.constant 0 : i32
      %dma_start3A_855 = arith.constant 0 : i32
      %dma_start3A_856 = tpu.memref_slice %arg4[%shift_right_logical3A_738, %dma_start3A_846, %and3A_740, %dma_start3A_854, %dma_start3A_855] : memref<200x8x32x8x128xf32, #tpu.memory_space<hbm>> -> memref<1x1x1x8x128xf32, #tpu.memory_space<hbm>>
      %dma_start3A_857 = tpu.memref_squeeze %dma_start3A_856 : memref<1x1x1x8x128xf32, #tpu.memory_space<hbm>> -> memref<8x128xf32, #tpu.memory_space<hbm>>
      %dma_start3A_858 = arith.constant 120 : i32
      %dma_start3A_859 = arith.constant 0 : i32
      %dma_start3A_860 = tpu.memref_slice %arg8[%dma_start3A_858, %dma_start3A_859] : memref<128x129xf32, #tpu.memory_space<vmem>> -> memref<8x128xf32, #tpu.memory_space<vmem>>
      tpu.enqueue_dma source(%dma_start3A_860 : memref<8x128xf32, #tpu.memory_space<vmem>>) target(%dma_start3A_857 : memref<8x128xf32, #tpu.memory_space<hbm>>) target_semaphore(%arg12 : memref<!tpu.dma_semaphore, #tpu.memory_space<semaphore_mem>>)
      %dma_wait3A_861 = arith.constant 0 : i32
      %dma_wait3A_862 = tpu.memref_slice %arg5[%dma_wait3A_861] : memref<25600xi32, #tpu.memory_space<vmem>> -> memref<256xi32, #tpu.memory_space<vmem>>
      %dma_wait3A_863 = arith.constant 0 : i32
      %dma_wait3A_864 = arith.constant 0 : i32
      %dma_wait3A_865 = tpu.memref_slice %arg3[%dma_wait3A_863, %dma_wait3A_864] : memref<1000000x64xf32, #tpu.memory_space<hbm>> -> memref<1000000x64xf32, #tpu.memory_space<hbm>>
      tpu.wait_indirect_dma semaphore(%arg11 : memref<!tpu.dma_semaphore, #tpu.memory_space<semaphore_mem>>) src(%dma_wait3A_865 : memref<1000000x64xf32, #tpu.memory_space<hbm>>) dst(%arg7 : memref<256x64xf32, #tpu.memory_space<vmem>>)
      %add3A_866 = arith.constant 2 : i32
      %add3A_867 = arith.addi %add3A_560, %add3A_866 : i32
      %lt3A = arith.constant 100 : i32
      %lt3A_868 = arith.cmpi slt, %add3A_867, %lt3A : i32
      %convert_element_type3A_869 = arith.extui %lt3A_868 : i1 to i32
      %cond3A_870 = arith.constant 0 : i32
      %cond3A_871 = arith.cmpi ne, %convert_element_type3A_869, %cond3A_870 : i32
      scf.if %cond3A_871 {
        %add3A_1169 = arith.constant 2 : i32
        %add3A_1170 = arith.addi %add3A_560, %add3A_1169 : i32
        %mul3A_1171 = arith.constant 256 : i32
        %mul3A_1172 = arith.muli %add3A_1170, %mul3A_1171 : i32
        %dma_start3A_1173 = tpu.memref_slice %arg5[%mul3A_1172] : memref<25600xi32, #tpu.memory_space<vmem>> -> memref<256xi32, #tpu.memory_space<vmem>>
        %dma_start3A_1174 = arith.constant 0 : i32
        %dma_start3A_1175 = arith.constant 0 : i32
        %dma_start3A_1176 = tpu.memref_slice %arg3[%dma_start3A_1174, %dma_start3A_1175] : memref<1000000x64xf32, #tpu.memory_space<hbm>> -> memref<1000000x64xf32, #tpu.memory_space<hbm>>
        tpu.enqueue_indirect_dma source(%dma_start3A_1176 : memref<1000000x64xf32, #tpu.memory_space<hbm>>) target(%arg6 : memref<256x64xf32, #tpu.memory_space<vmem>>) offsets(%dma_start3A_1173 : memref<256xi32, #tpu.memory_space<vmem>>) semaphore(%arg10 : memref<!tpu.dma_semaphore, #tpu.memory_space<semaphore_mem>>)
      } else {
      }
      %ge3A_872 = arith.constant 2 : i32
      %ge3A_873 = arith.cmpi sge, %add3A_560, %ge3A_872 : i32
      %convert_element_type3A_874 = arith.extui %ge3A_873 : i1 to i32
      %cond3A_875 = arith.constant 0 : i32
      %cond3A_876 = arith.cmpi ne, %convert_element_type3A_874, %cond3A_875 : i32
      scf.if %cond3A_876 {
        %dma_wait3A_1169 = arith.constant 0 : i32
        %dma_wait3A_1170 = arith.constant 0 : i32
        %dma_wait3A_1171 = arith.constant 0 : i32
        %dma_wait3A_1172 = arith.constant 0 : i32
        %dma_wait3A_1173 = arith.constant 0 : i32
        %dma_wait3A_1174 = tpu.memref_slice %arg9[%dma_wait3A_1172, %dma_wait3A_1173] : memref<128x129xf32, #tpu.memory_space<vmem>> -> memref<8x128xf32, #tpu.memory_space<vmem>>
        %dma_wait3A_1175 = arith.constant 0 : i32
        %dma_wait3A_1176 = arith.constant 0 : i32
        %dma_wait3A_1177 = tpu.memref_slice %arg4[%dma_wait3A_1169, %dma_wait3A_1170, %dma_wait3A_1171, %dma_wait3A_1175, %dma_wait3A_1176] : memref<200x8x32x8x128xf32, #tpu.memory_space<hbm>> -> memref<1x1x1x8x128xf32, #tpu.memory_space<hbm>>
        %dma_wait3A_1178 = tpu.memref_squeeze %dma_wait3A_1177 : memref<1x1x1x8x128xf32, #tpu.memory_space<hbm>> -> memref<8x128xf32, #tpu.memory_space<hbm>>
        %dma_wait3A_1179 = arith.constant 0 : i32
        %dma_wait3A_1180 = arith.constant 0 : i32
        %dma_wait3A_1181 = tpu.memref_slice %arg4[%dma_wait3A_1169, %dma_wait3A_1170, %dma_wait3A_1171, %dma_wait3A_1179, %dma_wait3A_1180] : memref<200x8x32x8x128xf32, #tpu.memory_space<hbm>> -> memref<1x1x1x8x128xf32, #tpu.memory_space<hbm>>
        %dma_wait3A_1182 = tpu.memref_squeeze %dma_wait3A_1181 : memref<1x1x1x8x128xf32, #tpu.memory_space<hbm>> -> memref<8x128xf32, #tpu.memory_space<hbm>>
        %dma_wait3A_1183 = arith.constant 0 : i32
        %dma_wait3A_1184 = arith.constant 0 : i32
        %dma_wait3A_1185 = tpu.memref_slice %arg9[%dma_wait3A_1183, %dma_wait3A_1184] : memref<128x129xf32, #tpu.memory_space<vmem>> -> memref<8x128xf32, #tpu.memory_space<vmem>>
        tpu.wait_dma2 semaphore(%arg13 : memref<!tpu.dma_semaphore, #tpu.memory_space<semaphore_mem>>) src(%dma_wait3A_1185 : memref<8x128xf32, #tpu.memory_space<vmem>>) dst(%dma_wait3A_1182 : memref<8x128xf32, #tpu.memory_space<hbm>>)
        %dma_wait3A_1186 = arith.constant 0 : i32
        %dma_wait3A_1187 = arith.constant 0 : i32
        %dma_wait3A_1188 = arith.constant 0 : i32
        %dma_wait3A_1189 = arith.constant 0 : i32
        %dma_wait3A_1190 = arith.constant 0 : i32
        %dma_wait3A_1191 = tpu.memref_slice %arg9[%dma_wait3A_1189, %dma_wait3A_1190] : memref<128x129xf32, #tpu.memory_space<vmem>> -> memref<8x128xf32, #tpu.memory_space<vmem>>
        %dma_wait3A_1192 = arith.constant 0 : i32
        %dma_wait3A_1193 = arith.constant 0 : i32
        %dma_wait3A_1194 = tpu.memref_slice %arg4[%dma_wait3A_1186, %dma_wait3A_1187, %dma_wait3A_1188, %dma_wait3A_1192, %dma_wait3A_1193] : memref<200x8x32x8x128xf32, #tpu.memory_space<hbm>> -> memref<1x1x1x8x128xf32, #tpu.memory_space<hbm>>
        %dma_wait3A_1195 = tpu.memref_squeeze %dma_wait3A_1194 : memref<1x1x1x8x128xf32, #tpu.memory_space<hbm>> -> memref<8x128xf32, #tpu.memory_space<hbm>>
        %dma_wait3A_1196 = arith.constant 0 : i32
        %dma_wait3A_1197 = arith.constant 0 : i32
        %dma_wait3A_1198 = tpu.memref_slice %arg4[%dma_wait3A_1186, %dma_wait3A_1187, %dma_wait3A_1188, %dma_wait3A_1196, %dma_wait3A_1197] : memref<200x8x32x8x128xf32, #tpu.memory_space<hbm>> -> memref<1x1x1x8x128xf32, #tpu.memory_space<hbm>>
        %dma_wait3A_1199 = tpu.memref_squeeze %dma_wait3A_1198 : memref<1x1x1x8x128xf32, #tpu.memory_space<hbm>> -> memref<8x128xf32, #tpu.memory_space<hbm>>
        %dma_wait3A_1200 = arith.constant 0 : i32
        %dma_wait3A_1201 = arith.constant 0 : i32
        %dma_wait3A_1202 = tpu.memref_slice %arg9[%dma_wait3A_1200, %dma_wait3A_1201] : memref<128x129xf32, #tpu.memory_space<vmem>> -> memref<8x128xf32, #tpu.memory_space<vmem>>
        tpu.wait_dma2 semaphore(%arg13 : memref<!tpu.dma_semaphore, #tpu.memory_space<semaphore_mem>>) src(%dma_wait3A_1202 : memref<8x128xf32, #tpu.memory_space<vmem>>) dst(%dma_wait3A_1199 : memref<8x128xf32, #tpu.memory_space<hbm>>)
        %dma_wait3A_1203 = arith.constant 0 : i32
        %dma_wait3A_1204 = arith.constant 0 : i32
        %dma_wait3A_1205 = arith.constant 0 : i32
        %dma_wait3A_1206 = arith.constant 0 : i32
        %dma_wait3A_1207 = arith.constant 0 : i32
        %dma_wait3A_1208 = tpu.memref_slice %arg9[%dma_wait3A_1206, %dma_wait3A_1207] : memref<128x129xf32, #tpu.memory_space<vmem>> -> memref<8x128xf32, #tpu.memory_space<vmem>>
        %dma_wait3A_1209 = arith.constant 0 : i32
        %dma_wait3A_1210 = arith.constant 0 : i32
        %dma_wait3A_1211 = tpu.memref_slice %arg4[%dma_wait3A_1203, %dma_wait3A_1204, %dma_wait3A_1205, %dma_wait3A_1209, %dma_wait3A_1210] : memref<200x8x32x8x128xf32, #tpu.memory_space<hbm>> -> memref<1x1x1x8x128xf32, #tpu.memory_space<hbm>>
        %dma_wait3A_1212 = tpu.memref_squeeze %dma_wait3A_1211 : memref<1x1x1x8x128xf32, #tpu.memory_space<hbm>> -> memref<8x128xf32, #tpu.memory_space<hbm>>
        %dma_wait3A_1213 = arith.constant 0 : i32
        %dma_wait3A_1214 = arith.constant 0 : i32
        %dma_wait3A_1215 = tpu.memref_slice %arg4[%dma_wait3A_1203, %dma_wait3A_1204, %dma_wait3A_1205, %dma_wait3A_1213, %dma_wait3A_1214] : memref<200x8x32x8x128xf32, #tpu.memory_space<hbm>> -> memref<1x1x1x8x128xf32, #tpu.memory_space<hbm>>
        %dma_wait3A_1216 = tpu.memref_squeeze %dma_wait3A_1215 : memref<1x1x1x8x128xf32, #tpu.memory_space<hbm>> -> memref<8x128xf32, #tpu.memory_space<hbm>>
        %dma_wait3A_1217 = arith.constant 0 : i32
        %dma_wait3A_1218 = arith.constant 0 : i32
        %dma_wait3A_1219 = tpu.memref_slice %arg9[%dma_wait3A_1217, %dma_wait3A_1218] : memref<128x129xf32, #tpu.memory_space<vmem>> -> memref<8x128xf32, #tpu.memory_space<vmem>>
        tpu.wait_dma2 semaphore(%arg13 : memref<!tpu.dma_semaphore, #tpu.memory_space<semaphore_mem>>) src(%dma_wait3A_1219 : memref<8x128xf32, #tpu.memory_space<vmem>>) dst(%dma_wait3A_1216 : memref<8x128xf32, #tpu.memory_space<hbm>>)
        %dma_wait3A_1220 = arith.constant 0 : i32
        %dma_wait3A_1221 = arith.constant 0 : i32
        %dma_wait3A_1222 = arith.constant 0 : i32
        %dma_wait3A_1223 = arith.constant 0 : i32
        %dma_wait3A_1224 = arith.constant 0 : i32
        %dma_wait3A_1225 = tpu.memref_slice %arg9[%dma_wait3A_1223, %dma_wait3A_1224] : memref<128x129xf32, #tpu.memory_space<vmem>> -> memref<8x128xf32, #tpu.memory_space<vmem>>
        %dma_wait3A_1226 = arith.constant 0 : i32
        %dma_wait3A_1227 = arith.constant 0 : i32
        %dma_wait3A_1228 = tpu.memref_slice %arg4[%dma_wait3A_1220, %dma_wait3A_1221, %dma_wait3A_1222, %dma_wait3A_1226, %dma_wait3A_1227] : memref<200x8x32x8x128xf32, #tpu.memory_space<hbm>> -> memref<1x1x1x8x128xf32, #tpu.memory_space<hbm>>
        %dma_wait3A_1229 = tpu.memref_squeeze %dma_wait3A_1228 : memref<1x1x1x8x128xf32, #tpu.memory_space<hbm>> -> memref<8x128xf32, #tpu.memory_space<hbm>>
        %dma_wait3A_1230 = arith.constant 0 : i32
        %dma_wait3A_1231 = arith.constant 0 : i32
        %dma_wait3A_1232 = tpu.memref_slice %arg4[%dma_wait3A_1220, %dma_wait3A_1221, %dma_wait3A_1222, %dma_wait3A_1230, %dma_wait3A_1231] : memref<200x8x32x8x128xf32, #tpu.memory_space<hbm>> -> memref<1x1x1x8x128xf32, #tpu.memory_space<hbm>>
        %dma_wait3A_1233 = tpu.memref_squeeze %dma_wait3A_1232 : memref<1x1x1x8x128xf32, #tpu.memory_space<hbm>> -> memref<8x128xf32, #tpu.memory_space<hbm>>
        %dma_wait3A_1234 = arith.constant 0 : i32
        %dma_wait3A_1235 = arith.constant 0 : i32
        %dma_wait3A_1236 = tpu.memref_slice %arg9[%dma_wait3A_1234, %dma_wait3A_1235] : memref<128x129xf32, #tpu.memory_space<vmem>> -> memref<8x128xf32, #tpu.memory_space<vmem>>
        tpu.wait_dma2 semaphore(%arg13 : memref<!tpu.dma_semaphore, #tpu.memory_space<semaphore_mem>>) src(%dma_wait3A_1236 : memref<8x128xf32, #tpu.memory_space<vmem>>) dst(%dma_wait3A_1233 : memref<8x128xf32, #tpu.memory_space<hbm>>)
        %dma_wait3A_1237 = arith.constant 0 : i32
        %dma_wait3A_1238 = arith.constant 0 : i32
        %dma_wait3A_1239 = arith.constant 0 : i32
        %dma_wait3A_1240 = arith.constant 0 : i32
        %dma_wait3A_1241 = arith.constant 0 : i32
        %dma_wait3A_1242 = tpu.memref_slice %arg9[%dma_wait3A_1240, %dma_wait3A_1241] : memref<128x129xf32, #tpu.memory_space<vmem>> -> memref<8x128xf32, #tpu.memory_space<vmem>>
        %dma_wait3A_1243 = arith.constant 0 : i32
        %dma_wait3A_1244 = arith.constant 0 : i32
        %dma_wait3A_1245 = tpu.memref_slice %arg4[%dma_wait3A_1237, %dma_wait3A_1238, %dma_wait3A_1239, %dma_wait3A_1243, %dma_wait3A_1244] : memref<200x8x32x8x128xf32, #tpu.memory_space<hbm>> -> memref<1x1x1x8x128xf32, #tpu.memory_space<hbm>>
        %dma_wait3A_1246 = tpu.memref_squeeze %dma_wait3A_1245 : memref<1x1x1x8x128xf32, #tpu.memory_space<hbm>> -> memref<8x128xf32, #tpu.memory_space<hbm>>
        %dma_wait3A_1247 = arith.constant 0 : i32
        %dma_wait3A_1248 = arith.constant 0 : i32
        %dma_wait3A_1249 = tpu.memref_slice %arg4[%dma_wait3A_1237, %dma_wait3A_1238, %dma_wait3A_1239, %dma_wait3A_1247, %dma_wait3A_1248] : memref<200x8x32x8x128xf32, #tpu.memory_space<hbm>> -> memref<1x1x1x8x128xf32, #tpu.memory_space<hbm>>
        %dma_wait3A_1250 = tpu.memref_squeeze %dma_wait3A_1249 : memref<1x1x1x8x128xf32, #tpu.memory_space<hbm>> -> memref<8x128xf32, #tpu.memory_space<hbm>>
        %dma_wait3A_1251 = arith.constant 0 : i32
        %dma_wait3A_1252 = arith.constant 0 : i32
        %dma_wait3A_1253 = tpu.memref_slice %arg9[%dma_wait3A_1251, %dma_wait3A_1252] : memref<128x129xf32, #tpu.memory_space<vmem>> -> memref<8x128xf32, #tpu.memory_space<vmem>>
        tpu.wait_dma2 semaphore(%arg13 : memref<!tpu.dma_semaphore, #tpu.memory_space<semaphore_mem>>) src(%dma_wait3A_1253 : memref<8x128xf32, #tpu.memory_space<vmem>>) dst(%dma_wait3A_1250 : memref<8x128xf32, #tpu.memory_space<hbm>>)
        %dma_wait3A_1254 = arith.constant 0 : i32
        %dma_wait3A_1255 = arith.constant 0 : i32
        %dma_wait3A_1256 = arith.constant 0 : i32
        %dma_wait3A_1257 = arith.constant 0 : i32
        %dma_wait3A_1258 = arith.constant 0 : i32
        %dma_wait3A_1259 = tpu.memref_slice %arg9[%dma_wait3A_1257, %dma_wait3A_1258] : memref<128x129xf32, #tpu.memory_space<vmem>> -> memref<8x128xf32, #tpu.memory_space<vmem>>
        %dma_wait3A_1260 = arith.constant 0 : i32
        %dma_wait3A_1261 = arith.constant 0 : i32
        %dma_wait3A_1262 = tpu.memref_slice %arg4[%dma_wait3A_1254, %dma_wait3A_1255, %dma_wait3A_1256, %dma_wait3A_1260, %dma_wait3A_1261] : memref<200x8x32x8x128xf32, #tpu.memory_space<hbm>> -> memref<1x1x1x8x128xf32, #tpu.memory_space<hbm>>
        %dma_wait3A_1263 = tpu.memref_squeeze %dma_wait3A_1262 : memref<1x1x1x8x128xf32, #tpu.memory_space<hbm>> -> memref<8x128xf32, #tpu.memory_space<hbm>>
        %dma_wait3A_1264 = arith.constant 0 : i32
        %dma_wait3A_1265 = arith.constant 0 : i32
        %dma_wait3A_1266 = tpu.memref_slice %arg4[%dma_wait3A_1254, %dma_wait3A_1255, %dma_wait3A_1256, %dma_wait3A_1264, %dma_wait3A_1265] : memref<200x8x32x8x128xf32, #tpu.memory_space<hbm>> -> memref<1x1x1x8x128xf32, #tpu.memory_space<hbm>>
        %dma_wait3A_1267 = tpu.memref_squeeze %dma_wait3A_1266 : memref<1x1x1x8x128xf32, #tpu.memory_space<hbm>> -> memref<8x128xf32, #tpu.memory_space<hbm>>
        %dma_wait3A_1268 = arith.constant 0 : i32
        %dma_wait3A_1269 = arith.constant 0 : i32
        %dma_wait3A_1270 = tpu.memref_slice %arg9[%dma_wait3A_1268, %dma_wait3A_1269] : memref<128x129xf32, #tpu.memory_space<vmem>> -> memref<8x128xf32, #tpu.memory_space<vmem>>
        tpu.wait_dma2 semaphore(%arg13 : memref<!tpu.dma_semaphore, #tpu.memory_space<semaphore_mem>>) src(%dma_wait3A_1270 : memref<8x128xf32, #tpu.memory_space<vmem>>) dst(%dma_wait3A_1267 : memref<8x128xf32, #tpu.memory_space<hbm>>)
        %dma_wait3A_1271 = arith.constant 0 : i32
        %dma_wait3A_1272 = arith.constant 0 : i32
        %dma_wait3A_1273 = arith.constant 0 : i32
        %dma_wait3A_1274 = arith.constant 0 : i32
        %dma_wait3A_1275 = arith.constant 0 : i32
        %dma_wait3A_1276 = tpu.memref_slice %arg9[%dma_wait3A_1274, %dma_wait3A_1275] : memref<128x129xf32, #tpu.memory_space<vmem>> -> memref<8x128xf32, #tpu.memory_space<vmem>>
        %dma_wait3A_1277 = arith.constant 0 : i32
        %dma_wait3A_1278 = arith.constant 0 : i32
        %dma_wait3A_1279 = tpu.memref_slice %arg4[%dma_wait3A_1271, %dma_wait3A_1272, %dma_wait3A_1273, %dma_wait3A_1277, %dma_wait3A_1278] : memref<200x8x32x8x128xf32, #tpu.memory_space<hbm>> -> memref<1x1x1x8x128xf32, #tpu.memory_space<hbm>>
        %dma_wait3A_1280 = tpu.memref_squeeze %dma_wait3A_1279 : memref<1x1x1x8x128xf32, #tpu.memory_space<hbm>> -> memref<8x128xf32, #tpu.memory_space<hbm>>
        %dma_wait3A_1281 = arith.constant 0 : i32
        %dma_wait3A_1282 = arith.constant 0 : i32
        %dma_wait3A_1283 = tpu.memref_slice %arg4[%dma_wait3A_1271, %dma_wait3A_1272, %dma_wait3A_1273, %dma_wait3A_1281, %dma_wait3A_1282] : memref<200x8x32x8x128xf32, #tpu.memory_space<hbm>> -> memref<1x1x1x8x128xf32, #tpu.memory_space<hbm>>
        %dma_wait3A_1284 = tpu.memref_squeeze %dma_wait3A_1283 : memref<1x1x1x8x128xf32, #tpu.memory_space<hbm>> -> memref<8x128xf32, #tpu.memory_space<hbm>>
        %dma_wait3A_1285 = arith.constant 0 : i32
        %dma_wait3A_1286 = arith.constant 0 : i32
        %dma_wait3A_1287 = tpu.memref_slice %arg9[%dma_wait3A_1285, %dma_wait3A_1286] : memref<128x129xf32, #tpu.memory_space<vmem>> -> memref<8x128xf32, #tpu.memory_space<vmem>>
        tpu.wait_dma2 semaphore(%arg13 : memref<!tpu.dma_semaphore, #tpu.memory_space<semaphore_mem>>) src(%dma_wait3A_1287 : memref<8x128xf32, #tpu.memory_space<vmem>>) dst(%dma_wait3A_1284 : memref<8x128xf32, #tpu.memory_space<hbm>>)
        %dma_wait3A_1288 = arith.constant 0 : i32
        %dma_wait3A_1289 = arith.constant 0 : i32
        %dma_wait3A_1290 = arith.constant 0 : i32
        %dma_wait3A_1291 = arith.constant 0 : i32
        %dma_wait3A_1292 = arith.constant 0 : i32
        %dma_wait3A_1293 = tpu.memref_slice %arg9[%dma_wait3A_1291, %dma_wait3A_1292] : memref<128x129xf32, #tpu.memory_space<vmem>> -> memref<8x128xf32, #tpu.memory_space<vmem>>
        %dma_wait3A_1294 = arith.constant 0 : i32
        %dma_wait3A_1295 = arith.constant 0 : i32
        %dma_wait3A_1296 = tpu.memref_slice %arg4[%dma_wait3A_1288, %dma_wait3A_1289, %dma_wait3A_1290, %dma_wait3A_1294, %dma_wait3A_1295] : memref<200x8x32x8x128xf32, #tpu.memory_space<hbm>> -> memref<1x1x1x8x128xf32, #tpu.memory_space<hbm>>
        %dma_wait3A_1297 = tpu.memref_squeeze %dma_wait3A_1296 : memref<1x1x1x8x128xf32, #tpu.memory_space<hbm>> -> memref<8x128xf32, #tpu.memory_space<hbm>>
        %dma_wait3A_1298 = arith.constant 0 : i32
        %dma_wait3A_1299 = arith.constant 0 : i32
        %dma_wait3A_1300 = tpu.memref_slice %arg4[%dma_wait3A_1288, %dma_wait3A_1289, %dma_wait3A_1290, %dma_wait3A_1298, %dma_wait3A_1299] : memref<200x8x32x8x128xf32, #tpu.memory_space<hbm>> -> memref<1x1x1x8x128xf32, #tpu.memory_space<hbm>>
        %dma_wait3A_1301 = tpu.memref_squeeze %dma_wait3A_1300 : memref<1x1x1x8x128xf32, #tpu.memory_space<hbm>> -> memref<8x128xf32, #tpu.memory_space<hbm>>
        %dma_wait3A_1302 = arith.constant 0 : i32
        %dma_wait3A_1303 = arith.constant 0 : i32
        %dma_wait3A_1304 = tpu.memref_slice %arg9[%dma_wait3A_1302, %dma_wait3A_1303] : memref<128x129xf32, #tpu.memory_space<vmem>> -> memref<8x128xf32, #tpu.memory_space<vmem>>
        tpu.wait_dma2 semaphore(%arg13 : memref<!tpu.dma_semaphore, #tpu.memory_space<semaphore_mem>>) src(%dma_wait3A_1304 : memref<8x128xf32, #tpu.memory_space<vmem>>) dst(%dma_wait3A_1301 : memref<8x128xf32, #tpu.memory_space<hbm>>)
        %dma_wait3A_1305 = arith.constant 0 : i32
        %dma_wait3A_1306 = arith.constant 0 : i32
        %dma_wait3A_1307 = arith.constant 0 : i32
        %dma_wait3A_1308 = arith.constant 0 : i32
        %dma_wait3A_1309 = arith.constant 0 : i32
        %dma_wait3A_1310 = tpu.memref_slice %arg9[%dma_wait3A_1308, %dma_wait3A_1309] : memref<128x129xf32, #tpu.memory_space<vmem>> -> memref<8x128xf32, #tpu.memory_space<vmem>>
        %dma_wait3A_1311 = arith.constant 0 : i32
        %dma_wait3A_1312 = arith.constant 0 : i32
        %dma_wait3A_1313 = tpu.memref_slice %arg4[%dma_wait3A_1305, %dma_wait3A_1306, %dma_wait3A_1307, %dma_wait3A_1311, %dma_wait3A_1312] : memref<200x8x32x8x128xf32, #tpu.memory_space<hbm>> -> memref<1x1x1x8x128xf32, #tpu.memory_space<hbm>>
        %dma_wait3A_1314 = tpu.memref_squeeze %dma_wait3A_1313 : memref<1x1x1x8x128xf32, #tpu.memory_space<hbm>> -> memref<8x128xf32, #tpu.memory_space<hbm>>
        %dma_wait3A_1315 = arith.constant 0 : i32
        %dma_wait3A_1316 = arith.constant 0 : i32
        %dma_wait3A_1317 = tpu.memref_slice %arg4[%dma_wait3A_1305, %dma_wait3A_1306, %dma_wait3A_1307, %dma_wait3A_1315, %dma_wait3A_1316] : memref<200x8x32x8x128xf32, #tpu.memory_space<hbm>> -> memref<1x1x1x8x128xf32, #tpu.memory_space<hbm>>
        %dma_wait3A_1318 = tpu.memref_squeeze %dma_wait3A_1317 : memref<1x1x1x8x128xf32, #tpu.memory_space<hbm>> -> memref<8x128xf32, #tpu.memory_space<hbm>>
        %dma_wait3A_1319 = arith.constant 0 : i32
        %dma_wait3A_1320 = arith.constant 0 : i32
        %dma_wait3A_1321 = tpu.memref_slice %arg9[%dma_wait3A_1319, %dma_wait3A_1320] : memref<128x129xf32, #tpu.memory_space<vmem>> -> memref<8x128xf32, #tpu.memory_space<vmem>>
        tpu.wait_dma2 semaphore(%arg13 : memref<!tpu.dma_semaphore, #tpu.memory_space<semaphore_mem>>) src(%dma_wait3A_1321 : memref<8x128xf32, #tpu.memory_space<vmem>>) dst(%dma_wait3A_1318 : memref<8x128xf32, #tpu.memory_space<hbm>>)
        %dma_wait3A_1322 = arith.constant 0 : i32
        %dma_wait3A_1323 = arith.constant 0 : i32
        %dma_wait3A_1324 = arith.constant 0 : i32
        %dma_wait3A_1325 = arith.constant 0 : i32
        %dma_wait3A_1326 = arith.constant 0 : i32
        %dma_wait3A_1327 = tpu.memref_slice %arg9[%dma_wait3A_1325, %dma_wait3A_1326] : memref<128x129xf32, #tpu.memory_space<vmem>> -> memref<8x128xf32, #tpu.memory_space<vmem>>
        %dma_wait3A_1328 = arith.constant 0 : i32
        %dma_wait3A_1329 = arith.constant 0 : i32
        %dma_wait3A_1330 = tpu.memref_slice %arg4[%dma_wait3A_1322, %dma_wait3A_1323, %dma_wait3A_1324, %dma_wait3A_1328, %dma_wait3A_1329] : memref<200x8x32x8x128xf32, #tpu.memory_space<hbm>> -> memref<1x1x1x8x128xf32, #tpu.memory_space<hbm>>
        %dma_wait3A_1331 = tpu.memref_squeeze %dma_wait3A_1330 : memref<1x1x1x8x128xf32, #tpu.memory_space<hbm>> -> memref<8x128xf32, #tpu.memory_space<hbm>>
        %dma_wait3A_1332 = arith.constant 0 : i32
        %dma_wait3A_1333 = arith.constant 0 : i32
        %dma_wait3A_1334 = tpu.memref_slice %arg4[%dma_wait3A_1322, %dma_wait3A_1323, %dma_wait3A_1324, %dma_wait3A_1332, %dma_wait3A_1333] : memref<200x8x32x8x128xf32, #tpu.memory_space<hbm>> -> memref<1x1x1x8x128xf32, #tpu.memory_space<hbm>>
        %dma_wait3A_1335 = tpu.memref_squeeze %dma_wait3A_1334 : memref<1x1x1x8x128xf32, #tpu.memory_space<hbm>> -> memref<8x128xf32, #tpu.memory_space<hbm>>
        %dma_wait3A_1336 = arith.constant 0 : i32
        %dma_wait3A_1337 = arith.constant 0 : i32
        %dma_wait3A_1338 = tpu.memref_slice %arg9[%dma_wait3A_1336, %dma_wait3A_1337] : memref<128x129xf32, #tpu.memory_space<vmem>> -> memref<8x128xf32, #tpu.memory_space<vmem>>
        tpu.wait_dma2 semaphore(%arg13 : memref<!tpu.dma_semaphore, #tpu.memory_space<semaphore_mem>>) src(%dma_wait3A_1338 : memref<8x128xf32, #tpu.memory_space<vmem>>) dst(%dma_wait3A_1335 : memref<8x128xf32, #tpu.memory_space<hbm>>)
        %dma_wait3A_1339 = arith.constant 0 : i32
        %dma_wait3A_1340 = arith.constant 0 : i32
        %dma_wait3A_1341 = arith.constant 0 : i32
        %dma_wait3A_1342 = arith.constant 0 : i32
        %dma_wait3A_1343 = arith.constant 0 : i32
        %dma_wait3A_1344 = tpu.memref_slice %arg9[%dma_wait3A_1342, %dma_wait3A_1343] : memref<128x129xf32, #tpu.memory_space<vmem>> -> memref<8x128xf32, #tpu.memory_space<vmem>>
        %dma_wait3A_1345 = arith.constant 0 : i32
        %dma_wait3A_1346 = arith.constant 0 : i32
        %dma_wait3A_1347 = tpu.memref_slice %arg4[%dma_wait3A_1339, %dma_wait3A_1340, %dma_wait3A_1341, %dma_wait3A_1345, %dma_wait3A_1346] : memref<200x8x32x8x128xf32, #tpu.memory_space<hbm>> -> memref<1x1x1x8x128xf32, #tpu.memory_space<hbm>>
        %dma_wait3A_1348 = tpu.memref_squeeze %dma_wait3A_1347 : memref<1x1x1x8x128xf32, #tpu.memory_space<hbm>> -> memref<8x128xf32, #tpu.memory_space<hbm>>
        %dma_wait3A_1349 = arith.constant 0 : i32
        %dma_wait3A_1350 = arith.constant 0 : i32
        %dma_wait3A_1351 = tpu.memref_slice %arg4[%dma_wait3A_1339, %dma_wait3A_1340, %dma_wait3A_1341, %dma_wait3A_1349, %dma_wait3A_1350] : memref<200x8x32x8x128xf32, #tpu.memory_space<hbm>> -> memref<1x1x1x8x128xf32, #tpu.memory_space<hbm>>
        %dma_wait3A_1352 = tpu.memref_squeeze %dma_wait3A_1351 : memref<1x1x1x8x128xf32, #tpu.memory_space<hbm>> -> memref<8x128xf32, #tpu.memory_space<hbm>>
        %dma_wait3A_1353 = arith.constant 0 : i32
        %dma_wait3A_1354 = arith.constant 0 : i32
        %dma_wait3A_1355 = tpu.memref_slice %arg9[%dma_wait3A_1353, %dma_wait3A_1354] : memref<128x129xf32, #tpu.memory_space<vmem>> -> memref<8x128xf32, #tpu.memory_space<vmem>>
        tpu.wait_dma2 semaphore(%arg13 : memref<!tpu.dma_semaphore, #tpu.memory_space<semaphore_mem>>) src(%dma_wait3A_1355 : memref<8x128xf32, #tpu.memory_space<vmem>>) dst(%dma_wait3A_1352 : memref<8x128xf32, #tpu.memory_space<hbm>>)
        %dma_wait3A_1356 = arith.constant 0 : i32
        %dma_wait3A_1357 = arith.constant 0 : i32
        %dma_wait3A_1358 = arith.constant 0 : i32
        %dma_wait3A_1359 = arith.constant 0 : i32
        %dma_wait3A_1360 = arith.constant 0 : i32
        %dma_wait3A_1361 = tpu.memref_slice %arg9[%dma_wait3A_1359, %dma_wait3A_1360] : memref<128x129xf32, #tpu.memory_space<vmem>> -> memref<8x128xf32, #tpu.memory_space<vmem>>
        %dma_wait3A_1362 = arith.constant 0 : i32
        %dma_wait3A_1363 = arith.constant 0 : i32
        %dma_wait3A_1364 = tpu.memref_slice %arg4[%dma_wait3A_1356, %dma_wait3A_1357, %dma_wait3A_1358, %dma_wait3A_1362, %dma_wait3A_1363] : memref<200x8x32x8x128xf32, #tpu.memory_space<hbm>> -> memref<1x1x1x8x128xf32, #tpu.memory_space<hbm>>
        %dma_wait3A_1365 = tpu.memref_squeeze %dma_wait3A_1364 : memref<1x1x1x8x128xf32, #tpu.memory_space<hbm>> -> memref<8x128xf32, #tpu.memory_space<hbm>>
        %dma_wait3A_1366 = arith.constant 0 : i32
        %dma_wait3A_1367 = arith.constant 0 : i32
        %dma_wait3A_1368 = tpu.memref_slice %arg4[%dma_wait3A_1356, %dma_wait3A_1357, %dma_wait3A_1358, %dma_wait3A_1366, %dma_wait3A_1367] : memref<200x8x32x8x128xf32, #tpu.memory_space<hbm>> -> memref<1x1x1x8x128xf32, #tpu.memory_space<hbm>>
        %dma_wait3A_1369 = tpu.memref_squeeze %dma_wait3A_1368 : memref<1x1x1x8x128xf32, #tpu.memory_space<hbm>> -> memref<8x128xf32, #tpu.memory_space<hbm>>
        %dma_wait3A_1370 = arith.constant 0 : i32
        %dma_wait3A_1371 = arith.constant 0 : i32
        %dma_wait3A_1372 = tpu.memref_slice %arg9[%dma_wait3A_1370, %dma_wait3A_1371] : memref<128x129xf32, #tpu.memory_space<vmem>> -> memref<8x128xf32, #tpu.memory_space<vmem>>
        tpu.wait_dma2 semaphore(%arg13 : memref<!tpu.dma_semaphore, #tpu.memory_space<semaphore_mem>>) src(%dma_wait3A_1372 : memref<8x128xf32, #tpu.memory_space<vmem>>) dst(%dma_wait3A_1369 : memref<8x128xf32, #tpu.memory_space<hbm>>)
        %dma_wait3A_1373 = arith.constant 0 : i32
        %dma_wait3A_1374 = arith.constant 0 : i32
        %dma_wait3A_1375 = arith.constant 0 : i32
        %dma_wait3A_1376 = arith.constant 0 : i32
        %dma_wait3A_1377 = arith.constant 0 : i32
        %dma_wait3A_1378 = tpu.memref_slice %arg9[%dma_wait3A_1376, %dma_wait3A_1377] : memref<128x129xf32, #tpu.memory_space<vmem>> -> memref<8x128xf32, #tpu.memory_space<vmem>>
        %dma_wait3A_1379 = arith.constant 0 : i32
        %dma_wait3A_1380 = arith.constant 0 : i32
        %dma_wait3A_1381 = tpu.memref_slice %arg4[%dma_wait3A_1373, %dma_wait3A_1374, %dma_wait3A_1375, %dma_wait3A_1379, %dma_wait3A_1380] : memref<200x8x32x8x128xf32, #tpu.memory_space<hbm>> -> memref<1x1x1x8x128xf32, #tpu.memory_space<hbm>>
        %dma_wait3A_1382 = tpu.memref_squeeze %dma_wait3A_1381 : memref<1x1x1x8x128xf32, #tpu.memory_space<hbm>> -> memref<8x128xf32, #tpu.memory_space<hbm>>
        %dma_wait3A_1383 = arith.constant 0 : i32
        %dma_wait3A_1384 = arith.constant 0 : i32
        %dma_wait3A_1385 = tpu.memref_slice %arg4[%dma_wait3A_1373, %dma_wait3A_1374, %dma_wait3A_1375, %dma_wait3A_1383, %dma_wait3A_1384] : memref<200x8x32x8x128xf32, #tpu.memory_space<hbm>> -> memref<1x1x1x8x128xf32, #tpu.memory_space<hbm>>
        %dma_wait3A_1386 = tpu.memref_squeeze %dma_wait3A_1385 : memref<1x1x1x8x128xf32, #tpu.memory_space<hbm>> -> memref<8x128xf32, #tpu.memory_space<hbm>>
        %dma_wait3A_1387 = arith.constant 0 : i32
        %dma_wait3A_1388 = arith.constant 0 : i32
        %dma_wait3A_1389 = tpu.memref_slice %arg9[%dma_wait3A_1387, %dma_wait3A_1388] : memref<128x129xf32, #tpu.memory_space<vmem>> -> memref<8x128xf32, #tpu.memory_space<vmem>>
        tpu.wait_dma2 semaphore(%arg13 : memref<!tpu.dma_semaphore, #tpu.memory_space<semaphore_mem>>) src(%dma_wait3A_1389 : memref<8x128xf32, #tpu.memory_space<vmem>>) dst(%dma_wait3A_1386 : memref<8x128xf32, #tpu.memory_space<hbm>>)
        %dma_wait3A_1390 = arith.constant 0 : i32
        %dma_wait3A_1391 = arith.constant 0 : i32
        %dma_wait3A_1392 = arith.constant 0 : i32
        %dma_wait3A_1393 = arith.constant 0 : i32
        %dma_wait3A_1394 = arith.constant 0 : i32
        %dma_wait3A_1395 = tpu.memref_slice %arg9[%dma_wait3A_1393, %dma_wait3A_1394] : memref<128x129xf32, #tpu.memory_space<vmem>> -> memref<8x128xf32, #tpu.memory_space<vmem>>
        %dma_wait3A_1396 = arith.constant 0 : i32
        %dma_wait3A_1397 = arith.constant 0 : i32
        %dma_wait3A_1398 = tpu.memref_slice %arg4[%dma_wait3A_1390, %dma_wait3A_1391, %dma_wait3A_1392, %dma_wait3A_1396, %dma_wait3A_1397] : memref<200x8x32x8x128xf32, #tpu.memory_space<hbm>> -> memref<1x1x1x8x128xf32, #tpu.memory_space<hbm>>
        %dma_wait3A_1399 = tpu.memref_squeeze %dma_wait3A_1398 : memref<1x1x1x8x128xf32, #tpu.memory_space<hbm>> -> memref<8x128xf32, #tpu.memory_space<hbm>>
        %dma_wait3A_1400 = arith.constant 0 : i32
        %dma_wait3A_1401 = arith.constant 0 : i32
        %dma_wait3A_1402 = tpu.memref_slice %arg4[%dma_wait3A_1390, %dma_wait3A_1391, %dma_wait3A_1392, %dma_wait3A_1400, %dma_wait3A_1401] : memref<200x8x32x8x128xf32, #tpu.memory_space<hbm>> -> memref<1x1x1x8x128xf32, #tpu.memory_space<hbm>>
        %dma_wait3A_1403 = tpu.memref_squeeze %dma_wait3A_1402 : memref<1x1x1x8x128xf32, #tpu.memory_space<hbm>> -> memref<8x128xf32, #tpu.memory_space<hbm>>
        %dma_wait3A_1404 = arith.constant 0 : i32
        %dma_wait3A_1405 = arith.constant 0 : i32
        %dma_wait3A_1406 = tpu.memref_slice %arg9[%dma_wait3A_1404, %dma_wait3A_1405] : memref<128x129xf32, #tpu.memory_space<vmem>> -> memref<8x128xf32, #tpu.memory_space<vmem>>
        tpu.wait_dma2 semaphore(%arg13 : memref<!tpu.dma_semaphore, #tpu.memory_space<semaphore_mem>>) src(%dma_wait3A_1406 : memref<8x128xf32, #tpu.memory_space<vmem>>) dst(%dma_wait3A_1403 : memref<8x128xf32, #tpu.memory_space<hbm>>)
        %dma_wait3A_1407 = arith.constant 0 : i32
        %dma_wait3A_1408 = arith.constant 0 : i32
        %dma_wait3A_1409 = arith.constant 0 : i32
        %dma_wait3A_1410 = arith.constant 0 : i32
        %dma_wait3A_1411 = arith.constant 0 : i32
        %dma_wait3A_1412 = tpu.memref_slice %arg9[%dma_wait3A_1410, %dma_wait3A_1411] : memref<128x129xf32, #tpu.memory_space<vmem>> -> memref<8x128xf32, #tpu.memory_space<vmem>>
        %dma_wait3A_1413 = arith.constant 0 : i32
        %dma_wait3A_1414 = arith.constant 0 : i32
        %dma_wait3A_1415 = tpu.memref_slice %arg4[%dma_wait3A_1407, %dma_wait3A_1408, %dma_wait3A_1409, %dma_wait3A_1413, %dma_wait3A_1414] : memref<200x8x32x8x128xf32, #tpu.memory_space<hbm>> -> memref<1x1x1x8x128xf32, #tpu.memory_space<hbm>>
        %dma_wait3A_1416 = tpu.memref_squeeze %dma_wait3A_1415 : memref<1x1x1x8x128xf32, #tpu.memory_space<hbm>> -> memref<8x128xf32, #tpu.memory_space<hbm>>
        %dma_wait3A_1417 = arith.constant 0 : i32
        %dma_wait3A_1418 = arith.constant 0 : i32
        %dma_wait3A_1419 = tpu.memref_slice %arg4[%dma_wait3A_1407, %dma_wait3A_1408, %dma_wait3A_1409, %dma_wait3A_1417, %dma_wait3A_1418] : memref<200x8x32x8x128xf32, #tpu.memory_space<hbm>> -> memref<1x1x1x8x128xf32, #tpu.memory_space<hbm>>
        %dma_wait3A_1420 = tpu.memref_squeeze %dma_wait3A_1419 : memref<1x1x1x8x128xf32, #tpu.memory_space<hbm>> -> memref<8x128xf32, #tpu.memory_space<hbm>>
        %dma_wait3A_1421 = arith.constant 0 : i32
        %dma_wait3A_1422 = arith.constant 0 : i32
        %dma_wait3A_1423 = tpu.memref_slice %arg9[%dma_wait3A_1421, %dma_wait3A_1422] : memref<128x129xf32, #tpu.memory_space<vmem>> -> memref<8x128xf32, #tpu.memory_space<vmem>>
        tpu.wait_dma2 semaphore(%arg13 : memref<!tpu.dma_semaphore, #tpu.memory_space<semaphore_mem>>) src(%dma_wait3A_1423 : memref<8x128xf32, #tpu.memory_space<vmem>>) dst(%dma_wait3A_1420 : memref<8x128xf32, #tpu.memory_space<hbm>>)
        %dma_wait3A_1424 = arith.constant 0 : i32
        %dma_wait3A_1425 = arith.constant 0 : i32
        %dma_wait3A_1426 = arith.constant 0 : i32
        %dma_wait3A_1427 = arith.constant 0 : i32
        %dma_wait3A_1428 = arith.constant 0 : i32
        %dma_wait3A_1429 = tpu.memref_slice %arg9[%dma_wait3A_1427, %dma_wait3A_1428] : memref<128x129xf32, #tpu.memory_space<vmem>> -> memref<8x128xf32, #tpu.memory_space<vmem>>
        %dma_wait3A_1430 = arith.constant 0 : i32
        %dma_wait3A_1431 = arith.constant 0 : i32
        %dma_wait3A_1432 = tpu.memref_slice %arg4[%dma_wait3A_1424, %dma_wait3A_1425, %dma_wait3A_1426, %dma_wait3A_1430, %dma_wait3A_1431] : memref<200x8x32x8x128xf32, #tpu.memory_space<hbm>> -> memref<1x1x1x8x128xf32, #tpu.memory_space<hbm>>
        %dma_wait3A_1433 = tpu.memref_squeeze %dma_wait3A_1432 : memref<1x1x1x8x128xf32, #tpu.memory_space<hbm>> -> memref<8x128xf32, #tpu.memory_space<hbm>>
        %dma_wait3A_1434 = arith.constant 0 : i32
        %dma_wait3A_1435 = arith.constant 0 : i32
        %dma_wait3A_1436 = tpu.memref_slice %arg4[%dma_wait3A_1424, %dma_wait3A_1425, %dma_wait3A_1426, %dma_wait3A_1434, %dma_wait3A_1435] : memref<200x8x32x8x128xf32, #tpu.memory_space<hbm>> -> memref<1x1x1x8x128xf32, #tpu.memory_space<hbm>>
        %dma_wait3A_1437 = tpu.memref_squeeze %dma_wait3A_1436 : memref<1x1x1x8x128xf32, #tpu.memory_space<hbm>> -> memref<8x128xf32, #tpu.memory_space<hbm>>
        %dma_wait3A_1438 = arith.constant 0 : i32
        %dma_wait3A_1439 = arith.constant 0 : i32
        %dma_wait3A_1440 = tpu.memref_slice %arg9[%dma_wait3A_1438, %dma_wait3A_1439] : memref<128x129xf32, #tpu.memory_space<vmem>> -> memref<8x128xf32, #tpu.memory_space<vmem>>
        tpu.wait_dma2 semaphore(%arg13 : memref<!tpu.dma_semaphore, #tpu.memory_space<semaphore_mem>>) src(%dma_wait3A_1440 : memref<8x128xf32, #tpu.memory_space<vmem>>) dst(%dma_wait3A_1437 : memref<8x128xf32, #tpu.memory_space<hbm>>)
      } else {
      }
      %add3A_877 = arith.constant 1 : i32
      %add3A_878 = arith.addi %add3A_560, %add3A_877 : i32
      %add3A_879 = arith.constant 0 : i32
      %add3A_880 = vector.broadcast %add3A_879 : i32 to vector<16xi32>
      %add3A_881 = arith.addi %add3A_880, %iota3A : vector<16xi32>
      %add3A_882 = arith.constant 16 : i32
      %add3A_883 = vector.broadcast %add3A_882 : i32 to vector<16xi32>
      %add3A_884 = arith.addi %add3A_883, %iota3A : vector<16xi32>
      %add3A_885 = arith.constant 32 : i32
      %add3A_886 = vector.broadcast %add3A_885 : i32 to vector<16xi32>
      %add3A_887 = arith.addi %add3A_886, %iota3A : vector<16xi32>
      %add3A_888 = arith.constant 48 : i32
      %add3A_889 = vector.broadcast %add3A_888 : i32 to vector<16xi32>
      %add3A_890 = arith.addi %add3A_889, %iota3A : vector<16xi32>
      %parallel_loop3A_891 = arith.constant 0 : i32
      %parallel_loop3A_892 = arith.constant 128 : i32
      %parallel_loop3A_893 = arith.constant 1 : i32
      scf.for %parallel_loop3A_1169 = %parallel_loop3A_891 to %parallel_loop3A_892 step %parallel_loop3A_893  : i32 {
        %parallel_loop3A_1170 = vector.broadcast %parallel_loop3A_1169 : i32 to vector<16xi32>
        %parallel_loop3A_1171 = arith.constant 0 : i32
        %parallel_loop3A_1172 = arith.addi %parallel_loop3A_1171, %parallel_loop3A_1169 : i32
        %parallel_loop3A_1173 = arith.index_cast %parallel_loop3A_1172 : i32 to index
        %parallel_loop3A_1174 = arith.constant 0 : index
        %parallel_loop3A_1175 = tpu.vector_load %arg7[%parallel_loop3A_1173, %parallel_loop3A_1174] {strides = array<i32>} : memref<256x64xf32, #tpu.memory_space<vmem>>, vector<16xf32>,
        %parallel_loop3A_1176 = arith.constant 8.000000e+00 : f32
        %parallel_loop3A_1177 = vector.broadcast %parallel_loop3A_1176 : f32 to vector<16xf32>
        %parallel_loop3A_1178 = arith.mulf %parallel_loop3A_1175, %parallel_loop3A_1177 : vector<16xf32>
        tpu.vector_store_idx %arg9[%add3A_881, %parallel_loop3A_1170], %parallel_loop3A_1178 : memref<128x129xf32, #tpu.memory_space<vmem>>[vector<16xi32>, vector<16xi32>], vector<16xf32>,
        %parallel_loop3A_1179 = arith.constant 0 : i32
        %parallel_loop3A_1180 = arith.addi %parallel_loop3A_1179, %parallel_loop3A_1169 : i32
        %parallel_loop3A_1181 = arith.index_cast %parallel_loop3A_1180 : i32 to index
        %parallel_loop3A_1182 = arith.constant 16 : index
        %parallel_loop3A_1183 = tpu.vector_load %arg7[%parallel_loop3A_1181, %parallel_loop3A_1182] {strides = array<i32>} : memref<256x64xf32, #tpu.memory_space<vmem>>, vector<16xf32>,
        %parallel_loop3A_1184 = arith.constant 8.000000e+00 : f32
        %parallel_loop3A_1185 = vector.broadcast %parallel_loop3A_1184 : f32 to vector<16xf32>
        %parallel_loop3A_1186 = arith.mulf %parallel_loop3A_1183, %parallel_loop3A_1185 : vector<16xf32>
        tpu.vector_store_idx %arg9[%add3A_884, %parallel_loop3A_1170], %parallel_loop3A_1186 : memref<128x129xf32, #tpu.memory_space<vmem>>[vector<16xi32>, vector<16xi32>], vector<16xf32>,
        %parallel_loop3A_1187 = arith.constant 0 : i32
        %parallel_loop3A_1188 = arith.addi %parallel_loop3A_1187, %parallel_loop3A_1169 : i32
        %parallel_loop3A_1189 = arith.index_cast %parallel_loop3A_1188 : i32 to index
        %parallel_loop3A_1190 = arith.constant 32 : index
        %parallel_loop3A_1191 = tpu.vector_load %arg7[%parallel_loop3A_1189, %parallel_loop3A_1190] {strides = array<i32>} : memref<256x64xf32, #tpu.memory_space<vmem>>, vector<16xf32>,
        %parallel_loop3A_1192 = arith.constant 8.000000e+00 : f32
        %parallel_loop3A_1193 = vector.broadcast %parallel_loop3A_1192 : f32 to vector<16xf32>
        %parallel_loop3A_1194 = arith.mulf %parallel_loop3A_1191, %parallel_loop3A_1193 : vector<16xf32>
        tpu.vector_store_idx %arg9[%add3A_887, %parallel_loop3A_1170], %parallel_loop3A_1194 : memref<128x129xf32, #tpu.memory_space<vmem>>[vector<16xi32>, vector<16xi32>], vector<16xf32>,
        %parallel_loop3A_1195 = arith.constant 0 : i32
        %parallel_loop3A_1196 = arith.addi %parallel_loop3A_1195, %parallel_loop3A_1169 : i32
        %parallel_loop3A_1197 = arith.index_cast %parallel_loop3A_1196 : i32 to index
        %parallel_loop3A_1198 = arith.constant 48 : index
        %parallel_loop3A_1199 = tpu.vector_load %arg7[%parallel_loop3A_1197, %parallel_loop3A_1198] {strides = array<i32>} : memref<256x64xf32, #tpu.memory_space<vmem>>, vector<16xf32>,
        %parallel_loop3A_1200 = arith.constant 8.000000e+00 : f32
        %parallel_loop3A_1201 = vector.broadcast %parallel_loop3A_1200 : f32 to vector<16xf32>
        %parallel_loop3A_1202 = arith.mulf %parallel_loop3A_1199, %parallel_loop3A_1201 : vector<16xf32>
        tpu.vector_store_idx %arg9[%add3A_890, %parallel_loop3A_1170], %parallel_loop3A_1202 : memref<128x129xf32, #tpu.memory_space<vmem>>[vector<16xi32>, vector<16xi32>], vector<16xf32>,
      } {sc.loop_unroll_factor = 8 : i64, sc.parallel_access}
      %add3A_894 = arith.constant 64 : i32
      %add3A_895 = vector.broadcast %add3A_894 : i32 to vector<16xi32>
      %add3A_896 = arith.addi %add3A_895, %iota3A : vector<16xi32>
      %add3A_897 = arith.constant 80 : i32
      %add3A_898 = vector.broadcast %add3A_897 : i32 to vector<16xi32>
      %add3A_899 = arith.addi %add3A_898, %iota3A : vector<16xi32>
      %add3A_900 = arith.constant 96 : i32
      %add3A_901 = vector.broadcast %add3A_900 : i32 to vector<16xi32>
      %add3A_902 = arith.addi %add3A_901, %iota3A : vector<16xi32>
      %add3A_903 = arith.constant 112 : i32
      %add3A_904 = vector.broadcast %add3A_903 : i32 to vector<16xi32>
      %add3A_905 = arith.addi %add3A_904, %iota3A : vector<16xi32>
      %parallel_loop3A_906 = arith.constant 0 : i32
      %parallel_loop3A_907 = arith.constant 128 : i32
      %parallel_loop3A_908 = arith.constant 1 : i32
      scf.for %parallel_loop3A_1169 = %parallel_loop3A_906 to %parallel_loop3A_907 step %parallel_loop3A_908  : i32 {
        %parallel_loop3A_1170 = vector.broadcast %parallel_loop3A_1169 : i32 to vector<16xi32>
        %parallel_loop3A_1171 = arith.constant 128 : i32
        %parallel_loop3A_1172 = arith.addi %parallel_loop3A_1171, %parallel_loop3A_1169 : i32
        %parallel_loop3A_1173 = arith.index_cast %parallel_loop3A_1172 : i32 to index
        %parallel_loop3A_1174 = arith.constant 0 : index
        %parallel_loop3A_1175 = tpu.vector_load %arg7[%parallel_loop3A_1173, %parallel_loop3A_1174] {strides = array<i32>} : memref<256x64xf32, #tpu.memory_space<vmem>>, vector<16xf32>,
        %parallel_loop3A_1176 = arith.constant 8.000000e+00 : f32
        %parallel_loop3A_1177 = vector.broadcast %parallel_loop3A_1176 : f32 to vector<16xf32>
        %parallel_loop3A_1178 = arith.mulf %parallel_loop3A_1175, %parallel_loop3A_1177 : vector<16xf32>
        tpu.vector_store_idx %arg9[%add3A_896, %parallel_loop3A_1170], %parallel_loop3A_1178 : memref<128x129xf32, #tpu.memory_space<vmem>>[vector<16xi32>, vector<16xi32>], vector<16xf32>,
        %parallel_loop3A_1179 = arith.constant 128 : i32
        %parallel_loop3A_1180 = arith.addi %parallel_loop3A_1179, %parallel_loop3A_1169 : i32
        %parallel_loop3A_1181 = arith.index_cast %parallel_loop3A_1180 : i32 to index
        %parallel_loop3A_1182 = arith.constant 16 : index
        %parallel_loop3A_1183 = tpu.vector_load %arg7[%parallel_loop3A_1181, %parallel_loop3A_1182] {strides = array<i32>} : memref<256x64xf32, #tpu.memory_space<vmem>>, vector<16xf32>,
        %parallel_loop3A_1184 = arith.constant 8.000000e+00 : f32
        %parallel_loop3A_1185 = vector.broadcast %parallel_loop3A_1184 : f32 to vector<16xf32>
        %parallel_loop3A_1186 = arith.mulf %parallel_loop3A_1183, %parallel_loop3A_1185 : vector<16xf32>
        tpu.vector_store_idx %arg9[%add3A_899, %parallel_loop3A_1170], %parallel_loop3A_1186 : memref<128x129xf32, #tpu.memory_space<vmem>>[vector<16xi32>, vector<16xi32>], vector<16xf32>,
        %parallel_loop3A_1187 = arith.constant 128 : i32
        %parallel_loop3A_1188 = arith.addi %parallel_loop3A_1187, %parallel_loop3A_1169 : i32
        %parallel_loop3A_1189 = arith.index_cast %parallel_loop3A_1188 : i32 to index
        %parallel_loop3A_1190 = arith.constant 32 : index
        %parallel_loop3A_1191 = tpu.vector_load %arg7[%parallel_loop3A_1189, %parallel_loop3A_1190] {strides = array<i32>} : memref<256x64xf32, #tpu.memory_space<vmem>>, vector<16xf32>,
        %parallel_loop3A_1192 = arith.constant 8.000000e+00 : f32
        %parallel_loop3A_1193 = vector.broadcast %parallel_loop3A_1192 : f32 to vector<16xf32>
        %parallel_loop3A_1194 = arith.mulf %parallel_loop3A_1191, %parallel_loop3A_1193 : vector<16xf32>
        tpu.vector_store_idx %arg9[%add3A_902, %parallel_loop3A_1170], %parallel_loop3A_1194 : memref<128x129xf32, #tpu.memory_space<vmem>>[vector<16xi32>, vector<16xi32>], vector<16xf32>,
        %parallel_loop3A_1195 = arith.constant 128 : i32
        %parallel_loop3A_1196 = arith.addi %parallel_loop3A_1195, %parallel_loop3A_1169 : i32
        %parallel_loop3A_1197 = arith.index_cast %parallel_loop3A_1196 : i32 to index
        %parallel_loop3A_1198 = arith.constant 48 : index
        %parallel_loop3A_1199 = tpu.vector_load %arg7[%parallel_loop3A_1197, %parallel_loop3A_1198] {strides = array<i32>} : memref<256x64xf32, #tpu.memory_space<vmem>>, vector<16xf32>,
        %parallel_loop3A_1200 = arith.constant 8.000000e+00 : f32
        %parallel_loop3A_1201 = vector.broadcast %parallel_loop3A_1200 : f32 to vector<16xf32>
        %parallel_loop3A_1202 = arith.mulf %parallel_loop3A_1199, %parallel_loop3A_1201 : vector<16xf32>
        tpu.vector_store_idx %arg9[%add3A_905, %parallel_loop3A_1170], %parallel_loop3A_1202 : memref<128x129xf32, #tpu.memory_space<vmem>>[vector<16xi32>, vector<16xi32>], vector<16xf32>,
      } {sc.loop_unroll_factor = 8 : i64, sc.parallel_access}
      %add3A_909 = arith.constant 1 : i32
      %add3A_910 = arith.addi %add3A_560, %add3A_909 : i32
      %mul3A_911 = arith.constant 2 : i32
      %mul3A_912 = arith.muli %add3A_910, %mul3A_911 : i32
      %add3A_913 = arith.addi %mul3A_4, %mul3A_912 : i32
      %add3A_914 = arith.constant 0 : i32
      %add3A_915 = arith.addi %add3A_913, %add3A_914 : i32
      %shift_right_logical3A_916 = arith.constant 5 : i32
      %shift_right_logical3A_917 = arith.shrui %add3A_915, %shift_right_logical3A_916 : i32
      %and3A_918 = arith.constant 31 : i32
      %and3A_919 = arith.andi %add3A_915, %and3A_918 : i32
      %dma_start3A_920 = arith.constant 0 : i32
      %dma_start3A_921 = arith.constant 0 : i32
      %dma_start3A_922 = arith.constant 0 : i32
      %dma_start3A_923 = tpu.memref_slice %arg9[%dma_start3A_921, %dma_start3A_922] : memref<128x129xf32, #tpu.memory_space<vmem>> -> memref<8x128xf32, #tpu.memory_space<vmem>>
      %dma_start3A_924 = arith.constant 0 : i32
      %dma_start3A_925 = arith.constant 0 : i32
      %dma_start3A_926 = tpu.memref_slice %arg4[%shift_right_logical3A_917, %dma_start3A_920, %and3A_919, %dma_start3A_924, %dma_start3A_925] : memref<200x8x32x8x128xf32, #tpu.memory_space<hbm>> -> memref<1x1x1x8x128xf32, #tpu.memory_space<hbm>>
      %dma_start3A_927 = tpu.memref_squeeze %dma_start3A_926 : memref<1x1x1x8x128xf32, #tpu.memory_space<hbm>> -> memref<8x128xf32, #tpu.memory_space<hbm>>
      %dma_start3A_928 = arith.constant 0 : i32
      %dma_start3A_929 = arith.constant 0 : i32
      %dma_start3A_930 = tpu.memref_slice %arg4[%shift_right_logical3A_917, %dma_start3A_920, %and3A_919, %dma_start3A_928, %dma_start3A_929] : memref<200x8x32x8x128xf32, #tpu.memory_space<hbm>> -> memref<1x1x1x8x128xf32, #tpu.memory_space<hbm>>
      %dma_start3A_931 = tpu.memref_squeeze %dma_start3A_930 : memref<1x1x1x8x128xf32, #tpu.memory_space<hbm>> -> memref<8x128xf32, #tpu.memory_space<hbm>>
      %dma_start3A_932 = arith.constant 0 : i32
      %dma_start3A_933 = arith.constant 0 : i32
      %dma_start3A_934 = tpu.memref_slice %arg9[%dma_start3A_932, %dma_start3A_933] : memref<128x129xf32, #tpu.memory_space<vmem>> -> memref<8x128xf32, #tpu.memory_space<vmem>>
      tpu.enqueue_dma source(%dma_start3A_934 : memref<8x128xf32, #tpu.memory_space<vmem>>) target(%dma_start3A_931 : memref<8x128xf32, #tpu.memory_space<hbm>>) target_semaphore(%arg13 : memref<!tpu.dma_semaphore, #tpu.memory_space<semaphore_mem>>)
      %dma_start3A_935 = arith.constant 1 : i32
      %dma_start3A_936 = arith.constant 8 : i32
      %dma_start3A_937 = arith.constant 0 : i32
      %dma_start3A_938 = tpu.memref_slice %arg9[%dma_start3A_936, %dma_start3A_937] : memref<128x129xf32, #tpu.memory_space<vmem>> -> memref<8x128xf32, #tpu.memory_space<vmem>>
      %dma_start3A_939 = arith.constant 0 : i32
      %dma_start3A_940 = arith.constant 0 : i32
      %dma_start3A_941 = tpu.memref_slice %arg4[%shift_right_logical3A_917, %dma_start3A_935, %and3A_919, %dma_start3A_939, %dma_start3A_940] : memref<200x8x32x8x128xf32, #tpu.memory_space<hbm>> -> memref<1x1x1x8x128xf32, #tpu.memory_space<hbm>>
      %dma_start3A_942 = tpu.memref_squeeze %dma_start3A_941 : memref<1x1x1x8x128xf32, #tpu.memory_space<hbm>> -> memref<8x128xf32, #tpu.memory_space<hbm>>
      %dma_start3A_943 = arith.constant 0 : i32
      %dma_start3A_944 = arith.constant 0 : i32
      %dma_start3A_945 = tpu.memref_slice %arg4[%shift_right_logical3A_917, %dma_start3A_935, %and3A_919, %dma_start3A_943, %dma_start3A_944] : memref<200x8x32x8x128xf32, #tpu.memory_space<hbm>> -> memref<1x1x1x8x128xf32, #tpu.memory_space<hbm>>
      %dma_start3A_946 = tpu.memref_squeeze %dma_start3A_945 : memref<1x1x1x8x128xf32, #tpu.memory_space<hbm>> -> memref<8x128xf32, #tpu.memory_space<hbm>>
      %dma_start3A_947 = arith.constant 8 : i32
      %dma_start3A_948 = arith.constant 0 : i32
      %dma_start3A_949 = tpu.memref_slice %arg9[%dma_start3A_947, %dma_start3A_948] : memref<128x129xf32, #tpu.memory_space<vmem>> -> memref<8x128xf32, #tpu.memory_space<vmem>>
      tpu.enqueue_dma source(%dma_start3A_949 : memref<8x128xf32, #tpu.memory_space<vmem>>) target(%dma_start3A_946 : memref<8x128xf32, #tpu.memory_space<hbm>>) target_semaphore(%arg13 : memref<!tpu.dma_semaphore, #tpu.memory_space<semaphore_mem>>)
      %dma_start3A_950 = arith.constant 2 : i32
      %dma_start3A_951 = arith.constant 16 : i32
      %dma_start3A_952 = arith.constant 0 : i32
      %dma_start3A_953 = tpu.memref_slice %arg9[%dma_start3A_951, %dma_start3A_952] : memref<128x129xf32, #tpu.memory_space<vmem>> -> memref<8x128xf32, #tpu.memory_space<vmem>>
      %dma_start3A_954 = arith.constant 0 : i32
      %dma_start3A_955 = arith.constant 0 : i32
      %dma_start3A_956 = tpu.memref_slice %arg4[%shift_right_logical3A_917, %dma_start3A_950, %and3A_919, %dma_start3A_954, %dma_start3A_955] : memref<200x8x32x8x128xf32, #tpu.memory_space<hbm>> -> memref<1x1x1x8x128xf32, #tpu.memory_space<hbm>>
      %dma_start3A_957 = tpu.memref_squeeze %dma_start3A_956 : memref<1x1x1x8x128xf32, #tpu.memory_space<hbm>> -> memref<8x128xf32, #tpu.memory_space<hbm>>
      %dma_start3A_958 = arith.constant 0 : i32
      %dma_start3A_959 = arith.constant 0 : i32
      %dma_start3A_960 = tpu.memref_slice %arg4[%shift_right_logical3A_917, %dma_start3A_950, %and3A_919, %dma_start3A_958, %dma_start3A_959] : memref<200x8x32x8x128xf32, #tpu.memory_space<hbm>> -> memref<1x1x1x8x128xf32, #tpu.memory_space<hbm>>
      %dma_start3A_961 = tpu.memref_squeeze %dma_start3A_960 : memref<1x1x1x8x128xf32, #tpu.memory_space<hbm>> -> memref<8x128xf32, #tpu.memory_space<hbm>>
      %dma_start3A_962 = arith.constant 16 : i32
      %dma_start3A_963 = arith.constant 0 : i32
      %dma_start3A_964 = tpu.memref_slice %arg9[%dma_start3A_962, %dma_start3A_963] : memref<128x129xf32, #tpu.memory_space<vmem>> -> memref<8x128xf32, #tpu.memory_space<vmem>>
      tpu.enqueue_dma source(%dma_start3A_964 : memref<8x128xf32, #tpu.memory_space<vmem>>) target(%dma_start3A_961 : memref<8x128xf32, #tpu.memory_space<hbm>>) target_semaphore(%arg13 : memref<!tpu.dma_semaphore, #tpu.memory_space<semaphore_mem>>)
      %dma_start3A_965 = arith.constant 3 : i32
      %dma_start3A_966 = arith.constant 24 : i32
      %dma_start3A_967 = arith.constant 0 : i32
      %dma_start3A_968 = tpu.memref_slice %arg9[%dma_start3A_966, %dma_start3A_967] : memref<128x129xf32, #tpu.memory_space<vmem>> -> memref<8x128xf32, #tpu.memory_space<vmem>>
      %dma_start3A_969 = arith.constant 0 : i32
      %dma_start3A_970 = arith.constant 0 : i32
      %dma_start3A_971 = tpu.memref_slice %arg4[%shift_right_logical3A_917, %dma_start3A_965, %and3A_919, %dma_start3A_969, %dma_start3A_970] : memref<200x8x32x8x128xf32, #tpu.memory_space<hbm>> -> memref<1x1x1x8x128xf32, #tpu.memory_space<hbm>>
      %dma_start3A_972 = tpu.memref_squeeze %dma_start3A_971 : memref<1x1x1x8x128xf32, #tpu.memory_space<hbm>> -> memref<8x128xf32, #tpu.memory_space<hbm>>
      %dma_start3A_973 = arith.constant 0 : i32
      %dma_start3A_974 = arith.constant 0 : i32
      %dma_start3A_975 = tpu.memref_slice %arg4[%shift_right_logical3A_917, %dma_start3A_965, %and3A_919, %dma_start3A_973, %dma_start3A_974] : memref<200x8x32x8x128xf32, #tpu.memory_space<hbm>> -> memref<1x1x1x8x128xf32, #tpu.memory_space<hbm>>
      %dma_start3A_976 = tpu.memref_squeeze %dma_start3A_975 : memref<1x1x1x8x128xf32, #tpu.memory_space<hbm>> -> memref<8x128xf32, #tpu.memory_space<hbm>>
      %dma_start3A_977 = arith.constant 24 : i32
      %dma_start3A_978 = arith.constant 0 : i32
      %dma_start3A_979 = tpu.memref_slice %arg9[%dma_start3A_977, %dma_start3A_978] : memref<128x129xf32, #tpu.memory_space<vmem>> -> memref<8x128xf32, #tpu.memory_space<vmem>>
      tpu.enqueue_dma source(%dma_start3A_979 : memref<8x128xf32, #tpu.memory_space<vmem>>) target(%dma_start3A_976 : memref<8x128xf32, #tpu.memory_space<hbm>>) target_semaphore(%arg13 : memref<!tpu.dma_semaphore, #tpu.memory_space<semaphore_mem>>)
      %dma_start3A_980 = arith.constant 4 : i32
      %dma_start3A_981 = arith.constant 32 : i32
      %dma_start3A_982 = arith.constant 0 : i32
      %dma_start3A_983 = tpu.memref_slice %arg9[%dma_start3A_981, %dma_start3A_982] : memref<128x129xf32, #tpu.memory_space<vmem>> -> memref<8x128xf32, #tpu.memory_space<vmem>>
      %dma_start3A_984 = arith.constant 0 : i32
      %dma_start3A_985 = arith.constant 0 : i32
      %dma_start3A_986 = tpu.memref_slice %arg4[%shift_right_logical3A_917, %dma_start3A_980, %and3A_919, %dma_start3A_984, %dma_start3A_985] : memref<200x8x32x8x128xf32, #tpu.memory_space<hbm>> -> memref<1x1x1x8x128xf32, #tpu.memory_space<hbm>>
      %dma_start3A_987 = tpu.memref_squeeze %dma_start3A_986 : memref<1x1x1x8x128xf32, #tpu.memory_space<hbm>> -> memref<8x128xf32, #tpu.memory_space<hbm>>
      %dma_start3A_988 = arith.constant 0 : i32
      %dma_start3A_989 = arith.constant 0 : i32
      %dma_start3A_990 = tpu.memref_slice %arg4[%shift_right_logical3A_917, %dma_start3A_980, %and3A_919, %dma_start3A_988, %dma_start3A_989] : memref<200x8x32x8x128xf32, #tpu.memory_space<hbm>> -> memref<1x1x1x8x128xf32, #tpu.memory_space<hbm>>
      %dma_start3A_991 = tpu.memref_squeeze %dma_start3A_990 : memref<1x1x1x8x128xf32, #tpu.memory_space<hbm>> -> memref<8x128xf32, #tpu.memory_space<hbm>>
      %dma_start3A_992 = arith.constant 32 : i32
      %dma_start3A_993 = arith.constant 0 : i32
      %dma_start3A_994 = tpu.memref_slice %arg9[%dma_start3A_992, %dma_start3A_993] : memref<128x129xf32, #tpu.memory_space<vmem>> -> memref<8x128xf32, #tpu.memory_space<vmem>>
      tpu.enqueue_dma source(%dma_start3A_994 : memref<8x128xf32, #tpu.memory_space<vmem>>) target(%dma_start3A_991 : memref<8x128xf32, #tpu.memory_space<hbm>>) target_semaphore(%arg13 : memref<!tpu.dma_semaphore, #tpu.memory_space<semaphore_mem>>)
      %dma_start3A_995 = arith.constant 5 : i32
      %dma_start3A_996 = arith.constant 40 : i32
      %dma_start3A_997 = arith.constant 0 : i32
      %dma_start3A_998 = tpu.memref_slice %arg9[%dma_start3A_996, %dma_start3A_997] : memref<128x129xf32, #tpu.memory_space<vmem>> -> memref<8x128xf32, #tpu.memory_space<vmem>>
      %dma_start3A_999 = arith.constant 0 : i32
      %dma_start3A_1000 = arith.constant 0 : i32
      %dma_start3A_1001 = tpu.memref_slice %arg4[%shift_right_logical3A_917, %dma_start3A_995, %and3A_919, %dma_start3A_999, %dma_start3A_1000] : memref<200x8x32x8x128xf32, #tpu.memory_space<hbm>> -> memref<1x1x1x8x128xf32, #tpu.memory_space<hbm>>
      %dma_start3A_1002 = tpu.memref_squeeze %dma_start3A_1001 : memref<1x1x1x8x128xf32, #tpu.memory_space<hbm>> -> memref<8x128xf32, #tpu.memory_space<hbm>>
      %dma_start3A_1003 = arith.constant 0 : i32
      %dma_start3A_1004 = arith.constant 0 : i32
      %dma_start3A_1005 = tpu.memref_slice %arg4[%shift_right_logical3A_917, %dma_start3A_995, %and3A_919, %dma_start3A_1003, %dma_start3A_1004] : memref<200x8x32x8x128xf32, #tpu.memory_space<hbm>> -> memref<1x1x1x8x128xf32, #tpu.memory_space<hbm>>
      %dma_start3A_1006 = tpu.memref_squeeze %dma_start3A_1005 : memref<1x1x1x8x128xf32, #tpu.memory_space<hbm>> -> memref<8x128xf32, #tpu.memory_space<hbm>>
      %dma_start3A_1007 = arith.constant 40 : i32
      %dma_start3A_1008 = arith.constant 0 : i32
      %dma_start3A_1009 = tpu.memref_slice %arg9[%dma_start3A_1007, %dma_start3A_1008] : memref<128x129xf32, #tpu.memory_space<vmem>> -> memref<8x128xf32, #tpu.memory_space<vmem>>
      tpu.enqueue_dma source(%dma_start3A_1009 : memref<8x128xf32, #tpu.memory_space<vmem>>) target(%dma_start3A_1006 : memref<8x128xf32, #tpu.memory_space<hbm>>) target_semaphore(%arg13 : memref<!tpu.dma_semaphore, #tpu.memory_space<semaphore_mem>>)
      %dma_start3A_1010 = arith.constant 6 : i32
      %dma_start3A_1011 = arith.constant 48 : i32
      %dma_start3A_1012 = arith.constant 0 : i32
      %dma_start3A_1013 = tpu.memref_slice %arg9[%dma_start3A_1011, %dma_start3A_1012] : memref<128x129xf32, #tpu.memory_space<vmem>> -> memref<8x128xf32, #tpu.memory_space<vmem>>
      %dma_start3A_1014 = arith.constant 0 : i32
      %dma_start3A_1015 = arith.constant 0 : i32
      %dma_start3A_1016 = tpu.memref_slice %arg4[%shift_right_logical3A_917, %dma_start3A_1010, %and3A_919, %dma_start3A_1014, %dma_start3A_1015] : memref<200x8x32x8x128xf32, #tpu.memory_space<hbm>> -> memref<1x1x1x8x128xf32, #tpu.memory_space<hbm>>
      %dma_start3A_1017 = tpu.memref_squeeze %dma_start3A_1016 : memref<1x1x1x8x128xf32, #tpu.memory_space<hbm>> -> memref<8x128xf32, #tpu.memory_space<hbm>>
      %dma_start3A_1018 = arith.constant 0 : i32
      %dma_start3A_1019 = arith.constant 0 : i32
      %dma_start3A_1020 = tpu.memref_slice %arg4[%shift_right_logical3A_917, %dma_start3A_1010, %and3A_919, %dma_start3A_1018, %dma_start3A_1019] : memref<200x8x32x8x128xf32, #tpu.memory_space<hbm>> -> memref<1x1x1x8x128xf32, #tpu.memory_space<hbm>>
      %dma_start3A_1021 = tpu.memref_squeeze %dma_start3A_1020 : memref<1x1x1x8x128xf32, #tpu.memory_space<hbm>> -> memref<8x128xf32, #tpu.memory_space<hbm>>
      %dma_start3A_1022 = arith.constant 48 : i32
      %dma_start3A_1023 = arith.constant 0 : i32
      %dma_start3A_1024 = tpu.memref_slice %arg9[%dma_start3A_1022, %dma_start3A_1023] : memref<128x129xf32, #tpu.memory_space<vmem>> -> memref<8x128xf32, #tpu.memory_space<vmem>>
      tpu.enqueue_dma source(%dma_start3A_1024 : memref<8x128xf32, #tpu.memory_space<vmem>>) target(%dma_start3A_1021 : memref<8x128xf32, #tpu.memory_space<hbm>>) target_semaphore(%arg13 : memref<!tpu.dma_semaphore, #tpu.memory_space<semaphore_mem>>)
      %dma_start3A_1025 = arith.constant 7 : i32
      %dma_start3A_1026 = arith.constant 56 : i32
      %dma_start3A_1027 = arith.constant 0 : i32
      %dma_start3A_1028 = tpu.memref_slice %arg9[%dma_start3A_1026, %dma_start3A_1027] : memref<128x129xf32, #tpu.memory_space<vmem>> -> memref<8x128xf32, #tpu.memory_space<vmem>>
      %dma_start3A_1029 = arith.constant 0 : i32
      %dma_start3A_1030 = arith.constant 0 : i32
      %dma_start3A_1031 = tpu.memref_slice %arg4[%shift_right_logical3A_917, %dma_start3A_1025, %and3A_919, %dma_start3A_1029, %dma_start3A_1030] : memref<200x8x32x8x128xf32, #tpu.memory_space<hbm>> -> memref<1x1x1x8x128xf32, #tpu.memory_space<hbm>>
      %dma_start3A_1032 = tpu.memref_squeeze %dma_start3A_1031 : memref<1x1x1x8x128xf32, #tpu.memory_space<hbm>> -> memref<8x128xf32, #tpu.memory_space<hbm>>
      %dma_start3A_1033 = arith.constant 0 : i32
      %dma_start3A_1034 = arith.constant 0 : i32
      %dma_start3A_1035 = tpu.memref_slice %arg4[%shift_right_logical3A_917, %dma_start3A_1025, %and3A_919, %dma_start3A_1033, %dma_start3A_1034] : memref<200x8x32x8x128xf32, #tpu.memory_space<hbm>> -> memref<1x1x1x8x128xf32, #tpu.memory_space<hbm>>
      %dma_start3A_1036 = tpu.memref_squeeze %dma_start3A_1035 : memref<1x1x1x8x128xf32, #tpu.memory_space<hbm>> -> memref<8x128xf32, #tpu.memory_space<hbm>>
      %dma_start3A_1037 = arith.constant 56 : i32
      %dma_start3A_1038 = arith.constant 0 : i32
      %dma_start3A_1039 = tpu.memref_slice %arg9[%dma_start3A_1037, %dma_start3A_1038] : memref<128x129xf32, #tpu.memory_space<vmem>> -> memref<8x128xf32, #tpu.memory_space<vmem>>
      tpu.enqueue_dma source(%dma_start3A_1039 : memref<8x128xf32, #tpu.memory_space<vmem>>) target(%dma_start3A_1036 : memref<8x128xf32, #tpu.memory_space<hbm>>) target_semaphore(%arg13 : memref<!tpu.dma_semaphore, #tpu.memory_space<semaphore_mem>>)
      %mul3A_1040 = arith.constant 2 : i32
      %mul3A_1041 = arith.muli %add3A_910, %mul3A_1040 : i32
      %add3A_1042 = arith.addi %mul3A_4, %mul3A_1041 : i32
      %add3A_1043 = arith.constant 1 : i32
      %add3A_1044 = arith.addi %add3A_1042, %add3A_1043 : i32
      %shift_right_logical3A_1045 = arith.constant 5 : i32
      %shift_right_logical3A_1046 = arith.shrui %add3A_1044, %shift_right_logical3A_1045 : i32
      %and3A_1047 = arith.constant 31 : i32
      %and3A_1048 = arith.andi %add3A_1044, %and3A_1047 : i32
      %dma_start3A_1049 = arith.constant 0 : i32
      %dma_start3A_1050 = arith.constant 64 : i32
      %dma_start3A_1051 = arith.constant 0 : i32
      %dma_start3A_1052 = tpu.memref_slice %arg9[%dma_start3A_1050, %dma_start3A_1051] : memref<128x129xf32, #tpu.memory_space<vmem>> -> memref<8x128xf32, #tpu.memory_space<vmem>>
      %dma_start3A_1053 = arith.constant 0 : i32
      %dma_start3A_1054 = arith.constant 0 : i32
      %dma_start3A_1055 = tpu.memref_slice %arg4[%shift_right_logical3A_1046, %dma_start3A_1049, %and3A_1048, %dma_start3A_1053, %dma_start3A_1054] : memref<200x8x32x8x128xf32, #tpu.memory_space<hbm>> -> memref<1x1x1x8x128xf32, #tpu.memory_space<hbm>>
      %dma_start3A_1056 = tpu.memref_squeeze %dma_start3A_1055 : memref<1x1x1x8x128xf32, #tpu.memory_space<hbm>> -> memref<8x128xf32, #tpu.memory_space<hbm>>
      %dma_start3A_1057 = arith.constant 0 : i32
      %dma_start3A_1058 = arith.constant 0 : i32
      %dma_start3A_1059 = tpu.memref_slice %arg4[%shift_right_logical3A_1046, %dma_start3A_1049, %and3A_1048, %dma_start3A_1057, %dma_start3A_1058] : memref<200x8x32x8x128xf32, #tpu.memory_space<hbm>> -> memref<1x1x1x8x128xf32, #tpu.memory_space<hbm>>
      %dma_start3A_1060 = tpu.memref_squeeze %dma_start3A_1059 : memref<1x1x1x8x128xf32, #tpu.memory_space<hbm>> -> memref<8x128xf32, #tpu.memory_space<hbm>>
      %dma_start3A_1061 = arith.constant 64 : i32
      %dma_start3A_1062 = arith.constant 0 : i32
      %dma_start3A_1063 = tpu.memref_slice %arg9[%dma_start3A_1061, %dma_start3A_1062] : memref<128x129xf32, #tpu.memory_space<vmem>> -> memref<8x128xf32, #tpu.memory_space<vmem>>
      tpu.enqueue_dma source(%dma_start3A_1063 : memref<8x128xf32, #tpu.memory_space<vmem>>) target(%dma_start3A_1060 : memref<8x128xf32, #tpu.memory_space<hbm>>) target_semaphore(%arg13 : memref<!tpu.dma_semaphore, #tpu.memory_space<semaphore_mem>>)
      %dma_start3A_1064 = arith.constant 1 : i32
      %dma_start3A_1065 = arith.constant 72 : i32
      %dma_start3A_1066 = arith.constant 0 : i32
      %dma_start3A_1067 = tpu.memref_slice %arg9[%dma_start3A_1065, %dma_start3A_1066] : memref<128x129xf32, #tpu.memory_space<vmem>> -> memref<8x128xf32, #tpu.memory_space<vmem>>
      %dma_start3A_1068 = arith.constant 0 : i32
      %dma_start3A_1069 = arith.constant 0 : i32
      %dma_start3A_1070 = tpu.memref_slice %arg4[%shift_right_logical3A_1046, %dma_start3A_1064, %and3A_1048, %dma_start3A_1068, %dma_start3A_1069] : memref<200x8x32x8x128xf32, #tpu.memory_space<hbm>> -> memref<1x1x1x8x128xf32, #tpu.memory_space<hbm>>
      %dma_start3A_1071 = tpu.memref_squeeze %dma_start3A_1070 : memref<1x1x1x8x128xf32, #tpu.memory_space<hbm>> -> memref<8x128xf32, #tpu.memory_space<hbm>>
      %dma_start3A_1072 = arith.constant 0 : i32
      %dma_start3A_1073 = arith.constant 0 : i32
      %dma_start3A_1074 = tpu.memref_slice %arg4[%shift_right_logical3A_1046, %dma_start3A_1064, %and3A_1048, %dma_start3A_1072, %dma_start3A_1073] : memref<200x8x32x8x128xf32, #tpu.memory_space<hbm>> -> memref<1x1x1x8x128xf32, #tpu.memory_space<hbm>>
      %dma_start3A_1075 = tpu.memref_squeeze %dma_start3A_1074 : memref<1x1x1x8x128xf32, #tpu.memory_space<hbm>> -> memref<8x128xf32, #tpu.memory_space<hbm>>
      %dma_start3A_1076 = arith.constant 72 : i32
      %dma_start3A_1077 = arith.constant 0 : i32
      %dma_start3A_1078 = tpu.memref_slice %arg9[%dma_start3A_1076, %dma_start3A_1077] : memref<128x129xf32, #tpu.memory_space<vmem>> -> memref<8x128xf32, #tpu.memory_space<vmem>>
      tpu.enqueue_dma source(%dma_start3A_1078 : memref<8x128xf32, #tpu.memory_space<vmem>>) target(%dma_start3A_1075 : memref<8x128xf32, #tpu.memory_space<hbm>>) target_semaphore(%arg13 : memref<!tpu.dma_semaphore, #tpu.memory_space<semaphore_mem>>)
      %dma_start3A_1079 = arith.constant 2 : i32
      %dma_start3A_1080 = arith.constant 80 : i32
      %dma_start3A_1081 = arith.constant 0 : i32
      %dma_start3A_1082 = tpu.memref_slice %arg9[%dma_start3A_1080, %dma_start3A_1081] : memref<128x129xf32, #tpu.memory_space<vmem>> -> memref<8x128xf32, #tpu.memory_space<vmem>>
      %dma_start3A_1083 = arith.constant 0 : i32
      %dma_start3A_1084 = arith.constant 0 : i32
      %dma_start3A_1085 = tpu.memref_slice %arg4[%shift_right_logical3A_1046, %dma_start3A_1079, %and3A_1048, %dma_start3A_1083, %dma_start3A_1084] : memref<200x8x32x8x128xf32, #tpu.memory_space<hbm>> -> memref<1x1x1x8x128xf32, #tpu.memory_space<hbm>>
      %dma_start3A_1086 = tpu.memref_squeeze %dma_start3A_1085 : memref<1x1x1x8x128xf32, #tpu.memory_space<hbm>> -> memref<8x128xf32, #tpu.memory_space<hbm>>
      %dma_start3A_1087 = arith.constant 0 : i32
      %dma_start3A_1088 = arith.constant 0 : i32
      %dma_start3A_1089 = tpu.memref_slice %arg4[%shift_right_logical3A_1046, %dma_start3A_1079, %and3A_1048, %dma_start3A_1087, %dma_start3A_1088] : memref<200x8x32x8x128xf32, #tpu.memory_space<hbm>> -> memref<1x1x1x8x128xf32, #tpu.memory_space<hbm>>
      %dma_start3A_1090 = tpu.memref_squeeze %dma_start3A_1089 : memref<1x1x1x8x128xf32, #tpu.memory_space<hbm>> -> memref<8x128xf32, #tpu.memory_space<hbm>>
      %dma_start3A_1091 = arith.constant 80 : i32
      %dma_start3A_1092 = arith.constant 0 : i32
      %dma_start3A_1093 = tpu.memref_slice %arg9[%dma_start3A_1091, %dma_start3A_1092] : memref<128x129xf32, #tpu.memory_space<vmem>> -> memref<8x128xf32, #tpu.memory_space<vmem>>
      tpu.enqueue_dma source(%dma_start3A_1093 : memref<8x128xf32, #tpu.memory_space<vmem>>) target(%dma_start3A_1090 : memref<8x128xf32, #tpu.memory_space<hbm>>) target_semaphore(%arg13 : memref<!tpu.dma_semaphore, #tpu.memory_space<semaphore_mem>>)
      %dma_start3A_1094 = arith.constant 3 : i32
      %dma_start3A_1095 = arith.constant 88 : i32
      %dma_start3A_1096 = arith.constant 0 : i32
      %dma_start3A_1097 = tpu.memref_slice %arg9[%dma_start3A_1095, %dma_start3A_1096] : memref<128x129xf32, #tpu.memory_space<vmem>> -> memref<8x128xf32, #tpu.memory_space<vmem>>
      %dma_start3A_1098 = arith.constant 0 : i32
      %dma_start3A_1099 = arith.constant 0 : i32
      %dma_start3A_1100 = tpu.memref_slice %arg4[%shift_right_logical3A_1046, %dma_start3A_1094, %and3A_1048, %dma_start3A_1098, %dma_start3A_1099] : memref<200x8x32x8x128xf32, #tpu.memory_space<hbm>> -> memref<1x1x1x8x128xf32, #tpu.memory_space<hbm>>
      %dma_start3A_1101 = tpu.memref_squeeze %dma_start3A_1100 : memref<1x1x1x8x128xf32, #tpu.memory_space<hbm>> -> memref<8x128xf32, #tpu.memory_space<hbm>>
      %dma_start3A_1102 = arith.constant 0 : i32
      %dma_start3A_1103 = arith.constant 0 : i32
      %dma_start3A_1104 = tpu.memref_slice %arg4[%shift_right_logical3A_1046, %dma_start3A_1094, %and3A_1048, %dma_start3A_1102, %dma_start3A_1103] : memref<200x8x32x8x128xf32, #tpu.memory_space<hbm>> -> memref<1x1x1x8x128xf32, #tpu.memory_space<hbm>>
      %dma_start3A_1105 = tpu.memref_squeeze %dma_start3A_1104 : memref<1x1x1x8x128xf32, #tpu.memory_space<hbm>> -> memref<8x128xf32, #tpu.memory_space<hbm>>
      %dma_start3A_1106 = arith.constant 88 : i32
      %dma_start3A_1107 = arith.constant 0 : i32
      %dma_start3A_1108 = tpu.memref_slice %arg9[%dma_start3A_1106, %dma_start3A_1107] : memref<128x129xf32, #tpu.memory_space<vmem>> -> memref<8x128xf32, #tpu.memory_space<vmem>>
      tpu.enqueue_dma source(%dma_start3A_1108 : memref<8x128xf32, #tpu.memory_space<vmem>>) target(%dma_start3A_1105 : memref<8x128xf32, #tpu.memory_space<hbm>>) target_semaphore(%arg13 : memref<!tpu.dma_semaphore, #tpu.memory_space<semaphore_mem>>)
      %dma_start3A_1109 = arith.constant 4 : i32
      %dma_start3A_1110 = arith.constant 96 : i32
      %dma_start3A_1111 = arith.constant 0 : i32
      %dma_start3A_1112 = tpu.memref_slice %arg9[%dma_start3A_1110, %dma_start3A_1111] : memref<128x129xf32, #tpu.memory_space<vmem>> -> memref<8x128xf32, #tpu.memory_space<vmem>>
      %dma_start3A_1113 = arith.constant 0 : i32
      %dma_start3A_1114 = arith.constant 0 : i32
      %dma_start3A_1115 = tpu.memref_slice %arg4[%shift_right_logical3A_1046, %dma_start3A_1109, %and3A_1048, %dma_start3A_1113, %dma_start3A_1114] : memref<200x8x32x8x128xf32, #tpu.memory_space<hbm>> -> memref<1x1x1x8x128xf32, #tpu.memory_space<hbm>>
      %dma_start3A_1116 = tpu.memref_squeeze %dma_start3A_1115 : memref<1x1x1x8x128xf32, #tpu.memory_space<hbm>> -> memref<8x128xf32, #tpu.memory_space<hbm>>
      %dma_start3A_1117 = arith.constant 0 : i32
      %dma_start3A_1118 = arith.constant 0 : i32
      %dma_start3A_1119 = tpu.memref_slice %arg4[%shift_right_logical3A_1046, %dma_start3A_1109, %and3A_1048, %dma_start3A_1117, %dma_start3A_1118] : memref<200x8x32x8x128xf32, #tpu.memory_space<hbm>> -> memref<1x1x1x8x128xf32, #tpu.memory_space<hbm>>
      %dma_start3A_1120 = tpu.memref_squeeze %dma_start3A_1119 : memref<1x1x1x8x128xf32, #tpu.memory_space<hbm>> -> memref<8x128xf32, #tpu.memory_space<hbm>>
      %dma_start3A_1121 = arith.constant 96 : i32
      %dma_start3A_1122 = arith.constant 0 : i32
      %dma_start3A_1123 = tpu.memref_slice %arg9[%dma_start3A_1121, %dma_start3A_1122] : memref<128x129xf32, #tpu.memory_space<vmem>> -> memref<8x128xf32, #tpu.memory_space<vmem>>
      tpu.enqueue_dma source(%dma_start3A_1123 : memref<8x128xf32, #tpu.memory_space<vmem>>) target(%dma_start3A_1120 : memref<8x128xf32, #tpu.memory_space<hbm>>) target_semaphore(%arg13 : memref<!tpu.dma_semaphore, #tpu.memory_space<semaphore_mem>>)
      %dma_start3A_1124 = arith.constant 5 : i32
      %dma_start3A_1125 = arith.constant 104 : i32
      %dma_start3A_1126 = arith.constant 0 : i32
      %dma_start3A_1127 = tpu.memref_slice %arg9[%dma_start3A_1125, %dma_start3A_1126] : memref<128x129xf32, #tpu.memory_space<vmem>> -> memref<8x128xf32, #tpu.memory_space<vmem>>
      %dma_start3A_1128 = arith.constant 0 : i32
      %dma_start3A_1129 = arith.constant 0 : i32
      %dma_start3A_1130 = tpu.memref_slice %arg4[%shift_right_logical3A_1046, %dma_start3A_1124, %and3A_1048, %dma_start3A_1128, %dma_start3A_1129] : memref<200x8x32x8x128xf32, #tpu.memory_space<hbm>> -> memref<1x1x1x8x128xf32, #tpu.memory_space<hbm>>
      %dma_start3A_1131 = tpu.memref_squeeze %dma_start3A_1130 : memref<1x1x1x8x128xf32, #tpu.memory_space<hbm>> -> memref<8x128xf32, #tpu.memory_space<hbm>>
      %dma_start3A_1132 = arith.constant 0 : i32
      %dma_start3A_1133 = arith.constant 0 : i32
      %dma_start3A_1134 = tpu.memref_slice %arg4[%shift_right_logical3A_1046, %dma_start3A_1124, %and3A_1048, %dma_start3A_1132, %dma_start3A_1133] : memref<200x8x32x8x128xf32, #tpu.memory_space<hbm>> -> memref<1x1x1x8x128xf32, #tpu.memory_space<hbm>>
      %dma_start3A_1135 = tpu.memref_squeeze %dma_start3A_1134 : memref<1x1x1x8x128xf32, #tpu.memory_space<hbm>> -> memref<8x128xf32, #tpu.memory_space<hbm>>
      %dma_start3A_1136 = arith.constant 104 : i32
      %dma_start3A_1137 = arith.constant 0 : i32
      %dma_start3A_1138 = tpu.memref_slice %arg9[%dma_start3A_1136, %dma_start3A_1137] : memref<128x129xf32, #tpu.memory_space<vmem>> -> memref<8x128xf32, #tpu.memory_space<vmem>>
      tpu.enqueue_dma source(%dma_start3A_1138 : memref<8x128xf32, #tpu.memory_space<vmem>>) target(%dma_start3A_1135 : memref<8x128xf32, #tpu.memory_space<hbm>>) target_semaphore(%arg13 : memref<!tpu.dma_semaphore, #tpu.memory_space<semaphore_mem>>)
      %dma_start3A_1139 = arith.constant 6 : i32
      %dma_start3A_1140 = arith.constant 112 : i32
      %dma_start3A_1141 = arith.constant 0 : i32
      %dma_start3A_1142 = tpu.memref_slice %arg9[%dma_start3A_1140, %dma_start3A_1141] : memref<128x129xf32, #tpu.memory_space<vmem>> -> memref<8x128xf32, #tpu.memory_space<vmem>>
      %dma_start3A_1143 = arith.constant 0 : i32
      %dma_start3A_1144 = arith.constant 0 : i32
      %dma_start3A_1145 = tpu.memref_slice %arg4[%shift_right_logical3A_1046, %dma_start3A_1139, %and3A_1048, %dma_start3A_1143, %dma_start3A_1144] : memref<200x8x32x8x128xf32, #tpu.memory_space<hbm>> -> memref<1x1x1x8x128xf32, #tpu.memory_space<hbm>>
      %dma_start3A_1146 = tpu.memref_squeeze %dma_start3A_1145 : memref<1x1x1x8x128xf32, #tpu.memory_space<hbm>> -> memref<8x128xf32, #tpu.memory_space<hbm>>
      %dma_start3A_1147 = arith.constant 0 : i32
      %dma_start3A_1148 = arith.constant 0 : i32
      %dma_start3A_1149 = tpu.memref_slice %arg4[%shift_right_logical3A_1046, %dma_start3A_1139, %and3A_1048, %dma_start3A_1147, %dma_start3A_1148] : memref<200x8x32x8x128xf32, #tpu.memory_space<hbm>> -> memref<1x1x1x8x128xf32, #tpu.memory_space<hbm>>
      %dma_start3A_1150 = tpu.memref_squeeze %dma_start3A_1149 : memref<1x1x1x8x128xf32, #tpu.memory_space<hbm>> -> memref<8x128xf32, #tpu.memory_space<hbm>>
      %dma_start3A_1151 = arith.constant 112 : i32
      %dma_start3A_1152 = arith.constant 0 : i32
      %dma_start3A_1153 = tpu.memref_slice %arg9[%dma_start3A_1151, %dma_start3A_1152] : memref<128x129xf32, #tpu.memory_space<vmem>> -> memref<8x128xf32, #tpu.memory_space<vmem>>
      tpu.enqueue_dma source(%dma_start3A_1153 : memref<8x128xf32, #tpu.memory_space<vmem>>) target(%dma_start3A_1150 : memref<8x128xf32, #tpu.memory_space<hbm>>) target_semaphore(%arg13 : memref<!tpu.dma_semaphore, #tpu.memory_space<semaphore_mem>>)
      %dma_start3A_1154 = arith.constant 7 : i32
      %dma_start3A_1155 = arith.constant 120 : i32
      %dma_start3A_1156 = arith.constant 0 : i32
      %dma_start3A_1157 = tpu.memref_slice %arg9[%dma_start3A_1155, %dma_start3A_1156] : memref<128x129xf32, #tpu.memory_space<vmem>> -> memref<8x128xf32, #tpu.memory_space<vmem>>
      %dma_start3A_1158 = arith.constant 0 : i32
      %dma_start3A_1159 = arith.constant 0 : i32
      %dma_start3A_1160 = tpu.memref_slice %arg4[%shift_right_logical3A_1046, %dma_start3A_1154, %and3A_1048, %dma_start3A_1158, %dma_start3A_1159] : memref<200x8x32x8x128xf32, #tpu.memory_space<hbm>> -> memref<1x1x1x8x128xf32, #tpu.memory_space<hbm>>
      %dma_start3A_1161 = tpu.memref_squeeze %dma_start3A_1160 : memref<1x1x1x8x128xf32, #tpu.memory_space<hbm>> -> memref<8x128xf32, #tpu.memory_space<hbm>>
      %dma_start3A_1162 = arith.constant 0 : i32
      %dma_start3A_1163 = arith.constant 0 : i32
      %dma_start3A_1164 = tpu.memref_slice %arg4[%shift_right_logical3A_1046, %dma_start3A_1154, %and3A_1048, %dma_start3A_1162, %dma_start3A_1163] : memref<200x8x32x8x128xf32, #tpu.memory_space<hbm>> -> memref<1x1x1x8x128xf32, #tpu.memory_space<hbm>>
      %dma_start3A_1165 = tpu.memref_squeeze %dma_start3A_1164 : memref<1x1x1x8x128xf32, #tpu.memory_space<hbm>> -> memref<8x128xf32, #tpu.memory_space<hbm>>
      %dma_start3A_1166 = arith.constant 120 : i32
      %dma_start3A_1167 = arith.constant 0 : i32
      %dma_start3A_1168 = tpu.memref_slice %arg9[%dma_start3A_1166, %dma_start3A_1167] : memref<128x129xf32, #tpu.memory_space<vmem>> -> memref<8x128xf32, #tpu.memory_space<vmem>>
      tpu.enqueue_dma source(%dma_start3A_1168 : memref<8x128xf32, #tpu.memory_space<vmem>>) target(%dma_start3A_1165 : memref<8x128xf32, #tpu.memory_space<hbm>>) target_semaphore(%arg13 : memref<!tpu.dma_semaphore, #tpu.memory_space<semaphore_mem>>)
    }
    %scan3A_12 = arith.constant 50 : i32
    %dma_wait3A = arith.constant 0 : i32
    %dma_wait3A_13 = arith.constant 0 : i32
    %dma_wait3A_14 = arith.constant 0 : i32
    %dma_wait3A_15 = arith.constant 0 : i32
    %dma_wait3A_16 = arith.constant 0 : i32
    %dma_wait3A_17 = tpu.memref_slice %arg8[%dma_wait3A_15, %dma_wait3A_16] : memref<128x129xf32, #tpu.memory_space<vmem>> -> memref<8x128xf32, #tpu.memory_space<vmem>>
    %dma_wait3A_18 = arith.constant 0 : i32
    %dma_wait3A_19 = arith.constant 0 : i32
    %dma_wait3A_20 = tpu.memref_slice %arg4[%dma_wait3A, %dma_wait3A_13, %dma_wait3A_14, %dma_wait3A_18, %dma_wait3A_19] : memref<200x8x32x8x128xf32, #tpu.memory_space<hbm>> -> memref<1x1x1x8x128xf32, #tpu.memory_space<hbm>>
    %dma_wait3A_21 = tpu.memref_squeeze %dma_wait3A_20 : memref<1x1x1x8x128xf32, #tpu.memory_space<hbm>> -> memref<8x128xf32, #tpu.memory_space<hbm>>
    %dma_wait3A_22 = arith.constant 0 : i32
    %dma_wait3A_23 = arith.constant 0 : i32
    %dma_wait3A_24 = tpu.memref_slice %arg4[%dma_wait3A, %dma_wait3A_13, %dma_wait3A_14, %dma_wait3A_22, %dma_wait3A_23] : memref<200x8x32x8x128xf32, #tpu.memory_space<hbm>> -> memref<1x1x1x8x128xf32, #tpu.memory_space<hbm>>
    %dma_wait3A_25 = tpu.memref_squeeze %dma_wait3A_24 : memref<1x1x1x8x128xf32, #tpu.memory_space<hbm>> -> memref<8x128xf32, #tpu.memory_space<hbm>>
    %dma_wait3A_26 = arith.constant 0 : i32
    %dma_wait3A_27 = arith.constant 0 : i32
    %dma_wait3A_28 = tpu.memref_slice %arg8[%dma_wait3A_26, %dma_wait3A_27] : memref<128x129xf32, #tpu.memory_space<vmem>> -> memref<8x128xf32, #tpu.memory_space<vmem>>
    tpu.wait_dma2 semaphore(%arg12 : memref<!tpu.dma_semaphore, #tpu.memory_space<semaphore_mem>>) src(%dma_wait3A_28 : memref<8x128xf32, #tpu.memory_space<vmem>>) dst(%dma_wait3A_25 : memref<8x128xf32, #tpu.memory_space<hbm>>)
    %dma_wait3A_29 = arith.constant 0 : i32
    %dma_wait3A_30 = arith.constant 0 : i32
    %dma_wait3A_31 = arith.constant 0 : i32
    %dma_wait3A_32 = arith.constant 0 : i32
    %dma_wait3A_33 = arith.constant 0 : i32
    %dma_wait3A_34 = tpu.memref_slice %arg8[%dma_wait3A_32, %dma_wait3A_33] : memref<128x129xf32, #tpu.memory_space<vmem>> -> memref<8x128xf32, #tpu.memory_space<vmem>>
    %dma_wait3A_35 = arith.constant 0 : i32
    %dma_wait3A_36 = arith.constant 0 : i32
    %dma_wait3A_37 = tpu.memref_slice %arg4[%dma_wait3A_29, %dma_wait3A_30, %dma_wait3A_31, %dma_wait3A_35, %dma_wait3A_36] : memref<200x8x32x8x128xf32, #tpu.memory_space<hbm>> -> memref<1x1x1x8x128xf32, #tpu.memory_space<hbm>>
    %dma_wait3A_38 = tpu.memref_squeeze %dma_wait3A_37 : memref<1x1x1x8x128xf32, #tpu.memory_space<hbm>> -> memref<8x128xf32, #tpu.memory_space<hbm>>
    %dma_wait3A_39 = arith.constant 0 : i32
    %dma_wait3A_40 = arith.constant 0 : i32
    %dma_wait3A_41 = tpu.memref_slice %arg4[%dma_wait3A_29, %dma_wait3A_30, %dma_wait3A_31, %dma_wait3A_39, %dma_wait3A_40] : memref<200x8x32x8x128xf32, #tpu.memory_space<hbm>> -> memref<1x1x1x8x128xf32, #tpu.memory_space<hbm>>
    %dma_wait3A_42 = tpu.memref_squeeze %dma_wait3A_41 : memref<1x1x1x8x128xf32, #tpu.memory_space<hbm>> -> memref<8x128xf32, #tpu.memory_space<hbm>>
    %dma_wait3A_43 = arith.constant 0 : i32
    %dma_wait3A_44 = arith.constant 0 : i32
    %dma_wait3A_45 = tpu.memref_slice %arg8[%dma_wait3A_43, %dma_wait3A_44] : memref<128x129xf32, #tpu.memory_space<vmem>> -> memref<8x128xf32, #tpu.memory_space<vmem>>
    tpu.wait_dma2 semaphore(%arg12 : memref<!tpu.dma_semaphore, #tpu.memory_space<semaphore_mem>>) src(%dma_wait3A_45 : memref<8x128xf32, #tpu.memory_space<vmem>>) dst(%dma_wait3A_42 : memref<8x128xf32, #tpu.memory_space<hbm>>)
    %dma_wait3A_46 = arith.constant 0 : i32
    %dma_wait3A_47 = arith.constant 0 : i32
    %dma_wait3A_48 = arith.constant 0 : i32
    %dma_wait3A_49 = arith.constant 0 : i32
    %dma_wait3A_50 = arith.constant 0 : i32
    %dma_wait3A_51 = tpu.memref_slice %arg8[%dma_wait3A_49, %dma_wait3A_50] : memref<128x129xf32, #tpu.memory_space<vmem>> -> memref<8x128xf32, #tpu.memory_space<vmem>>
    %dma_wait3A_52 = arith.constant 0 : i32
    %dma_wait3A_53 = arith.constant 0 : i32
    %dma_wait3A_54 = tpu.memref_slice %arg4[%dma_wait3A_46, %dma_wait3A_47, %dma_wait3A_48, %dma_wait3A_52, %dma_wait3A_53] : memref<200x8x32x8x128xf32, #tpu.memory_space<hbm>> -> memref<1x1x1x8x128xf32, #tpu.memory_space<hbm>>
    %dma_wait3A_55 = tpu.memref_squeeze %dma_wait3A_54 : memref<1x1x1x8x128xf32, #tpu.memory_space<hbm>> -> memref<8x128xf32, #tpu.memory_space<hbm>>
    %dma_wait3A_56 = arith.constant 0 : i32
    %dma_wait3A_57 = arith.constant 0 : i32
    %dma_wait3A_58 = tpu.memref_slice %arg4[%dma_wait3A_46, %dma_wait3A_47, %dma_wait3A_48, %dma_wait3A_56, %dma_wait3A_57] : memref<200x8x32x8x128xf32, #tpu.memory_space<hbm>> -> memref<1x1x1x8x128xf32, #tpu.memory_space<hbm>>
    %dma_wait3A_59 = tpu.memref_squeeze %dma_wait3A_58 : memref<1x1x1x8x128xf32, #tpu.memory_space<hbm>> -> memref<8x128xf32, #tpu.memory_space<hbm>>
    %dma_wait3A_60 = arith.constant 0 : i32
    %dma_wait3A_61 = arith.constant 0 : i32
    %dma_wait3A_62 = tpu.memref_slice %arg8[%dma_wait3A_60, %dma_wait3A_61] : memref<128x129xf32, #tpu.memory_space<vmem>> -> memref<8x128xf32, #tpu.memory_space<vmem>>
    tpu.wait_dma2 semaphore(%arg12 : memref<!tpu.dma_semaphore, #tpu.memory_space<semaphore_mem>>) src(%dma_wait3A_62 : memref<8x128xf32, #tpu.memory_space<vmem>>) dst(%dma_wait3A_59 : memref<8x128xf32, #tpu.memory_space<hbm>>)
    %dma_wait3A_63 = arith.constant 0 : i32
    %dma_wait3A_64 = arith.constant 0 : i32
    %dma_wait3A_65 = arith.constant 0 : i32
    %dma_wait3A_66 = arith.constant 0 : i32
    %dma_wait3A_67 = arith.constant 0 : i32
    %dma_wait3A_68 = tpu.memref_slice %arg8[%dma_wait3A_66, %dma_wait3A_67] : memref<128x129xf32, #tpu.memory_space<vmem>> -> memref<8x128xf32, #tpu.memory_space<vmem>>
    %dma_wait3A_69 = arith.constant 0 : i32
    %dma_wait3A_70 = arith.constant 0 : i32
    %dma_wait3A_71 = tpu.memref_slice %arg4[%dma_wait3A_63, %dma_wait3A_64, %dma_wait3A_65, %dma_wait3A_69, %dma_wait3A_70] : memref<200x8x32x8x128xf32, #tpu.memory_space<hbm>> -> memref<1x1x1x8x128xf32, #tpu.memory_space<hbm>>
    %dma_wait3A_72 = tpu.memref_squeeze %dma_wait3A_71 : memref<1x1x1x8x128xf32, #tpu.memory_space<hbm>> -> memref<8x128xf32, #tpu.memory_space<hbm>>
    %dma_wait3A_73 = arith.constant 0 : i32
    %dma_wait3A_74 = arith.constant 0 : i32
    %dma_wait3A_75 = tpu.memref_slice %arg4[%dma_wait3A_63, %dma_wait3A_64, %dma_wait3A_65, %dma_wait3A_73, %dma_wait3A_74] : memref<200x8x32x8x128xf32, #tpu.memory_space<hbm>> -> memref<1x1x1x8x128xf32, #tpu.memory_space<hbm>>
    %dma_wait3A_76 = tpu.memref_squeeze %dma_wait3A_75 : memref<1x1x1x8x128xf32, #tpu.memory_space<hbm>> -> memref<8x128xf32, #tpu.memory_space<hbm>>
    %dma_wait3A_77 = arith.constant 0 : i32
    %dma_wait3A_78 = arith.constant 0 : i32
    %dma_wait3A_79 = tpu.memref_slice %arg8[%dma_wait3A_77, %dma_wait3A_78] : memref<128x129xf32, #tpu.memory_space<vmem>> -> memref<8x128xf32, #tpu.memory_space<vmem>>
    tpu.wait_dma2 semaphore(%arg12 : memref<!tpu.dma_semaphore, #tpu.memory_space<semaphore_mem>>) src(%dma_wait3A_79 : memref<8x128xf32, #tpu.memory_space<vmem>>) dst(%dma_wait3A_76 : memref<8x128xf32, #tpu.memory_space<hbm>>)
    %dma_wait3A_80 = arith.constant 0 : i32
    %dma_wait3A_81 = arith.constant 0 : i32
    %dma_wait3A_82 = arith.constant 0 : i32
    %dma_wait3A_83 = arith.constant 0 : i32
    %dma_wait3A_84 = arith.constant 0 : i32
    %dma_wait3A_85 = tpu.memref_slice %arg8[%dma_wait3A_83, %dma_wait3A_84] : memref<128x129xf32, #tpu.memory_space<vmem>> -> memref<8x128xf32, #tpu.memory_space<vmem>>
    %dma_wait3A_86 = arith.constant 0 : i32
    %dma_wait3A_87 = arith.constant 0 : i32
    %dma_wait3A_88 = tpu.memref_slice %arg4[%dma_wait3A_80, %dma_wait3A_81, %dma_wait3A_82, %dma_wait3A_86, %dma_wait3A_87] : memref<200x8x32x8x128xf32, #tpu.memory_space<hbm>> -> memref<1x1x1x8x128xf32, #tpu.memory_space<hbm>>
    %dma_wait3A_89 = tpu.memref_squeeze %dma_wait3A_88 : memref<1x1x1x8x128xf32, #tpu.memory_space<hbm>> -> memref<8x128xf32, #tpu.memory_space<hbm>>
    %dma_wait3A_90 = arith.constant 0 : i32
    %dma_wait3A_91 = arith.constant 0 : i32
    %dma_wait3A_92 = tpu.memref_slice %arg4[%dma_wait3A_80, %dma_wait3A_81, %dma_wait3A_82, %dma_wait3A_90, %dma_wait3A_91] : memref<200x8x32x8x128xf32, #tpu.memory_space<hbm>> -> memref<1x1x1x8x128xf32, #tpu.memory_space<hbm>>
    %dma_wait3A_93 = tpu.memref_squeeze %dma_wait3A_92 : memref<1x1x1x8x128xf32, #tpu.memory_space<hbm>> -> memref<8x128xf32, #tpu.memory_space<hbm>>
    %dma_wait3A_94 = arith.constant 0 : i32
    %dma_wait3A_95 = arith.constant 0 : i32
    %dma_wait3A_96 = tpu.memref_slice %arg8[%dma_wait3A_94, %dma_wait3A_95] : memref<128x129xf32, #tpu.memory_space<vmem>> -> memref<8x128xf32, #tpu.memory_space<vmem>>
    tpu.wait_dma2 semaphore(%arg12 : memref<!tpu.dma_semaphore, #tpu.memory_space<semaphore_mem>>) src(%dma_wait3A_96 : memref<8x128xf32, #tpu.memory_space<vmem>>) dst(%dma_wait3A_93 : memref<8x128xf32, #tpu.memory_space<hbm>>)
    %dma_wait3A_97 = arith.constant 0 : i32
    %dma_wait3A_98 = arith.constant 0 : i32
    %dma_wait3A_99 = arith.constant 0 : i32
    %dma_wait3A_100 = arith.constant 0 : i32
    %dma_wait3A_101 = arith.constant 0 : i32
    %dma_wait3A_102 = tpu.memref_slice %arg8[%dma_wait3A_100, %dma_wait3A_101] : memref<128x129xf32, #tpu.memory_space<vmem>> -> memref<8x128xf32, #tpu.memory_space<vmem>>
    %dma_wait3A_103 = arith.constant 0 : i32
    %dma_wait3A_104 = arith.constant 0 : i32
    %dma_wait3A_105 = tpu.memref_slice %arg4[%dma_wait3A_97, %dma_wait3A_98, %dma_wait3A_99, %dma_wait3A_103, %dma_wait3A_104] : memref<200x8x32x8x128xf32, #tpu.memory_space<hbm>> -> memref<1x1x1x8x128xf32, #tpu.memory_space<hbm>>
    %dma_wait3A_106 = tpu.memref_squeeze %dma_wait3A_105 : memref<1x1x1x8x128xf32, #tpu.memory_space<hbm>> -> memref<8x128xf32, #tpu.memory_space<hbm>>
    %dma_wait3A_107 = arith.constant 0 : i32
    %dma_wait3A_108 = arith.constant 0 : i32
    %dma_wait3A_109 = tpu.memref_slice %arg4[%dma_wait3A_97, %dma_wait3A_98, %dma_wait3A_99, %dma_wait3A_107, %dma_wait3A_108] : memref<200x8x32x8x128xf32, #tpu.memory_space<hbm>> -> memref<1x1x1x8x128xf32, #tpu.memory_space<hbm>>
    %dma_wait3A_110 = tpu.memref_squeeze %dma_wait3A_109 : memref<1x1x1x8x128xf32, #tpu.memory_space<hbm>> -> memref<8x128xf32, #tpu.memory_space<hbm>>
    %dma_wait3A_111 = arith.constant 0 : i32
    %dma_wait3A_112 = arith.constant 0 : i32
    %dma_wait3A_113 = tpu.memref_slice %arg8[%dma_wait3A_111, %dma_wait3A_112] : memref<128x129xf32, #tpu.memory_space<vmem>> -> memref<8x128xf32, #tpu.memory_space<vmem>>
    tpu.wait_dma2 semaphore(%arg12 : memref<!tpu.dma_semaphore, #tpu.memory_space<semaphore_mem>>) src(%dma_wait3A_113 : memref<8x128xf32, #tpu.memory_space<vmem>>) dst(%dma_wait3A_110 : memref<8x128xf32, #tpu.memory_space<hbm>>)
    %dma_wait3A_114 = arith.constant 0 : i32
    %dma_wait3A_115 = arith.constant 0 : i32
    %dma_wait3A_116 = arith.constant 0 : i32
    %dma_wait3A_117 = arith.constant 0 : i32
    %dma_wait3A_118 = arith.constant 0 : i32
    %dma_wait3A_119 = tpu.memref_slice %arg8[%dma_wait3A_117, %dma_wait3A_118] : memref<128x129xf32, #tpu.memory_space<vmem>> -> memref<8x128xf32, #tpu.memory_space<vmem>>
    %dma_wait3A_120 = arith.constant 0 : i32
    %dma_wait3A_121 = arith.constant 0 : i32
    %dma_wait3A_122 = tpu.memref_slice %arg4[%dma_wait3A_114, %dma_wait3A_115, %dma_wait3A_116, %dma_wait3A_120, %dma_wait3A_121] : memref<200x8x32x8x128xf32, #tpu.memory_space<hbm>> -> memref<1x1x1x8x128xf32, #tpu.memory_space<hbm>>
    %dma_wait3A_123 = tpu.memref_squeeze %dma_wait3A_122 : memref<1x1x1x8x128xf32, #tpu.memory_space<hbm>> -> memref<8x128xf32, #tpu.memory_space<hbm>>
    %dma_wait3A_124 = arith.constant 0 : i32
    %dma_wait3A_125 = arith.constant 0 : i32
    %dma_wait3A_126 = tpu.memref_slice %arg4[%dma_wait3A_114, %dma_wait3A_115, %dma_wait3A_116, %dma_wait3A_124, %dma_wait3A_125] : memref<200x8x32x8x128xf32, #tpu.memory_space<hbm>> -> memref<1x1x1x8x128xf32, #tpu.memory_space<hbm>>
    %dma_wait3A_127 = tpu.memref_squeeze %dma_wait3A_126 : memref<1x1x1x8x128xf32, #tpu.memory_space<hbm>> -> memref<8x128xf32, #tpu.memory_space<hbm>>
    %dma_wait3A_128 = arith.constant 0 : i32
    %dma_wait3A_129 = arith.constant 0 : i32
    %dma_wait3A_130 = tpu.memref_slice %arg8[%dma_wait3A_128, %dma_wait3A_129] : memref<128x129xf32, #tpu.memory_space<vmem>> -> memref<8x128xf32, #tpu.memory_space<vmem>>
    tpu.wait_dma2 semaphore(%arg12 : memref<!tpu.dma_semaphore, #tpu.memory_space<semaphore_mem>>) src(%dma_wait3A_130 : memref<8x128xf32, #tpu.memory_space<vmem>>) dst(%dma_wait3A_127 : memref<8x128xf32, #tpu.memory_space<hbm>>)
    %dma_wait3A_131 = arith.constant 0 : i32
    %dma_wait3A_132 = arith.constant 0 : i32
    %dma_wait3A_133 = arith.constant 0 : i32
    %dma_wait3A_134 = arith.constant 0 : i32
    %dma_wait3A_135 = arith.constant 0 : i32
    %dma_wait3A_136 = tpu.memref_slice %arg8[%dma_wait3A_134, %dma_wait3A_135] : memref<128x129xf32, #tpu.memory_space<vmem>> -> memref<8x128xf32, #tpu.memory_space<vmem>>
    %dma_wait3A_137 = arith.constant 0 : i32
    %dma_wait3A_138 = arith.constant 0 : i32
    %dma_wait3A_139 = tpu.memref_slice %arg4[%dma_wait3A_131, %dma_wait3A_132, %dma_wait3A_133, %dma_wait3A_137, %dma_wait3A_138] : memref<200x8x32x8x128xf32, #tpu.memory_space<hbm>> -> memref<1x1x1x8x128xf32, #tpu.memory_space<hbm>>
    %dma_wait3A_140 = tpu.memref_squeeze %dma_wait3A_139 : memref<1x1x1x8x128xf32, #tpu.memory_space<hbm>> -> memref<8x128xf32, #tpu.memory_space<hbm>>
    %dma_wait3A_141 = arith.constant 0 : i32
    %dma_wait3A_142 = arith.constant 0 : i32
    %dma_wait3A_143 = tpu.memref_slice %arg4[%dma_wait3A_131, %dma_wait3A_132, %dma_wait3A_133, %dma_wait3A_141, %dma_wait3A_142] : memref<200x8x32x8x128xf32, #tpu.memory_space<hbm>> -> memref<1x1x1x8x128xf32, #tpu.memory_space<hbm>>
    %dma_wait3A_144 = tpu.memref_squeeze %dma_wait3A_143 : memref<1x1x1x8x128xf32, #tpu.memory_space<hbm>> -> memref<8x128xf32, #tpu.memory_space<hbm>>
    %dma_wait3A_145 = arith.constant 0 : i32
    %dma_wait3A_146 = arith.constant 0 : i32
    %dma_wait3A_147 = tpu.memref_slice %arg8[%dma_wait3A_145, %dma_wait3A_146] : memref<128x129xf32, #tpu.memory_space<vmem>> -> memref<8x128xf32, #tpu.memory_space<vmem>>
    tpu.wait_dma2 semaphore(%arg12 : memref<!tpu.dma_semaphore, #tpu.memory_space<semaphore_mem>>) src(%dma_wait3A_147 : memref<8x128xf32, #tpu.memory_space<vmem>>) dst(%dma_wait3A_144 : memref<8x128xf32, #tpu.memory_space<hbm>>)
    %dma_wait3A_148 = arith.constant 0 : i32
    %dma_wait3A_149 = arith.constant 0 : i32
    %dma_wait3A_150 = arith.constant 0 : i32
    %dma_wait3A_151 = arith.constant 0 : i32
    %dma_wait3A_152 = arith.constant 0 : i32
    %dma_wait3A_153 = tpu.memref_slice %arg8[%dma_wait3A_151, %dma_wait3A_152] : memref<128x129xf32, #tpu.memory_space<vmem>> -> memref<8x128xf32, #tpu.memory_space<vmem>>
    %dma_wait3A_154 = arith.constant 0 : i32
    %dma_wait3A_155 = arith.constant 0 : i32
    %dma_wait3A_156 = tpu.memref_slice %arg4[%dma_wait3A_148, %dma_wait3A_149, %dma_wait3A_150, %dma_wait3A_154, %dma_wait3A_155] : memref<200x8x32x8x128xf32, #tpu.memory_space<hbm>> -> memref<1x1x1x8x128xf32, #tpu.memory_space<hbm>>
    %dma_wait3A_157 = tpu.memref_squeeze %dma_wait3A_156 : memref<1x1x1x8x128xf32, #tpu.memory_space<hbm>> -> memref<8x128xf32, #tpu.memory_space<hbm>>
    %dma_wait3A_158 = arith.constant 0 : i32
    %dma_wait3A_159 = arith.constant 0 : i32
    %dma_wait3A_160 = tpu.memref_slice %arg4[%dma_wait3A_148, %dma_wait3A_149, %dma_wait3A_150, %dma_wait3A_158, %dma_wait3A_159] : memref<200x8x32x8x128xf32, #tpu.memory_space<hbm>> -> memref<1x1x1x8x128xf32, #tpu.memory_space<hbm>>
    %dma_wait3A_161 = tpu.memref_squeeze %dma_wait3A_160 : memref<1x1x1x8x128xf32, #tpu.memory_space<hbm>> -> memref<8x128xf32, #tpu.memory_space<hbm>>
    %dma_wait3A_162 = arith.constant 0 : i32
    %dma_wait3A_163 = arith.constant 0 : i32
    %dma_wait3A_164 = tpu.memref_slice %arg8[%dma_wait3A_162, %dma_wait3A_163] : memref<128x129xf32, #tpu.memory_space<vmem>> -> memref<8x128xf32, #tpu.memory_space<vmem>>
    tpu.wait_dma2 semaphore(%arg12 : memref<!tpu.dma_semaphore, #tpu.memory_space<semaphore_mem>>) src(%dma_wait3A_164 : memref<8x128xf32, #tpu.memory_space<vmem>>) dst(%dma_wait3A_161 : memref<8x128xf32, #tpu.memory_space<hbm>>)
    %dma_wait3A_165 = arith.constant 0 : i32
    %dma_wait3A_166 = arith.constant 0 : i32
    %dma_wait3A_167 = arith.constant 0 : i32
    %dma_wait3A_168 = arith.constant 0 : i32
    %dma_wait3A_169 = arith.constant 0 : i32
    %dma_wait3A_170 = tpu.memref_slice %arg8[%dma_wait3A_168, %dma_wait3A_169] : memref<128x129xf32, #tpu.memory_space<vmem>> -> memref<8x128xf32, #tpu.memory_space<vmem>>
    %dma_wait3A_171 = arith.constant 0 : i32
    %dma_wait3A_172 = arith.constant 0 : i32
    %dma_wait3A_173 = tpu.memref_slice %arg4[%dma_wait3A_165, %dma_wait3A_166, %dma_wait3A_167, %dma_wait3A_171, %dma_wait3A_172] : memref<200x8x32x8x128xf32, #tpu.memory_space<hbm>> -> memref<1x1x1x8x128xf32, #tpu.memory_space<hbm>>
    %dma_wait3A_174 = tpu.memref_squeeze %dma_wait3A_173 : memref<1x1x1x8x128xf32, #tpu.memory_space<hbm>> -> memref<8x128xf32, #tpu.memory_space<hbm>>
    %dma_wait3A_175 = arith.constant 0 : i32
    %dma_wait3A_176 = arith.constant 0 : i32
    %dma_wait3A_177 = tpu.memref_slice %arg4[%dma_wait3A_165, %dma_wait3A_166, %dma_wait3A_167, %dma_wait3A_175, %dma_wait3A_176] : memref<200x8x32x8x128xf32, #tpu.memory_space<hbm>> -> memref<1x1x1x8x128xf32, #tpu.memory_space<hbm>>
    %dma_wait3A_178 = tpu.memref_squeeze %dma_wait3A_177 : memref<1x1x1x8x128xf32, #tpu.memory_space<hbm>> -> memref<8x128xf32, #tpu.memory_space<hbm>>
    %dma_wait3A_179 = arith.constant 0 : i32
    %dma_wait3A_180 = arith.constant 0 : i32
    %dma_wait3A_181 = tpu.memref_slice %arg8[%dma_wait3A_179, %dma_wait3A_180] : memref<128x129xf32, #tpu.memory_space<vmem>> -> memref<8x128xf32, #tpu.memory_space<vmem>>
    tpu.wait_dma2 semaphore(%arg12 : memref<!tpu.dma_semaphore, #tpu.memory_space<semaphore_mem>>) src(%dma_wait3A_181 : memref<8x128xf32, #tpu.memory_space<vmem>>) dst(%dma_wait3A_178 : memref<8x128xf32, #tpu.memory_space<hbm>>)
    %dma_wait3A_182 = arith.constant 0 : i32
    %dma_wait3A_183 = arith.constant 0 : i32
    %dma_wait3A_184 = arith.constant 0 : i32
    %dma_wait3A_185 = arith.constant 0 : i32
    %dma_wait3A_186 = arith.constant 0 : i32
    %dma_wait3A_187 = tpu.memref_slice %arg8[%dma_wait3A_185, %dma_wait3A_186] : memref<128x129xf32, #tpu.memory_space<vmem>> -> memref<8x128xf32, #tpu.memory_space<vmem>>
    %dma_wait3A_188 = arith.constant 0 : i32
    %dma_wait3A_189 = arith.constant 0 : i32
    %dma_wait3A_190 = tpu.memref_slice %arg4[%dma_wait3A_182, %dma_wait3A_183, %dma_wait3A_184, %dma_wait3A_188, %dma_wait3A_189] : memref<200x8x32x8x128xf32, #tpu.memory_space<hbm>> -> memref<1x1x1x8x128xf32, #tpu.memory_space<hbm>>
    %dma_wait3A_191 = tpu.memref_squeeze %dma_wait3A_190 : memref<1x1x1x8x128xf32, #tpu.memory_space<hbm>> -> memref<8x128xf32, #tpu.memory_space<hbm>>
    %dma_wait3A_192 = arith.constant 0 : i32
    %dma_wait3A_193 = arith.constant 0 : i32
    %dma_wait3A_194 = tpu.memref_slice %arg4[%dma_wait3A_182, %dma_wait3A_183, %dma_wait3A_184, %dma_wait3A_192, %dma_wait3A_193] : memref<200x8x32x8x128xf32, #tpu.memory_space<hbm>> -> memref<1x1x1x8x128xf32, #tpu.memory_space<hbm>>
    %dma_wait3A_195 = tpu.memref_squeeze %dma_wait3A_194 : memref<1x1x1x8x128xf32, #tpu.memory_space<hbm>> -> memref<8x128xf32, #tpu.memory_space<hbm>>
    %dma_wait3A_196 = arith.constant 0 : i32
    %dma_wait3A_197 = arith.constant 0 : i32
    %dma_wait3A_198 = tpu.memref_slice %arg8[%dma_wait3A_196, %dma_wait3A_197] : memref<128x129xf32, #tpu.memory_space<vmem>> -> memref<8x128xf32, #tpu.memory_space<vmem>>
    tpu.wait_dma2 semaphore(%arg12 : memref<!tpu.dma_semaphore, #tpu.memory_space<semaphore_mem>>) src(%dma_wait3A_198 : memref<8x128xf32, #tpu.memory_space<vmem>>) dst(%dma_wait3A_195 : memref<8x128xf32, #tpu.memory_space<hbm>>)
    %dma_wait3A_199 = arith.constant 0 : i32
    %dma_wait3A_200 = arith.constant 0 : i32
    %dma_wait3A_201 = arith.constant 0 : i32
    %dma_wait3A_202 = arith.constant 0 : i32
    %dma_wait3A_203 = arith.constant 0 : i32
    %dma_wait3A_204 = tpu.memref_slice %arg8[%dma_wait3A_202, %dma_wait3A_203] : memref<128x129xf32, #tpu.memory_space<vmem>> -> memref<8x128xf32, #tpu.memory_space<vmem>>
    %dma_wait3A_205 = arith.constant 0 : i32
    %dma_wait3A_206 = arith.constant 0 : i32
    %dma_wait3A_207 = tpu.memref_slice %arg4[%dma_wait3A_199, %dma_wait3A_200, %dma_wait3A_201, %dma_wait3A_205, %dma_wait3A_206] : memref<200x8x32x8x128xf32, #tpu.memory_space<hbm>> -> memref<1x1x1x8x128xf32, #tpu.memory_space<hbm>>
    %dma_wait3A_208 = tpu.memref_squeeze %dma_wait3A_207 : memref<1x1x1x8x128xf32, #tpu.memory_space<hbm>> -> memref<8x128xf32, #tpu.memory_space<hbm>>
    %dma_wait3A_209 = arith.constant 0 : i32
    %dma_wait3A_210 = arith.constant 0 : i32
    %dma_wait3A_211 = tpu.memref_slice %arg4[%dma_wait3A_199, %dma_wait3A_200, %dma_wait3A_201, %dma_wait3A_209, %dma_wait3A_210] : memref<200x8x32x8x128xf32, #tpu.memory_space<hbm>> -> memref<1x1x1x8x128xf32, #tpu.memory_space<hbm>>
    %dma_wait3A_212 = tpu.memref_squeeze %dma_wait3A_211 : memref<1x1x1x8x128xf32, #tpu.memory_space<hbm>> -> memref<8x128xf32, #tpu.memory_space<hbm>>
    %dma_wait3A_213 = arith.constant 0 : i32
    %dma_wait3A_214 = arith.constant 0 : i32
    %dma_wait3A_215 = tpu.memref_slice %arg8[%dma_wait3A_213, %dma_wait3A_214] : memref<128x129xf32, #tpu.memory_space<vmem>> -> memref<8x128xf32, #tpu.memory_space<vmem>>
    tpu.wait_dma2 semaphore(%arg12 : memref<!tpu.dma_semaphore, #tpu.memory_space<semaphore_mem>>) src(%dma_wait3A_215 : memref<8x128xf32, #tpu.memory_space<vmem>>) dst(%dma_wait3A_212 : memref<8x128xf32, #tpu.memory_space<hbm>>)
    %dma_wait3A_216 = arith.constant 0 : i32
    %dma_wait3A_217 = arith.constant 0 : i32
    %dma_wait3A_218 = arith.constant 0 : i32
    %dma_wait3A_219 = arith.constant 0 : i32
    %dma_wait3A_220 = arith.constant 0 : i32
    %dma_wait3A_221 = tpu.memref_slice %arg8[%dma_wait3A_219, %dma_wait3A_220] : memref<128x129xf32, #tpu.memory_space<vmem>> -> memref<8x128xf32, #tpu.memory_space<vmem>>
    %dma_wait3A_222 = arith.constant 0 : i32
    %dma_wait3A_223 = arith.constant 0 : i32
    %dma_wait3A_224 = tpu.memref_slice %arg4[%dma_wait3A_216, %dma_wait3A_217, %dma_wait3A_218, %dma_wait3A_222, %dma_wait3A_223] : memref<200x8x32x8x128xf32, #tpu.memory_space<hbm>> -> memref<1x1x1x8x128xf32, #tpu.memory_space<hbm>>
    %dma_wait3A_225 = tpu.memref_squeeze %dma_wait3A_224 : memref<1x1x1x8x128xf32, #tpu.memory_space<hbm>> -> memref<8x128xf32, #tpu.memory_space<hbm>>
    %dma_wait3A_226 = arith.constant 0 : i32
    %dma_wait3A_227 = arith.constant 0 : i32
    %dma_wait3A_228 = tpu.memref_slice %arg4[%dma_wait3A_216, %dma_wait3A_217, %dma_wait3A_218, %dma_wait3A_226, %dma_wait3A_227] : memref<200x8x32x8x128xf32, #tpu.memory_space<hbm>> -> memref<1x1x1x8x128xf32, #tpu.memory_space<hbm>>
    %dma_wait3A_229 = tpu.memref_squeeze %dma_wait3A_228 : memref<1x1x1x8x128xf32, #tpu.memory_space<hbm>> -> memref<8x128xf32, #tpu.memory_space<hbm>>
    %dma_wait3A_230 = arith.constant 0 : i32
    %dma_wait3A_231 = arith.constant 0 : i32
    %dma_wait3A_232 = tpu.memref_slice %arg8[%dma_wait3A_230, %dma_wait3A_231] : memref<128x129xf32, #tpu.memory_space<vmem>> -> memref<8x128xf32, #tpu.memory_space<vmem>>
    tpu.wait_dma2 semaphore(%arg12 : memref<!tpu.dma_semaphore, #tpu.memory_space<semaphore_mem>>) src(%dma_wait3A_232 : memref<8x128xf32, #tpu.memory_space<vmem>>) dst(%dma_wait3A_229 : memref<8x128xf32, #tpu.memory_space<hbm>>)
    %dma_wait3A_233 = arith.constant 0 : i32
    %dma_wait3A_234 = arith.constant 0 : i32
    %dma_wait3A_235 = arith.constant 0 : i32
    %dma_wait3A_236 = arith.constant 0 : i32
    %dma_wait3A_237 = arith.constant 0 : i32
    %dma_wait3A_238 = tpu.memref_slice %arg8[%dma_wait3A_236, %dma_wait3A_237] : memref<128x129xf32, #tpu.memory_space<vmem>> -> memref<8x128xf32, #tpu.memory_space<vmem>>
    %dma_wait3A_239 = arith.constant 0 : i32
    %dma_wait3A_240 = arith.constant 0 : i32
    %dma_wait3A_241 = tpu.memref_slice %arg4[%dma_wait3A_233, %dma_wait3A_234, %dma_wait3A_235, %dma_wait3A_239, %dma_wait3A_240] : memref<200x8x32x8x128xf32, #tpu.memory_space<hbm>> -> memref<1x1x1x8x128xf32, #tpu.memory_space<hbm>>
    %dma_wait3A_242 = tpu.memref_squeeze %dma_wait3A_241 : memref<1x1x1x8x128xf32, #tpu.memory_space<hbm>> -> memref<8x128xf32, #tpu.memory_space<hbm>>
    %dma_wait3A_243 = arith.constant 0 : i32
    %dma_wait3A_244 = arith.constant 0 : i32
    %dma_wait3A_245 = tpu.memref_slice %arg4[%dma_wait3A_233, %dma_wait3A_234, %dma_wait3A_235, %dma_wait3A_243, %dma_wait3A_244] : memref<200x8x32x8x128xf32, #tpu.memory_space<hbm>> -> memref<1x1x1x8x128xf32, #tpu.memory_space<hbm>>
    %dma_wait3A_246 = tpu.memref_squeeze %dma_wait3A_245 : memref<1x1x1x8x128xf32, #tpu.memory_space<hbm>> -> memref<8x128xf32, #tpu.memory_space<hbm>>
    %dma_wait3A_247 = arith.constant 0 : i32
    %dma_wait3A_248 = arith.constant 0 : i32
    %dma_wait3A_249 = tpu.memref_slice %arg8[%dma_wait3A_247, %dma_wait3A_248] : memref<128x129xf32, #tpu.memory_space<vmem>> -> memref<8x128xf32, #tpu.memory_space<vmem>>
    tpu.wait_dma2 semaphore(%arg12 : memref<!tpu.dma_semaphore, #tpu.memory_space<semaphore_mem>>) src(%dma_wait3A_249 : memref<8x128xf32, #tpu.memory_space<vmem>>) dst(%dma_wait3A_246 : memref<8x128xf32, #tpu.memory_space<hbm>>)
    %dma_wait3A_250 = arith.constant 0 : i32
    %dma_wait3A_251 = arith.constant 0 : i32
    %dma_wait3A_252 = arith.constant 0 : i32
    %dma_wait3A_253 = arith.constant 0 : i32
    %dma_wait3A_254 = arith.constant 0 : i32
    %dma_wait3A_255 = tpu.memref_slice %arg8[%dma_wait3A_253, %dma_wait3A_254] : memref<128x129xf32, #tpu.memory_space<vmem>> -> memref<8x128xf32, #tpu.memory_space<vmem>>
    %dma_wait3A_256 = arith.constant 0 : i32
    %dma_wait3A_257 = arith.constant 0 : i32
    %dma_wait3A_258 = tpu.memref_slice %arg4[%dma_wait3A_250, %dma_wait3A_251, %dma_wait3A_252, %dma_wait3A_256, %dma_wait3A_257] : memref<200x8x32x8x128xf32, #tpu.memory_space<hbm>> -> memref<1x1x1x8x128xf32, #tpu.memory_space<hbm>>
    %dma_wait3A_259 = tpu.memref_squeeze %dma_wait3A_258 : memref<1x1x1x8x128xf32, #tpu.memory_space<hbm>> -> memref<8x128xf32, #tpu.memory_space<hbm>>
    %dma_wait3A_260 = arith.constant 0 : i32
    %dma_wait3A_261 = arith.constant 0 : i32
    %dma_wait3A_262 = tpu.memref_slice %arg4[%dma_wait3A_250, %dma_wait3A_251, %dma_wait3A_252, %dma_wait3A_260, %dma_wait3A_261] : memref<200x8x32x8x128xf32, #tpu.memory_space<hbm>> -> memref<1x1x1x8x128xf32, #tpu.memory_space<hbm>>
    %dma_wait3A_263 = tpu.memref_squeeze %dma_wait3A_262 : memref<1x1x1x8x128xf32, #tpu.memory_space<hbm>> -> memref<8x128xf32, #tpu.memory_space<hbm>>
    %dma_wait3A_264 = arith.constant 0 : i32
    %dma_wait3A_265 = arith.constant 0 : i32
    %dma_wait3A_266 = tpu.memref_slice %arg8[%dma_wait3A_264, %dma_wait3A_265] : memref<128x129xf32, #tpu.memory_space<vmem>> -> memref<8x128xf32, #tpu.memory_space<vmem>>
    tpu.wait_dma2 semaphore(%arg12 : memref<!tpu.dma_semaphore, #tpu.memory_space<semaphore_mem>>) src(%dma_wait3A_266 : memref<8x128xf32, #tpu.memory_space<vmem>>) dst(%dma_wait3A_263 : memref<8x128xf32, #tpu.memory_space<hbm>>)
    %dma_wait3A_267 = arith.constant 0 : i32
    %dma_wait3A_268 = arith.constant 0 : i32
    %dma_wait3A_269 = arith.constant 0 : i32
    %dma_wait3A_270 = arith.constant 0 : i32
    %dma_wait3A_271 = arith.constant 0 : i32
    %dma_wait3A_272 = tpu.memref_slice %arg8[%dma_wait3A_270, %dma_wait3A_271] : memref<128x129xf32, #tpu.memory_space<vmem>> -> memref<8x128xf32, #tpu.memory_space<vmem>>
    %dma_wait3A_273 = arith.constant 0 : i32
    %dma_wait3A_274 = arith.constant 0 : i32
    %dma_wait3A_275 = tpu.memref_slice %arg4[%dma_wait3A_267, %dma_wait3A_268, %dma_wait3A_269, %dma_wait3A_273, %dma_wait3A_274] : memref<200x8x32x8x128xf32, #tpu.memory_space<hbm>> -> memref<1x1x1x8x128xf32, #tpu.memory_space<hbm>>
    %dma_wait3A_276 = tpu.memref_squeeze %dma_wait3A_275 : memref<1x1x1x8x128xf32, #tpu.memory_space<hbm>> -> memref<8x128xf32, #tpu.memory_space<hbm>>
    %dma_wait3A_277 = arith.constant 0 : i32
    %dma_wait3A_278 = arith.constant 0 : i32
    %dma_wait3A_279 = tpu.memref_slice %arg4[%dma_wait3A_267, %dma_wait3A_268, %dma_wait3A_269, %dma_wait3A_277, %dma_wait3A_278] : memref<200x8x32x8x128xf32, #tpu.memory_space<hbm>> -> memref<1x1x1x8x128xf32, #tpu.memory_space<hbm>>
    %dma_wait3A_280 = tpu.memref_squeeze %dma_wait3A_279 : memref<1x1x1x8x128xf32, #tpu.memory_space<hbm>> -> memref<8x128xf32, #tpu.memory_space<hbm>>
    %dma_wait3A_281 = arith.constant 0 : i32
    %dma_wait3A_282 = arith.constant 0 : i32
    %dma_wait3A_283 = tpu.memref_slice %arg8[%dma_wait3A_281, %dma_wait3A_282] : memref<128x129xf32, #tpu.memory_space<vmem>> -> memref<8x128xf32, #tpu.memory_space<vmem>>
    tpu.wait_dma2 semaphore(%arg12 : memref<!tpu.dma_semaphore, #tpu.memory_space<semaphore_mem>>) src(%dma_wait3A_283 : memref<8x128xf32, #tpu.memory_space<vmem>>) dst(%dma_wait3A_280 : memref<8x128xf32, #tpu.memory_space<hbm>>)
    %dma_wait3A_284 = arith.constant 0 : i32
    %dma_wait3A_285 = arith.constant 0 : i32
    %dma_wait3A_286 = arith.constant 0 : i32
    %dma_wait3A_287 = arith.constant 0 : i32
    %dma_wait3A_288 = arith.constant 0 : i32
    %dma_wait3A_289 = tpu.memref_slice %arg9[%dma_wait3A_287, %dma_wait3A_288] : memref<128x129xf32, #tpu.memory_space<vmem>> -> memref<8x128xf32, #tpu.memory_space<vmem>>
    %dma_wait3A_290 = arith.constant 0 : i32
    %dma_wait3A_291 = arith.constant 0 : i32
    %dma_wait3A_292 = tpu.memref_slice %arg4[%dma_wait3A_284, %dma_wait3A_285, %dma_wait3A_286, %dma_wait3A_290, %dma_wait3A_291] : memref<200x8x32x8x128xf32, #tpu.memory_space<hbm>> -> memref<1x1x1x8x128xf32, #tpu.memory_space<hbm>>
    %dma_wait3A_293 = tpu.memref_squeeze %dma_wait3A_292 : memref<1x1x1x8x128xf32, #tpu.memory_space<hbm>> -> memref<8x128xf32, #tpu.memory_space<hbm>>
    %dma_wait3A_294 = arith.constant 0 : i32
    %dma_wait3A_295 = arith.constant 0 : i32
    %dma_wait3A_296 = tpu.memref_slice %arg4[%dma_wait3A_284, %dma_wait3A_285, %dma_wait3A_286, %dma_wait3A_294, %dma_wait3A_295] : memref<200x8x32x8x128xf32, #tpu.memory_space<hbm>> -> memref<1x1x1x8x128xf32, #tpu.memory_space<hbm>>
    %dma_wait3A_297 = tpu.memref_squeeze %dma_wait3A_296 : memref<1x1x1x8x128xf32, #tpu.memory_space<hbm>> -> memref<8x128xf32, #tpu.memory_space<hbm>>
    %dma_wait3A_298 = arith.constant 0 : i32
    %dma_wait3A_299 = arith.constant 0 : i32
    %dma_wait3A_300 = tpu.memref_slice %arg9[%dma_wait3A_298, %dma_wait3A_299] : memref<128x129xf32, #tpu.memory_space<vmem>> -> memref<8x128xf32, #tpu.memory_space<vmem>>
    tpu.wait_dma2 semaphore(%arg13 : memref<!tpu.dma_semaphore, #tpu.memory_space<semaphore_mem>>) src(%dma_wait3A_300 : memref<8x128xf32, #tpu.memory_space<vmem>>) dst(%dma_wait3A_297 : memref<8x128xf32, #tpu.memory_space<hbm>>)
    %dma_wait3A_301 = arith.constant 0 : i32
    %dma_wait3A_302 = arith.constant 0 : i32
    %dma_wait3A_303 = arith.constant 0 : i32
    %dma_wait3A_304 = arith.constant 0 : i32
    %dma_wait3A_305 = arith.constant 0 : i32
    %dma_wait3A_306 = tpu.memref_slice %arg9[%dma_wait3A_304, %dma_wait3A_305] : memref<128x129xf32, #tpu.memory_space<vmem>> -> memref<8x128xf32, #tpu.memory_space<vmem>>
    %dma_wait3A_307 = arith.constant 0 : i32
    %dma_wait3A_308 = arith.constant 0 : i32
    %dma_wait3A_309 = tpu.memref_slice %arg4[%dma_wait3A_301, %dma_wait3A_302, %dma_wait3A_303, %dma_wait3A_307, %dma_wait3A_308] : memref<200x8x32x8x128xf32, #tpu.memory_space<hbm>> -> memref<1x1x1x8x128xf32, #tpu.memory_space<hbm>>
    %dma_wait3A_310 = tpu.memref_squeeze %dma_wait3A_309 : memref<1x1x1x8x128xf32, #tpu.memory_space<hbm>> -> memref<8x128xf32, #tpu.memory_space<hbm>>
    %dma_wait3A_311 = arith.constant 0 : i32
    %dma_wait3A_312 = arith.constant 0 : i32
    %dma_wait3A_313 = tpu.memref_slice %arg4[%dma_wait3A_301, %dma_wait3A_302, %dma_wait3A_303, %dma_wait3A_311, %dma_wait3A_312] : memref<200x8x32x8x128xf32, #tpu.memory_space<hbm>> -> memref<1x1x1x8x128xf32, #tpu.memory_space<hbm>>
    %dma_wait3A_314 = tpu.memref_squeeze %dma_wait3A_313 : memref<1x1x1x8x128xf32, #tpu.memory_space<hbm>> -> memref<8x128xf32, #tpu.memory_space<hbm>>
    %dma_wait3A_315 = arith.constant 0 : i32
    %dma_wait3A_316 = arith.constant 0 : i32
    %dma_wait3A_317 = tpu.memref_slice %arg9[%dma_wait3A_315, %dma_wait3A_316] : memref<128x129xf32, #tpu.memory_space<vmem>> -> memref<8x128xf32, #tpu.memory_space<vmem>>
    tpu.wait_dma2 semaphore(%arg13 : memref<!tpu.dma_semaphore, #tpu.memory_space<semaphore_mem>>) src(%dma_wait3A_317 : memref<8x128xf32, #tpu.memory_space<vmem>>) dst(%dma_wait3A_314 : memref<8x128xf32, #tpu.memory_space<hbm>>)
    %dma_wait3A_318 = arith.constant 0 : i32
    %dma_wait3A_319 = arith.constant 0 : i32
    %dma_wait3A_320 = arith.constant 0 : i32
    %dma_wait3A_321 = arith.constant 0 : i32
    %dma_wait3A_322 = arith.constant 0 : i32
    %dma_wait3A_323 = tpu.memref_slice %arg9[%dma_wait3A_321, %dma_wait3A_322] : memref<128x129xf32, #tpu.memory_space<vmem>> -> memref<8x128xf32, #tpu.memory_space<vmem>>
    %dma_wait3A_324 = arith.constant 0 : i32
    %dma_wait3A_325 = arith.constant 0 : i32
    %dma_wait3A_326 = tpu.memref_slice %arg4[%dma_wait3A_318, %dma_wait3A_319, %dma_wait3A_320, %dma_wait3A_324, %dma_wait3A_325] : memref<200x8x32x8x128xf32, #tpu.memory_space<hbm>> -> memref<1x1x1x8x128xf32, #tpu.memory_space<hbm>>
    %dma_wait3A_327 = tpu.memref_squeeze %dma_wait3A_326 : memref<1x1x1x8x128xf32, #tpu.memory_space<hbm>> -> memref<8x128xf32, #tpu.memory_space<hbm>>
    %dma_wait3A_328 = arith.constant 0 : i32
    %dma_wait3A_329 = arith.constant 0 : i32
    %dma_wait3A_330 = tpu.memref_slice %arg4[%dma_wait3A_318, %dma_wait3A_319, %dma_wait3A_320, %dma_wait3A_328, %dma_wait3A_329] : memref<200x8x32x8x128xf32, #tpu.memory_space<hbm>> -> memref<1x1x1x8x128xf32, #tpu.memory_space<hbm>>
    %dma_wait3A_331 = tpu.memref_squeeze %dma_wait3A_330 : memref<1x1x1x8x128xf32, #tpu.memory_space<hbm>> -> memref<8x128xf32, #tpu.memory_space<hbm>>
    %dma_wait3A_332 = arith.constant 0 : i32
    %dma_wait3A_333 = arith.constant 0 : i32
    %dma_wait3A_334 = tpu.memref_slice %arg9[%dma_wait3A_332, %dma_wait3A_333] : memref<128x129xf32, #tpu.memory_space<vmem>> -> memref<8x128xf32, #tpu.memory_space<vmem>>
    tpu.wait_dma2 semaphore(%arg13 : memref<!tpu.dma_semaphore, #tpu.memory_space<semaphore_mem>>) src(%dma_wait3A_334 : memref<8x128xf32, #tpu.memory_space<vmem>>) dst(%dma_wait3A_331 : memref<8x128xf32, #tpu.memory_space<hbm>>)
    %dma_wait3A_335 = arith.constant 0 : i32
    %dma_wait3A_336 = arith.constant 0 : i32
    %dma_wait3A_337 = arith.constant 0 : i32
    %dma_wait3A_338 = arith.constant 0 : i32
    %dma_wait3A_339 = arith.constant 0 : i32
    %dma_wait3A_340 = tpu.memref_slice %arg9[%dma_wait3A_338, %dma_wait3A_339] : memref<128x129xf32, #tpu.memory_space<vmem>> -> memref<8x128xf32, #tpu.memory_space<vmem>>
    %dma_wait3A_341 = arith.constant 0 : i32
    %dma_wait3A_342 = arith.constant 0 : i32
    %dma_wait3A_343 = tpu.memref_slice %arg4[%dma_wait3A_335, %dma_wait3A_336, %dma_wait3A_337, %dma_wait3A_341, %dma_wait3A_342] : memref<200x8x32x8x128xf32, #tpu.memory_space<hbm>> -> memref<1x1x1x8x128xf32, #tpu.memory_space<hbm>>
    %dma_wait3A_344 = tpu.memref_squeeze %dma_wait3A_343 : memref<1x1x1x8x128xf32, #tpu.memory_space<hbm>> -> memref<8x128xf32, #tpu.memory_space<hbm>>
    %dma_wait3A_345 = arith.constant 0 : i32
    %dma_wait3A_346 = arith.constant 0 : i32
    %dma_wait3A_347 = tpu.memref_slice %arg4[%dma_wait3A_335, %dma_wait3A_336, %dma_wait3A_337, %dma_wait3A_345, %dma_wait3A_346] : memref<200x8x32x8x128xf32, #tpu.memory_space<hbm>> -> memref<1x1x1x8x128xf32, #tpu.memory_space<hbm>>
    %dma_wait3A_348 = tpu.memref_squeeze %dma_wait3A_347 : memref<1x1x1x8x128xf32, #tpu.memory_space<hbm>> -> memref<8x128xf32, #tpu.memory_space<hbm>>
    %dma_wait3A_349 = arith.constant 0 : i32
    %dma_wait3A_350 = arith.constant 0 : i32
    %dma_wait3A_351 = tpu.memref_slice %arg9[%dma_wait3A_349, %dma_wait3A_350] : memref<128x129xf32, #tpu.memory_space<vmem>> -> memref<8x128xf32, #tpu.memory_space<vmem>>
    tpu.wait_dma2 semaphore(%arg13 : memref<!tpu.dma_semaphore, #tpu.memory_space<semaphore_mem>>) src(%dma_wait3A_351 : memref<8x128xf32, #tpu.memory_space<vmem>>) dst(%dma_wait3A_348 : memref<8x128xf32, #tpu.memory_space<hbm>>)
    %dma_wait3A_352 = arith.constant 0 : i32
    %dma_wait3A_353 = arith.constant 0 : i32
    %dma_wait3A_354 = arith.constant 0 : i32
    %dma_wait3A_355 = arith.constant 0 : i32
    %dma_wait3A_356 = arith.constant 0 : i32
    %dma_wait3A_357 = tpu.memref_slice %arg9[%dma_wait3A_355, %dma_wait3A_356] : memref<128x129xf32, #tpu.memory_space<vmem>> -> memref<8x128xf32, #tpu.memory_space<vmem>>
    %dma_wait3A_358 = arith.constant 0 : i32
    %dma_wait3A_359 = arith.constant 0 : i32
    %dma_wait3A_360 = tpu.memref_slice %arg4[%dma_wait3A_352, %dma_wait3A_353, %dma_wait3A_354, %dma_wait3A_358, %dma_wait3A_359] : memref<200x8x32x8x128xf32, #tpu.memory_space<hbm>> -> memref<1x1x1x8x128xf32, #tpu.memory_space<hbm>>
    %dma_wait3A_361 = tpu.memref_squeeze %dma_wait3A_360 : memref<1x1x1x8x128xf32, #tpu.memory_space<hbm>> -> memref<8x128xf32, #tpu.memory_space<hbm>>
    %dma_wait3A_362 = arith.constant 0 : i32
    %dma_wait3A_363 = arith.constant 0 : i32
    %dma_wait3A_364 = tpu.memref_slice %arg4[%dma_wait3A_352, %dma_wait3A_353, %dma_wait3A_354, %dma_wait3A_362, %dma_wait3A_363] : memref<200x8x32x8x128xf32, #tpu.memory_space<hbm>> -> memref<1x1x1x8x128xf32, #tpu.memory_space<hbm>>
    %dma_wait3A_365 = tpu.memref_squeeze %dma_wait3A_364 : memref<1x1x1x8x128xf32, #tpu.memory_space<hbm>> -> memref<8x128xf32, #tpu.memory_space<hbm>>
    %dma_wait3A_366 = arith.constant 0 : i32
    %dma_wait3A_367 = arith.constant 0 : i32
    %dma_wait3A_368 = tpu.memref_slice %arg9[%dma_wait3A_366, %dma_wait3A_367] : memref<128x129xf32, #tpu.memory_space<vmem>> -> memref<8x128xf32, #tpu.memory_space<vmem>>
    tpu.wait_dma2 semaphore(%arg13 : memref<!tpu.dma_semaphore, #tpu.memory_space<semaphore_mem>>) src(%dma_wait3A_368 : memref<8x128xf32, #tpu.memory_space<vmem>>) dst(%dma_wait3A_365 : memref<8x128xf32, #tpu.memory_space<hbm>>)
    %dma_wait3A_369 = arith.constant 0 : i32
    %dma_wait3A_370 = arith.constant 0 : i32
    %dma_wait3A_371 = arith.constant 0 : i32
    %dma_wait3A_372 = arith.constant 0 : i32
    %dma_wait3A_373 = arith.constant 0 : i32
    %dma_wait3A_374 = tpu.memref_slice %arg9[%dma_wait3A_372, %dma_wait3A_373] : memref<128x129xf32, #tpu.memory_space<vmem>> -> memref<8x128xf32, #tpu.memory_space<vmem>>
    %dma_wait3A_375 = arith.constant 0 : i32
    %dma_wait3A_376 = arith.constant 0 : i32
    %dma_wait3A_377 = tpu.memref_slice %arg4[%dma_wait3A_369, %dma_wait3A_370, %dma_wait3A_371, %dma_wait3A_375, %dma_wait3A_376] : memref<200x8x32x8x128xf32, #tpu.memory_space<hbm>> -> memref<1x1x1x8x128xf32, #tpu.memory_space<hbm>>
    %dma_wait3A_378 = tpu.memref_squeeze %dma_wait3A_377 : memref<1x1x1x8x128xf32, #tpu.memory_space<hbm>> -> memref<8x128xf32, #tpu.memory_space<hbm>>
    %dma_wait3A_379 = arith.constant 0 : i32
    %dma_wait3A_380 = arith.constant 0 : i32
    %dma_wait3A_381 = tpu.memref_slice %arg4[%dma_wait3A_369, %dma_wait3A_370, %dma_wait3A_371, %dma_wait3A_379, %dma_wait3A_380] : memref<200x8x32x8x128xf32, #tpu.memory_space<hbm>> -> memref<1x1x1x8x128xf32, #tpu.memory_space<hbm>>
    %dma_wait3A_382 = tpu.memref_squeeze %dma_wait3A_381 : memref<1x1x1x8x128xf32, #tpu.memory_space<hbm>> -> memref<8x128xf32, #tpu.memory_space<hbm>>
    %dma_wait3A_383 = arith.constant 0 : i32
    %dma_wait3A_384 = arith.constant 0 : i32
    %dma_wait3A_385 = tpu.memref_slice %arg9[%dma_wait3A_383, %dma_wait3A_384] : memref<128x129xf32, #tpu.memory_space<vmem>> -> memref<8x128xf32, #tpu.memory_space<vmem>>
    tpu.wait_dma2 semaphore(%arg13 : memref<!tpu.dma_semaphore, #tpu.memory_space<semaphore_mem>>) src(%dma_wait3A_385 : memref<8x128xf32, #tpu.memory_space<vmem>>) dst(%dma_wait3A_382 : memref<8x128xf32, #tpu.memory_space<hbm>>)
    %dma_wait3A_386 = arith.constant 0 : i32
    %dma_wait3A_387 = arith.constant 0 : i32
    %dma_wait3A_388 = arith.constant 0 : i32
    %dma_wait3A_389 = arith.constant 0 : i32
    %dma_wait3A_390 = arith.constant 0 : i32
    %dma_wait3A_391 = tpu.memref_slice %arg9[%dma_wait3A_389, %dma_wait3A_390] : memref<128x129xf32, #tpu.memory_space<vmem>> -> memref<8x128xf32, #tpu.memory_space<vmem>>
    %dma_wait3A_392 = arith.constant 0 : i32
    %dma_wait3A_393 = arith.constant 0 : i32
    %dma_wait3A_394 = tpu.memref_slice %arg4[%dma_wait3A_386, %dma_wait3A_387, %dma_wait3A_388, %dma_wait3A_392, %dma_wait3A_393] : memref<200x8x32x8x128xf32, #tpu.memory_space<hbm>> -> memref<1x1x1x8x128xf32, #tpu.memory_space<hbm>>
    %dma_wait3A_395 = tpu.memref_squeeze %dma_wait3A_394 : memref<1x1x1x8x128xf32, #tpu.memory_space<hbm>> -> memref<8x128xf32, #tpu.memory_space<hbm>>
    %dma_wait3A_396 = arith.constant 0 : i32
    %dma_wait3A_397 = arith.constant 0 : i32
    %dma_wait3A_398 = tpu.memref_slice %arg4[%dma_wait3A_386, %dma_wait3A_387, %dma_wait3A_388, %dma_wait3A_396, %dma_wait3A_397] : memref<200x8x32x8x128xf32, #tpu.memory_space<hbm>> -> memref<1x1x1x8x128xf32, #tpu.memory_space<hbm>>
    %dma_wait3A_399 = tpu.memref_squeeze %dma_wait3A_398 : memref<1x1x1x8x128xf32, #tpu.memory_space<hbm>> -> memref<8x128xf32, #tpu.memory_space<hbm>>
    %dma_wait3A_400 = arith.constant 0 : i32
    %dma_wait3A_401 = arith.constant 0 : i32
    %dma_wait3A_402 = tpu.memref_slice %arg9[%dma_wait3A_400, %dma_wait3A_401] : memref<128x129xf32, #tpu.memory_space<vmem>> -> memref<8x128xf32, #tpu.memory_space<vmem>>
    tpu.wait_dma2 semaphore(%arg13 : memref<!tpu.dma_semaphore, #tpu.memory_space<semaphore_mem>>) src(%dma_wait3A_402 : memref<8x128xf32, #tpu.memory_space<vmem>>) dst(%dma_wait3A_399 : memref<8x128xf32, #tpu.memory_space<hbm>>)
    %dma_wait3A_403 = arith.constant 0 : i32
    %dma_wait3A_404 = arith.constant 0 : i32
    %dma_wait3A_405 = arith.constant 0 : i32
    %dma_wait3A_406 = arith.constant 0 : i32
    %dma_wait3A_407 = arith.constant 0 : i32
    %dma_wait3A_408 = tpu.memref_slice %arg9[%dma_wait3A_406, %dma_wait3A_407] : memref<128x129xf32, #tpu.memory_space<vmem>> -> memref<8x128xf32, #tpu.memory_space<vmem>>
    %dma_wait3A_409 = arith.constant 0 : i32
    %dma_wait3A_410 = arith.constant 0 : i32
    %dma_wait3A_411 = tpu.memref_slice %arg4[%dma_wait3A_403, %dma_wait3A_404, %dma_wait3A_405, %dma_wait3A_409, %dma_wait3A_410] : memref<200x8x32x8x128xf32, #tpu.memory_space<hbm>> -> memref<1x1x1x8x128xf32, #tpu.memory_space<hbm>>
    %dma_wait3A_412 = tpu.memref_squeeze %dma_wait3A_411 : memref<1x1x1x8x128xf32, #tpu.memory_space<hbm>> -> memref<8x128xf32, #tpu.memory_space<hbm>>
    %dma_wait3A_413 = arith.constant 0 : i32
    %dma_wait3A_414 = arith.constant 0 : i32
    %dma_wait3A_415 = tpu.memref_slice %arg4[%dma_wait3A_403, %dma_wait3A_404, %dma_wait3A_405, %dma_wait3A_413, %dma_wait3A_414] : memref<200x8x32x8x128xf32, #tpu.memory_space<hbm>> -> memref<1x1x1x8x128xf32, #tpu.memory_space<hbm>>
    %dma_wait3A_416 = tpu.memref_squeeze %dma_wait3A_415 : memref<1x1x1x8x128xf32, #tpu.memory_space<hbm>> -> memref<8x128xf32, #tpu.memory_space<hbm>>
    %dma_wait3A_417 = arith.constant 0 : i32
    %dma_wait3A_418 = arith.constant 0 : i32
    %dma_wait3A_419 = tpu.memref_slice %arg9[%dma_wait3A_417, %dma_wait3A_418] : memref<128x129xf32, #tpu.memory_space<vmem>> -> memref<8x128xf32, #tpu.memory_space<vmem>>
    tpu.wait_dma2 semaphore(%arg13 : memref<!tpu.dma_semaphore, #tpu.memory_space<semaphore_mem>>) src(%dma_wait3A_419 : memref<8x128xf32, #tpu.memory_space<vmem>>) dst(%dma_wait3A_416 : memref<8x128xf32, #tpu.memory_space<hbm>>)
    %dma_wait3A_420 = arith.constant 0 : i32
    %dma_wait3A_421 = arith.constant 0 : i32
    %dma_wait3A_422 = arith.constant 0 : i32
    %dma_wait3A_423 = arith.constant 0 : i32
    %dma_wait3A_424 = arith.constant 0 : i32
    %dma_wait3A_425 = tpu.memref_slice %arg9[%dma_wait3A_423, %dma_wait3A_424] : memref<128x129xf32, #tpu.memory_space<vmem>> -> memref<8x128xf32, #tpu.memory_space<vmem>>
    %dma_wait3A_426 = arith.constant 0 : i32
    %dma_wait3A_427 = arith.constant 0 : i32
    %dma_wait3A_428 = tpu.memref_slice %arg4[%dma_wait3A_420, %dma_wait3A_421, %dma_wait3A_422, %dma_wait3A_426, %dma_wait3A_427] : memref<200x8x32x8x128xf32, #tpu.memory_space<hbm>> -> memref<1x1x1x8x128xf32, #tpu.memory_space<hbm>>
    %dma_wait3A_429 = tpu.memref_squeeze %dma_wait3A_428 : memref<1x1x1x8x128xf32, #tpu.memory_space<hbm>> -> memref<8x128xf32, #tpu.memory_space<hbm>>
    %dma_wait3A_430 = arith.constant 0 : i32
    %dma_wait3A_431 = arith.constant 0 : i32
    %dma_wait3A_432 = tpu.memref_slice %arg4[%dma_wait3A_420, %dma_wait3A_421, %dma_wait3A_422, %dma_wait3A_430, %dma_wait3A_431] : memref<200x8x32x8x128xf32, #tpu.memory_space<hbm>> -> memref<1x1x1x8x128xf32, #tpu.memory_space<hbm>>
    %dma_wait3A_433 = tpu.memref_squeeze %dma_wait3A_432 : memref<1x1x1x8x128xf32, #tpu.memory_space<hbm>> -> memref<8x128xf32, #tpu.memory_space<hbm>>
    %dma_wait3A_434 = arith.constant 0 : i32
    %dma_wait3A_435 = arith.constant 0 : i32
    %dma_wait3A_436 = tpu.memref_slice %arg9[%dma_wait3A_434, %dma_wait3A_435] : memref<128x129xf32, #tpu.memory_space<vmem>> -> memref<8x128xf32, #tpu.memory_space<vmem>>
    tpu.wait_dma2 semaphore(%arg13 : memref<!tpu.dma_semaphore, #tpu.memory_space<semaphore_mem>>) src(%dma_wait3A_436 : memref<8x128xf32, #tpu.memory_space<vmem>>) dst(%dma_wait3A_433 : memref<8x128xf32, #tpu.memory_space<hbm>>)
    %dma_wait3A_437 = arith.constant 0 : i32
    %dma_wait3A_438 = arith.constant 0 : i32
    %dma_wait3A_439 = arith.constant 0 : i32
    %dma_wait3A_440 = arith.constant 0 : i32
    %dma_wait3A_441 = arith.constant 0 : i32
    %dma_wait3A_442 = tpu.memref_slice %arg9[%dma_wait3A_440, %dma_wait3A_441] : memref<128x129xf32, #tpu.memory_space<vmem>> -> memref<8x128xf32, #tpu.memory_space<vmem>>
    %dma_wait3A_443 = arith.constant 0 : i32
    %dma_wait3A_444 = arith.constant 0 : i32
    %dma_wait3A_445 = tpu.memref_slice %arg4[%dma_wait3A_437, %dma_wait3A_438, %dma_wait3A_439, %dma_wait3A_443, %dma_wait3A_444] : memref<200x8x32x8x128xf32, #tpu.memory_space<hbm>> -> memref<1x1x1x8x128xf32, #tpu.memory_space<hbm>>
    %dma_wait3A_446 = tpu.memref_squeeze %dma_wait3A_445 : memref<1x1x1x8x128xf32, #tpu.memory_space<hbm>> -> memref<8x128xf32, #tpu.memory_space<hbm>>
    %dma_wait3A_447 = arith.constant 0 : i32
    %dma_wait3A_448 = arith.constant 0 : i32
    %dma_wait3A_449 = tpu.memref_slice %arg4[%dma_wait3A_437, %dma_wait3A_438, %dma_wait3A_439, %dma_wait3A_447, %dma_wait3A_448] : memref<200x8x32x8x128xf32, #tpu.memory_space<hbm>> -> memref<1x1x1x8x128xf32, #tpu.memory_space<hbm>>
    %dma_wait3A_450 = tpu.memref_squeeze %dma_wait3A_449 : memref<1x1x1x8x128xf32, #tpu.memory_space<hbm>> -> memref<8x128xf32, #tpu.memory_space<hbm>>
    %dma_wait3A_451 = arith.constant 0 : i32
    %dma_wait3A_452 = arith.constant 0 : i32
    %dma_wait3A_453 = tpu.memref_slice %arg9[%dma_wait3A_451, %dma_wait3A_452] : memref<128x129xf32, #tpu.memory_space<vmem>> -> memref<8x128xf32, #tpu.memory_space<vmem>>
    tpu.wait_dma2 semaphore(%arg13 : memref<!tpu.dma_semaphore, #tpu.memory_space<semaphore_mem>>) src(%dma_wait3A_453 : memref<8x128xf32, #tpu.memory_space<vmem>>) dst(%dma_wait3A_450 : memref<8x128xf32, #tpu.memory_space<hbm>>)
    %dma_wait3A_454 = arith.constant 0 : i32
    %dma_wait3A_455 = arith.constant 0 : i32
    %dma_wait3A_456 = arith.constant 0 : i32
    %dma_wait3A_457 = arith.constant 0 : i32
    %dma_wait3A_458 = arith.constant 0 : i32
    %dma_wait3A_459 = tpu.memref_slice %arg9[%dma_wait3A_457, %dma_wait3A_458] : memref<128x129xf32, #tpu.memory_space<vmem>> -> memref<8x128xf32, #tpu.memory_space<vmem>>
    %dma_wait3A_460 = arith.constant 0 : i32
    %dma_wait3A_461 = arith.constant 0 : i32
    %dma_wait3A_462 = tpu.memref_slice %arg4[%dma_wait3A_454, %dma_wait3A_455, %dma_wait3A_456, %dma_wait3A_460, %dma_wait3A_461] : memref<200x8x32x8x128xf32, #tpu.memory_space<hbm>> -> memref<1x1x1x8x128xf32, #tpu.memory_space<hbm>>
    %dma_wait3A_463 = tpu.memref_squeeze %dma_wait3A_462 : memref<1x1x1x8x128xf32, #tpu.memory_space<hbm>> -> memref<8x128xf32, #tpu.memory_space<hbm>>
    %dma_wait3A_464 = arith.constant 0 : i32
    %dma_wait3A_465 = arith.constant 0 : i32
    %dma_wait3A_466 = tpu.memref_slice %arg4[%dma_wait3A_454, %dma_wait3A_455, %dma_wait3A_456, %dma_wait3A_464, %dma_wait3A_465] : memref<200x8x32x8x128xf32, #tpu.memory_space<hbm>> -> memref<1x1x1x8x128xf32, #tpu.memory_space<hbm>>
    %dma_wait3A_467 = tpu.memref_squeeze %dma_wait3A_466 : memref<1x1x1x8x128xf32, #tpu.memory_space<hbm>> -> memref<8x128xf32, #tpu.memory_space<hbm>>
    %dma_wait3A_468 = arith.constant 0 : i32
    %dma_wait3A_469 = arith.constant 0 : i32
    %dma_wait3A_470 = tpu.memref_slice %arg9[%dma_wait3A_468, %dma_wait3A_469] : memref<128x129xf32, #tpu.memory_space<vmem>> -> memref<8x128xf32, #tpu.memory_space<vmem>>
    tpu.wait_dma2 semaphore(%arg13 : memref<!tpu.dma_semaphore, #tpu.memory_space<semaphore_mem>>) src(%dma_wait3A_470 : memref<8x128xf32, #tpu.memory_space<vmem>>) dst(%dma_wait3A_467 : memref<8x128xf32, #tpu.memory_space<hbm>>)
    %dma_wait3A_471 = arith.constant 0 : i32
    %dma_wait3A_472 = arith.constant 0 : i32
    %dma_wait3A_473 = arith.constant 0 : i32
    %dma_wait3A_474 = arith.constant 0 : i32
    %dma_wait3A_475 = arith.constant 0 : i32
    %dma_wait3A_476 = tpu.memref_slice %arg9[%dma_wait3A_474, %dma_wait3A_475] : memref<128x129xf32, #tpu.memory_space<vmem>> -> memref<8x128xf32, #tpu.memory_space<vmem>>
    %dma_wait3A_477 = arith.constant 0 : i32
    %dma_wait3A_478 = arith.constant 0 : i32
    %dma_wait3A_479 = tpu.memref_slice %arg4[%dma_wait3A_471, %dma_wait3A_472, %dma_wait3A_473, %dma_wait3A_477, %dma_wait3A_478] : memref<200x8x32x8x128xf32, #tpu.memory_space<hbm>> -> memref<1x1x1x8x128xf32, #tpu.memory_space<hbm>>
    %dma_wait3A_480 = tpu.memref_squeeze %dma_wait3A_479 : memref<1x1x1x8x128xf32, #tpu.memory_space<hbm>> -> memref<8x128xf32, #tpu.memory_space<hbm>>
    %dma_wait3A_481 = arith.constant 0 : i32
    %dma_wait3A_482 = arith.constant 0 : i32
    %dma_wait3A_483 = tpu.memref_slice %arg4[%dma_wait3A_471, %dma_wait3A_472, %dma_wait3A_473, %dma_wait3A_481, %dma_wait3A_482] : memref<200x8x32x8x128xf32, #tpu.memory_space<hbm>> -> memref<1x1x1x8x128xf32, #tpu.memory_space<hbm>>
    %dma_wait3A_484 = tpu.memref_squeeze %dma_wait3A_483 : memref<1x1x1x8x128xf32, #tpu.memory_space<hbm>> -> memref<8x128xf32, #tpu.memory_space<hbm>>
    %dma_wait3A_485 = arith.constant 0 : i32
    %dma_wait3A_486 = arith.constant 0 : i32
    %dma_wait3A_487 = tpu.memref_slice %arg9[%dma_wait3A_485, %dma_wait3A_486] : memref<128x129xf32, #tpu.memory_space<vmem>> -> memref<8x128xf32, #tpu.memory_space<vmem>>
    tpu.wait_dma2 semaphore(%arg13 : memref<!tpu.dma_semaphore, #tpu.memory_space<semaphore_mem>>) src(%dma_wait3A_487 : memref<8x128xf32, #tpu.memory_space<vmem>>) dst(%dma_wait3A_484 : memref<8x128xf32, #tpu.memory_space<hbm>>)
    %dma_wait3A_488 = arith.constant 0 : i32
    %dma_wait3A_489 = arith.constant 0 : i32
    %dma_wait3A_490 = arith.constant 0 : i32
    %dma_wait3A_491 = arith.constant 0 : i32
    %dma_wait3A_492 = arith.constant 0 : i32
    %dma_wait3A_493 = tpu.memref_slice %arg9[%dma_wait3A_491, %dma_wait3A_492] : memref<128x129xf32, #tpu.memory_space<vmem>> -> memref<8x128xf32, #tpu.memory_space<vmem>>
    %dma_wait3A_494 = arith.constant 0 : i32
    %dma_wait3A_495 = arith.constant 0 : i32
    %dma_wait3A_496 = tpu.memref_slice %arg4[%dma_wait3A_488, %dma_wait3A_489, %dma_wait3A_490, %dma_wait3A_494, %dma_wait3A_495] : memref<200x8x32x8x128xf32, #tpu.memory_space<hbm>> -> memref<1x1x1x8x128xf32, #tpu.memory_space<hbm>>
    %dma_wait3A_497 = tpu.memref_squeeze %dma_wait3A_496 : memref<1x1x1x8x128xf32, #tpu.memory_space<hbm>> -> memref<8x128xf32, #tpu.memory_space<hbm>>
    %dma_wait3A_498 = arith.constant 0 : i32
    %dma_wait3A_499 = arith.constant 0 : i32
    %dma_wait3A_500 = tpu.memref_slice %arg4[%dma_wait3A_488, %dma_wait3A_489, %dma_wait3A_490, %dma_wait3A_498, %dma_wait3A_499] : memref<200x8x32x8x128xf32, #tpu.memory_space<hbm>> -> memref<1x1x1x8x128xf32, #tpu.memory_space<hbm>>
    %dma_wait3A_501 = tpu.memref_squeeze %dma_wait3A_500 : memref<1x1x1x8x128xf32, #tpu.memory_space<hbm>> -> memref<8x128xf32, #tpu.memory_space<hbm>>
    %dma_wait3A_502 = arith.constant 0 : i32
    %dma_wait3A_503 = arith.constant 0 : i32
    %dma_wait3A_504 = tpu.memref_slice %arg9[%dma_wait3A_502, %dma_wait3A_503] : memref<128x129xf32, #tpu.memory_space<vmem>> -> memref<8x128xf32, #tpu.memory_space<vmem>>
    tpu.wait_dma2 semaphore(%arg13 : memref<!tpu.dma_semaphore, #tpu.memory_space<semaphore_mem>>) src(%dma_wait3A_504 : memref<8x128xf32, #tpu.memory_space<vmem>>) dst(%dma_wait3A_501 : memref<8x128xf32, #tpu.memory_space<hbm>>)
    %dma_wait3A_505 = arith.constant 0 : i32
    %dma_wait3A_506 = arith.constant 0 : i32
    %dma_wait3A_507 = arith.constant 0 : i32
    %dma_wait3A_508 = arith.constant 0 : i32
    %dma_wait3A_509 = arith.constant 0 : i32
    %dma_wait3A_510 = tpu.memref_slice %arg9[%dma_wait3A_508, %dma_wait3A_509] : memref<128x129xf32, #tpu.memory_space<vmem>> -> memref<8x128xf32, #tpu.memory_space<vmem>>
    %dma_wait3A_511 = arith.constant 0 : i32
    %dma_wait3A_512 = arith.constant 0 : i32
    %dma_wait3A_513 = tpu.memref_slice %arg4[%dma_wait3A_505, %dma_wait3A_506, %dma_wait3A_507, %dma_wait3A_511, %dma_wait3A_512] : memref<200x8x32x8x128xf32, #tpu.memory_space<hbm>> -> memref<1x1x1x8x128xf32, #tpu.memory_space<hbm>>
    %dma_wait3A_514 = tpu.memref_squeeze %dma_wait3A_513 : memref<1x1x1x8x128xf32, #tpu.memory_space<hbm>> -> memref<8x128xf32, #tpu.memory_space<hbm>>
    %dma_wait3A_515 = arith.constant 0 : i32
    %dma_wait3A_516 = arith.constant 0 : i32
    %dma_wait3A_517 = tpu.memref_slice %arg4[%dma_wait3A_505, %dma_wait3A_506, %dma_wait3A_507, %dma_wait3A_515, %dma_wait3A_516] : memref<200x8x32x8x128xf32, #tpu.memory_space<hbm>> -> memref<1x1x1x8x128xf32, #tpu.memory_space<hbm>>
    %dma_wait3A_518 = tpu.memref_squeeze %dma_wait3A_517 : memref<1x1x1x8x128xf32, #tpu.memory_space<hbm>> -> memref<8x128xf32, #tpu.memory_space<hbm>>
    %dma_wait3A_519 = arith.constant 0 : i32
    %dma_wait3A_520 = arith.constant 0 : i32
    %dma_wait3A_521 = tpu.memref_slice %arg9[%dma_wait3A_519, %dma_wait3A_520] : memref<128x129xf32, #tpu.memory_space<vmem>> -> memref<8x128xf32, #tpu.memory_space<vmem>>
    tpu.wait_dma2 semaphore(%arg13 : memref<!tpu.dma_semaphore, #tpu.memory_space<semaphore_mem>>) src(%dma_wait3A_521 : memref<8x128xf32, #tpu.memory_space<vmem>>) dst(%dma_wait3A_518 : memref<8x128xf32, #tpu.memory_space<hbm>>)
    %dma_wait3A_522 = arith.constant 0 : i32
    %dma_wait3A_523 = arith.constant 0 : i32
    %dma_wait3A_524 = arith.constant 0 : i32
    %dma_wait3A_525 = arith.constant 0 : i32
    %dma_wait3A_526 = arith.constant 0 : i32
    %dma_wait3A_527 = tpu.memref_slice %arg9[%dma_wait3A_525, %dma_wait3A_526] : memref<128x129xf32, #tpu.memory_space<vmem>> -> memref<8x128xf32, #tpu.memory_space<vmem>>
    %dma_wait3A_528 = arith.constant 0 : i32
    %dma_wait3A_529 = arith.constant 0 : i32
    %dma_wait3A_530 = tpu.memref_slice %arg4[%dma_wait3A_522, %dma_wait3A_523, %dma_wait3A_524, %dma_wait3A_528, %dma_wait3A_529] : memref<200x8x32x8x128xf32, #tpu.memory_space<hbm>> -> memref<1x1x1x8x128xf32, #tpu.memory_space<hbm>>
    %dma_wait3A_531 = tpu.memref_squeeze %dma_wait3A_530 : memref<1x1x1x8x128xf32, #tpu.memory_space<hbm>> -> memref<8x128xf32, #tpu.memory_space<hbm>>
    %dma_wait3A_532 = arith.constant 0 : i32
    %dma_wait3A_533 = arith.constant 0 : i32
    %dma_wait3A_534 = tpu.memref_slice %arg4[%dma_wait3A_522, %dma_wait3A_523, %dma_wait3A_524, %dma_wait3A_532, %dma_wait3A_533] : memref<200x8x32x8x128xf32, #tpu.memory_space<hbm>> -> memref<1x1x1x8x128xf32, #tpu.memory_space<hbm>>
    %dma_wait3A_535 = tpu.memref_squeeze %dma_wait3A_534 : memref<1x1x1x8x128xf32, #tpu.memory_space<hbm>> -> memref<8x128xf32, #tpu.memory_space<hbm>>
    %dma_wait3A_536 = arith.constant 0 : i32
    %dma_wait3A_537 = arith.constant 0 : i32
    %dma_wait3A_538 = tpu.memref_slice %arg9[%dma_wait3A_536, %dma_wait3A_537] : memref<128x129xf32, #tpu.memory_space<vmem>> -> memref<8x128xf32, #tpu.memory_space<vmem>>
    tpu.wait_dma2 semaphore(%arg13 : memref<!tpu.dma_semaphore, #tpu.memory_space<semaphore_mem>>) src(%dma_wait3A_538 : memref<8x128xf32, #tpu.memory_space<vmem>>) dst(%dma_wait3A_535 : memref<8x128xf32, #tpu.memory_space<hbm>>)
    %dma_wait3A_539 = arith.constant 0 : i32
    %dma_wait3A_540 = arith.constant 0 : i32
    %dma_wait3A_541 = arith.constant 0 : i32
    %dma_wait3A_542 = arith.constant 0 : i32
    %dma_wait3A_543 = arith.constant 0 : i32
    %dma_wait3A_544 = tpu.memref_slice %arg9[%dma_wait3A_542, %dma_wait3A_543] : memref<128x129xf32, #tpu.memory_space<vmem>> -> memref<8x128xf32, #tpu.memory_space<vmem>>
    %dma_wait3A_545 = arith.constant 0 : i32
    %dma_wait3A_546 = arith.constant 0 : i32
    %dma_wait3A_547 = tpu.memref_slice %arg4[%dma_wait3A_539, %dma_wait3A_540, %dma_wait3A_541, %dma_wait3A_545, %dma_wait3A_546] : memref<200x8x32x8x128xf32, #tpu.memory_space<hbm>> -> memref<1x1x1x8x128xf32, #tpu.memory_space<hbm>>
    %dma_wait3A_548 = tpu.memref_squeeze %dma_wait3A_547 : memref<1x1x1x8x128xf32, #tpu.memory_space<hbm>> -> memref<8x128xf32, #tpu.memory_space<hbm>>
    %dma_wait3A_549 = arith.constant 0 : i32
    %dma_wait3A_550 = arith.constant 0 : i32
    %dma_wait3A_551 = tpu.memref_slice %arg4[%dma_wait3A_539, %dma_wait3A_540, %dma_wait3A_541, %dma_wait3A_549, %dma_wait3A_550] : memref<200x8x32x8x128xf32, #tpu.memory_space<hbm>> -> memref<1x1x1x8x128xf32, #tpu.memory_space<hbm>>
    %dma_wait3A_552 = tpu.memref_squeeze %dma_wait3A_551 : memref<1x1x1x8x128xf32, #tpu.memory_space<hbm>> -> memref<8x128xf32, #tpu.memory_space<hbm>>
    %dma_wait3A_553 = arith.constant 0 : i32
    %dma_wait3A_554 = arith.constant 0 : i32
    %dma_wait3A_555 = tpu.memref_slice %arg9[%dma_wait3A_553, %dma_wait3A_554] : memref<128x129xf32, #tpu.memory_space<vmem>> -> memref<8x128xf32, #tpu.memory_space<vmem>>
    tpu.wait_dma2 semaphore(%arg13 : memref<!tpu.dma_semaphore, #tpu.memory_space<semaphore_mem>>) src(%dma_wait3A_555 : memref<8x128xf32, #tpu.memory_space<vmem>>) dst(%dma_wait3A_552 : memref<8x128xf32, #tpu.memory_space<hbm>>)
    return
  }
}

</mosaic_0001>

<sc_bundles>
// kernel: kernel.3.cloned.1.call-start
scs
__scs_entry_jumppad:
0x0: {  	(pc) =	sbr.rel $0x88, $3  }
0x1: {  	(tag) =	ssettag $0x0;
	lr =	simm.s32 $0x1  }
0x2: {  	[smem:$0x3F9F] =	sst lr;
	_ =	strace $0xD0000000  }
0x3: {  	_ = 	snop  }
0x4: {  	_ = 	snop  }
0x5: {  	_ = 	snop  }
0x6: {  	_ = 	snop  }
0x7: {  	_ = 	snop  }
__scs_overlays_trampoline_lowered:
0x8: {  	[smem:$0x3FAE] =	sst s0  }
0x9: {  	[smem:$0x3FAF] =	sst s1  }
0xa: {  	[smem:$0x3FB0] =	sst s2  }
0xb: {  	[smem:$0x3FB1] =	sst s3  }
0xc: {  	[smem:$0x3FB2] =	sst s4  }
0xd: {  	[smem:$0x3FB3] =	sst s5  }
0xe: {  	[smem:$0x3FB4] =	sst s6  }
0xf: {  	[smem:$0x3FB5] =	sst s7  }
0x10: {  	[smem:$0x3FB6] =	sst s8  }
0x11: {  	[smem:$0x3FB7] =	sst s9;
	s0 =	simm.s32 @!p0 $0x0  }
0x12: {  	s1 =	sld [smem:$0x3F9D];
	s0 =	simm.s32 @p0 $0x1  }
0x13: {  	[smem:$0x3FB8] =	sst s0;
	s0 =	simm.s32 @!p1 $0x0  }
0x14: {  	s2 =	sld [smem:$0x3F9C];
	s0 =	simm.s32 @p1 $0x1  }
0x15: {  	[smem:$0x3FB9] =	sst s0;
	s0 =	simm.s32 @!p2 $0x0  }
0x16: {  	s3 =	sld [smem:$0x3FDB];
	s0 =	simm.s32 @p2 $0x1  }
0x17: {  	s4 =	simm.s32 $0x1BF5;
	[smem:$0x3FBB] =	sst s0  }
0x18: {  	s0 =	sld [smem:$0x3F9E];
	_ =	swait.ge [sflag:s4], $0x0  }
0x19: {  	s7 =	sld [smem:$0x3F9F]  }
0x1a: {  	s8 =	sadd.s32 $0xFFFFE003, lr  }
0x1b: {  	s9 =	sadd.s32 $0xFFFFFEF7, lr;
	s5 =	simm.s32 $0xFFFFFFFF;
	p2 =	slt.u32 s8, $0xFFFFF086  }
0x1c: {  	p1 =	slt.u32 s9, $0xF7A;
	s5 =	simm.s32 @!p2 $0x0  }
0x1d: {  	s5 =	simm.s32 @p1 $0x1;
	p0 =	seq.s32 s7, s2  }
0x1e: {  	s7 =	smul.u32 @!p0 $0xF7A, s2;
	p2 =	seq.s32 @!p0 s5, $0x0  }
0x1f: {  	s9 =	smul.u32 $0xF7A, s1;
	s8 =	simm.s32 @!p0 $0x1BF5;
	p2 =	por !p2, p0  }
0x20: {  	[sflag:s8] =	ssyncset.s32 @!p0 $0xFFFFF086;
	s6 =	sadd.s32 @!p0 s3, s7;
	s7 =	simm.s32 @!p0 $0x108  }
0x21: {  	s3 =	sadd.s32 s3, s9;
	s6 =	sadd.s32 @!p0 $0x88, s6;
	s7 =	simm.s32 @p2 $0x1082  }
0x22: {  	[simem:s7], [sflag:s8] =	dma.local @!p0 [hbm:s6], $0xF7A  }
0x23: {  	s9 =	sor.u32 $0xD0000000, s2;
	s6 =	simm.s32 $0x108;
	_ =	swait.ge @!p0 [sflag:s8], $0x0  }
0x24: {  	s3 =	sadd.s32 $0x88, s3;
	s6 =	simm.s32 @!p1 $0x1082;
	[sflag:s4] =	ssyncset.s32 $0xFFFFF086  }
0x25: {  	[simem:s6], [sflag:s4] =	dma.local [hbm:s3], $0xF7A  }
0x26: {  	[smem:$0x3F9F] =	sst s1;
	(tag) =	ssettag s2;
	_ =	strace s9  }
0x27: {  	s1 =	sld [smem:$0x3FAF]  }
0x28: {  	s2 =	sld [smem:$0x3FB0]  }
0x29: {  	s4 =	sld [smem:$0x3FB2]  }
0x2a: {  	p0 =	seq.s32 s5, $0x0;
	s5 =	sld [smem:$0x3FB3]  }
0x2b: {  	s6 =	sld [smem:$0x3FB4]  }
0x2c: {  	s7 =	sld [smem:$0x3FB5]  }
0x2d: {  	s3 =	simm.s32 $0x108;
	s8 =	sld [smem:$0x3FB6]  }
0x2e: {  	s3 =	simm.s32 @!p0 $0x1082;
	s9 =	sld [smem:$0x3FB7]  }
0x2f: {  	lr =	sadd.s32 s0, s3;
	s0 =	sld [smem:$0x3FAE]  }
0x30: {  	s3 =	sld [smem:$0x3FB1]  }
0x31: {  	[smem:$0x3FBA] =	sst s10  }
0x32: {  	s10 =	sld [smem:$0x3FB8];
	_ =	sdelay $0x3  }
0x33: {  	p0 =	seq.s32 s10, $0x1;
	s10 =	sld [smem:$0x3FBA];
	_ =	sdelay $0x3  }
0x34: {  	[smem:$0x3FBA] =	sst s10  }
0x35: {  	s10 =	sld [smem:$0x3FB9];
	_ =	sdelay $0x3  }
0x36: {  	p1 =	seq.s32 s10, $0x1;
	s10 =	sld [smem:$0x3FBA];
	_ =	sdelay $0x3  }
0x37: {  	[smem:$0x3FBA] =	sst s10  }
0x38: {  	s10 =	sld [smem:$0x3FBB]  }
0x39: {  	_ = 	snop;
	(pc) =	sbr.ind lr, $3  }
0x3a: {  	_ = 	snop  }
0x3b: {  	_ = 	snop  }
0x3c: {  	p2 =	seq.s32 s10, $0x1;
	s10 =	sld [smem:$0x3FBA]  }
0x3d: {  	_ =	shalt  }
0x3e: {  	_ =	shalt  }
0x3f: {  	_ =	shalt  }
0x40: {  	_ =	shalt  }
0x41: {  	_ =	shalt  }
0x42: {  	_ =	shalt  }
0x43: {  	_ =	shalt  }
0x44: {  	_ =	shalt  }
0x45: {  	_ =	shalt  }
0x46: {  	_ =	shalt  }
0x47: {  	_ =	shalt  }
0x48: {  	_ =	shalt  }
0x49: {  	_ =	shalt  }
0x4a: {  	_ =	shalt  }
0x4b: {  	_ =	shalt  }
0x4c: {  	_ =	shalt  }
0x4d: {  	_ =	shalt  }
0x4e: {  	_ =	shalt  }
0x4f: {  	_ =	shalt  }
0x50: {  	_ =	shalt  }
0x51: {  	_ =	shalt  }
0x52: {  	_ =	shalt  }
0x53: {  	_ =	shalt  }
0x54: {  	_ =	shalt  }
0x55: {  	_ =	shalt  }
0x56: {  	_ =	shalt  }
0x57: {  	_ =	shalt  }
0x58: {  	_ =	shalt  }
0x59: {  	_ =	shalt  }
0x5a: {  	_ =	shalt  }
0x5b: {  	_ =	shalt  }
0x5c: {  	_ =	shalt  }
0x5d: {  	_ =	shalt  }
0x5e: {  	_ =	shalt  }
0x5f: {  	_ =	shalt  }
0x60: {  	_ =	shalt  }
0x61: {  	_ =	shalt  }
0x62: {  	_ =	shalt  }
0x63: {  	_ =	shalt  }
0x64: {  	_ =	shalt  }
0x65: {  	_ =	shalt  }
0x66: {  	_ =	shalt  }
0x67: {  	_ =	shalt  }
0x68: {  	_ =	shalt  }
0x69: {  	_ =	shalt  }
0x6a: {  	_ =	shalt  }
0x6b: {  	_ =	shalt  }
0x6c: {  	_ =	shalt  }
0x6d: {  	_ =	shalt  }
0x6e: {  	_ =	shalt  }
0x6f: {  	_ =	shalt  }
0x70: {  	_ =	shalt  }
0x71: {  	_ =	shalt  }
0x72: {  	_ =	shalt  }
0x73: {  	_ =	shalt  }
0x74: {  	_ =	shalt  }
0x75: {  	_ =	shalt  }
0x76: {  	_ =	shalt  }
0x77: {  	_ =	shalt  }
0x78: {  	_ =	shalt  }
0x79: {  	_ =	shalt  }
0x7a: {  	_ =	shalt  }
0x7b: {  	_ =	shalt  }
0x7c: {  	_ =	shalt  }
0x7d: {  	_ =	shalt  }
0x7e: {  	_ =	shalt  }
0x7f: {  	_ =	shalt  }
0x80: {  	_ =	shalt  }
0x81: {  	_ =	shalt  }
0x82: {  	_ =	shalt  }
0x83: {  	_ =	shalt  }
0x84: {  	_ =	shalt  }
0x85: {  	_ =	shalt  }
0x86: {  	_ =	shalt  }
0x87: {  	_ =	shalt  }
.Lfunc_end0:
.L_simem_size_0:
called_computation_lowered:
.L_overlay_start_0:
0x88: {  	s2 =	sld [smem:$0x3FD9]  }
0x89: {  	s3 =	sld [smem:$0x3FFE];
	_ =	sdelay $0x1  }
0x8a: {  	s1 =	srdreg.scid  }
0x8b: {  	s0 =	sand.u32 $0x1, s1  }
0x8c: {  	s17 =	sshll.u32 s0, $0xA;
	s2 =	sadd.s32 s3, s2  }
0x8d: {  	s2 =	sadd.s32 s2, s17  }
0x8e: {  	[smem:$0x3FC6] =	sst s2  }
0x8f: {  	_ = 	snop  }
0x90: {  	s2 =	sld [smem:$0x3FD0];
	(tm) =	ssettm $0x1  }
0x91: {  	s18 =	sld [smem:$0x3FFB];
	_ =	sdelay $0x3  }
0x92: {  	_ =	strace s18  }
0x93: {  	s3 =	sld [smem:$0x3FFC];
	_ =	sdelay $0x3  }
0x94: {  	_ =	strace s3  }
0x95: {  	s3 =	sld [smem:$0x3FFD];
	_ =	sdelay $0x3  }
0x96: {  	_ =	strace s3  }
0x97: {  	_ =	strace $0x8FFFFFFF  }
0x98: {  	s19 =	sld [smem:$0x3FDB];
	_ =	sdelay $0x1  }
0x99: {  	s4 =	simm.s32 $_scs_section_size  }
0x9a: {  	s5 =	simm.s32 $_size__tile_overlayer_lowered;
	s6 =	simm.s32 $_tile_overlayer_lowered  }
0x9b: {  	s22 =	simm.s32 $0x1BFF;
	s21 =	sshll.u32 s6, $0x1;
	s3 =	sadd.s32 s4, s19  }
0x9c: {  	s7 =	simm.s32 $0x0;
	s20 =	sshll.u32 s5, $0x1;
	s5 =	sadd.s32 s21, s3  }
0x9d: {  	[timem:s7], [sflag:s22] =	dma.local [hbm:s5], s20  }
0x9e: {  	_ =	swait.ge [sflag:s22], s20  }
0x9f: {  	s4 =	ssub.s32 $0x0, s20;
	[sflag:s22] =	ssyncset.done $0x0  }
0xa0: {  	[sflag:s22] =	ssyncadd.s32 s4;
	_ =	sdelay $0x1  }
0xa1: {  	s23 =	simm.s32 $0x1B8B  }
0xa2: {  	_ =	swait.ge [sflag:s23], $0x1  }
0xa3: {  	[sflag:s23] =	ssyncset.done $0x0  }
0xa4: {  	s25 =	simm.s32 $0x1B8E;
	s24 =	sld [smem:$0x3FFE];
	[sflag:s23] =	ssyncadd.s32 $0xFFFFFFFF  }
0xa5: {  	s26 =	simm.s32 $execute0_lowered;
	[smem:$0x3FD2] =	sst s25  }
0xa6: {  	s5 =	sshll.u32 s26, $0x1;
	_ =	strace $0x80000046;
	[dreg:$0x1] =	wrdreg $0xFFFFFFFF  }
0xa7: {  	s28 =	simm.s32 $_size_execute0_lowered;
	s3 =	sadd.s32 s3, s5;
	[dreg:$0x0] =	wrdreg $0x0  }
0xa8: {  	s5 =	sshll.u32 s28, $0x1;
	[dreg:$0x2] =	wrdreg s3  }
0xa9: {  	[dreg:$0x3] =	wrdreg s5  }
0xaa: {  	[dreg:$0x4] =	wrdreg $0xC0  }
0xab: {  	_ =	task [dreg:s7], $0x5FFFF  }
0xac: {  	[dreg:$0x1] =	wrdreg $0xFFFFFFFF  }
0xad: {  	[dreg:$0x0] =	wrdreg $0x60  }
0xae: {  	[dreg:$0x2] =	wrdreg s24  }
0xaf: {  	[dreg:$0x3] =	wrdreg s2  }
0xb0: {  	[dreg:$0x4] =	wrdreg $0x9  }
0xb1: {  	_ =	task.clear_ibuf [dreg:s7], $0x5FFFF;
	_ =	strace $0x90000046  }
0xb2: {  	s29 =	simm.s32 $0x9;
	_ =	strace $0x80000048  }
0xb3: {  	_ =	swait.ge [sflag:s29], $0x1  }
0xb4: {  	[sflag:s29] =	ssyncadd.s32 $0xFFFFFFFF  }
0xb5: {  	_ =	strace $0x90000048  }
0xb6: {  	_ =	sfence  }
0xb7: {  	s30 =	sld [smem:$0x0];
	_ =	sdelay $0x2  }
0xb8: {  	s31 =	sshll.u32 s1, $0xD;
	s1 =	sshrl.u32 s1, $0x2  }
0xb9: {  	s3 =	sand.u32 $0x4000, s31;
	s1 =	sadd.s32 s1, s30  }
0xba: {  	s0 =	sor.u32 s3, s0;
	s1 =	sshll.u32 s1, $0x11  }
0xbb: {  	s0 =	sor.u32 s1, s0  }
0xbc: {  	s0 =	sadd.s32 $0x8F2B, s0  }
0xbd: {  	[sflag:s0] =	ssyncadd.remote.s32 $0x1  }
0xbe: {  	_ =	sfence.sel $0xFFFF  }
0xbf: {  	[dreg:$0x0] =	wrdreg $0xFFFFFFFF;
	(pc) =	sbr.abs _section_cstart, $3  }
0xc0: {  	[dreg:$0x1] =	wrdreg $0xFFFFFFFF  }
0xc1: {  	_ =	task.clear_ibuf [dreg:s7], $0x2FFFF;
	_ =	strace $0x9FFFFFFF  }
0xc2: {  	(tm) =	ssettm $0x7FFFFFFF  }
0xc3: {  	_ =	shalt  }
tec
execute0_lowered:
.L_overlay_start_1:
0x0: {  	(tag) =	ssettag $0x1  }
0x1: {  	v0 =	vlaneseq.u32  }
0x2: {  	s3 =	stileid.u32;
	v34 =	vmul.u32 $0x88, v0  }
0x3: {  	s0 =	rddreg [dreg:$0x0];
	vm0 =	vcmask $0x300;
	s4 =	sshll.u32 s3, $0x1;
	s3 =	simm.s32 $0x0;
	v0 =	vimm.s32 $0x0  }
0x4: {  	[smem:$0x7FF] =	sst s3;
	v1 =	vsel vm0, $0x3, v0;
	v0 =	vadd.s32 $0x2200, v34  }
0x5: {  	s2 =	rddreg [dreg:$0x1];
	_ =	strace $0x80000047;
	v40 =	vor.u32 $0x1, v34;
	[tilespmem:$0x1FC40] =	vst v0  }
0x6: {  	v45 =	vadd.s32 $0x1982, v34;
	[tilespmem:$0x1FD80] =	vst v40  }
0x7: {  	v56 =	vor.u32 $0x2, v34;
	[tilespmem:$0x1FD90] =	vst v45  }
0x8: {  	v60 =	vor.u32 $0x3, v34;
	[tilespmem:$0x1FDA0] =	vst v56  }
0x9: {  	v28 =	vadd.s32 $0x1983, v34;
	[tilespmem:$0x1FDB0] =	vst v60  }
0xa: {  	v26 =	vor.u32 $0x4, v34;
	[tilespmem:$0x1FDC0] =	vst v28  }
0xb: {  	v53 =	vadd.s32 $0x1984, v34;
	[tilespmem:$0x1FDD0] =	vst v26  }
0xc: {  	v2 =	vor.u32 $0x5, v34;
	[tilespmem:$0x1FDE0] =	vst v53  }
0xd: {  	v51 =	vadd.s32 $0x885, v34;
	[tilespmem:$0x1FDF0] =	vst v2  }
0xe: {  	v32 =	vadd.s32 $0x1985, v34;
	[tilespmem:$0x1FE00] =	vst v51  }
0xf: {  	v47 =	vor.u32 $0x6, v34;
	[tilespmem:$0x1FE10] =	vst v32  }
0x10: {  	v55 =	vadd.s32 $0x886, v34;
	[tilespmem:$0x1FE20] =	vst v47  }
0x11: {  	v61 =	vadd.s32 $0x1986, v34;
	[tilespmem:$0x1FE30] =	vst v55  }
0x12: {  	v9 =	vor.u32 $0x7, v34;
	[tilespmem:$0x1FE40] =	vst v61  }
0x13: {  	v21 =	vadd.s32 $0x887, v34;
	[tilespmem:$0x1FE50] =	vst v9  }
0x14: {  	v27 =	vadd.s32 $0x1987, v34;
	[tilespmem:$0x1FE60] =	vst v21  }
0x15: {  	v4 =	vadd.s32 $0x2205, v34;
	[tilespmem:$0x1FE70] =	vst v27  }
0x16: {  	v41 =	vadd.s32 $0x881, v34;
	[tilespmem:$0x1FE80] =	vst v4  }
0x17: {  	v46 =	vadd.s32 $0x2A85, v34;
	[tilespmem:$0x1FE90] =	vst v41  }
0x18: {  	v58 =	vadd.s32 $0x882, v34;
	[tilespmem:$0x1FEA0] =	vst v46  }
0x19: {  	v50 =	vadd.s32 $0x3305, v34;
	[tilespmem:$0x1FEB0] =	vst v58  }
0x1a: {  	v62 =	vadd.s32 $0x883, v34;
	[tilespmem:$0x1FEC0] =	vst v50  }
0x1b: {  	v24 =	vadd.s32 $0x3B85, v34;
	[tilespmem:$0x1FED0] =	vst v62  }
0x1c: {  	v5 =	vadd.s32 $0x2206, v34;
	[tilespmem:$0x1FEE0] =	vst v24  }
0x1d: {  	v49 =	vadd.s32 $0x884, v34;
	[tilespmem:$0x1FEF0] =	vst v5  }
0x1e: {  	v43 =	vadd.s32 $0x2A86, v34;
	[tilespmem:$0x1FF00] =	vst v49  }
0x1f: {  	v44 =	vadd.s32 $0x1101, v34;
	[tilespmem:$0x1FF10] =	vst v43  }
0x20: {  	v42 =	vadd.s32 $0x3306, v34;
	[tilespmem:$0x1FF20] =	vst v44  }
0x21: {  	v59 =	vadd.s32 $0x1102, v34;
	[tilespmem:$0x1FF30] =	vst v42  }
0x22: {  	v29 =	vadd.s32 $0x3B86, v34;
	[tilespmem:$0x1FF40] =	vst v59  }
0x23: {  	v63 =	vadd.s32 $0x1103, v34;
	[tilespmem:$0x1FF50] =	vst v29  }
0x24: {  	v54 =	vadd.s32 $0x2207, v34;
	[tilespmem:$0x1FF60] =	vst v63  }
0x25: {  	v38 =	vadd.s32 $0x1104, v34;
	[tilespmem:$0x1FF70] =	vst v54  }
0x26: {  	v33 =	vadd.s32 $0x2A87, v34;
	[tilespmem:$0x1FF80] =	vst v38  }
0x27: {  	v52 =	vadd.s32 $0x1105, v34;
	[tilespmem:$0x1FF90] =	vst v33  }
0x28: {  	v6 =	vadd.s32 $0x3307, v34;
	[tilespmem:$0x1FFA0] =	vst v52  }
0x29: {  	v30 =	vadd.s32 $0x1106, v34;
	[tilespmem:$0x1FFB0] =	vst v6  }
0x2a: {  	v39 =	vadd.s32 $0x1980, v34;
	[tilespmem:$0x1FFC0] =	vst v30  }
0x2b: {  	v48 =	vadd.s32 $0x1981, v34;
	[tilespmem:$0x1FFD0] =	vst v39  }
0x2c: {  	v31 =	vadd.s32 $0x1107, v34;
	[tilespmem:$0x1FFE0] =	vst v48  }
0x2d: {  	v0 =	vadd.s32 $0x2A80, v34;
	[tilespmem:$0x1FFF0] =	vst v31  }
0x2e: {  	[tilespmem:$0x1FC50] =	vst v0;
	v0 =	vadd.s32 $0x3300, v34  }
0x2f: {  	[tilespmem:$0x1FC60] =	vst v0;
	v0 =	vadd.s32 $0x3B80, v34  }
0x30: {  	[tilespmem:$0x1FC70] =	vst v0;
	v0 =	vadd.s32 $0x2201, v34  }
0x31: {  	[tilespmem:$0x1FC80] =	vst v0;
	v0 =	vadd.s32 $0x2A81, v34  }
0x32: {  	[tilespmem:$0x1FC90] =	vst v0;
	v0 =	vadd.s32 $0x3301, v34  }
0x33: {  	[tilespmem:$0x1FCA0] =	vst v0;
	v0 =	vadd.s32 $0x3B81, v34  }
0x34: {  	[tilespmem:$0x1FCB0] =	vst v0;
	v0 =	vadd.s32 $0x2202, v34  }
0x35: {  	s1 =	srdreg.scid;
	s18 =	simm.s32 $0x1;
	s20 =	simm.s32 $0xE400;
	[tilespmem:$0x1FCC0] =	vst v0;
	v0 =	vadd.s32 $0x2A82, v34  }
0x36: {  	s28 =	simm.s32 $0x2;
	s29 =	simm.s32 $0x12800;
	s15 =	simm.s32 $0x14B98;
	[tilespmem:$0x1FCD0] =	vst v0;
	v0 =	vadd.s32 $0x3302, v34  }
0x37: {  	s19 =	simm.s32 $0x147E0;
	s21 =	simm.s32 $0x14868;
	s22 =	simm.s32 $0x148F0;
	[tilespmem:$0x1FCE0] =	vst v0;
	v0 =	vadd.s32 $0x3B82, v34  }
0x38: {  	s23 =	simm.s32 $0x14978;
	s24 =	simm.s32 $0x14A00;
	s16 =	simm.s32 $0x14A88;
	[tilespmem:$0x1FCF0] =	vst v0;
	v0 =	vadd.s32 $0x2203, v34  }
0x39: {  	s25 =	simm.s32 $0x14B10;
	s30 =	simm.s32 $0x4;
	s1 =	sand.u32 $0x1, s1;
	[tilespmem:$0x1FD00] =	vst v0;
	v0 =	vadd.s32 $0x2A83, v34  }
0x3a: {  	s7 =	sadd.s32 $0x1000, s2;
	s8 =	sadd.s32 $0x2000, s2;
	s5 =	sor.u32 s1, s4;
	[tilespmem:$0x1FD10] =	vst v0;
	v0 =	vadd.s32 $0x3303, v34  }
0x3b: {  	s9 =	sadd.s32 $0x3000, s2;
	s10 =	sadd.s32 $0x4000, s2;
	s4 =	smul.u32 $0xC80, s5;
	[tilespmem:$0x1FD20] =	vst v0;
	v0 =	vadd.s32 $0x3B83, v34  }
0x3c: {  	s11 =	sadd.s32 $0x5000, s2;
	s12 =	sadd.s32 $0x6000, s2;
	s1 =	ssub.s32 $0x2, s1;
	[tilespmem:$0x1FD30] =	vst v0;
	v0 =	vadd.s32 $0x2204, v34  }
0x3d: {  	s13 =	sadd.s32 $0x7000, s2;
	s26 =	sshrl.u32 s1, $0x1;
	s6 =	sadd.s32 s4, s0;
	[tilespmem:$0x1FD40] =	vst v0;
	v0 =	vadd.s32 $0x2A84, v34  }
0x3e: {  	s4 =	sadd.s32 $0xF42A00, s0;
	s0 =	ssub.s32 s1, s26;
	s31 =	sadd.s32 $0x600, s6;
	[tilespmem:$0x1FD50] =	vst v0;
	v0 =	vadd.s32 $0x3304, v34  }
0x3f: {  	s5 =	smul.u32 $0xC8, s5;
	s0 =	smax.u32 s0, $0x1;
	[dreg:$0x3] =	wrdreg s31;
	[tilespmem:$0x1FD60] =	vst v0;
	v0 =	vadd.s32 $0x3B84, v34  }
0x40: {  	v35 =	vadd.s32 $0x880, v34;
	v36 =	vadd.s32 $0x1100, v34;
	s26 =	simm.s32 $0x3;
	s1 =	simm.s32 $0x0;
	[dreg:$0x4] =	wrdreg s0;
	[tilespmem:$0x1FD70] =	vst v0  }
.LBB2_1:
0x41: {  	[dreg:$0x5] =	wrdreg s1  }
0x42: {  	s0 =	rddreg [dreg:$0x3];
	s6 =	simm.s32 $0x5  }
0x43: {  	[tilespmem:s3], [sflag:$0x5] =	stream.linear.gather [hbm4b:s0+s3], $0x6400, $0x38;
	[tilespmem:$0x16C00] =	vst v63  }
0x44: {  	_ =	swait.ge [sflag:s6], $0x6400  }
0x45: {  	s14 =	simm.s32 $0x100;
	[sflag:s6] =	ssyncset.done $0x0  }
0x46: {  	s17 =	simm.s32 $0x6400;
	s31 =	simm.s32 $0x0;
	[sflag:s6] =	ssyncadd.s32 $0xFFFF9C00  }
0x47: {  	v37 =	vmov v26;
	v26 =	vmov v38;
	v38 =	vmov v2;
	[tilespmem:s17], [sflag:$0x1] =	stream.indirect.gather [hbm4b:s4+s14], $0x40, s3, s14, $0xb8;
	[tilespmem:$0x16C00] =	vst v63  }
.LBB2_2:
0x48: {  	_ =	swait.ge [sflag:s18], $0x4000;
	s1 =	sshllo.u32 s31, $0x1;
	s6 =	simm.s32 $0x100  }
0x49: {  	s14 =	simm.s32 $0xA400;
	[sflag:s18] =	ssyncset.done $0x0;
	s0 =	sshll.u32 s1, $0x8  }
0x4a: {  	p0 =	seq.s32 s31, $0x0;
	[sflag:s18] =	ssyncadd.s32 $0xFFFFC000;
	s0 =	sand.u32 $0x3FFFFF00, s0  }
0x4b: {  	[tilespmem:s14], [sflag:$0x2] =	stream.indirect.gather [hbm4b:s4+s6], $0x40, s0, s6, $0xb8;
	[tilespmem:$0x16C00] =	vst v63  }
0x4c: {  	s0 =	simm.s32 @!p0 $0x3  }
0x4d: {  	_ =	swait.ge @!p0 [sflag:s0], $0x400  }
0x4e: {  	[sflag:s0] =	ssyncset.done @!p0 $0x0  }
0x4f: {  	[sflag:s0] =	ssyncadd.s32 @!p0 $0xFFFFFC00  }
0x50: {  	_ =	swait.ge @!p0 [sflag:s0], $0x400  }
0x51: {  	[sflag:s0] =	ssyncset.done @!p0 $0x0  }
0x52: {  	[sflag:s0] =	ssyncadd.s32 @!p0 $0xFFFFFC00  }
0x53: {  	_ =	swait.ge @!p0 [sflag:s0], $0x400  }
0x54: {  	[sflag:s0] =	ssyncset.done @!p0 $0x0  }
0x55: {  	[sflag:s0] =	ssyncadd.s32 @!p0 $0xFFFFFC00  }
0x56: {  	_ =	swait.ge @!p0 [sflag:s0], $0x400  }
0x57: {  	[sflag:s0] =	ssyncset.done @!p0 $0x0  }
0x58: {  	[sflag:s0] =	ssyncadd.s32 @!p0 $0xFFFFFC00  }
0x59: {  	_ =	swait.ge @!p0 [sflag:s0], $0x400  }
0x5a: {  	[sflag:s0] =	ssyncset.done @!p0 $0x0  }
0x5b: {  	[sflag:s0] =	ssyncadd.s32 @!p0 $0xFFFFFC00  }
0x5c: {  	_ =	swait.ge @!p0 [sflag:s0], $0x400  }
0x5d: {  	[sflag:s0] =	ssyncset.done @!p0 $0x0  }
0x5e: {  	[sflag:s0] =	ssyncadd.s32 @!p0 $0xFFFFFC00  }
0x5f: {  	_ =	swait.ge @!p0 [sflag:s0], $0x400  }
0x60: {  	[sflag:s0] =	ssyncset.done @!p0 $0x0  }
0x61: {  	[sflag:s0] =	ssyncadd.s32 @!p0 $0xFFFFFC00  }
0x62: {  	_ =	swait.ge @!p0 [sflag:s0], $0x400  }
0x63: {  	[sflag:s0] =	ssyncset.done @!p0 $0x0  }
0x64: {  	[sflag:s0] =	ssyncadd.s32 @!p0 $0xFFFFFC00  }
0x65: {  	_ =	swait.ge @!p0 [sflag:s0], $0x400  }
0x66: {  	[sflag:s0] =	ssyncset.done @!p0 $0x0  }
0x67: {  	[sflag:s0] =	ssyncadd.s32 @!p0 $0xFFFFFC00  }
0x68: {  	_ =	swait.ge @!p0 [sflag:s0], $0x400  }
0x69: {  	[sflag:s0] =	ssyncset.done @!p0 $0x0  }
0x6a: {  	[sflag:s0] =	ssyncadd.s32 @!p0 $0xFFFFFC00  }
0x6b: {  	_ =	swait.ge @!p0 [sflag:s0], $0x400  }
0x6c: {  	[sflag:s0] =	ssyncset.done @!p0 $0x0  }
0x6d: {  	[sflag:s0] =	ssyncadd.s32 @!p0 $0xFFFFFC00  }
0x6e: {  	_ =	swait.ge @!p0 [sflag:s0], $0x400  }
0x6f: {  	[sflag:s0] =	ssyncset.done @!p0 $0x0  }
0x70: {  	[sflag:s0] =	ssyncadd.s32 @!p0 $0xFFFFFC00  }
0x71: {  	_ =	swait.ge @!p0 [sflag:s0], $0x400  }
0x72: {  	[sflag:s0] =	ssyncset.done @!p0 $0x0  }
0x73: {  	[sflag:s0] =	ssyncadd.s32 @!p0 $0xFFFFFC00  }
0x74: {  	_ =	swait.ge @!p0 [sflag:s0], $0x400  }
0x75: {  	s17 =	simm.s32 $0x1;
	[sflag:s0] =	ssyncset.done @!p0 $0x0  }
0x76: {  	v2 =	vmov s17;
	s17 =	simm.s32 $0x4;
	[sflag:s0] =	ssyncadd.s32 @!p0 $0xFFFFFC00  }
0x77: {  	v5 =	vmov s17;
	s17 =	simm.s32 $0x6;
	_ =	swait.ge @!p0 [sflag:s0], $0x400  }
0x78: {  	v2 =	vshrl.u32 v2, $0x3;
	s14 =	simm.s32 $0x0;
	s6 =	simm.s32 $0x2;
	v7 =	vmov s17;
	v5 =	vshrl.u32 v5, $0x3;
	[sflag:s0] =	ssyncset.done @!p0 $0x0  }
0x79: {  	s17 =	simm.s32 $0x7;
	v2 =	vshll.u32 v2, v1;
	v0 =	vmov s14;
	v3 =	vmov s6;
	[sflag:s0] =	ssyncadd.s32 @!p0 $0xFFFFFC00  }
0x7a: {  	v8 =	vmov s17;
	v10 =	vshrl.u32 v7, $0x3;
	v11 =	vshll.u32 v5, v1;
	_ =	swait.ge @!p0 [sflag:s0], $0x400  }
0x7b: {  	s14 =	simm.s32 $0x3;
	v33 =	vbroadcast v2, $0x0;
	v0 =	vshrl.u32 v0, $0x3;
	v8 =	vshrl.u32 v8, $0x3;
	[sflag:s0] =	ssyncset.done @!p0 $0x0  }
0x7c: {  	s17 =	simm.s32 $0x6500;
	v4 =	vmov s14;
	v0 =	vshll.u32 v0, v1;
	v8 =	vshll.u32 v8, v1;
	[sflag:s0] =	ssyncadd.s32 @!p0 $0xFFFFFC00  }
0x7d: {  	s14 =	simm.s32 $0x5;
	v3 =	vshrl.u32 v3, $0x3;
	v29 =	vbroadcast v0, $0x0;
	v43 =	vbroadcast v8, $0x0;
	v0 =	vld [tilespmem:s17+$0xC0]  }
0x7e: {  	v6 =	vmov s14;
	v4 =	vshrl.u32 v4, $0x3;
	v3 =	vshll.u32 v3, v1;
	v8 =	vld [tilespmem:s17+$0xFFFFFF00]  }
0x7f: {  	v6 =	vshrl.u32 v6, $0x3;
	v4 =	vshll.u32 v4, v1;
	v13 =	vadd.s32 v9, v43;
	v12 =	vld [tilespmem:s17+$0xFFFFFF40]  }
0x80: {  	v5 =	vbroadcast v3, $0x0;
	v2 =	vshll.u32 v6, v1;
	v6 =	vadd.s32 v34, v29;
	v14 =	vld [tilespmem:s17+$0xFFFFFF80]  }
0x81: {  	v10 =	vshll.u32 v10, v1;
	v15 =	vadd.s32 v40, v33;
	v4 =	vbroadcast v4, $0x0;
	v16 =	vld [tilespmem:s17+$0xFFFFFFC0]  }
0x82: {  	v3 =	vbroadcast v11, $0x0;
	v17 =	vadd.s32 v56, v5;
	v18 =	vld [tilespmem:s17+$0x0];
	v11 =	vmul.f32 $8.000000000e+00, v0  }
0x83: {  	v19 =	vadd.s32 v60, v4;
	v20 =	vld [tilespmem:s17+$0x40];
	v8 =	vmul.f32 $8.000000000e+00, v8;
	v0 =	vbroadcast v2, $0x0  }
0x84: {  	v22 =	vadd.s32 v37, v3;
	v23 =	vld [tilespmem:s17+$0x80];
	v12 =	vmul.f32 $8.000000000e+00, v12;
	v2 =	vbroadcast v10, $0x0;
	[tilespmem:v13+s20+$0x0] =	vst.idx.msk $0xffff, v11  }
0x85: {  	v42 =	vmov v9;
	[tilespmem:v6+s20+$0x0] =	vst.idx.msk $0xffff, v8;
	v6 =	vmul.f32 $8.000000000e+00, v14;
	v9 =	vadd.s32 v38, v0  }
0x86: {  	[tilespmem:v15+s20+$0x0] =	vst.idx.msk $0xffff, v12;
	v12 =	vmul.f32 $8.000000000e+00, v16;
	v14 =	vadd.s32 v47, v2;
	v13 =	vld [tilespmem:s17+$0xFFFFFF10]  }
0x87: {  	s14 =	simm.s32 $0x8;
	v7 =	vld [tilespmem:s17+$0xD0];
	[tilespmem:v17+s20+$0x0] =	vst.idx.msk $0xffff, v6;
	v6 =	vmul.f32 $8.000000000e+00, v18  }
0x88: {  	v24 =	vadd.s32 v35, v29;
	v10 =	vmov s14;
	s14 =	simm.s32 $0xA;
	v16 =	vld [tilespmem:s17+$0xFFFFFF50];
	[tilespmem:v19+s20+$0x0] =	vst.idx.msk $0xffff, v12;
	v12 =	vmul.f32 $8.000000000e+00, v20  }
0x89: {  	v17 =	vadd.s32 v21, v43;
	v18 =	vmov s14;
	s14 =	simm.s32 $0xC;
	v25 =	vld [tilespmem:s17+$0xFFFFFF90];
	[tilespmem:v22+s20+$0x0] =	vst.idx.msk $0xffff, v6;
	v6 =	vmul.f32 $8.000000000e+00, v23  }
0x8a: {  	v46 =	vshrl.u32 v10, $0x3;
	v20 =	vadd.s32 v41, v33;
	v11 =	vld [tilespmem:s17+$0xFFFFFFD0];
	v54 =	vmov s14;
	s14 =	simm.s32 $0xE;
	[tilespmem:v9+s20+$0x0] =	vst.idx.msk $0xffff, v12  }
0x8b: {  	v23 =	vadd.s32 v58, v5;
	v10 =	vld [tilespmem:s17+$0x10];
	v12 =	vmul.f32 $8.000000000e+00, v13;
	[tilespmem:v14+s20+$0x0] =	vst.idx.msk $0xffff, v6;
	v6 =	vmov s14  }
0x8c: {  	v9 =	vmul.f32 $8.000000000e+00, v7;
	v13 =	vadd.s32 v62, v4;
	v15 =	vld [tilespmem:s17+$0x50];
	[tilespmem:$0x1FC00] =	vst v6  }
0x8d: {  	v14 =	vmul.f32 $8.000000000e+00, v16;
	v16 =	vadd.s32 v49, v3;
	v8 =	vld [tilespmem:s17+$0x90];
	[tilespmem:v24+s20+$0x0] =	vst.idx.msk $0xffff, v12  }
0x8e: {  	[tilespmem:v17+s20+$0x0] =	vst.idx.msk $0xffff, v9;
	v12 =	vmul.f32 $8.000000000e+00, v25;
	v17 =	vadd.s32 v51, v0;
	v6 =	vld [tilespmem:s17+$0xFFFFFF20]  }
0x8f: {  	[tilespmem:v20+s20+$0x0] =	vst.idx.msk $0xffff, v14;
	v11 =	vmul.f32 $8.000000000e+00, v11  }
0x90: {  	v14 =	vadd.s32 v55, v2;
	v24 =	vld [tilespmem:s17+$0xE0];
	[tilespmem:v23+s20+$0x0] =	vst.idx.msk $0xffff, v12;
	v10 =	vmul.f32 $8.000000000e+00, v10  }
0x91: {  	s6 =	simm.s32 $0x9;
	v20 =	vld [tilespmem:s17+$0xFFFFFF60];
	[tilespmem:v13+s20+$0x0] =	vst.idx.msk $0xffff, v11;
	v11 =	vmul.f32 $8.000000000e+00, v15  }
0x92: {  	v50 =	vmov s6;
	v7 =	vld [tilespmem:s17+$0xFFFFFFA0];
	[tilespmem:v16+s20+$0x0] =	vst.idx.msk $0xffff, v10  }
0x93: {  	v9 =	vld [tilespmem:s17+$0xFFFFFFE0];
	v8 =	vmul.f32 $8.000000000e+00, v8;
	[tilespmem:v17+s20+$0x0] =	vst.idx.msk $0xffff, v11;
	v17 =	vmul.f32 $8.000000000e+00, v6;
	v6 =	vadd.s32 v63, v4  }
0x94: {  	v22 =	vshll.u32 v46, v1;
	v46 =	vshrl.u32 v50, $0x3;
	v50 =	vshrl.u32 v54, $0x3;
	v54 =	vmovc v21;
	v21 =	vld [tilespmem:s17+$0x20];
	[tilespmem:$0x1FC10] =	vst v6  }
0x95: {  	v10 =	vld [tilespmem:$0x1FC00];
	[tilespmem:v14+s20+$0x0] =	vst.idx.msk $0xffff, v8;
	v14 =	vadd.s32 v26, v3  }
0x96: {  	v25 =	vld [tilespmem:s17+$0x60];
	[tilespmem:$0x1FC20] =	vst v14  }
0x97: {  	v14 =	vld [tilespmem:s17+$0xA0]  }
0x98: {  	v12 =	vadd.s32 v31, v43  }
0x99: {  	v23 =	vadd.s32 v36, v29  }
0x9a: {  	v13 =	vadd.s32 v44, v33  }
0x9b: {  	v16 =	vadd.s32 v59, v5;
	v11 =	vmul.f32 $8.000000000e+00, v24  }
0x9c: {  	[tilespmem:$0x1FC30] =	vst v14  }
0x9d: {  	v8 =	vmul.f32 $8.000000000e+00, v20;
	[tilespmem:v12+s20+$0x0] =	vst.idx.msk $0xffff, v11  }
0x9e: {  	v7 =	vmul.f32 $8.000000000e+00, v7;
	[tilespmem:v23+s20+$0x0] =	vst.idx.msk $0xffff, v17  }
0x9f: {  	[tilespmem:v13+s20+$0x0] =	vst.idx.msk $0xffff, v8  }
0xa0: {  	[tilespmem:v16+s20+$0x0] =	vst.idx.msk $0xffff, v7  }
0xa1: {  	v7 =	vld [tilespmem:$0x1FC10];
	_ =	sdelay $0x5  }
0xa2: {  	v9 =	vmul.f32 $8.000000000e+00, v9;
	_ =	sdelay $0x1  }
0xa3: {  	[tilespmem:v7+s20+$0x0] =	vst.idx.msk $0xffff, v9  }
0xa4: {  	v7 =	vmul.f32 $8.000000000e+00, v25;
	v25 =	vld [tilespmem:$0x1FC20];
	_ =	sdelay $0x5  }
0xa5: {  	v24 =	vmul.f32 $8.000000000e+00, v21  }
0xa6: {  	s6 =	simm.s32 $0xB  }
0xa7: {  	v19 =	vmov s6;
	s6 =	simm.s32 $0xD;
	[tilespmem:v25+s20+$0x0] =	vst.idx.msk $0xffff, v24  }
0xa8: {  	v57 =	vmov s6;
	v18 =	vshrl.u32 v18, $0x3;
	v24 =	vld [tilespmem:$0x1FC30]  }
0xa9: {  	v19 =	vshrl.u32 v19, $0x3;
	v57 =	vshrl.u32 v57, $0x3;
	v15 =	vshll.u32 v46, v1;
	v20 =	vld [tilespmem:s17+$0xF0]  }
0xaa: {  	v6 =	vbroadcast v22, $0x0;
	v22 =	vadd.s32 v52, v0;
	v12 =	vshll.u32 v18, v1;
	v18 =	vld [tilespmem:s17+$0xFFFFFF30]  }
0xab: {  	v21 =	vadd.s32 v48, v33;
	v10 =	vshrl.u32 v10, $0x3;
	v13 =	vshll.u32 v19, v1;
	v19 =	vld [tilespmem:s17+$0xFFFFFF70]  }
0xac: {  	v46 =	vmovc v49;
	v14 =	vshll.u32 v50, v1;
	v23 =	vadd.s32 v30, v2;
	v8 =	vadd.s32 v27, v43;
	v16 =	vld [tilespmem:s17+$0xFFFFFFB0]  }
0xad: {  	s6 =	simm.s32 $0x10;
	s14 =	simm.s32 $0xF;
	v50 =	vmovc v26;
	v17 =	vadd.s32 v39, v29;
	v11 =	vshll.u32 v57, v1;
	v43 =	vmovc v37;
	v9 =	vld [tilespmem:s17+$0xFFFFFFF0];
	v24 =	vmul.f32 $8.000000000e+00, v24  }
.LBB2_3:
0xae: {  	_ =	sdelay $0x1  }
0xaf: {  	v25 =	vmov s14;
	v5 =	vadd.s32 v45, v5;
	v26 =	vld [tilespmem:s17+$0x30];
	[tilespmem:v22+s20+$0x0] =	vst.idx.msk $0xffff, v7;
	v20 =	vmul.f32 $8.000000000e+00, v20  }
0xb0: {  	v4 =	vadd.s32 v28, v4;
	v7 =	vmovc v6;
	v6 =	vshrl.u32 v25, $0x3;
	[tilespmem:v23+s20+$0x0] =	vst.idx.msk $0xffff, v24;
	v22 =	vld [tilespmem:s17+$0x70];
	v18 =	vmul.f32 $8.000000000e+00, v18  }
0xb1: {  	v3 =	vadd.s32 v53, v3;
	v6 =	vshll.u32 v6, v1;
	v23 =	vld [tilespmem:s17+$0xB0];
	s17 =	sadd.s32 $0x200, s17;
	v19 =	vmul.f32 $8.000000000e+00, v19;
	[tilespmem:v8+s20+$0x0] =	vst.idx.msk $0xffff, v20  }
0xb2: {  	v0 =	vadd.s32 v32, v0;
	v8 =	vbroadcast v6, $0x0;
	[tilespmem:v17+s20+$0x0] =	vst.idx.msk $0xffff, v18;
	v6 =	vmul.f32 $8.000000000e+00, v16;
	v20 =	vld [tilespmem:s17+$0xC0]  }
0xb3: {  	v10 =	vshll.u32 v10, v1;
	v2 =	vadd.s32 v61, v2;
	[tilespmem:v21+s20+$0x0] =	vst.idx.msk $0xffff, v19;
	v17 =	vmul.f32 $8.000000000e+00, v9;
	v16 =	vld [tilespmem:s17+$0xFFFFFF00]  }
0xb4: {  	v9 =	vbroadcast v15, $0x0;
	v18 =	vld [tilespmem:s17+$0xFFFFFF40];
	v15 =	vadd.s32 v42, v8;
	[tilespmem:v5+s20+$0x0] =	vst.idx.msk $0xffff, v6;
	v6 =	vmul.f32 $8.000000000e+00, v26  }
0xb5: {  	v19 =	vadd.s32 v34, v7;
	v5 =	vbroadcast v12, $0x0;
	[tilespmem:v4+s20+$0x0] =	vst.idx.msk $0xffff, v17;
	v12 =	vmul.f32 $8.000000000e+00, v22;
	v21 =	vld [tilespmem:s17+$0xFFFFFF80]  }
0xb6: {  	v17 =	vadd.s32 v40, v9;
	v4 =	vbroadcast v13, $0x0;
	v22 =	vld [tilespmem:s17+$0xFFFFFFC0];
	[tilespmem:v3+s20+$0x0] =	vst.idx.msk $0xffff, v6;
	v6 =	vmul.f32 $8.000000000e+00, v23  }
0xb7: {  	v13 =	vadd.s32 v56, v5;
	v3 =	vbroadcast v14, $0x0;
	[tilespmem:v0+s20+$0x0] =	vst.idx.msk $0xffff, v12;
	v23 =	vld [tilespmem:s17+$0x0];
	v14 =	vmul.f32 $8.000000000e+00, v20  }
0xb8: {  	v0 =	vbroadcast v11, $0x0;
	v12 =	vmul.f32 $8.000000000e+00, v16;
	v16 =	vadd.s32 v60, v4;
	v20 =	vld [tilespmem:s17+$0x40];
	[tilespmem:v2+s20+$0x0] =	vst.idx.msk $0xffff, v6  }
0xb9: {  	v6 =	vmul.f32 $8.000000000e+00, v18;
	v11 =	vadd.s32 v43, v3;
	v2 =	vbroadcast v10, $0x0;
	v18 =	vld [tilespmem:s17+$0x80];
	[tilespmem:v15+s20+$0x0] =	vst.idx.msk $0xffff, v14  }
0xba: {  	[tilespmem:v19+s20+$0x0] =	vst.idx.msk $0xffff, v12;
	v12 =	vmul.f32 $8.000000000e+00, v21;
	v14 =	vadd.s32 v38, v0;
	v15 =	vld [tilespmem:s17+$0xD0]  }
0xbb: {  	[tilespmem:v17+s20+$0x0] =	vst.idx.msk $0xffff, v6;
	v6 =	vmul.f32 $8.000000000e+00, v22;
	v17 =	vadd.s32 v47, v2;
	v19 =	vld [tilespmem:s17+$0xFFFFFF10]  }
0xbc: {  	v22 =	vld [tilespmem:s17+$0xFFFFFF50];
	[tilespmem:v13+s20+$0x0] =	vst.idx.msk $0xffff, v12;
	v12 =	vmul.f32 $8.000000000e+00, v23;
	v13 =	vadd.s32 v54, v8  }
0xbd: {  	v24 =	vadd.s32 v35, v7;
	v25 =	vld [tilespmem:s17+$0xFFFFFF90];
	[tilespmem:v16+s20+$0x0] =	vst.idx.msk $0xffff, v6;
	v6 =	vmul.f32 $8.000000000e+00, v20  }
0xbe: {  	v20 =	vadd.s32 v41, v9;
	v26 =	vld [tilespmem:s17+$0xFFFFFFD0];
	[tilespmem:v11+s20+$0x0] =	vst.idx.msk $0xffff, v12;
	v11 =	vmul.f32 $8.000000000e+00, v18  }
0xbf: {  	v10 =	vmov s6;
	v18 =	vadd.s32 v58, v5;
	v27 =	vld [tilespmem:s17+$0x10];
	[tilespmem:v14+s20+$0x0] =	vst.idx.msk $0xffff, v6;
	v6 =	vmul.f32 $8.000000000e+00, v15  }
0xc0: {  	s14 =	sadd.s32 $0x1, s6;
	v57 =	vmovc v28;
	v10 =	vshrl.u32 v10, $0x3;
	v15 =	vmul.f32 $8.000000000e+00, v19;
	v19 =	vadd.s32 v62, v4;
	v28 =	vld [tilespmem:s17+$0x50];
	[tilespmem:v17+s20+$0x0] =	vst.idx.msk $0xffff, v11  }
0xc1: {  	v21 =	vmov s14;
	v17 =	vmul.f32 $8.000000000e+00, v22;
	v22 =	vadd.s32 v46, v3;
	v29 =	vld [tilespmem:s17+$0x90];
	[tilespmem:v13+s20+$0x0] =	vst.idx.msk $0xffff, v6  }
0xc2: {  	s14 =	sadd.s32 $0x2, s6;
	v6 =	vshll.u32 v10, v1;
	[tilespmem:v24+s20+$0x0] =	vst.idx.msk $0xffff, v15;
	v10 =	vmul.f32 $8.000000000e+00, v25;
	v13 =	vadd.s32 v51, v0;
	v15 =	vld [tilespmem:s17+$0xE0]  }
0xc3: {  	v23 =	vmov s14;
	s14 =	sadd.s32 $0x3, s6;
	[tilespmem:v20+s20+$0x0] =	vst.idx.msk $0xffff, v17;
	v20 =	vadd.s32 v55, v2;
	v24 =	vld [tilespmem:s17+$0xFFFFFF20];
	v17 =	vmul.f32 $8.000000000e+00, v26  }
0xc4: {  	v16 =	vmov s14;
	s14 =	sadd.s32 $0x4, s6;
	v25 =	vld [tilespmem:s17+$0xFFFFFF60];
	[tilespmem:v18+s20+$0x0] =	vst.idx.msk $0xffff, v10;
	v10 =	vmul.f32 $8.000000000e+00, v27;
	v18 =	vadd.s32 v31, v8  }
0xc5: {  	v12 =	vmov s14;
	s14 =	sadd.s32 $0x5, s6;
	v26 =	vadd.s32 v36, v7;
	v27 =	vld [tilespmem:s17+$0xFFFFFFA0];
	[tilespmem:v19+s20+$0x0] =	vst.idx.msk $0xffff, v17;
	v17 =	vmul.f32 $8.000000000e+00, v28  }
0xc6: {  	v49 =	vmovc v30;
	v14 =	vmov s14;
	s14 =	sadd.s32 $0x6, s6;
	v28 =	vshrl.u32 v12, $0x3;
	v30 =	vld [tilespmem:s17+$0xFFFFFFE0];
	[tilespmem:v22+s20+$0x0] =	vst.idx.msk $0xffff, v10;
	v12 =	vmul.f32 $8.000000000e+00, v29  }
0xc7: {  	v11 =	vmov s14;
	v19 =	vadd.s32 v44, v9;
	v31 =	vld [tilespmem:s17+$0x20];
	[tilespmem:v13+s20+$0x0] =	vst.idx.msk $0xffff, v17;
	v13 =	vmul.f32 $8.000000000e+00, v15  }
0xc8: {  	v37 =	vmovc v32;
	v21 =	vshrl.u32 v21, $0x3;
	v10 =	vshrl.u32 v11, $0x3;
	v11 =	vmul.f32 $8.000000000e+00, v24;
	v32 =	vld [tilespmem:s17+$0x60];
	[tilespmem:v20+s20+$0x0] =	vst.idx.msk $0xffff, v12  }
0xc9: {  	v23 =	vshrl.u32 v23, $0x3;
	v29 =	vshrl.u32 v14, $0x3;
	v14 =	vadd.s32 v59, v5;
	v33 =	vld [tilespmem:s17+$0xA0];
	[tilespmem:v18+s20+$0x0] =	vst.idx.msk $0xffff, v13  }
0xca: {  	v24 =	vadd.s32 v63, v4;
	v17 =	vmul.f32 $8.000000000e+00, v25;
	[tilespmem:v26+s20+$0x0] =	vst.idx.msk $0xffff, v11;
	v11 =	vmul.f32 $8.000000000e+00, v27;
	v27 =	vld [tilespmem:$0x1FE70]  }
0xcb: {  	p0 =	slt.u32 s6, $0x78;
	v22 =	vadd.s32 v52, v0;
	v25 =	vadd.s32 v50, v3;
	v15 =	vshll.u32 v21, v1;
	v20 =	vld [tilespmem:s17+$0xF0]  }
.Ltmp0:
0xcc: {  	v16 =	vshrl.u32 v16, $0x3;
	v12 =	vshll.u32 v23, v1;
	v23 =	vadd.s32 v49, v2;
	[tilespmem:v19+s20+$0x0] =	vst.idx.msk $0xffff, v17;
	v18 =	vld [tilespmem:s17+$0xFFFFFF30];
	(pc) =	sbr.rel @p0 .LBB2_3-.Ltmp0, $4  }
0xcd: {  	v13 =	vshll.u32 v16, v1;
	v17 =	vadd.s32 v39, v7;
	v21 =	vmul.f32 $8.000000000e+00, v30;
	v19 =	vld [tilespmem:s17+$0xFFFFFF70]  }
0xce: {  	v6 =	vbroadcast v6, $0x0;
	v30 =	vmovc v49;
	[tilespmem:v14+s20+$0x0] =	vst.idx.msk $0xffff, v11;
	v26 =	vmul.f32 $8.000000000e+00, v31;
	v31 =	vld [tilespmem:$0x1FFF0];
	v14 =	vshll.u32 v28, v1  }
0xcf: {  	v28 =	vmovc v57;
	v11 =	vshll.u32 v29, v1;
	v16 =	vld [tilespmem:s17+$0xFFFFFFB0];
	[tilespmem:v24+s20+$0x0] =	vst.idx.msk $0xffff, v21;
	v7 =	vmul.f32 $8.000000000e+00, v32;
	v32 =	vmov v37  }
0xd0: {  	s0 =	simm.s32 $0x85F0;
	s14 =	sadd.s32 $0x7, s6;
	s6 =	sadd.s32 $0x8, s6;
	v21 =	vadd.s32 v48, v9;
	v9 =	vld [tilespmem:s17+$0xFFFFFFF0];
	[tilespmem:v25+s20+$0x0] =	vst.idx.msk $0xffff, v26;
	v24 =	vmul.f32 $8.000000000e+00, v33;
	v8 =	vadd.s32 v27, v8  }
0xd1: {  	_ =	sdelay $0x3  }
0xd2: {  	[tilespmem:v22+s20+$0x0] =	vst.idx.msk $0xffff, v7;
	v7 =	vmov s14;
	v5 =	vadd.s32 v45, v5;
	v22 =	vld [tilespmem:s17+$0x30];
	v20 =	vmul.f32 $8.000000000e+00, v20  }
0xd3: {  	v18 =	vmul.f32 $8.000000000e+00, v18;
	v4 =	vadd.s32 v28, v4;
	[tilespmem:v23+s20+$0x0] =	vst.idx.msk $0xffff, v24;
	v7 =	vshrl.u32 v7, $0x3;
	v23 =	vld [tilespmem:s17+$0x70]  }
0xd4: {  	v3 =	vadd.s32 v53, v3;
	s6 =	sadd.s32 $0x200, s17;
	[tilespmem:v8+s20+$0x0] =	vst.idx.msk $0xffff, v20;
	v7 =	vshll.u32 v7, v1;
	v8 =	vmul.f32 $8.000000000e+00, v19;
	v19 =	vld [tilespmem:s17+$0xB0]  }
0xd5: {  	v0 =	vadd.s32 v32, v0;
	[tilespmem:v17+s20+$0x0] =	vst.idx.msk $0xffff, v18;
	v17 =	vld [tilespmem:s6+$0xC0];
	v7 =	vbroadcast v7, $0x0;
	v16 =	vmul.f32 $8.000000000e+00, v16  }
0xd6: {  	v10 =	vshll.u32 v10, v1;
	v2 =	vadd.s32 v61, v2;
	[tilespmem:v21+s20+$0x0] =	vst.idx.msk $0xffff, v8;
	v8 =	vld [tilespmem:s6+$0xFFFFFF00];
	v9 =	vmul.f32 $8.000000000e+00, v9  }
0xd7: {  	v15 =	vbroadcast v15, $0x0;
	[tilespmem:v5+s20+$0x0] =	vst.idx.msk $0xffff, v16;
	v5 =	vld [tilespmem:s6+$0xFFFFFF40];
	v16 =	vadd.s32 v42, v7;
	v18 =	vmul.f32 $8.000000000e+00, v22  }
0xd8: {  	v12 =	vbroadcast v12, $0x0;
	[tilespmem:v4+s20+$0x0] =	vst.idx.msk $0xffff, v9;
	v4 =	vadd.s32 v34, v6;
	v9 =	vld [tilespmem:s6+$0xFFFFFF80];
	v20 =	vmul.f32 $8.000000000e+00, v23  }
0xd9: {  	v13 =	vbroadcast v13, $0x0;
	[tilespmem:v3+s20+$0x0] =	vst.idx.msk $0xffff, v18;
	v3 =	vadd.s32 v40, v15;
	v18 =	vld [tilespmem:s6+$0xFFFFFFC0];
	v19 =	vmul.f32 $8.000000000e+00, v19  }
0xda: {  	v14 =	vbroadcast v14, $0x0;
	v17 =	vmul.f32 $8.000000000e+00, v17;
	[tilespmem:v0+s20+$0x0] =	vst.idx.msk $0xffff, v20;
	v0 =	vadd.s32 v56, v12;
	v20 =	vld [tilespmem:s6+$0x0]  }
0xdb: {  	v11 =	vbroadcast v11, $0x0;
	v8 =	vmul.f32 $8.000000000e+00, v8;
	[tilespmem:v2+s20+$0x0] =	vst.idx.msk $0xffff, v19;
	v2 =	vadd.s32 v60, v13;
	v19 =	vld [tilespmem:s6+$0x40]  }
0xdc: {  	v10 =	vbroadcast v10, $0x0;
	v5 =	vmul.f32 $8.000000000e+00, v5;
	[tilespmem:v16+s20+$0x0] =	vst.idx.msk $0xffff, v17;
	v16 =	vadd.s32 v43, v14;
	v17 =	vld [tilespmem:s6+$0x80]  }
0xdd: {  	[tilespmem:v4+s20+$0x0] =	vst.idx.msk $0xffff, v8;
	v4 =	vmul.f32 $8.000000000e+00, v9;
	v8 =	vadd.s32 v38, v11;
	v9 =	vld [tilespmem:s6+$0xD0]  }
0xde: {  	[tilespmem:v3+s20+$0x0] =	vst.idx.msk $0xffff, v5;
	v3 =	vld [tilespmem:s6+$0xFFFFFF10];
	v5 =	vmul.f32 $8.000000000e+00, v18;
	v18 =	vadd.s32 v47, v10  }
0xdf: {  	[tilespmem:v0+s20+$0x0] =	vst.idx.msk $0xffff, v4;
	v0 =	vld [tilespmem:s6+$0xFFFFFF50];
	v4 =	vmul.f32 $8.000000000e+00, v20;
	v20 =	vadd.s32 v54, v7  }
0xe0: {  	[tilespmem:v2+s20+$0x0] =	vst.idx.msk $0xffff, v5;
	v2 =	vadd.s32 v35, v6;
	v5 =	vld [tilespmem:s6+$0xFFFFFF90];
	v19 =	vmul.f32 $8.000000000e+00, v19  }
0xe1: {  	[tilespmem:v16+s20+$0x0] =	vst.idx.msk $0xffff, v4;
	v4 =	vadd.s32 v41, v15;
	v16 =	vld [tilespmem:s6+$0xFFFFFFD0];
	v17 =	vmul.f32 $8.000000000e+00, v17  }
0xe2: {  	[tilespmem:v8+s20+$0x0] =	vst.idx.msk $0xffff, v19;
	v8 =	vadd.s32 v58, v12;
	v19 =	vld [tilespmem:s6+$0x10];
	v9 =	vmul.f32 $8.000000000e+00, v9  }
0xe3: {  	v3 =	vmul.f32 $8.000000000e+00, v3;
	[tilespmem:v18+s20+$0x0] =	vst.idx.msk $0xffff, v17;
	v17 =	vadd.s32 v62, v13;
	v18 =	vld [tilespmem:s6+$0x50]  }
0xe4: {  	v0 =	vmul.f32 $8.000000000e+00, v0;
	[tilespmem:v20+s20+$0x0] =	vst.idx.msk $0xffff, v9;
	v9 =	vadd.s32 v46, v14;
	v20 =	vld [tilespmem:s6+$0x90]  }
0xe5: {  	[tilespmem:v2+s20+$0x0] =	vst.idx.msk $0xffff, v3;
	v2 =	vmul.f32 $8.000000000e+00, v5;
	v3 =	vadd.s32 v51, v11;
	v5 =	vld [tilespmem:s6+$0xE0]  }
0xe6: {  	[tilespmem:v4+s20+$0x0] =	vst.idx.msk $0xffff, v0;
	v0 =	vld [tilespmem:s6+$0xFFFFFF20];
	v4 =	vmul.f32 $8.000000000e+00, v16;
	v16 =	vadd.s32 v55, v10  }
0xe7: {  	[tilespmem:v8+s20+$0x0] =	vst.idx.msk $0xffff, v2;
	v2 =	vld [tilespmem:s6+$0xFFFFFF60];
	v8 =	vmul.f32 $8.000000000e+00, v19;
	v19 =	vadd.s32 v31, v7  }
0xe8: {  	[tilespmem:v17+s20+$0x0] =	vst.idx.msk $0xffff, v4;
	v4 =	vadd.s32 v36, v6;
	v17 =	vld [tilespmem:s6+$0xFFFFFFA0];
	v18 =	vmul.f32 $8.000000000e+00, v18  }
0xe9: {  	[tilespmem:v9+s20+$0x0] =	vst.idx.msk $0xffff, v8;
	v8 =	vadd.s32 v44, v15;
	v9 =	vld [tilespmem:s6+$0xFFFFFFE0];
	v20 =	vmul.f32 $8.000000000e+00, v20  }
0xea: {  	[tilespmem:v3+s20+$0x0] =	vst.idx.msk $0xffff, v18;
	v3 =	vadd.s32 v59, v12;
	v18 =	vld [tilespmem:s6+$0x20];
	v5 =	vmul.f32 $8.000000000e+00, v5  }
0xeb: {  	v0 =	vmul.f32 $8.000000000e+00, v0;
	[tilespmem:v16+s20+$0x0] =	vst.idx.msk $0xffff, v20;
	v16 =	vadd.s32 v63, v13;
	v20 =	vld [tilespmem:s6+$0x60]  }
0xec: {  	v2 =	vmul.f32 $8.000000000e+00, v2;
	[tilespmem:v19+s20+$0x0] =	vst.idx.msk $0xffff, v5;
	v5 =	vadd.s32 v50, v14;
	v19 =	vld [tilespmem:s6+$0xA0]  }
0xed: {  	[tilespmem:v4+s20+$0x0] =	vst.idx.msk $0xffff, v0;
	v0 =	vmul.f32 $8.000000000e+00, v17;
	v4 =	vadd.s32 v52, v11;
	v17 =	vld [tilespmem:s6+$0xF0]  }
0xee: {  	[tilespmem:v8+s20+$0x0] =	vst.idx.msk $0xffff, v2;
	v2 =	vld [tilespmem:s6+$0xFFFFFF30];
	v8 =	vmul.f32 $8.000000000e+00, v9;
	v9 =	vadd.s32 v30, v10  }
0xef: {  	v7 =	vadd.s32 v27, v7;
	[tilespmem:v3+s20+$0x0] =	vst.idx.msk $0xffff, v0;
	v0 =	vld [tilespmem:s6+$0xFFFFFF70];
	v3 =	vmul.f32 $8.000000000e+00, v18  }
0xf0: {  	v6 =	vadd.s32 v39, v6;
	[tilespmem:v16+s20+$0x0] =	vst.idx.msk $0xffff, v8;
	v8 =	vld [tilespmem:s6+$0xFFFFFFB0];
	v16 =	vmul.f32 $8.000000000e+00, v20  }
0xf1: {  	v15 =	vadd.s32 v48, v15;
	[tilespmem:v5+s20+$0x0] =	vst.idx.msk $0xffff, v3;
	v3 =	vld [tilespmem:s6+$0xFFFFFFF0];
	v5 =	vmul.f32 $8.000000000e+00, v19  }
0xf2: {  	v12 =	vadd.s32 v45, v12;
	v18 =	vld [tilespmem:s6+$0x30];
	[tilespmem:v4+s20+$0x0] =	vst.idx.msk $0xffff, v16;
	v4 =	vmul.f32 $8.000000000e+00, v17  }
0xf3: {  	v13 =	vadd.s32 v28, v13;
	v2 =	vmul.f32 $8.000000000e+00, v2;
	v16 =	vld [tilespmem:s6+$0x70];
	[tilespmem:v9+s20+$0x0] =	vst.idx.msk $0xffff, v5  }
0xf4: {  	v5 =	vadd.s32 v53, v14;
	v0 =	vmul.f32 $8.000000000e+00, v0;
	v9 =	vld [tilespmem:s6+$0xB0];
	[tilespmem:v7+s20+$0x0] =	vst.idx.msk $0xffff, v4  }
0xf5: {  	v4 =	vadd.s32 v32, v11;
	[tilespmem:v6+s20+$0x0] =	vst.idx.msk $0xffff, v2;
	v2 =	vmul.f32 $8.000000000e+00, v8  }
0xf6: {  	[tilespmem:v15+s20+$0x0] =	vst.idx.msk $0xffff, v0;
	v0 =	vmul.f32 $8.000000000e+00, v3;
	v3 =	vadd.s32 v61, v10  }
0xf7: {  	[tilespmem:v12+s20+$0x0] =	vst.idx.msk $0xffff, v2;
	v2 =	vmul.f32 $8.000000000e+00, v18  }
0xf8: {  	[tilespmem:v13+s20+$0x0] =	vst.idx.msk $0xffff, v0;
	v0 =	vmul.f32 $8.000000000e+00, v16  }
0xf9: {  	[tilespmem:v5+s20+$0x0] =	vst.idx.msk $0xffff, v2;
	v2 =	vmul.f32 $8.000000000e+00, v9  }
0xfa: {  	[tilespmem:v4+s20+$0x0] =	vst.idx.msk $0xffff, v0  }
0xfb: {  	s17 =	simm.s32 $0x0;
	[tilespmem:v3+s20+$0x0] =	vst.idx.msk $0xffff, v2  }
0xfc: {  	v5 =	vmov s17;
	v39 =	vld [tilespmem:$0x1FCC0]  }
0xfd: {  	v0 =	vshrl.u32 v5, $0x3  }
0xfe: {  	v0 =	vshll.u32 v0, $0x3  }
0xff: {  	v5 =	vbroadcast v0, $0x0;
	v0 =	vld [tilespmem:s0+$0xFFFFFE90]  }
0x100: {  	v43 =	vld [tilespmem:$0x1FD00]  }
0x101: {  	v47 =	vld [tilespmem:$0x1FEF0];
	v2 =	vadd.s32 v39, v5  }
0x102: {  	v48 =	vld [tilespmem:$0x1FD40]  }
0x103: {  	v3 =	vld [tilespmem:s0+$0xFFFFFED0]  }
0x104: {  	v4 =	vld [tilespmem:s0+$0xFFFFFF90];
	v0 =	vmul.f32 $8.000000000e+00, v0  }
0x105: {  	v6 =	vld [tilespmem:s0+$0xFFFFFF10];
	v7 =	vadd.s32 v43, v5  }
0x106: {  	v9 =	vadd.s32 v47, v5;
	[tilespmem:v2+s20+$0x0] =	vst.idx.msk $0xffff, v0  }
0x107: {  	v11 =	vadd.s32 v48, v5;
	v54 =	vld [tilespmem:$0x1FF70]  }
0x108: {  	v0 =	vmul.f32 $8.000000000e+00, v3;
	v20 =	vld [tilespmem:$0x1FC40]  }
0x109: {  	v8 =	vld [tilespmem:s0+$0xFFFFFFD0];
	v4 =	vmul.f32 $8.000000000e+00, v4  }
0x10a: {  	v10 =	vld [tilespmem:s0+$0xFFFFFE10];
	v6 =	vmul.f32 $8.000000000e+00, v6;
	[tilespmem:v7+s20+$0x0] =	vst.idx.msk $0xffff, v0  }
0x10b: {  	v40 =	vld [tilespmem:$0x1FCD0];
	[tilespmem:v9+s20+$0x0] =	vst.idx.msk $0xffff, v4  }
0x10c: {  	v30 =	vld [tilespmem:$0x1FC80];
	[tilespmem:v11+s20+$0x0] =	vst.idx.msk $0xffff, v6;
	v3 =	vadd.s32 v54, v5  }
0x10d: {  	v44 =	vld [tilespmem:$0x1FD10];
	v12 =	vadd.s32 v20, v5  }
0x10e: {  	v2 =	vld [tilespmem:s0+$0xFFFFFEA0]  }
0x10f: {  	v13 =	vld [tilespmem:s0+$0xFFFFFE50];
	v4 =	vmul.f32 $8.000000000e+00, v8  }
0x110: {  	v7 =	vld [tilespmem:s0+$0xFFFFFEE0];
	v9 =	vmul.f32 $8.000000000e+00, v10;
	v0 =	vadd.s32 v40, v5  }
0x111: {  	v6 =	vld [tilespmem:s0+$0xFFFFFFA0];
	v8 =	vadd.s32 v30, v5;
	[tilespmem:v3+s20+$0x0] =	vst.idx.msk $0xffff, v4  }
0x112: {  	v10 =	vld [tilespmem:s0+$0xFFFFFF20];
	v11 =	vadd.s32 v44, v5;
	[tilespmem:v12+s20+$0x0] =	vst.idx.msk $0xffff, v9  }
0x113: {  	v2 =	vmul.f32 $8.000000000e+00, v2;
	v52 =	vld [tilespmem:$0x1FF10]  }
0x114: {  	v9 =	vmul.f32 $8.000000000e+00, v13;
	v4 =	vld [tilespmem:s0+$0xFFFFFFE0]  }
0x115: {  	v50 =	vld [tilespmem:$0x1FD50];
	[tilespmem:v0+s20+$0x0] =	vst.idx.msk $0xffff, v2;
	v0 =	vmul.f32 $8.000000000e+00, v7  }
0x116: {  	v55 =	vld [tilespmem:$0x1FF90];
	[tilespmem:v8+s20+$0x0] =	vst.idx.msk $0xffff, v9  }
0x117: {  	v27 =	vld [tilespmem:$0x1FC50];
	[tilespmem:v11+s20+$0x0] =	vst.idx.msk $0xffff, v0  }
0x118: {  	v41 =	vld [tilespmem:$0x1FCE0]  }
0x119: {  	v38 =	vld [tilespmem:$0x1FE80];
	v3 =	vadd.s32 v52, v5  }
0x11a: {  	v12 =	vld [tilespmem:s0+$0xFFFFFE20];
	v13 =	vadd.s32 v50, v5  }
0x11b: {  	v2 =	vld [tilespmem:s0+$0xFFFFFEB0];
	v7 =	vadd.s32 v55, v5  }
0x11c: {  	v14 =	vld [tilespmem:s0+$0xFFFFFF50];
	v6 =	vmul.f32 $8.000000000e+00, v6;
	v8 =	vadd.s32 v27, v5  }
0x11d: {  	v10 =	vmul.f32 $8.000000000e+00, v10;
	v0 =	vadd.s32 v41, v5  }
0x11e: {  	v11 =	vadd.s32 v38, v5;
	[tilespmem:v3+s20+$0x0] =	vst.idx.msk $0xffff, v6;
	v3 =	vmul.f32 $8.000000000e+00, v4  }
0x11f: {  	[tilespmem:v13+s20+$0x0] =	vst.idx.msk $0xffff, v10;
	v4 =	vmul.f32 $8.000000000e+00, v12  }
0x120: {  	v2 =	vmul.f32 $8.000000000e+00, v2;
	[tilespmem:v7+s20+$0x0] =	vst.idx.msk $0xffff, v3  }
0x121: {  	v3 =	vmul.f32 $8.000000000e+00, v14;
	[tilespmem:v8+s20+$0x0] =	vst.idx.msk $0xffff, v4  }
0x122: {  	v59 =	vld [tilespmem:$0x1FF30];
	[tilespmem:v0+s20+$0x0] =	vst.idx.msk $0xffff, v2  }
0x123: {  	v6 =	vld [tilespmem:s0+$0xFFFFFFB0];
	[tilespmem:v11+s20+$0x0] =	vst.idx.msk $0xffff, v3  }
0x124: {  	v63 =	vld [tilespmem:$0x1FFB0]  }
0x125: {  	v51 =	vld [tilespmem:$0x1FD60]  }
0x126: {  	v42 =	vld [tilespmem:$0x1FCF0]  }
0x127: {  	v7 =	vld [tilespmem:s0+$0xFFFFFFF0];
	v4 =	vadd.s32 v59, v5  }
0x128: {  	v10 =	vld [tilespmem:s0+$0xFFFFFF30]  }
0x129: {  	v0 =	vld [tilespmem:s0+$0xFFFFFEC0];
	v2 =	vadd.s32 v63, v5  }
0x12a: {  	v6 =	vmul.f32 $8.000000000e+00, v6;
	v3 =	vadd.s32 v51, v5  }
0x12b: {  	v9 =	vld [tilespmem:s0+$0xFFFFFE60];
	v12 =	vadd.s32 v42, v5  }
0x12c: {  	v32 =	vld [tilespmem:$0x1FC90];
	[tilespmem:v4+s20+$0x0] =	vst.idx.msk $0xffff, v6;
	v4 =	vmul.f32 $8.000000000e+00, v7  }
0x12d: {  	v15 =	vld [tilespmem:s0+$0xFFFFFEF0];
	v6 =	vmul.f32 $8.000000000e+00, v10  }
0x12e: {  	v0 =	vmul.f32 $8.000000000e+00, v0;
	v46 =	vld [tilespmem:$0x1FD20];
	[tilespmem:v2+s20+$0x0] =	vst.idx.msk $0xffff, v4  }
0x12f: {  	v28 =	vld [tilespmem:$0x1FC60];
	[tilespmem:v3+s20+$0x0] =	vst.idx.msk $0xffff, v6  }
0x130: {  	v24 =	vld [tilespmem:$0x1FF50];
	[tilespmem:v12+s20+$0x0] =	vst.idx.msk $0xffff, v0  }
0x131: {  	s6 =	simm.s32 $0x8;
	v22 =	vld [tilespmem:$0x1FEA0]  }
0x132: {  	v14 =	vmov s6;
	v8 =	vld [tilespmem:s0+$0xFFFFFE30];
	v17 =	vadd.s32 v32, v5  }
0x133: {  	v10 =	vshrl.u32 v14, $0x3;
	v14 =	vld [tilespmem:s0+$0xFFFFFFC0];
	v7 =	vadd.s32 v46, v5  }
0x134: {  	s17 =	simm.s32 $0x87F0;
	v11 =	vld [tilespmem:s0+$0xFFFFFF60];
	v10 =	vshll.u32 v10, $0x3;
	v4 =	vadd.s32 v28, v5  }
0x135: {  	v16 =	vld [tilespmem:s17+$0xFFFFFE10];
	v2 =	vbroadcast v10, $0x0;
	v3 =	vmul.f32 $8.000000000e+00, v9;
	v6 =	vadd.s32 v24, v5  }
0x136: {  	v10 =	vmul.f32 $8.000000000e+00, v15;
	v15 =	vld [tilespmem:s17+$0xFFFFFE50];
	v0 =	vadd.s32 v22, v5  }
0x137: {  	v8 =	vmul.f32 $8.000000000e+00, v8;
	v12 =	vadd.s32 v20, v2;
	[tilespmem:v17+s20+$0x0] =	vst.idx.msk $0xffff, v3;
	v3 =	vld [tilespmem:s17+$0xFFFFFE90]  }
0x138: {  	v17 =	vadd.s32 v30, v2;
	[tilespmem:v7+s20+$0x0] =	vst.idx.msk $0xffff, v10;
	v10 =	vmul.f32 $8.000000000e+00, v14  }
0x139: {  	v14 =	vadd.s32 v39, v2;
	[tilespmem:v4+s20+$0x0] =	vst.idx.msk $0xffff, v8;
	v4 =	vmul.f32 $8.000000000e+00, v11  }
0x13a: {  	v11 =	vmul.f32 $8.000000000e+00, v16;
	[tilespmem:v6+s20+$0x0] =	vst.idx.msk $0xffff, v10  }
0x13b: {  	v10 =	vmul.f32 $8.000000000e+00, v15;
	[tilespmem:v0+s20+$0x0] =	vst.idx.msk $0xffff, v4  }
0x13c: {  	v18 =	vld [tilespmem:s17+$0xFFFFFED0];
	[tilespmem:v12+s20+$0x0] =	vst.idx.msk $0xffff, v11;
	v0 =	vmul.f32 $8.000000000e+00, v3  }
0x13d: {  	v8 =	vld [tilespmem:s17+$0xFFFFFF10];
	[tilespmem:v17+s20+$0x0] =	vst.idx.msk $0xffff, v10  }
0x13e: {  	v16 =	vadd.s32 v43, v2;
	v6 =	vld [tilespmem:s17+$0xFFFFFF50];
	[tilespmem:v14+s20+$0x0] =	vst.idx.msk $0xffff, v0  }
0x13f: {  	v56 =	vld [tilespmem:$0x1FD30]  }
0x140: {  	v19 =	vld [tilespmem:s17+$0xFFFFFF90];
	v15 =	vadd.s32 v48, v2  }
0x141: {  	v13 =	vld [tilespmem:s17+$0xFFFFFFD0];
	v3 =	vadd.s32 v38, v2;
	v10 =	vmul.f32 $8.000000000e+00, v18  }
0x142: {  	v11 =	vld [tilespmem:s0+$0xFFFFFF00];
	v17 =	vadd.s32 v47, v2  }
0x143: {  	v8 =	vmul.f32 $8.000000000e+00, v8;
	[tilespmem:v16+s20+$0x0] =	vst.idx.msk $0xffff, v10;
	v16 =	vadd.s32 v54, v2  }
0x144: {  	v6 =	vmul.f32 $8.000000000e+00, v6;
	v14 =	vadd.s32 v56, v5  }
0x145: {  	[tilespmem:v15+s20+$0x0] =	vst.idx.msk $0xffff, v8;
	v15 =	vmul.f32 $8.000000000e+00, v19  }
0x146: {  	v13 =	vmul.f32 $8.000000000e+00, v13;
	[tilespmem:v3+s20+$0x0] =	vst.idx.msk $0xffff, v6  }
0x147: {  	v9 =	vld [tilespmem:s0+$0x0];
	v11 =	vmul.f32 $8.000000000e+00, v11;
	[tilespmem:v17+s20+$0x0] =	vst.idx.msk $0xffff, v15  }
0x148: {  	v25 =	vadd.s32 $0x3B87, v34;
	v10 =	vld [tilespmem:s17+$0xFFFFFEA0];
	[tilespmem:v16+s20+$0x0] =	vst.idx.msk $0xffff, v13  }
0x149: {  	v18 =	vadd.s32 v25, v5;
	v8 =	vld [tilespmem:s17+$0xFFFFFEE0];
	[tilespmem:v14+s20+$0x0] =	vst.idx.msk $0xffff, v11  }
0x14a: {  	v23 =	vld [tilespmem:$0x1FEC0]  }
0x14b: {  	v3 =	vadd.s32 v40, v2;
	v6 =	vld [tilespmem:s17+$0xFFFFFF20]  }
0x14c: {  	v9 =	vmul.f32 $8.000000000e+00, v9;
	v15 =	vadd.s32 v44, v2;
	v14 =	vld [tilespmem:s17+$0xFFFFFFA0]  }
0x14d: {  	v17 =	vld [tilespmem:s0+$0xFFFFFF70];
	v11 =	vadd.s32 v50, v2  }
0x14e: {  	v10 =	vmul.f32 $8.000000000e+00, v10;
	[tilespmem:v18+s20+$0x0] =	vst.idx.msk $0xffff, v9;
	v9 =	vadd.s32 v52, v2  }
0x14f: {  	v8 =	vmul.f32 $8.000000000e+00, v8;
	v16 =	vadd.s32 v23, v5  }
0x150: {  	v6 =	vmul.f32 $8.000000000e+00, v6;
	[tilespmem:v3+s20+$0x0] =	vst.idx.msk $0xffff, v10  }
0x151: {  	v7 =	vld [tilespmem:s0+$0xFFFFFE70];
	[tilespmem:v15+s20+$0x0] =	vst.idx.msk $0xffff, v8;
	v14 =	vmul.f32 $8.000000000e+00, v14  }
0x152: {  	v12 =	vld [tilespmem:s17+$0xFFFFFE20];
	v15 =	vmul.f32 $8.000000000e+00, v17;
	[tilespmem:v11+s20+$0x0] =	vst.idx.msk $0xffff, v6  }
0x153: {  	v33 =	vld [tilespmem:$0x1FCA0];
	[tilespmem:v9+s20+$0x0] =	vst.idx.msk $0xffff, v14  }
0x154: {  	v18 =	vld [tilespmem:s17+$0xFFFFFFE0];
	[tilespmem:v16+s20+$0x0] =	vst.idx.msk $0xffff, v15  }
0x155: {  	v3 =	vadd.s32 v27, v2;
	v58 =	vld [tilespmem:$0x1FD70]  }
0x156: {  	v4 =	vld [tilespmem:s17+$0xFFFFFE60]  }
0x157: {  	v10 =	vadd.s32 v55, v2;
	v8 =	vld [tilespmem:s17+$0xFFFFFEB0]  }
0x158: {  	v19 =	vld [tilespmem:s0+$0xFFFFFF40];
	v12 =	vmul.f32 $8.000000000e+00, v12;
	v11 =	vadd.s32 v33, v5  }
0x159: {  	v13 =	vld [tilespmem:s0+$0xFFFFFE40];
	v15 =	vadd.s32 v41, v2  }
0x15a: {  	v6 =	vld [tilespmem:s17+$0xFFFFFEF0];
	v9 =	vmul.f32 $8.000000000e+00, v18;
	[tilespmem:v3+s20+$0x0] =	vst.idx.msk $0xffff, v12;
	v18 =	vadd.s32 v58, v5  }
0x15b: {  	v14 =	vmul.f32 $8.000000000e+00, v7;
	v29 =	vld [tilespmem:$0x1FC70]  }
0x15c: {  	v8 =	vmul.f32 $8.000000000e+00, v8;
	v21 =	vld [tilespmem:s17+$0xFFFFFFB0];
	[tilespmem:v10+s20+$0x0] =	vst.idx.msk $0xffff, v9  }
0x15d: {  	v16 =	vld [tilespmem:s17+$0xFFFFFF30];
	v9 =	vmul.f32 $8.000000000e+00, v19;
	[tilespmem:v11+s20+$0x0] =	vst.idx.msk $0xffff, v14  }
0x15e: {  	v62 =	vld [tilespmem:$0x1FEE0];
	[tilespmem:v15+s20+$0x0] =	vst.idx.msk $0xffff, v8  }
0x15f: {  	v0 =	vmov v20;
	v20 =	vld [tilespmem:s0+$0xFFFFFF80];
	[tilespmem:v18+s20+$0x0] =	vst.idx.msk $0xffff, v9  }
0x160: {  	v12 =	vadd.s32 v29, v5;
	v60 =	vld [tilespmem:$0x1FCB0]  }
0x161: {  	v7 =	vld [tilespmem:s17+$0xFFFFFE30]  }
0x162: {  	v13 =	vmul.f32 $8.000000000e+00, v13;
	v10 =	vld [tilespmem:s17+$0xFFFFFFF0]  }
0x163: {  	v3 =	vadd.s32 v42, v2;
	v14 =	vmul.f32 $8.000000000e+00, v16;
	v11 =	vld [tilespmem:s0+$0xFFFFFE80];
	v17 =	vadd.s32 v62, v5  }
0x164: {  	v16 =	vadd.s32 v51, v2;
	v15 =	vadd.s32 v59, v2;
	v9 =	vld [tilespmem:s17+$0xFFFFFEC0];
	v18 =	vmul.f32 $8.000000000e+00, v20  }
0x165: {  	s0 =	simm.s32 $0x89F0;
	[tilespmem:v12+s20+$0x0] =	vst.idx.msk $0xffff, v13;
	v12 =	vadd.s32 v63, v2;
	v13 =	vld [tilespmem:s17+$0xFFFFFF60];
	v8 =	vadd.s32 v60, v5;
	v5 =	vmul.f32 $8.000000000e+00, v21  }
.LBB2_5:
0x166: {  	_ =	sdelay $0x1  }
0x167: {  	[tilespmem:v17+s20+$0x0] =	vst.idx.msk $0xffff, v18  }
0x168: {  	s6 =	sadd.s32 $0x8, s6;
	v19 =	vld [tilespmem:s0+$0xFFFFFFD0];
	v20 =	vadd.s32 v46, v2;
	[tilespmem:v15+s20+$0x0] =	vst.idx.msk $0xffff, v5;
	v11 =	vmul.f32 $8.000000000e+00, v11  }
0x169: {  	v17 =	vmov s6;
	v18 =	vld [tilespmem:s0+$0xFFFFFE10];
	[tilespmem:v16+s20+$0x0] =	vst.idx.msk $0xffff, v14;
	v16 =	vadd.s32 v28, v2;
	v5 =	vmul.f32 $8.000000000e+00, v10  }
0x16a: {  	v21 =	vadd.s32 v32, v2;
	v14 =	vld [tilespmem:s17+$0xFFFFFFC0];
	v10 =	vshrl.u32 v17, $0x3;
	v9 =	vmul.f32 $8.000000000e+00, v9;
	[tilespmem:v8+s20+$0x0] =	vst.idx.msk $0xffff, v11  }
0x16b: {  	v15 =	vld [tilespmem:s0+$0xFFFFFED0];
	v6 =	vmul.f32 $8.000000000e+00, v6;
	v10 =	vshll.u32 v10, $0x3;
	[tilespmem:v12+s20+$0x0] =	vst.idx.msk $0xffff, v5  }
0x16c: {  	v7 =	vmul.f32 $8.000000000e+00, v7;
	v5 =	vbroadcast v10, $0x0;
	v10 =	vadd.s32 v24, v2;
	v8 =	vld [tilespmem:s0+$0xFFFFFE50];
	[tilespmem:v3+s20+$0x0] =	vst.idx.msk $0xffff, v9  }
0x16d: {  	v4 =	vmul.f32 $8.000000000e+00, v4;
	v9 =	vadd.s32 v22, v2;
	[tilespmem:v20+s20+$0x0] =	vst.idx.msk $0xffff, v6;
	v20 =	vld [tilespmem:s0+$0xFFFFFF10]  }
0x16e: {  	[tilespmem:v16+s20+$0x0] =	vst.idx.msk $0xffff, v7;
	v7 =	vmul.f32 $8.000000000e+00, v13;
	v17 =	vld [tilespmem:s0+$0xFFFFFE90];
	v11 =	vadd.s32 v0, v5  }
0x16f: {  	[tilespmem:v21+s20+$0x0] =	vst.idx.msk $0xffff, v4;
	v13 =	vmul.f32 $8.000000000e+00, v18;
	v18 =	vld [tilespmem:s0+$0xFFFFFF50];
	v6 =	vmul.f32 $8.000000000e+00, v14;
	v4 =	vadd.s32 v30, v5  }
0x170: {  	v12 =	vld [tilespmem:s17+$0x0];
	v14 =	vadd.s32 v39, v5  }
0x171: {  	v21 =	vld [tilespmem:s17+$0xFFFFFE70];
	v16 =	vadd.s32 v43, v5;
	[tilespmem:v10+s20+$0x0] =	vst.idx.msk $0xffff, v6  }
0x172: {  	v6 =	vmul.f32 $8.000000000e+00, v8;
	v8 =	vadd.s32 v48, v5;
	[tilespmem:v9+s20+$0x0] =	vst.idx.msk $0xffff, v7;
	v10 =	vld [tilespmem:s0+$0xFFFFFF90]  }
0x173: {  	v9 =	vadd.s32 v38, v5;
	v7 =	vmul.f32 $8.000000000e+00, v17;
	[tilespmem:v11+s20+$0x0] =	vst.idx.msk $0xffff, v13;
	v11 =	vld [tilespmem:s17+$0xFFFFFF00]  }
0x174: {  	[tilespmem:v4+s20+$0x0] =	vst.idx.msk $0xffff, v6;
	v6 =	vmul.f32 $8.000000000e+00, v15;
	v15 =	vadd.s32 v47, v5;
	v13 =	vld [tilespmem:s0+$0xFFFFFE20]  }
0x175: {  	v4 =	vld [tilespmem:s0+$0xFFFFFE60];
	[tilespmem:v14+s20+$0x0] =	vst.idx.msk $0xffff, v7;
	v7 =	vmul.f32 $8.000000000e+00, v20;
	v14 =	vadd.s32 v56, v2  }
0x176: {  	v17 =	vld [tilespmem:s0+$0xFFFFFEA0];
	[tilespmem:v16+s20+$0x0] =	vst.idx.msk $0xffff, v6;
	v6 =	vmul.f32 $8.000000000e+00, v18;
	v16 =	vadd.s32 v54, v5  }
0x177: {  	v20 =	vld [tilespmem:s0+$0xFFFFFEE0];
	[tilespmem:v8+s20+$0x0] =	vst.idx.msk $0xffff, v7;
	v8 =	vadd.s32 v25, v2;
	v7 =	vmul.f32 $8.000000000e+00, v10  }
0x178: {  	v18 =	vmul.f32 $8.000000000e+00, v21;
	v10 =	vadd.s32 v40, v5;
	v21 =	vld [tilespmem:s0+$0xFFFFFF20];
	[tilespmem:v9+s20+$0x0] =	vst.idx.msk $0xffff, v6;
	v6 =	vmul.f32 $8.000000000e+00, v11  }
0x179: {  	v9 =	vadd.s32 v44, v5;
	v11 =	vld [tilespmem:s17+$0xFFFFFF70];
	[tilespmem:v15+s20+$0x0] =	vst.idx.msk $0xffff, v7;
	v7 =	vmul.f32 $8.000000000e+00, v19  }
0x17a: {  	v15 =	vadd.s32 v50, v5;
	v19 =	vld [tilespmem:s0+$0xFFFFFFA0];
	[tilespmem:v14+s20+$0x0] =	vst.idx.msk $0xffff, v6;
	v6 =	vmul.f32 $8.000000000e+00, v12  }
0x17b: {  	v12 =	vmul.f32 $8.000000000e+00, v17;
	v14 =	vadd.s32 v23, v2;
	[tilespmem:v16+s20+$0x0] =	vst.idx.msk $0xffff, v7;
	v7 =	vld [tilespmem:s17+$0xFFFFFE40]  }
0x17c: {  	v17 =	vadd.s32 v52, v5;
	v16 =	vmul.f32 $8.000000000e+00, v20;
	v20 =	vld [tilespmem:s0+$0xFFFFFFE0];
	[tilespmem:v8+s20+$0x0] =	vst.idx.msk $0xffff, v6  }
0x17d: {  	v8 =	vadd.s32 v27, v5;
	[tilespmem:v10+s20+$0x0] =	vst.idx.msk $0xffff, v12;
	v10 =	vmul.f32 $8.000000000e+00, v21;
	v12 =	vld [tilespmem:s17+$0xFFFFFF40]  }
0x17e: {  	v21 =	vld [tilespmem:s0+$0xFFFFFEB0];
	[tilespmem:v9+s20+$0x0] =	vst.idx.msk $0xffff, v16;
	v16 =	vadd.s32 v33, v2;
	v11 =	vmul.f32 $8.000000000e+00, v11  }
0x17f: {  	v9 =	vadd.s32 v55, v5;
	v6 =	vld [tilespmem:s0+$0xFFFFFEF0];
	[tilespmem:v15+s20+$0x0] =	vst.idx.msk $0xffff, v10;
	v10 =	vmul.f32 $8.000000000e+00, v19  }
0x180: {  	v13 =	vmul.f32 $8.000000000e+00, v13;
	v22 =	vld [tilespmem:s0+$0xFFFFFF30];
	[tilespmem:v14+s20+$0x0] =	vst.idx.msk $0xffff, v11  }
0x181: {  	v19 =	vadd.s32 v41, v5;
	v23 =	vld [tilespmem:s17+$0xFFFFFF80];
	[tilespmem:v17+s20+$0x0] =	vst.idx.msk $0xffff, v10  }
0x182: {  	v10 =	vmul.f32 $8.000000000e+00, v20;
	[tilespmem:v8+s20+$0x0] =	vst.idx.msk $0xffff, v13;
	v24 =	vld [tilespmem:s0+$0xFFFFFFB0]  }
0x183: {  	v45 =	vmov v25;
	v25 =	vmul.f32 $8.000000000e+00, v7;
	v7 =	vld [tilespmem:s0+$0xFFFFFE30];
	[tilespmem:v16+s20+$0x0] =	vst.idx.msk $0xffff, v18  }
0x184: {  	v20 =	vadd.s32 v58, v2;
	v8 =	vmul.f32 $8.000000000e+00, v21;
	[tilespmem:v9+s20+$0x0] =	vst.idx.msk $0xffff, v10;
	v11 =	vld [tilespmem:s17+$0xFFFFFE80]  }
0x185: {  	v26 =	vadd.s32 v29, v2;
	p0 =	slt.u32 s6, $0x78;
	v10 =	vld [tilespmem:s0+$0xFFFFFFF0]  }
.Ltmp1:
0x186: {  	[tilespmem:v19+s20+$0x0] =	vst.idx.msk $0xffff, v8;
	v14 =	vmul.f32 $8.000000000e+00, v22;
	v22 =	vld [tilespmem:$0x1FEA0];
	(pc) =	sbr.rel @p0 .LBB2_5-.Ltmp1, $4  }
0x187: {  	v3 =	vadd.s32 v42, v5;
	v13 =	vmul.f32 $8.000000000e+00, v12;
	v9 =	vld [tilespmem:s0+$0xFFFFFEC0]  }
0x188: {  	v15 =	vadd.s32 v59, v5;
	v17 =	vadd.s32 v62, v2;
	s17 =	smov.u32 s0;
	v18 =	vmul.f32 $8.000000000e+00, v23;
	v23 =	vld [tilespmem:$0x1FEC0]  }
0x189: {  	v12 =	vadd.s32 v63, v5;
	v16 =	vadd.s32 v51, v5;
	[tilespmem:v20+s20+$0x0] =	vst.idx.msk $0xffff, v13;
	v13 =	vld [tilespmem:s17+$0xFFFFFF60]  }
0x18a: {  	[tilespmem:v26+s20+$0x0] =	vst.idx.msk $0xffff, v25;
	v8 =	vadd.s32 v60, v2;
	v2 =	vmovc v5;
	v25 =	vmov v45;
	s0 =	sadd.s32 $0x200, s0;
	v5 =	vmul.f32 $8.000000000e+00, v24;
	v24 =	vld [tilespmem:$0x1FF50]  }
0x18b: {  	v19 =	vadd.s32 v22, v2  }
0x18c: {  	v20 =	vadd.s32 v32, v2;
	_ =	sdelay $0x1  }
0x18d: {  	v13 =	vmul.f32 $8.000000000e+00, v13  }
0x18e: {  	[tilespmem:v17+s20+$0x0] =	vst.idx.msk $0xffff, v18;
	v17 =	vadd.s32 v46, v2;
	v4 =	vmul.f32 $8.000000000e+00, v4  }
0x18f: {  	[tilespmem:v19+s20+$0x0] =	vst.idx.msk $0xffff, v13  }
0x190: {  	[tilespmem:v20+s20+$0x0] =	vst.idx.msk $0xffff, v4;
	v4 =	vld [tilespmem:s17+$0xFFFFFF70]  }
0x191: {  	v6 =	vmul.f32 $8.000000000e+00, v6;
	[tilespmem:v15+s20+$0x0] =	vst.idx.msk $0xffff, v5;
	v5 =	vadd.s32 v28, v2;
	v13 =	vld [tilespmem:s17+$0xFFFFFE70]  }
0x192: {  	v10 =	vmul.f32 $8.000000000e+00, v10;
	[tilespmem:v16+s20+$0x0] =	vst.idx.msk $0xffff, v14;
	v14 =	vadd.s32 v23, v2  }
0x193: {  	v11 =	vmul.f32 $8.000000000e+00, v11;
	v15 =	vld [tilespmem:s17+$0xFFFFFFC0];
	[tilespmem:v17+s20+$0x0] =	vst.idx.msk $0xffff, v6;
	v6 =	vadd.s32 v33, v2  }
0x194: {  	v7 =	vmul.f32 $8.000000000e+00, v7;
	[tilespmem:v12+s20+$0x0] =	vst.idx.msk $0xffff, v10;
	v10 =	vld [tilespmem:s17+$0xFFFFFF00]  }
0x195: {  	[tilespmem:v8+s20+$0x0] =	vst.idx.msk $0xffff, v11;
	v16 =	vld [tilespmem:s17+$0x0];
	v12 =	vadd.s32 v24, v2;
	v4 =	vmul.f32 $8.000000000e+00, v4  }
0x196: {  	v8 =	vld [tilespmem:s17+$0xFFFFFF40];
	[tilespmem:v5+s20+$0x0] =	vst.idx.msk $0xffff, v7;
	v5 =	vadd.s32 v56, v2;
	v7 =	vmul.f32 $8.000000000e+00, v13  }
0x197: {  	v9 =	vmul.f32 $8.000000000e+00, v9;
	v11 =	vadd.s32 v25, v2;
	v13 =	vld [tilespmem:s17+$0xFFFFFE40];
	[tilespmem:v14+s20+$0x0] =	vst.idx.msk $0xffff, v4  }
0x198: {  	v4 =	vmul.f32 $8.000000000e+00, v15;
	v14 =	vadd.s32 v58, v2;
	[tilespmem:v6+s20+$0x0] =	vst.idx.msk $0xffff, v7;
	v15 =	vld [tilespmem:s17+$0xFFFFFF80]  }
0x199: {  	[tilespmem:v3+s20+$0x0] =	vst.idx.msk $0xffff, v9;
	v3 =	vmul.f32 $8.000000000e+00, v10;
	v6 =	vadd.s32 v29, v2;
	v7 =	vld [tilespmem:s17+$0xFFFFFE80]  }
0x19a: {  	s0 =	sshll.u32 s31, $0x2;
	v9 =	vadd.s32 v62, v2;
	[tilespmem:v12+s20+$0x0] =	vst.idx.msk $0xffff, v4;
	v4 =	vmul.f32 $8.000000000e+00, v16  }
0x19b: {  	s0 =	sadd.s32 s5, s0;
	[tilespmem:v5+s20+$0x0] =	vst.idx.msk $0xffff, v3;
	v3 =	vmul.f32 $8.000000000e+00, v8;
	v2 =	vadd.s32 v60, v2  }
0x19c: {  	s6 =	sshll.u32 s0, $0xD;
	s0 =	sshll.u32 s0, $0xA;
	[tilespmem:v11+s20+$0x0] =	vst.idx.msk $0xffff, v4;
	v4 =	vmul.f32 $8.000000000e+00, v13  }
0x19d: {  	s6 =	sand.u32 $0x7FFC0000, s6;
	s0 =	sand.u32 $0x7000, s0;
	[tilespmem:v14+s20+$0x0] =	vst.idx.msk $0xffff, v3;
	v3 =	vmul.f32 $8.000000000e+00, v15  }
0x19e: {  	s0 =	sor.u32 s0, s6;
	[tilespmem:v6+s20+$0x0] =	vst.idx.msk $0xffff, v4;
	v4 =	vmul.f32 $8.000000000e+00, v7  }
0x19f: {  	s0 =	sshrl.u32 s0, $0x3;
	[tilespmem:v9+s20+$0x0] =	vst.idx.msk $0xffff, v3  }
0x1a0: {  	s6 =	sadd.s32 s2, s0;
	[tilespmem:v2+s20+$0x0] =	vst.idx.msk $0xffff, v4  }
0x1a1: {  	[hbm4b:s6+s3] =	stream.linear.scatter [tilespmem:s20], [sflag:$0x3], $0x80, $0x38;
	[tilespmem:$0x16C00] =	vst v63  }
0x1a2: {  	s14 =	sadd.s32 $0x10, s6;
	s17 =	simm.s32 $0xE488  }
0x1a3: {  	[hbm4b:s14+s3] =	stream.linear.scatter [tilespmem:s17], [sflag:$0x3], $0x80, $0x38;
	[tilespmem:$0x16C00] =	vst v63  }
0x1a4: {  	s14 =	sadd.s32 $0x20, s6;
	s17 =	simm.s32 $0xE510  }
0x1a5: {  	[hbm4b:s14+s3] =	stream.linear.scatter [tilespmem:s17], [sflag:$0x3], $0x80, $0x38;
	[tilespmem:$0x16C00] =	vst v63  }
0x1a6: {  	s14 =	sadd.s32 $0x30, s6;
	s17 =	simm.s32 $0xE598  }
0x1a7: {  	[hbm4b:s14+s3] =	stream.linear.scatter [tilespmem:s17], [sflag:$0x3], $0x80, $0x38;
	[tilespmem:$0x16C00] =	vst v63  }
0x1a8: {  	s14 =	sadd.s32 $0x40, s6;
	s17 =	simm.s32 $0xE620  }
0x1a9: {  	[hbm4b:s14+s3] =	stream.linear.scatter [tilespmem:s17], [sflag:$0x3], $0x80, $0x38;
	[tilespmem:$0x16C00] =	vst v63  }
0x1aa: {  	s14 =	sadd.s32 $0x50, s6;
	s17 =	simm.s32 $0xE6A8  }
0x1ab: {  	[hbm4b:s14+s3] =	stream.linear.scatter [tilespmem:s17], [sflag:$0x3], $0x80, $0x38;
	[tilespmem:$0x16C00] =	vst v63  }
0x1ac: {  	s14 =	sadd.s32 $0x60, s6;
	s17 =	simm.s32 $0xE730  }
0x1ad: {  	[hbm4b:s14+s3] =	stream.linear.scatter [tilespmem:s17], [sflag:$0x3], $0x80, $0x38;
	[tilespmem:$0x16C00] =	vst v63  }
0x1ae: {  	s6 =	sadd.s32 $0x70, s6;
	s17 =	simm.s32 $0xE7B8  }
0x1af: {  	[hbm4b:s6+s3] =	stream.linear.scatter [tilespmem:s17], [sflag:$0x3], $0x80, $0x38;
	[tilespmem:$0x16C00] =	vst v63  }
0x1b0: {  	s6 =	sadd.s32 s0, s7;
	s17 =	simm.s32 $0xE840  }
0x1b1: {  	[hbm4b:s6+s3] =	stream.linear.scatter [tilespmem:s17], [sflag:$0x3], $0x80, $0x38;
	[tilespmem:$0x16C00] =	vst v63  }
0x1b2: {  	s14 =	sadd.s32 $0x10, s6;
	s17 =	simm.s32 $0xE8C8  }
0x1b3: {  	[hbm4b:s14+s3] =	stream.linear.scatter [tilespmem:s17], [sflag:$0x3], $0x80, $0x38;
	[tilespmem:$0x16C00] =	vst v63  }
0x1b4: {  	s14 =	sadd.s32 $0x20, s6;
	s17 =	simm.s32 $0xE950  }
0x1b5: {  	[hbm4b:s14+s3] =	stream.linear.scatter [tilespmem:s17], [sflag:$0x3], $0x80, $0x38;
	[tilespmem:$0x16C00] =	vst v63  }
0x1b6: {  	s14 =	sadd.s32 $0x30, s6;
	s17 =	simm.s32 $0xE9D8  }
0x1b7: {  	[hbm4b:s14+s3] =	stream.linear.scatter [tilespmem:s17], [sflag:$0x3], $0x80, $0x38;
	[tilespmem:$0x16C00] =	vst v63  }
0x1b8: {  	s14 =	sadd.s32 $0x40, s6;
	s17 =	simm.s32 $0xEA60  }
0x1b9: {  	[hbm4b:s14+s3] =	stream.linear.scatter [tilespmem:s17], [sflag:$0x3], $0x80, $0x38;
	[tilespmem:$0x16C00] =	vst v63  }
0x1ba: {  	s14 =	sadd.s32 $0x50, s6;
	s17 =	simm.s32 $0xEAE8  }
0x1bb: {  	[hbm4b:s14+s3] =	stream.linear.scatter [tilespmem:s17], [sflag:$0x3], $0x80, $0x38;
	[tilespmem:$0x16C00] =	vst v63  }
0x1bc: {  	s14 =	sadd.s32 $0x60, s6;
	s17 =	simm.s32 $0xEB70  }
0x1bd: {  	[hbm4b:s14+s3] =	stream.linear.scatter [tilespmem:s17], [sflag:$0x3], $0x80, $0x38;
	[tilespmem:$0x16C00] =	vst v63  }
0x1be: {  	s6 =	sadd.s32 $0x70, s6;
	s17 =	simm.s32 $0xEBF8  }
0x1bf: {  	[hbm4b:s6+s3] =	stream.linear.scatter [tilespmem:s17], [sflag:$0x3], $0x80, $0x38;
	[tilespmem:$0x16C00] =	vst v63  }
0x1c0: {  	s6 =	sadd.s32 s0, s8;
	s17 =	simm.s32 $0xEC80  }
0x1c1: {  	[hbm4b:s6+s3] =	stream.linear.scatter [tilespmem:s17], [sflag:$0x3], $0x80, $0x38;
	[tilespmem:$0x16C00] =	vst v63  }
0x1c2: {  	s14 =	sadd.s32 $0x10, s6;
	s17 =	simm.s32 $0xED08  }
0x1c3: {  	[hbm4b:s14+s3] =	stream.linear.scatter [tilespmem:s17], [sflag:$0x3], $0x80, $0x38;
	[tilespmem:$0x16C00] =	vst v63  }
0x1c4: {  	s14 =	sadd.s32 $0x20, s6;
	s17 =	simm.s32 $0xED90  }
0x1c5: {  	[hbm4b:s14+s3] =	stream.linear.scatter [tilespmem:s17], [sflag:$0x3], $0x80, $0x38;
	[tilespmem:$0x16C00] =	vst v63  }
0x1c6: {  	s14 =	sadd.s32 $0x30, s6;
	s17 =	simm.s32 $0xEE18  }
0x1c7: {  	[hbm4b:s14+s3] =	stream.linear.scatter [tilespmem:s17], [sflag:$0x3], $0x80, $0x38;
	[tilespmem:$0x16C00] =	vst v63  }
0x1c8: {  	s14 =	sadd.s32 $0x40, s6;
	s17 =	simm.s32 $0xEEA0  }
0x1c9: {  	[hbm4b:s14+s3] =	stream.linear.scatter [tilespmem:s17], [sflag:$0x3], $0x80, $0x38;
	[tilespmem:$0x16C00] =	vst v63  }
0x1ca: {  	s14 =	sadd.s32 $0x50, s6;
	s17 =	simm.s32 $0xEF28  }
0x1cb: {  	[hbm4b:s14+s3] =	stream.linear.scatter [tilespmem:s17], [sflag:$0x3], $0x80, $0x38;
	[tilespmem:$0x16C00] =	vst v63  }
0x1cc: {  	s14 =	sadd.s32 $0x60, s6;
	s17 =	simm.s32 $0xEFB0  }
0x1cd: {  	[hbm4b:s14+s3] =	stream.linear.scatter [tilespmem:s17], [sflag:$0x3], $0x80, $0x38;
	[tilespmem:$0x16C00] =	vst v63  }
0x1ce: {  	s6 =	sadd.s32 $0x70, s6;
	s17 =	simm.s32 $0xF038  }
0x1cf: {  	[hbm4b:s6+s3] =	stream.linear.scatter [tilespmem:s17], [sflag:$0x3], $0x80, $0x38;
	[tilespmem:$0x16C00] =	vst v63  }
0x1d0: {  	s6 =	sadd.s32 s0, s9;
	s17 =	simm.s32 $0xF0C0  }
0x1d1: {  	[hbm4b:s6+s3] =	stream.linear.scatter [tilespmem:s17], [sflag:$0x3], $0x80, $0x38;
	[tilespmem:$0x16C00] =	vst v63  }
0x1d2: {  	s14 =	sadd.s32 $0x10, s6;
	s17 =	simm.s32 $0xF148  }
0x1d3: {  	[hbm4b:s14+s3] =	stream.linear.scatter [tilespmem:s17], [sflag:$0x3], $0x80, $0x38;
	[tilespmem:$0x16C00] =	vst v63  }
0x1d4: {  	s14 =	sadd.s32 $0x20, s6;
	s17 =	simm.s32 $0xF1D0  }
0x1d5: {  	[hbm4b:s14+s3] =	stream.linear.scatter [tilespmem:s17], [sflag:$0x3], $0x80, $0x38;
	[tilespmem:$0x16C00] =	vst v63  }
0x1d6: {  	s14 =	sadd.s32 $0x30, s6;
	s17 =	simm.s32 $0xF258  }
0x1d7: {  	[hbm4b:s14+s3] =	stream.linear.scatter [tilespmem:s17], [sflag:$0x3], $0x80, $0x38;
	[tilespmem:$0x16C00] =	vst v63  }
0x1d8: {  	s14 =	sadd.s32 $0x40, s6;
	s17 =	simm.s32 $0xF2E0  }
0x1d9: {  	[hbm4b:s14+s3] =	stream.linear.scatter [tilespmem:s17], [sflag:$0x3], $0x80, $0x38;
	[tilespmem:$0x16C00] =	vst v63  }
0x1da: {  	s14 =	sadd.s32 $0x50, s6;
	s17 =	simm.s32 $0xF368  }
0x1db: {  	[hbm4b:s14+s3] =	stream.linear.scatter [tilespmem:s17], [sflag:$0x3], $0x80, $0x38;
	[tilespmem:$0x16C00] =	vst v63  }
0x1dc: {  	s14 =	sadd.s32 $0x60, s6;
	s17 =	simm.s32 $0xF3F0  }
0x1dd: {  	[hbm4b:s14+s3] =	stream.linear.scatter [tilespmem:s17], [sflag:$0x3], $0x80, $0x38;
	[tilespmem:$0x16C00] =	vst v63  }
0x1de: {  	s6 =	sadd.s32 $0x70, s6;
	s17 =	simm.s32 $0xF478  }
0x1df: {  	[hbm4b:s6+s3] =	stream.linear.scatter [tilespmem:s17], [sflag:$0x3], $0x80, $0x38;
	[tilespmem:$0x16C00] =	vst v63  }
0x1e0: {  	s6 =	sadd.s32 s0, s10;
	s17 =	simm.s32 $0xF500  }
0x1e1: {  	[hbm4b:s6+s3] =	stream.linear.scatter [tilespmem:s17], [sflag:$0x3], $0x80, $0x38;
	[tilespmem:$0x16C00] =	vst v63  }
0x1e2: {  	s14 =	sadd.s32 $0x10, s6;
	s17 =	simm.s32 $0xF588  }
0x1e3: {  	[hbm4b:s14+s3] =	stream.linear.scatter [tilespmem:s17], [sflag:$0x3], $0x80, $0x38;
	[tilespmem:$0x16C00] =	vst v63  }
0x1e4: {  	s14 =	sadd.s32 $0x20, s6;
	s17 =	simm.s32 $0xF610  }
0x1e5: {  	[hbm4b:s14+s3] =	stream.linear.scatter [tilespmem:s17], [sflag:$0x3], $0x80, $0x38;
	[tilespmem:$0x16C00] =	vst v63  }
0x1e6: {  	s14 =	sadd.s32 $0x30, s6;
	s17 =	simm.s32 $0xF698  }
0x1e7: {  	[hbm4b:s14+s3] =	stream.linear.scatter [tilespmem:s17], [sflag:$0x3], $0x80, $0x38;
	[tilespmem:$0x16C00] =	vst v63  }
0x1e8: {  	s14 =	sadd.s32 $0x40, s6;
	s17 =	simm.s32 $0xF720  }
0x1e9: {  	[hbm4b:s14+s3] =	stream.linear.scatter [tilespmem:s17], [sflag:$0x3], $0x80, $0x38;
	[tilespmem:$0x16C00] =	vst v63  }
0x1ea: {  	s14 =	sadd.s32 $0x50, s6;
	s17 =	simm.s32 $0xF7A8  }
0x1eb: {  	[hbm4b:s14+s3] =	stream.linear.scatter [tilespmem:s17], [sflag:$0x3], $0x80, $0x38;
	[tilespmem:$0x16C00] =	vst v63  }
0x1ec: {  	s14 =	sadd.s32 $0x60, s6;
	s17 =	simm.s32 $0xF830  }
0x1ed: {  	[hbm4b:s14+s3] =	stream.linear.scatter [tilespmem:s17], [sflag:$0x3], $0x80, $0x38;
	[tilespmem:$0x16C00] =	vst v63  }
0x1ee: {  	s6 =	sadd.s32 $0x70, s6;
	s17 =	simm.s32 $0xF8B8  }
0x1ef: {  	[hbm4b:s6+s3] =	stream.linear.scatter [tilespmem:s17], [sflag:$0x3], $0x80, $0x38;
	[tilespmem:$0x16C00] =	vst v63  }
0x1f0: {  	s6 =	sadd.s32 s0, s11;
	s17 =	simm.s32 $0xF940  }
0x1f1: {  	[hbm4b:s6+s3] =	stream.linear.scatter [tilespmem:s17], [sflag:$0x3], $0x80, $0x38;
	[tilespmem:$0x16C00] =	vst v63  }
0x1f2: {  	s14 =	sadd.s32 $0x10, s6;
	s17 =	simm.s32 $0xF9C8  }
0x1f3: {  	[hbm4b:s14+s3] =	stream.linear.scatter [tilespmem:s17], [sflag:$0x3], $0x80, $0x38;
	[tilespmem:$0x16C00] =	vst v63  }
0x1f4: {  	s14 =	sadd.s32 $0x20, s6;
	s17 =	simm.s32 $0xFA50  }
0x1f5: {  	[hbm4b:s14+s3] =	stream.linear.scatter [tilespmem:s17], [sflag:$0x3], $0x80, $0x38;
	[tilespmem:$0x16C00] =	vst v63  }
0x1f6: {  	s14 =	sadd.s32 $0x30, s6;
	s17 =	simm.s32 $0xFAD8  }
0x1f7: {  	[hbm4b:s14+s3] =	stream.linear.scatter [tilespmem:s17], [sflag:$0x3], $0x80, $0x38;
	[tilespmem:$0x16C00] =	vst v63  }
0x1f8: {  	s14 =	sadd.s32 $0x40, s6;
	s17 =	simm.s32 $0xFB60  }
0x1f9: {  	[hbm4b:s14+s3] =	stream.linear.scatter [tilespmem:s17], [sflag:$0x3], $0x80, $0x38;
	[tilespmem:$0x16C00] =	vst v63  }
0x1fa: {  	s14 =	sadd.s32 $0x50, s6;
	s17 =	simm.s32 $0xFBE8  }
0x1fb: {  	[hbm4b:s14+s3] =	stream.linear.scatter [tilespmem:s17], [sflag:$0x3], $0x80, $0x38;
	[tilespmem:$0x16C00] =	vst v63  }
0x1fc: {  	s14 =	sadd.s32 $0x60, s6;
	s17 =	simm.s32 $0xFC70  }
0x1fd: {  	[hbm4b:s14+s3] =	stream.linear.scatter [tilespmem:s17], [sflag:$0x3], $0x80, $0x38;
	[tilespmem:$0x16C00] =	vst v63  }
0x1fe: {  	s6 =	sadd.s32 $0x70, s6;
	s17 =	simm.s32 $0xFCF8  }
0x1ff: {  	[hbm4b:s6+s3] =	stream.linear.scatter [tilespmem:s17], [sflag:$0x3], $0x80, $0x38;
	[tilespmem:$0x16C00] =	vst v63  }
0x200: {  	s6 =	sadd.s32 s0, s12;
	s17 =	simm.s32 $0xFD80  }
0x201: {  	[hbm4b:s6+s3] =	stream.linear.scatter [tilespmem:s17], [sflag:$0x3], $0x80, $0x38;
	[tilespmem:$0x16C00] =	vst v63  }
0x202: {  	s14 =	sadd.s32 $0x10, s6;
	s17 =	simm.s32 $0xFE08  }
0x203: {  	[hbm4b:s14+s3] =	stream.linear.scatter [tilespmem:s17], [sflag:$0x3], $0x80, $0x38;
	[tilespmem:$0x16C00] =	vst v63  }
0x204: {  	s14 =	sadd.s32 $0x20, s6;
	s17 =	simm.s32 $0xFE90  }
0x205: {  	[hbm4b:s14+s3] =	stream.linear.scatter [tilespmem:s17], [sflag:$0x3], $0x80, $0x38;
	[tilespmem:$0x16C00] =	vst v63  }
0x206: {  	s14 =	sadd.s32 $0x30, s6;
	s17 =	simm.s32 $0xFF18  }
0x207: {  	[hbm4b:s14+s3] =	stream.linear.scatter [tilespmem:s17], [sflag:$0x3], $0x80, $0x38;
	[tilespmem:$0x16C00] =	vst v63  }
0x208: {  	s14 =	sadd.s32 $0x40, s6;
	s17 =	simm.s32 $0xFFA0  }
0x209: {  	[hbm4b:s14+s3] =	stream.linear.scatter [tilespmem:s17], [sflag:$0x3], $0x80, $0x38;
	[tilespmem:$0x16C00] =	vst v63  }
0x20a: {  	s14 =	sadd.s32 $0x50, s6;
	s17 =	simm.s32 $0x10028  }
0x20b: {  	[hbm4b:s14+s3] =	stream.linear.scatter [tilespmem:s17], [sflag:$0x3], $0x80, $0x38;
	[tilespmem:$0x16C00] =	vst v63  }
0x20c: {  	s14 =	sadd.s32 $0x60, s6;
	s17 =	simm.s32 $0x100B0  }
0x20d: {  	[hbm4b:s14+s3] =	stream.linear.scatter [tilespmem:s17], [sflag:$0x3], $0x80, $0x38;
	[tilespmem:$0x16C00] =	vst v63  }
0x20e: {  	s6 =	sadd.s32 $0x70, s6;
	s17 =	simm.s32 $0x10138  }
0x20f: {  	[hbm4b:s6+s3] =	stream.linear.scatter [tilespmem:s17], [sflag:$0x3], $0x80, $0x38;
	[tilespmem:$0x16C00] =	vst v63  }
0x210: {  	s6 =	sadd.s32 s0, s13;
	s17 =	simm.s32 $0x101C0  }
0x211: {  	[hbm4b:s6+s3] =	stream.linear.scatter [tilespmem:s17], [sflag:$0x3], $0x80, $0x38;
	[tilespmem:$0x16C00] =	vst v63  }
0x212: {  	s14 =	sadd.s32 $0x10, s6;
	s17 =	simm.s32 $0x10248  }
0x213: {  	[hbm4b:s14+s3] =	stream.linear.scatter [tilespmem:s17], [sflag:$0x3], $0x80, $0x38;
	[tilespmem:$0x16C00] =	vst v63  }
0x214: {  	s14 =	sadd.s32 $0x20, s6;
	s17 =	simm.s32 $0x102D0  }
0x215: {  	[hbm4b:s14+s3] =	stream.linear.scatter [tilespmem:s17], [sflag:$0x3], $0x80, $0x38;
	[tilespmem:$0x16C00] =	vst v63  }
0x216: {  	s14 =	sadd.s32 $0x30, s6;
	s17 =	simm.s32 $0x10358  }
0x217: {  	[hbm4b:s14+s3] =	stream.linear.scatter [tilespmem:s17], [sflag:$0x3], $0x80, $0x38;
	[tilespmem:$0x16C00] =	vst v63  }
0x218: {  	s14 =	sadd.s32 $0x40, s6;
	s17 =	simm.s32 $0x103E0  }
0x219: {  	[hbm4b:s14+s3] =	stream.linear.scatter [tilespmem:s17], [sflag:$0x3], $0x80, $0x38;
	[tilespmem:$0x16C00] =	vst v63  }
0x21a: {  	s14 =	sadd.s32 $0x50, s6;
	s17 =	simm.s32 $0x10468  }
0x21b: {  	[hbm4b:s14+s3] =	stream.linear.scatter [tilespmem:s17], [sflag:$0x3], $0x80, $0x38;
	[tilespmem:$0x16C00] =	vst v63  }
0x21c: {  	s14 =	sadd.s32 $0x60, s6;
	s17 =	simm.s32 $0x104F0  }
0x21d: {  	[hbm4b:s14+s3] =	stream.linear.scatter [tilespmem:s17], [sflag:$0x3], $0x80, $0x38;
	[tilespmem:$0x16C00] =	vst v63  }
0x21e: {  	s0 =	sor.u32 $0x80, s0;
	s6 =	sadd.s32 $0x70, s6;
	s17 =	simm.s32 $0x10578  }
0x21f: {  	[hbm4b:s6+s3] =	stream.linear.scatter [tilespmem:s17], [sflag:$0x3], $0x80, $0x38;
	[tilespmem:$0x16C00] =	vst v63  }
0x220: {  	s6 =	sadd.s32 s2, s0;
	s17 =	simm.s32 $0x10600  }
0x221: {  	[hbm4b:s6+s3] =	stream.linear.scatter [tilespmem:s17], [sflag:$0x3], $0x80, $0x38;
	[tilespmem:$0x16C00] =	vst v63  }
0x222: {  	s14 =	sadd.s32 $0x10, s6;
	s17 =	simm.s32 $0x10688  }
0x223: {  	[hbm4b:s14+s3] =	stream.linear.scatter [tilespmem:s17], [sflag:$0x3], $0x80, $0x38;
	[tilespmem:$0x16C00] =	vst v63  }
0x224: {  	s14 =	sadd.s32 $0x20, s6;
	s17 =	simm.s32 $0x10710  }
0x225: {  	[hbm4b:s14+s3] =	stream.linear.scatter [tilespmem:s17], [sflag:$0x3], $0x80, $0x38;
	[tilespmem:$0x16C00] =	vst v63  }
0x226: {  	s14 =	sadd.s32 $0x30, s6;
	s17 =	simm.s32 $0x10798  }
0x227: {  	[hbm4b:s14+s3] =	stream.linear.scatter [tilespmem:s17], [sflag:$0x3], $0x80, $0x38;
	[tilespmem:$0x16C00] =	vst v63  }
0x228: {  	s14 =	sadd.s32 $0x40, s6;
	s17 =	simm.s32 $0x10820  }
0x229: {  	[hbm4b:s14+s3] =	stream.linear.scatter [tilespmem:s17], [sflag:$0x3], $0x80, $0x38;
	[tilespmem:$0x16C00] =	vst v63  }
0x22a: {  	s14 =	sadd.s32 $0x50, s6;
	s17 =	simm.s32 $0x108A8  }
0x22b: {  	[hbm4b:s14+s3] =	stream.linear.scatter [tilespmem:s17], [sflag:$0x3], $0x80, $0x38;
	[tilespmem:$0x16C00] =	vst v63  }
0x22c: {  	s14 =	sadd.s32 $0x60, s6;
	s17 =	simm.s32 $0x10930  }
0x22d: {  	[hbm4b:s14+s3] =	stream.linear.scatter [tilespmem:s17], [sflag:$0x3], $0x80, $0x38;
	[tilespmem:$0x16C00] =	vst v63  }
0x22e: {  	s6 =	sadd.s32 $0x70, s6;
	s17 =	simm.s32 $0x109B8  }
0x22f: {  	[hbm4b:s6+s3] =	stream.linear.scatter [tilespmem:s17], [sflag:$0x3], $0x80, $0x38;
	[tilespmem:$0x16C00] =	vst v63  }
0x230: {  	s6 =	sadd.s32 s0, s7;
	s17 =	simm.s32 $0x10A40  }
0x231: {  	[hbm4b:s6+s3] =	stream.linear.scatter [tilespmem:s17], [sflag:$0x3], $0x80, $0x38;
	[tilespmem:$0x16C00] =	vst v63  }
0x232: {  	s14 =	sadd.s32 $0x10, s6;
	s17 =	simm.s32 $0x10AC8  }
0x233: {  	[hbm4b:s14+s3] =	stream.linear.scatter [tilespmem:s17], [sflag:$0x3], $0x80, $0x38;
	[tilespmem:$0x16C00] =	vst v63  }
0x234: {  	s14 =	sadd.s32 $0x20, s6;
	s17 =	simm.s32 $0x10B50  }
0x235: {  	[hbm4b:s14+s3] =	stream.linear.scatter [tilespmem:s17], [sflag:$0x3], $0x80, $0x38;
	[tilespmem:$0x16C00] =	vst v63  }
0x236: {  	s14 =	sadd.s32 $0x30, s6;
	s17 =	simm.s32 $0x10BD8  }
0x237: {  	[hbm4b:s14+s3] =	stream.linear.scatter [tilespmem:s17], [sflag:$0x3], $0x80, $0x38;
	[tilespmem:$0x16C00] =	vst v63  }
0x238: {  	s14 =	sadd.s32 $0x40, s6;
	s17 =	simm.s32 $0x10C60  }
0x239: {  	[hbm4b:s14+s3] =	stream.linear.scatter [tilespmem:s17], [sflag:$0x3], $0x80, $0x38;
	[tilespmem:$0x16C00] =	vst v63  }
0x23a: {  	s14 =	sadd.s32 $0x50, s6;
	s17 =	simm.s32 $0x10CE8  }
0x23b: {  	[hbm4b:s14+s3] =	stream.linear.scatter [tilespmem:s17], [sflag:$0x3], $0x80, $0x38;
	[tilespmem:$0x16C00] =	vst v63  }
0x23c: {  	s14 =	sadd.s32 $0x60, s6;
	s17 =	simm.s32 $0x10D70  }
0x23d: {  	[hbm4b:s14+s3] =	stream.linear.scatter [tilespmem:s17], [sflag:$0x3], $0x80, $0x38;
	[tilespmem:$0x16C00] =	vst v63  }
0x23e: {  	s6 =	sadd.s32 $0x70, s6;
	s17 =	simm.s32 $0x10DF8  }
0x23f: {  	[hbm4b:s6+s3] =	stream.linear.scatter [tilespmem:s17], [sflag:$0x3], $0x80, $0x38;
	[tilespmem:$0x16C00] =	vst v63  }
0x240: {  	s6 =	sadd.s32 s0, s8;
	s17 =	simm.s32 $0x10E80  }
0x241: {  	[hbm4b:s6+s3] =	stream.linear.scatter [tilespmem:s17], [sflag:$0x3], $0x80, $0x38;
	[tilespmem:$0x16C00] =	vst v63  }
0x242: {  	s14 =	sadd.s32 $0x10, s6;
	s17 =	simm.s32 $0x10F08  }
0x243: {  	[hbm4b:s14+s3] =	stream.linear.scatter [tilespmem:s17], [sflag:$0x3], $0x80, $0x38;
	[tilespmem:$0x16C00] =	vst v63  }
0x244: {  	s14 =	sadd.s32 $0x20, s6;
	s17 =	simm.s32 $0x10F90  }
0x245: {  	[hbm4b:s14+s3] =	stream.linear.scatter [tilespmem:s17], [sflag:$0x3], $0x80, $0x38;
	[tilespmem:$0x16C00] =	vst v63  }
0x246: {  	s14 =	sadd.s32 $0x30, s6;
	s17 =	simm.s32 $0x11018  }
0x247: {  	[hbm4b:s14+s3] =	stream.linear.scatter [tilespmem:s17], [sflag:$0x3], $0x80, $0x38;
	[tilespmem:$0x16C00] =	vst v63  }
0x248: {  	s14 =	sadd.s32 $0x40, s6;
	s17 =	simm.s32 $0x110A0  }
0x249: {  	[hbm4b:s14+s3] =	stream.linear.scatter [tilespmem:s17], [sflag:$0x3], $0x80, $0x38;
	[tilespmem:$0x16C00] =	vst v63  }
0x24a: {  	s14 =	sadd.s32 $0x50, s6;
	s17 =	simm.s32 $0x11128  }
0x24b: {  	[hbm4b:s14+s3] =	stream.linear.scatter [tilespmem:s17], [sflag:$0x3], $0x80, $0x38;
	[tilespmem:$0x16C00] =	vst v63  }
0x24c: {  	s14 =	sadd.s32 $0x60, s6;
	s17 =	simm.s32 $0x111B0  }
0x24d: {  	[hbm4b:s14+s3] =	stream.linear.scatter [tilespmem:s17], [sflag:$0x3], $0x80, $0x38;
	[tilespmem:$0x16C00] =	vst v63  }
0x24e: {  	s6 =	sadd.s32 $0x70, s6;
	s17 =	simm.s32 $0x11238  }
0x24f: {  	[hbm4b:s6+s3] =	stream.linear.scatter [tilespmem:s17], [sflag:$0x3], $0x80, $0x38;
	[tilespmem:$0x16C00] =	vst v63  }
0x250: {  	s6 =	sadd.s32 s0, s9;
	s17 =	simm.s32 $0x112C0  }
0x251: {  	[hbm4b:s6+s3] =	stream.linear.scatter [tilespmem:s17], [sflag:$0x3], $0x80, $0x38;
	[tilespmem:$0x16C00] =	vst v63  }
0x252: {  	s14 =	sadd.s32 $0x10, s6;
	s17 =	simm.s32 $0x11348  }
0x253: {  	[hbm4b:s14+s3] =	stream.linear.scatter [tilespmem:s17], [sflag:$0x3], $0x80, $0x38;
	[tilespmem:$0x16C00] =	vst v63  }
0x254: {  	s14 =	sadd.s32 $0x20, s6;
	s17 =	simm.s32 $0x113D0  }
0x255: {  	[hbm4b:s14+s3] =	stream.linear.scatter [tilespmem:s17], [sflag:$0x3], $0x80, $0x38;
	[tilespmem:$0x16C00] =	vst v63  }
0x256: {  	s14 =	sadd.s32 $0x30, s6;
	s17 =	simm.s32 $0x11458  }
0x257: {  	[hbm4b:s14+s3] =	stream.linear.scatter [tilespmem:s17], [sflag:$0x3], $0x80, $0x38;
	[tilespmem:$0x16C00] =	vst v63  }
0x258: {  	s14 =	sadd.s32 $0x40, s6;
	s17 =	simm.s32 $0x114E0  }
0x259: {  	[hbm4b:s14+s3] =	stream.linear.scatter [tilespmem:s17], [sflag:$0x3], $0x80, $0x38;
	[tilespmem:$0x16C00] =	vst v63  }
0x25a: {  	s14 =	sadd.s32 $0x50, s6;
	s17 =	simm.s32 $0x11568  }
0x25b: {  	[hbm4b:s14+s3] =	stream.linear.scatter [tilespmem:s17], [sflag:$0x3], $0x80, $0x38;
	[tilespmem:$0x16C00] =	vst v63  }
0x25c: {  	s14 =	sadd.s32 $0x60, s6;
	s17 =	simm.s32 $0x115F0  }
0x25d: {  	[hbm4b:s14+s3] =	stream.linear.scatter [tilespmem:s17], [sflag:$0x3], $0x80, $0x38;
	[tilespmem:$0x16C00] =	vst v63  }
0x25e: {  	s6 =	sadd.s32 $0x70, s6;
	s17 =	simm.s32 $0x11678  }
0x25f: {  	[hbm4b:s6+s3] =	stream.linear.scatter [tilespmem:s17], [sflag:$0x3], $0x80, $0x38;
	[tilespmem:$0x16C00] =	vst v63  }
0x260: {  	s6 =	sadd.s32 s0, s10;
	s17 =	simm.s32 $0x11700  }
0x261: {  	[hbm4b:s6+s3] =	stream.linear.scatter [tilespmem:s17], [sflag:$0x3], $0x80, $0x38;
	[tilespmem:$0x16C00] =	vst v63  }
0x262: {  	s14 =	sadd.s32 $0x10, s6;
	s17 =	simm.s32 $0x11788  }
0x263: {  	[hbm4b:s14+s3] =	stream.linear.scatter [tilespmem:s17], [sflag:$0x3], $0x80, $0x38;
	[tilespmem:$0x16C00] =	vst v63  }
0x264: {  	s14 =	sadd.s32 $0x20, s6;
	s17 =	simm.s32 $0x11810  }
0x265: {  	[hbm4b:s14+s3] =	stream.linear.scatter [tilespmem:s17], [sflag:$0x3], $0x80, $0x38;
	[tilespmem:$0x16C00] =	vst v63  }
0x266: {  	s14 =	sadd.s32 $0x30, s6;
	s17 =	simm.s32 $0x11898  }
0x267: {  	[hbm4b:s14+s3] =	stream.linear.scatter [tilespmem:s17], [sflag:$0x3], $0x80, $0x38;
	[tilespmem:$0x16C00] =	vst v63  }
0x268: {  	s14 =	sadd.s32 $0x40, s6;
	s17 =	simm.s32 $0x11920  }
0x269: {  	[hbm4b:s14+s3] =	stream.linear.scatter [tilespmem:s17], [sflag:$0x3], $0x80, $0x38;
	[tilespmem:$0x16C00] =	vst v63  }
0x26a: {  	s14 =	sadd.s32 $0x50, s6;
	s17 =	simm.s32 $0x119A8  }
0x26b: {  	[hbm4b:s14+s3] =	stream.linear.scatter [tilespmem:s17], [sflag:$0x3], $0x80, $0x38;
	[tilespmem:$0x16C00] =	vst v63  }
0x26c: {  	s14 =	sadd.s32 $0x60, s6;
	s17 =	simm.s32 $0x11A30  }
0x26d: {  	[hbm4b:s14+s3] =	stream.linear.scatter [tilespmem:s17], [sflag:$0x3], $0x80, $0x38;
	[tilespmem:$0x16C00] =	vst v63  }
0x26e: {  	s6 =	sadd.s32 $0x70, s6;
	s17 =	simm.s32 $0x11AB8  }
0x26f: {  	[hbm4b:s6+s3] =	stream.linear.scatter [tilespmem:s17], [sflag:$0x3], $0x80, $0x38;
	[tilespmem:$0x16C00] =	vst v63  }
0x270: {  	s6 =	sadd.s32 s0, s11;
	s17 =	simm.s32 $0x11B40  }
0x271: {  	[hbm4b:s6+s3] =	stream.linear.scatter [tilespmem:s17], [sflag:$0x3], $0x80, $0x38;
	[tilespmem:$0x16C00] =	vst v63  }
0x272: {  	s14 =	sadd.s32 $0x10, s6;
	s17 =	simm.s32 $0x11BC8  }
0x273: {  	[hbm4b:s14+s3] =	stream.linear.scatter [tilespmem:s17], [sflag:$0x3], $0x80, $0x38;
	[tilespmem:$0x16C00] =	vst v63  }
0x274: {  	s14 =	sadd.s32 $0x20, s6;
	s17 =	simm.s32 $0x11C50  }
0x275: {  	[hbm4b:s14+s3] =	stream.linear.scatter [tilespmem:s17], [sflag:$0x3], $0x80, $0x38;
	[tilespmem:$0x16C00] =	vst v63  }
0x276: {  	s14 =	sadd.s32 $0x30, s6;
	s17 =	simm.s32 $0x11CD8  }
0x277: {  	[hbm4b:s14+s3] =	stream.linear.scatter [tilespmem:s17], [sflag:$0x3], $0x80, $0x38;
	[tilespmem:$0x16C00] =	vst v63  }
0x278: {  	s14 =	sadd.s32 $0x40, s6;
	s17 =	simm.s32 $0x11D60  }
0x279: {  	[hbm4b:s14+s3] =	stream.linear.scatter [tilespmem:s17], [sflag:$0x3], $0x80, $0x38;
	[tilespmem:$0x16C00] =	vst v63  }
0x27a: {  	s14 =	sadd.s32 $0x50, s6;
	s17 =	simm.s32 $0x11DE8  }
0x27b: {  	[hbm4b:s14+s3] =	stream.linear.scatter [tilespmem:s17], [sflag:$0x3], $0x80, $0x38;
	[tilespmem:$0x16C00] =	vst v63  }
0x27c: {  	s14 =	sadd.s32 $0x60, s6;
	s17 =	simm.s32 $0x11E70  }
0x27d: {  	[hbm4b:s14+s3] =	stream.linear.scatter [tilespmem:s17], [sflag:$0x3], $0x80, $0x38;
	[tilespmem:$0x16C00] =	vst v63  }
0x27e: {  	s6 =	sadd.s32 $0x70, s6;
	s17 =	simm.s32 $0x11EF8  }
0x27f: {  	[hbm4b:s6+s3] =	stream.linear.scatter [tilespmem:s17], [sflag:$0x3], $0x80, $0x38;
	[tilespmem:$0x16C00] =	vst v63  }
0x280: {  	s6 =	sadd.s32 s0, s12;
	s17 =	simm.s32 $0x11F80  }
0x281: {  	[hbm4b:s6+s3] =	stream.linear.scatter [tilespmem:s17], [sflag:$0x3], $0x80, $0x38;
	[tilespmem:$0x16C00] =	vst v63  }
0x282: {  	s14 =	sadd.s32 $0x10, s6;
	s17 =	simm.s32 $0x12008  }
0x283: {  	[hbm4b:s14+s3] =	stream.linear.scatter [tilespmem:s17], [sflag:$0x3], $0x80, $0x38;
	[tilespmem:$0x16C00] =	vst v63  }
0x284: {  	s14 =	sadd.s32 $0x20, s6;
	s17 =	simm.s32 $0x12090  }
0x285: {  	[hbm4b:s14+s3] =	stream.linear.scatter [tilespmem:s17], [sflag:$0x3], $0x80, $0x38;
	[tilespmem:$0x16C00] =	vst v63  }
0x286: {  	s14 =	sadd.s32 $0x30, s6;
	s17 =	simm.s32 $0x12118  }
0x287: {  	[hbm4b:s14+s3] =	stream.linear.scatter [tilespmem:s17], [sflag:$0x3], $0x80, $0x38;
	[tilespmem:$0x16C00] =	vst v63  }
0x288: {  	s14 =	sadd.s32 $0x40, s6;
	s17 =	simm.s32 $0x121A0  }
0x289: {  	[hbm4b:s14+s3] =	stream.linear.scatter [tilespmem:s17], [sflag:$0x3], $0x80, $0x38;
	[tilespmem:$0x16C00] =	vst v63  }
0x28a: {  	s14 =	sadd.s32 $0x50, s6;
	s17 =	simm.s32 $0x12228  }
0x28b: {  	[hbm4b:s14+s3] =	stream.linear.scatter [tilespmem:s17], [sflag:$0x3], $0x80, $0x38;
	[tilespmem:$0x16C00] =	vst v63  }
0x28c: {  	s14 =	sadd.s32 $0x60, s6;
	s17 =	simm.s32 $0x122B0  }
0x28d: {  	[hbm4b:s14+s3] =	stream.linear.scatter [tilespmem:s17], [sflag:$0x3], $0x80, $0x38;
	[tilespmem:$0x16C00] =	vst v63  }
0x28e: {  	s6 =	sadd.s32 $0x70, s6;
	s17 =	simm.s32 $0x12338  }
0x28f: {  	[hbm4b:s6+s3] =	stream.linear.scatter [tilespmem:s17], [sflag:$0x3], $0x80, $0x38;
	[tilespmem:$0x16C00] =	vst v63  }
0x290: {  	s0 =	sadd.s32 s0, s13;
	s17 =	simm.s32 $0x123C0  }
0x291: {  	[hbm4b:s0+s3] =	stream.linear.scatter [tilespmem:s17], [sflag:$0x3], $0x80, $0x38;
	[tilespmem:$0x16C00] =	vst v63  }
0x292: {  	s14 =	sadd.s32 $0x10, s0;
	s17 =	simm.s32 $0x12448  }
0x293: {  	[hbm4b:s14+s3] =	stream.linear.scatter [tilespmem:s17], [sflag:$0x3], $0x80, $0x38;
	[tilespmem:$0x16C00] =	vst v63  }
0x294: {  	s14 =	sadd.s32 $0x20, s0;
	s17 =	simm.s32 $0x124D0  }
0x295: {  	[hbm4b:s14+s3] =	stream.linear.scatter [tilespmem:s17], [sflag:$0x3], $0x80, $0x38;
	[tilespmem:$0x16C00] =	vst v63  }
0x296: {  	s14 =	sadd.s32 $0x30, s0;
	s17 =	simm.s32 $0x12558  }
0x297: {  	[hbm4b:s14+s3] =	stream.linear.scatter [tilespmem:s17], [sflag:$0x3], $0x80, $0x38;
	[tilespmem:$0x16C00] =	vst v63  }
0x298: {  	s14 =	sadd.s32 $0x40, s0;
	s17 =	simm.s32 $0x125E0  }
0x299: {  	[hbm4b:s14+s3] =	stream.linear.scatter [tilespmem:s17], [sflag:$0x3], $0x80, $0x38;
	[tilespmem:$0x16C00] =	vst v63  }
0x29a: {  	s14 =	sadd.s32 $0x50, s0;
	s17 =	simm.s32 $0x12668  }
0x29b: {  	[hbm4b:s14+s3] =	stream.linear.scatter [tilespmem:s17], [sflag:$0x3], $0x80, $0x38;
	[tilespmem:$0x16C00] =	vst v63  }
0x29c: {  	s14 =	sadd.s32 $0x60, s0;
	s17 =	simm.s32 $0x126F0  }
0x29d: {  	[hbm4b:s14+s3] =	stream.linear.scatter [tilespmem:s17], [sflag:$0x3], $0x80, $0x38;
	[tilespmem:$0x16C00] =	vst v63  }
0x29e: {  	p0 =	seq.s32 s31, $0x31;
	s0 =	sadd.s32 $0x70, s0;
	s14 =	simm.s32 $0x12778  }
0x29f: {  	[hbm4b:s0+s3] =	stream.linear.scatter [tilespmem:s14], [sflag:$0x3], $0x80, $0x38;
	[tilespmem:$0x16C00] =	vst v63  }
0x2a0: {  	p1 =	seq.s32 @!p0 s31, $0x0;
	s0 =	sshll.u32 @!p0 s31, $0x9;
	_ =	swait.ge [sflag:s28], $0x4000  }
0x2a1: {  	s6 =	simm.s32 @!p0 $0x100;
	s0 =	sand.u32 @!p0 $0x3FFFFE00, s0;
	[sflag:s28] =	ssyncset.done $0x0  }
0x2a2: {  	s14 =	simm.s32 @!p0 $0x6400;
	s0 =	sadd.s32 @!p0 $0x200, s0;
	[sflag:s28] =	ssyncadd.s32 $0xFFFFC000  }
0x2a3: {  	[tilespmem:s14], [sflag:$0x1] =	stream.indirect.gather @!p0 [hbm4b:s4+s6], $0x40, s0, s6, $0xb8;
	[tilespmem:$0x16C00] =	vst v63  }
0x2a4: {  	p0 =	por p0, !p1  }
0x2a5: {  	_ =	swait.ge @p0 [sflag:s30], $0x400  }
0x2a6: {  	[sflag:s30] =	ssyncset.done @p0 $0x0  }
0x2a7: {  	[sflag:s30] =	ssyncadd.s32 @p0 $0xFFFFFC00  }
0x2a8: {  	_ =	swait.ge @p0 [sflag:s30], $0x400  }
0x2a9: {  	[sflag:s30] =	ssyncset.done @p0 $0x0  }
0x2aa: {  	[sflag:s30] =	ssyncadd.s32 @p0 $0xFFFFFC00  }
0x2ab: {  	_ =	swait.ge @p0 [sflag:s30], $0x400  }
0x2ac: {  	[sflag:s30] =	ssyncset.done @p0 $0x0  }
0x2ad: {  	[sflag:s30] =	ssyncadd.s32 @p0 $0xFFFFFC00  }
0x2ae: {  	_ =	swait.ge @p0 [sflag:s30], $0x400  }
0x2af: {  	[sflag:s30] =	ssyncset.done @p0 $0x0  }
0x2b0: {  	[sflag:s30] =	ssyncadd.s32 @p0 $0xFFFFFC00  }
0x2b1: {  	_ =	swait.ge @p0 [sflag:s30], $0x400  }
0x2b2: {  	[sflag:s30] =	ssyncset.done @p0 $0x0  }
0x2b3: {  	[sflag:s30] =	ssyncadd.s32 @p0 $0xFFFFFC00  }
0x2b4: {  	_ =	swait.ge @p0 [sflag:s30], $0x400  }
0x2b5: {  	[sflag:s30] =	ssyncset.done @p0 $0x0  }
0x2b6: {  	[sflag:s30] =	ssyncadd.s32 @p0 $0xFFFFFC00  }
0x2b7: {  	_ =	swait.ge @p0 [sflag:s30], $0x400  }
0x2b8: {  	[sflag:s30] =	ssyncset.done @p0 $0x0  }
0x2b9: {  	[sflag:s30] =	ssyncadd.s32 @p0 $0xFFFFFC00  }
0x2ba: {  	_ =	swait.ge @p0 [sflag:s30], $0x400  }
0x2bb: {  	[sflag:s30] =	ssyncset.done @p0 $0x0  }
0x2bc: {  	[sflag:s30] =	ssyncadd.s32 @p0 $0xFFFFFC00  }
0x2bd: {  	_ =	swait.ge @p0 [sflag:s30], $0x400  }
0x2be: {  	[sflag:s30] =	ssyncset.done @p0 $0x0  }
0x2bf: {  	[sflag:s30] =	ssyncadd.s32 @p0 $0xFFFFFC00  }
0x2c0: {  	_ =	swait.ge @p0 [sflag:s30], $0x400  }
0x2c1: {  	[sflag:s30] =	ssyncset.done @p0 $0x0  }
0x2c2: {  	[sflag:s30] =	ssyncadd.s32 @p0 $0xFFFFFC00  }
0x2c3: {  	_ =	swait.ge @p0 [sflag:s30], $0x400  }
0x2c4: {  	[sflag:s30] =	ssyncset.done @p0 $0x0  }
0x2c5: {  	[sflag:s30] =	ssyncadd.s32 @p0 $0xFFFFFC00  }
0x2c6: {  	_ =	swait.ge @p0 [sflag:s30], $0x400  }
0x2c7: {  	[sflag:s30] =	ssyncset.done @p0 $0x0  }
0x2c8: {  	[sflag:s30] =	ssyncadd.s32 @p0 $0xFFFFFC00  }
0x2c9: {  	_ =	swait.ge @p0 [sflag:s30], $0x400  }
0x2ca: {  	[sflag:s30] =	ssyncset.done @p0 $0x0  }
0x2cb: {  	[sflag:s30] =	ssyncadd.s32 @p0 $0xFFFFFC00  }
0x2cc: {  	_ =	swait.ge @p0 [sflag:s30], $0x400  }
0x2cd: {  	[sflag:s30] =	ssyncset.done @p0 $0x0  }
0x2ce: {  	[sflag:s30] =	ssyncadd.s32 @p0 $0xFFFFFC00  }
0x2cf: {  	s17 =	simm.s32 $0x0;
	s6 =	simm.s32 $0x1;
	_ =	swait.ge @p0 [sflag:s30], $0x400  }
0x2d0: {  	v2 =	vmov s17;
	s17 =	simm.s32 $0x3;
	v3 =	vmov s6;
	s6 =	simm.s32 $0x4;
	[sflag:s30] =	ssyncset.done @p0 $0x0  }
0x2d1: {  	v5 =	vmov s17;
	s17 =	simm.s32 $0x6;
	v6 =	vmov s6;
	s6 =	simm.s32 $0x7;
	[sflag:s30] =	ssyncadd.s32 @p0 $0xFFFFFC00  }
0x2d2: {  	v2 =	vshrl.u32 v2, $0x3;
	v8 =	vmov s17;
	v9 =	vmov s6;
	_ =	swait.ge @p0 [sflag:s30], $0x400  }
0x2d3: {  	v2 =	vshll.u32 v2, v1;
	v11 =	vshrl.u32 v8, $0x3;
	s14 =	simm.s32 $0x2;
	v9 =	vshrl.u32 v9, $0x3;
	[sflag:s30] =	ssyncset.done @p0 $0x0;
	v62 =	vld [tilespmem:$0x1FE50]  }
0x2d4: {  	s17 =	simm.s32 $0xA500;
	v8 =	vbroadcast v2, $0x0;
	v4 =	vmov s14;
	s14 =	simm.s32 $0x5;
	v9 =	vshll.u32 v9, v1;
	v38 =	vld [tilespmem:$0x1FD80];
	[sflag:s30] =	ssyncadd.s32 @p0 $0xFFFFFC00  }
0x2d5: {  	v7 =	vmov s14;
	v3 =	vshrl.u32 v3, $0x3;
	v10 =	vbroadcast v9, $0x0;
	v9 =	vld [tilespmem:s17+$0xFFFFFF00]  }
0x2d6: {  	v7 =	vshrl.u32 v7, $0x3;
	v3 =	vshll.u32 v3, v1;
	v2 =	vld [tilespmem:s17+$0xC0]  }
0x2d7: {  	v22 =	vbroadcast v3, $0x0;
	v3 =	vshll.u32 v7, v1;
	v7 =	vadd.s32 v34, v8;
	v13 =	vld [tilespmem:s17+$0xFFFFFF40]  }
0x2d8: {  	v4 =	vshrl.u32 v4, $0x3;
	v14 =	vadd.s32 v62, v10  }
0x2d9: {  	v6 =	vshrl.u32 v6, $0x3;
	v4 =	vshll.u32 v4, v1;
	v42 =	vld [tilespmem:$0x1FDA0];
	v16 =	vadd.s32 v38, v22  }
0x2da: {  	v12 =	vshll.u32 v6, v1;
	v6 =	vbroadcast v4, $0x0;
	v46 =	vld [tilespmem:$0x1FDB0];
	v9 =	vmul.f32 $8.000000000e+00, v9  }
0x2db: {  	v4 =	vbroadcast v12, $0x0;
	v50 =	vld [tilespmem:$0x1FDD0];
	v12 =	vmul.f32 $8.000000000e+00, v2  }
0x2dc: {  	v5 =	vshrl.u32 v5, $0x3;
	v15 =	vld [tilespmem:s17+$0xFFFFFF80];
	v13 =	vmul.f32 $8.000000000e+00, v13;
	[tilespmem:v7+s29+$0x0] =	vst.idx.msk $0xffff, v9  }
0x2dd: {  	v5 =	vshll.u32 v5, v1;
	v17 =	vld [tilespmem:s17+$0xFFFFFFC0];
	[tilespmem:v14+s29+$0x0] =	vst.idx.msk $0xffff, v12  }
0x2de: {  	v5 =	vbroadcast v5, $0x0;
	v18 =	vadd.s32 v42, v6;
	v54 =	vld [tilespmem:$0x1FDF0];
	[tilespmem:v16+s29+$0x0] =	vst.idx.msk $0xffff, v13  }
0x2df: {  	v58 =	vld [tilespmem:$0x1FE20]  }
0x2e0: {  	v19 =	vld [tilespmem:s17+$0x0];
	v20 =	vadd.s32 v46, v5  }
0x2e1: {  	v11 =	vshll.u32 v11, v1;
	v21 =	vld [tilespmem:s17+$0x40];
	v2 =	vbroadcast v3, $0x0;
	v7 =	vmul.f32 $8.000000000e+00, v15  }
0x2e2: {  	v24 =	vld [tilespmem:s17+$0x80];
	v23 =	vadd.s32 v50, v4;
	v3 =	vbroadcast v11, $0x0  }
0x2e3: {  	v14 =	vld [tilespmem:s17+$0xFFFFFF10];
	v13 =	vmul.f32 $8.000000000e+00, v17;
	[tilespmem:v18+s29+$0x0] =	vst.idx.msk $0xffff, v7;
	v9 =	vadd.s32 v54, v2  }
0x2e4: {  	v63 =	vld [tilespmem:$0x1FE60];
	v15 =	vadd.s32 v58, v3  }
0x2e5: {  	v12 =	vld [tilespmem:s17+$0xD0];
	v7 =	vmul.f32 $8.000000000e+00, v19;
	[tilespmem:v20+s29+$0x0] =	vst.idx.msk $0xffff, v13  }
0x2e6: {  	v13 =	vmul.f32 $8.000000000e+00, v21;
	v39 =	vld [tilespmem:$0x1FE90]  }
0x2e7: {  	v17 =	vld [tilespmem:s17+$0xFFFFFF50];
	[tilespmem:v23+s29+$0x0] =	vst.idx.msk $0xffff, v7;
	v7 =	vmul.f32 $8.000000000e+00, v24  }
0x2e8: {  	v43 =	vld [tilespmem:$0x1FEB0];
	[tilespmem:v9+s29+$0x0] =	vst.idx.msk $0xffff, v13  }
0x2e9: {  	v18 =	vadd.s32 v63, v10;
	v47 =	vld [tilespmem:$0x1FED0];
	[tilespmem:v15+s29+$0x0] =	vst.idx.msk $0xffff, v7  }
0x2ea: {  	v25 =	vadd.s32 v35, v8;
	v51 =	vld [tilespmem:$0x1FF00]  }
0x2eb: {  	v26 =	vld [tilespmem:s17+$0xFFFFFF90];
	v21 =	vadd.s32 v39, v22  }
0x2ec: {  	v27 =	vld [tilespmem:s17+$0xFFFFFFD0];
	v9 =	vmul.f32 $8.000000000e+00, v12  }
0x2ed: {  	s14 =	simm.s32 $0x8;
	v41 =	vld [tilespmem:s17+$0x10];
	v24 =	vadd.s32 v43, v6;
	v13 =	vmul.f32 $8.000000000e+00, v14  }
0x2ee: {  	v11 =	vmov s14;
	v15 =	vmul.f32 $8.000000000e+00, v17;
	[tilespmem:v18+s29+$0x0] =	vst.idx.msk $0xffff, v9;
	v14 =	vadd.s32 v47, v5  }
0x2ef: {  	v11 =	vshrl.u32 v11, $0x3;
	v44 =	vld [tilespmem:s17+$0x50];
	[tilespmem:v25+s29+$0x0] =	vst.idx.msk $0xffff, v13;
	v17 =	vadd.s32 v51, v4  }
0x2f0: {  	v9 =	vshll.u32 v11, v1;
	v11 =	vmul.f32 $8.000000000e+00, v26;
	v55 =	vld [tilespmem:$0x1FE00];
	[tilespmem:v21+s29+$0x0] =	vst.idx.msk $0xffff, v15  }
0x2f1: {  	v15 =	vmul.f32 $8.000000000e+00, v27;
	v59 =	vld [tilespmem:$0x1FE30]  }
0x2f2: {  	v30 =	vld [tilespmem:s17+$0x90];
	[tilespmem:v24+s29+$0x0] =	vst.idx.msk $0xffff, v11;
	v11 =	vmul.f32 $8.000000000e+00, v41  }
0x2f3: {  	v18 =	vld [tilespmem:s17+$0xE0];
	[tilespmem:v14+s29+$0x0] =	vst.idx.msk $0xffff, v15  }
0x2f4: {  	v40 =	vld [tilespmem:$0x1FF20];
	[tilespmem:v17+s29+$0x0] =	vst.idx.msk $0xffff, v11  }
0x2f5: {  	v13 =	vadd.s32 v55, v2;
	v14 =	vmul.f32 $8.000000000e+00, v44;
	v44 =	vld [tilespmem:$0x1FF40]  }
0x2f6: {  	v25 =	vld [tilespmem:s17+$0xFFFFFF20];
	v21 =	vadd.s32 v59, v3  }
0x2f7: {  	v26 =	vld [tilespmem:s17+$0xFFFFFF60];
	v24 =	vadd.s32 v31, v10  }
0x2f8: {  	s14 =	simm.s32 $0xA;
	v27 =	vadd.s32 v36, v8;
	v57 =	vld [tilespmem:s17+$0xFFFFFFA0]  }
0x2f9: {  	v19 =	vmov s14;
	s14 =	simm.s32 $0xC;
	v61 =	vld [tilespmem:s17+$0xFFFFFFE0];
	v17 =	vmul.f32 $8.000000000e+00, v30;
	v60 =	vadd.s32 v40, v22  }
0x2fa: {  	v23 =	vmov s14;
	s14 =	simm.s32 $0xE;
	v32 =	vld [tilespmem:s17+$0x20];
	[tilespmem:v13+s29+$0x0] =	vst.idx.msk $0xffff, v14;
	v13 =	vmul.f32 $8.000000000e+00, v18;
	v30 =	vadd.s32 v44, v6  }
0x2fb: {  	v7 =	vmov s14;
	v14 =	vmul.f32 $8.000000000e+00, v25;
	v48 =	vld [tilespmem:$0x1FF60];
	[tilespmem:v21+s29+$0x0] =	vst.idx.msk $0xffff, v17  }
0x2fc: {  	v11 =	vshrl.u32 v7, $0x3;
	v7 =	vbroadcast v9, $0x0;
	v9 =	vmul.f32 $8.000000000e+00, v26;
	v52 =	vld [tilespmem:$0x1FF80];
	[tilespmem:v24+s29+$0x0] =	vst.idx.msk $0xffff, v13  }
0x2fd: {  	v41 =	vld [tilespmem:s17+$0x60];
	v17 =	vmul.f32 $8.000000000e+00, v57;
	[tilespmem:v27+s29+$0x0] =	vst.idx.msk $0xffff, v14  }
0x2fe: {  	v56 =	vld [tilespmem:$0x1FFA0];
	[tilespmem:v60+s29+$0x0] =	vst.idx.msk $0xffff, v9  }
0x2ff: {  	s6 =	simm.s32 $0x9;
	v37 =	vld [tilespmem:s17+$0xA0];
	[tilespmem:v30+s29+$0x0] =	vst.idx.msk $0xffff, v17  }
0x300: {  	v16 =	vmov s6;
	s6 =	simm.s32 $0xB;
	v25 =	vadd.s32 v48, v5;
	v0 =	vld [tilespmem:$0x1FE70]  }
0x301: {  	v20 =	vmov s6;
	v19 =	vshrl.u32 v19, $0x3;
	v21 =	vld [tilespmem:s17+$0xF0];
	v26 =	vadd.s32 v52, v4  }
0x302: {  	v20 =	vshrl.u32 v20, $0x3;
	v13 =	vshll.u32 v19, v1;
	v19 =	vld [tilespmem:s17+$0xFFFFFF30]  }
0x303: {  	v14 =	vshll.u32 v20, v1;
	v27 =	vmul.f32 $8.000000000e+00, v61;
	v20 =	vld [tilespmem:s17+$0xFFFFFF70]  }
0x304: {  	v61 =	vmul.f32 $8.000000000e+00, v32;
	v17 =	vld [tilespmem:s17+$0xFFFFFFB0]  }
0x305: {  	v9 =	vadd.s32 v0, v10;
	v0 =	vld [tilespmem:$0x1FFD0];
	[tilespmem:v25+s29+$0x0] =	vst.idx.msk $0xffff, v27  }
0x306: {  	v10 =	vld [tilespmem:$0x1FFE0];
	[tilespmem:v26+s29+$0x0] =	vst.idx.msk $0xffff, v61  }
0x307: {  	s6 =	simm.s32 $0xD;
	v53 =	vld [tilespmem:$0x1FDC0]  }
0x308: {  	v12 =	vmov s6;
	v24 =	vadd.s32 v49, v3;
	v60 =	vmov v49;
	v49 =	vld [tilespmem:$0x1FDE0]  }
0x309: {  	v16 =	vshrl.u32 v16, $0x3;
	v12 =	vshrl.u32 v12, $0x3;
	v61 =	vld [tilespmem:$0x1FE10]  }
0x30a: {  	v16 =	vshll.u32 v16, v1;
	v12 =	vshll.u32 v12, v1;
	v15 =	vshrl.u32 v23, $0x3;
	v57 =	vld [tilespmem:$0x1FE40]  }
0x30b: {  	v23 =	vadd.s32 v56, v2;
	v18 =	vadd.s32 v0, v8;
	v8 =	vmul.f32 $8.000000000e+00, v41;
	v41 =	vld [tilespmem:$0x1FD90]  }
0x30c: {  	s6 =	simm.s32 $0x10;
	s14 =	simm.s32 $0xF;
	v15 =	vshll.u32 v15, v1;
	v25 =	vmul.f32 $8.000000000e+00, v37;
	v22 =	vadd.s32 v10, v22;
	v10 =	vld [tilespmem:s17+$0xFFFFFFF0]  }
.LBB2_7:
0x30d: {  	_ =	sdelay $0x2  }
0x30e: {  	v26 =	vmov s14;
	v6 =	vadd.s32 v41, v6;
	v27 =	vld [tilespmem:s17+$0x30];
	[tilespmem:v23+s29+$0x0] =	vst.idx.msk $0xffff, v8;
	v21 =	vmul.f32 $8.000000000e+00, v21  }
0x30f: {  	v5 =	vadd.s32 v53, v5;
	v8 =	vmovc v7;
	v7 =	vshrl.u32 v26, $0x3;
	[tilespmem:v24+s29+$0x0] =	vst.idx.msk $0xffff, v25;
	v23 =	vld [tilespmem:s17+$0x70];
	v19 =	vmul.f32 $8.000000000e+00, v19  }
0x310: {  	v4 =	vadd.s32 v49, v4;
	v7 =	vshll.u32 v7, v1;
	v24 =	vld [tilespmem:s17+$0xB0];
	s17 =	sadd.s32 $0x200, s17;
	v20 =	vmul.f32 $8.000000000e+00, v20;
	[tilespmem:v9+s29+$0x0] =	vst.idx.msk $0xffff, v21  }
0x311: {  	v2 =	vadd.s32 v61, v2;
	v9 =	vbroadcast v7, $0x0;
	[tilespmem:v18+s29+$0x0] =	vst.idx.msk $0xffff, v19;
	v7 =	vmul.f32 $8.000000000e+00, v17;
	v21 =	vld [tilespmem:s17+$0xC0]  }
0x312: {  	v11 =	vshll.u32 v11, v1;
	v3 =	vadd.s32 v57, v3;
	[tilespmem:v22+s29+$0x0] =	vst.idx.msk $0xffff, v20;
	v18 =	vmul.f32 $8.000000000e+00, v10;
	v17 =	vld [tilespmem:s17+$0xFFFFFF00]  }
0x313: {  	v10 =	vbroadcast v16, $0x0;
	v19 =	vld [tilespmem:s17+$0xFFFFFF40];
	v16 =	vadd.s32 v62, v9;
	[tilespmem:v6+s29+$0x0] =	vst.idx.msk $0xffff, v7;
	v7 =	vmul.f32 $8.000000000e+00, v27  }
0x314: {  	v20 =	vadd.s32 v34, v8;
	v6 =	vbroadcast v13, $0x0;
	[tilespmem:v5+s29+$0x0] =	vst.idx.msk $0xffff, v18;
	v13 =	vmul.f32 $8.000000000e+00, v23;
	v22 =	vld [tilespmem:s17+$0xFFFFFF80]  }
0x315: {  	v18 =	vadd.s32 v38, v10;
	v5 =	vbroadcast v14, $0x0;
	v23 =	vld [tilespmem:s17+$0xFFFFFFC0];
	[tilespmem:v4+s29+$0x0] =	vst.idx.msk $0xffff, v7;
	v7 =	vmul.f32 $8.000000000e+00, v24  }
0x316: {  	v14 =	vadd.s32 v42, v6;
	v4 =	vbroadcast v15, $0x0;
	[tilespmem:v2+s29+$0x0] =	vst.idx.msk $0xffff, v13;
	v24 =	vld [tilespmem:s17+$0x0];
	v15 =	vmul.f32 $8.000000000e+00, v21  }
0x317: {  	v2 =	vbroadcast v12, $0x0;
	v13 =	vmul.f32 $8.000000000e+00, v17;
	v17 =	vadd.s32 v46, v5;
	v21 =	vld [tilespmem:s17+$0x40];
	[tilespmem:v3+s29+$0x0] =	vst.idx.msk $0xffff, v7  }
0x318: {  	v7 =	vmul.f32 $8.000000000e+00, v19;
	v12 =	vadd.s32 v50, v4;
	v3 =	vbroadcast v11, $0x0;
	v19 =	vld [tilespmem:s17+$0x80];
	[tilespmem:v16+s29+$0x0] =	vst.idx.msk $0xffff, v15  }
0x319: {  	[tilespmem:v20+s29+$0x0] =	vst.idx.msk $0xffff, v13;
	v13 =	vmul.f32 $8.000000000e+00, v22;
	v15 =	vadd.s32 v54, v2;
	v16 =	vld [tilespmem:s17+$0xD0]  }
0x31a: {  	[tilespmem:v18+s29+$0x0] =	vst.idx.msk $0xffff, v7;
	v7 =	vmul.f32 $8.000000000e+00, v23;
	v18 =	vadd.s32 v58, v3;
	v20 =	vld [tilespmem:s17+$0xFFFFFF10]  }
0x31b: {  	v23 =	vld [tilespmem:s17+$0xFFFFFF50];
	[tilespmem:v14+s29+$0x0] =	vst.idx.msk $0xffff, v13;
	v13 =	vmul.f32 $8.000000000e+00, v24;
	v14 =	vadd.s32 v63, v9  }
0x31c: {  	v25 =	vadd.s32 v35, v8;
	v26 =	vld [tilespmem:s17+$0xFFFFFF90];
	[tilespmem:v17+s29+$0x0] =	vst.idx.msk $0xffff, v7;
	v7 =	vmul.f32 $8.000000000e+00, v21  }
0x31d: {  	v21 =	vadd.s32 v39, v10;
	v27 =	vld [tilespmem:s17+$0xFFFFFFD0];
	[tilespmem:v12+s29+$0x0] =	vst.idx.msk $0xffff, v13;
	v12 =	vmul.f32 $8.000000000e+00, v19  }
0x31e: {  	s14 =	sadd.s32 $0x1, s6;
	v11 =	vmov s6;
	v28 =	vld [tilespmem:s17+$0x10];
	[tilespmem:v15+s29+$0x0] =	vst.idx.msk $0xffff, v7;
	v7 =	vmul.f32 $8.000000000e+00, v16  }
0x31f: {  	v22 =	vmov s14;
	s14 =	sadd.s32 $0x2, s6;
	v19 =	vadd.s32 v43, v6;
	v16 =	vmul.f32 $8.000000000e+00, v20;
	v29 =	vld [tilespmem:s17+$0x50];
	[tilespmem:v18+s29+$0x0] =	vst.idx.msk $0xffff, v12  }
0x320: {  	v24 =	vmov s14;
	s14 =	sadd.s32 $0x3, s6;
	v20 =	vadd.s32 v47, v5;
	v18 =	vmul.f32 $8.000000000e+00, v23;
	v30 =	vld [tilespmem:s17+$0x90];
	[tilespmem:v14+s29+$0x0] =	vst.idx.msk $0xffff, v7  }
0x321: {  	v11 =	vshrl.u32 v11, $0x3;
	v17 =	vmov s14;
	[tilespmem:v25+s29+$0x0] =	vst.idx.msk $0xffff, v16;
	v16 =	vld [tilespmem:s17+$0xE0]  }
0x322: {  	s14 =	sadd.s32 $0x4, s6;
	v23 =	vadd.s32 v51, v4;
	v7 =	vshll.u32 v11, v1;
	v11 =	vmul.f32 $8.000000000e+00, v26;
	[tilespmem:v21+s29+$0x0] =	vst.idx.msk $0xffff, v18;
	v25 =	vld [tilespmem:s17+$0xFFFFFF20]  }
0x323: {  	v13 =	vmov s14;
	s14 =	sadd.s32 $0x5, s6;
	v14 =	vadd.s32 v55, v2;
	v18 =	vmul.f32 $8.000000000e+00, v27;
	v26 =	vld [tilespmem:s17+$0xFFFFFF60]  }
0x324: {  	v15 =	vmov s14;
	s14 =	sadd.s32 $0x6, s6;
	v21 =	vadd.s32 v59, v3;
	[tilespmem:v19+s29+$0x0] =	vst.idx.msk $0xffff, v11;
	v19 =	vld [tilespmem:$0x1FFF0]  }
0x325: {  	v12 =	vmov s14;
	v27 =	vadd.s32 v36, v8;
	v11 =	vmul.f32 $8.000000000e+00, v28;
	v28 =	vld [tilespmem:s17+$0xFFFFFFA0];
	[tilespmem:v20+s29+$0x0] =	vst.idx.msk $0xffff, v18  }
0x326: {  	v18 =	vmul.f32 $8.000000000e+00, v29;
	v29 =	vshrl.u32 v13, $0x3;
	v20 =	vadd.s32 v40, v10;
	v31 =	vld [tilespmem:s17+$0xFFFFFFE0]  }
0x327: {  	[tilespmem:v23+s29+$0x0] =	vst.idx.msk $0xffff, v11;
	v13 =	vmul.f32 $8.000000000e+00, v30;
	v30 =	vshrl.u32 v15, $0x3;
	v15 =	vadd.s32 v44, v6  }
0x328: {  	v11 =	vshrl.u32 v12, $0x3;
	[tilespmem:v14+s29+$0x0] =	vst.idx.msk $0xffff, v18;
	v12 =	vmul.f32 $8.000000000e+00, v25;
	v25 =	vadd.s32 v48, v5  }
0x329: {  	v37 =	vmov v36;
	v32 =	vld [tilespmem:s17+$0x20];
	[tilespmem:v21+s29+$0x0] =	vst.idx.msk $0xffff, v13;
	v18 =	vmul.f32 $8.000000000e+00, v26  }
0x32a: {  	v22 =	vshrl.u32 v22, $0x3;
	v36 =	vmovc v35;
	v33 =	vld [tilespmem:s17+$0x60];
	v19 =	vadd.s32 v19, v9;
	[tilespmem:v27+s29+$0x0] =	vst.idx.msk $0xffff, v12;
	v12 =	vmul.f32 $8.000000000e+00, v28  }
0x32b: {  	v35 =	vmovc v34;
	v14 =	vmul.f32 $8.000000000e+00, v16;
	v16 =	vshll.u32 v22, v1;
	v34 =	vld [tilespmem:s17+$0xA0];
	[tilespmem:v20+s29+$0x0] =	vst.idx.msk $0xffff, v18;
	v22 =	vmul.f32 $8.000000000e+00, v31  }
0x32c: {  	v26 =	vadd.s32 v52, v4;
	[tilespmem:v15+s29+$0x0] =	vst.idx.msk $0xffff, v12;
	v12 =	vld [tilespmem:$0x1FE70]  }
0x32d: {  	p0 =	slt.u32 s6, $0x78;
	v24 =	vshrl.u32 v24, $0x3;
	[tilespmem:v25+s29+$0x0] =	vst.idx.msk $0xffff, v22;
	v22 =	vld [tilespmem:$0x1FFE0]  }
.Ltmp2:
0x32e: {  	v17 =	vshrl.u32 v17, $0x3;
	v7 =	vbroadcast v7, $0x0;
	v23 =	vadd.s32 v56, v2;
	v20 =	vld [tilespmem:s17+$0xFFFFFF70];
	(pc) =	sbr.rel @p0 .LBB2_7-.Ltmp2, $4  }
0x32f: {  	v13 =	vshll.u32 v24, v1;
	v24 =	vadd.s32 v60, v3;
	v27 =	vmul.f32 $8.000000000e+00, v32;
	[tilespmem:v19+s29+$0x0] =	vst.idx.msk $0xffff, v14;
	v19 =	vld [tilespmem:s17+$0xFFFFFF30]  }
0x330: {  	v18 =	vadd.s32 v0, v8;
	v15 =	vshll.u32 v29, v1;
	v14 =	vshll.u32 v17, v1;
	v17 =	vld [tilespmem:s17+$0xFFFFFFB0]  }
0x331: {  	v8 =	vmul.f32 $8.000000000e+00, v33;
	[tilespmem:v26+s29+$0x0] =	vst.idx.msk $0xffff, v27;
	v25 =	vmul.f32 $8.000000000e+00, v34;
	v34 =	vmovc v35;
	v35 =	vmov v36;
	v21 =	vld [tilespmem:s17+$0xF0]  }
0x332: {  	s0 =	simm.s32 $0xC5F0;
	s14 =	sadd.s32 $0x7, s6;
	s6 =	sadd.s32 $0x8, s6;
	v36 =	vmovc v37;
	v9 =	vadd.s32 v12, v9;
	v12 =	vshll.u32 v30, v1;
	v22 =	vadd.s32 v22, v10;
	v10 =	vld [tilespmem:s17+$0xFFFFFFF0]  }
0x333: {  	_ =	sdelay $0x3  }
0x334: {  	[tilespmem:v23+s29+$0x0] =	vst.idx.msk $0xffff, v8;
	v8 =	vmov s14;
	v6 =	vadd.s32 v41, v6;
	v23 =	vld [tilespmem:s17+$0x30];
	v21 =	vmul.f32 $8.000000000e+00, v21  }
0x335: {  	[tilespmem:v24+s29+$0x0] =	vst.idx.msk $0xffff, v25;
	v5 =	vadd.s32 v53, v5;
	v8 =	vshrl.u32 v8, $0x3;
	v19 =	vmul.f32 $8.000000000e+00, v19;
	v37 =	vld [tilespmem:s17+$0x70]  }
0x336: {  	v4 =	vadd.s32 v49, v4;
	s6 =	sadd.s32 $0x200, s17;
	v8 =	vshll.u32 v8, v1;
	[tilespmem:v9+s29+$0x0] =	vst.idx.msk $0xffff, v21;
	v9 =	vmul.f32 $8.000000000e+00, v20;
	v20 =	vld [tilespmem:s17+$0xB0]  }
0x337: {  	v2 =	vadd.s32 v61, v2;
	v17 =	vmul.f32 $8.000000000e+00, v17;
	[tilespmem:v18+s29+$0x0] =	vst.idx.msk $0xffff, v19;
	v18 =	vld [tilespmem:s6+$0xC0];
	v8 =	vbroadcast v8, $0x0  }
0x338: {  	v11 =	vshll.u32 v11, v1;
	v3 =	vadd.s32 v57, v3;
	v10 =	vmul.f32 $8.000000000e+00, v10;
	[tilespmem:v22+s29+$0x0] =	vst.idx.msk $0xffff, v9;
	v9 =	vld [tilespmem:s6+$0xFFFFFF00]  }
0x339: {  	v16 =	vbroadcast v16, $0x0;
	v19 =	vld [tilespmem:s6+$0xFFFFFF40];
	[tilespmem:v6+s29+$0x0] =	vst.idx.msk $0xffff, v17;
	v6 =	vadd.s32 v62, v8;
	v17 =	vmul.f32 $8.000000000e+00, v23  }
0x33a: {  	v21 =	vadd.s32 v34, v7;
	[tilespmem:v5+s29+$0x0] =	vst.idx.msk $0xffff, v10;
	v5 =	vld [tilespmem:s6+$0xFFFFFF80];
	v10 =	vbroadcast v13, $0x0;
	v13 =	vmul.f32 $8.000000000e+00, v37  }
0x33b: {  	v14 =	vbroadcast v14, $0x0;
	v22 =	vadd.s32 v38, v16;
	[tilespmem:v4+s29+$0x0] =	vst.idx.msk $0xffff, v17;
	v4 =	vld [tilespmem:s6+$0xFFFFFFC0];
	v17 =	vmul.f32 $8.000000000e+00, v20  }
0x33c: {  	[tilespmem:v2+s29+$0x0] =	vst.idx.msk $0xffff, v13;
	v2 =	vld [tilespmem:s6+$0x0];
	v13 =	vbroadcast v15, $0x0;
	v15 =	vmul.f32 $8.000000000e+00, v18;
	v20 =	vadd.s32 v42, v10  }
0x33d: {  	v12 =	vbroadcast v12, $0x0;
	v18 =	vadd.s32 v46, v14;
	v9 =	vmul.f32 $8.000000000e+00, v9;
	[tilespmem:v3+s29+$0x0] =	vst.idx.msk $0xffff, v17;
	v3 =	vld [tilespmem:s6+$0x40]  }
0x33e: {  	v11 =	vbroadcast v11, $0x0;
	[tilespmem:v6+s29+$0x0] =	vst.idx.msk $0xffff, v15;
	v6 =	vld [tilespmem:s6+$0x80];
	v17 =	vmul.f32 $8.000000000e+00, v19;
	v19 =	vadd.s32 v50, v13  }
0x33f: {  	v5 =	vmul.f32 $8.000000000e+00, v5;
	v15 =	vld [tilespmem:s6+$0xD0];
	[tilespmem:v21+s29+$0x0] =	vst.idx.msk $0xffff, v9;
	v9 =	vadd.s32 v54, v12  }
0x340: {  	v4 =	vmul.f32 $8.000000000e+00, v4;
	[tilespmem:v22+s29+$0x0] =	vst.idx.msk $0xffff, v17;
	v17 =	vadd.s32 v58, v11;
	v21 =	vld [tilespmem:s6+$0xFFFFFF10]  }
0x341: {  	v2 =	vmul.f32 $8.000000000e+00, v2;
	v22 =	vld [tilespmem:s6+$0xFFFFFF50];
	[tilespmem:v20+s29+$0x0] =	vst.idx.msk $0xffff, v5;
	v5 =	vadd.s32 v63, v8  }
0x342: {  	[tilespmem:v18+s29+$0x0] =	vst.idx.msk $0xffff, v4;
	v20 =	vadd.s32 v35, v7;
	v4 =	vld [tilespmem:s6+$0xFFFFFF90];
	v3 =	vmul.f32 $8.000000000e+00, v3  }
0x343: {  	v18 =	vadd.s32 v39, v16;
	v6 =	vmul.f32 $8.000000000e+00, v6;
	[tilespmem:v19+s29+$0x0] =	vst.idx.msk $0xffff, v2  }
0x344: {  	v2 =	vld [tilespmem:s6+$0xFFFFFFD0];
	v19 =	vadd.s32 v43, v10;
	[tilespmem:v9+s29+$0x0] =	vst.idx.msk $0xffff, v3;
	v9 =	vmul.f32 $8.000000000e+00, v15  }
0x345: {  	v3 =	vld [tilespmem:s6+$0x10];
	[tilespmem:v17+s29+$0x0] =	vst.idx.msk $0xffff, v6;
	v15 =	vmul.f32 $8.000000000e+00, v21  }
0x346: {  	v6 =	vld [tilespmem:s6+$0x50];
	v17 =	vmul.f32 $8.000000000e+00, v22;
	[tilespmem:v5+s29+$0x0] =	vst.idx.msk $0xffff, v9  }
0x347: {  	v21 =	vadd.s32 v47, v14;
	v5 =	vld [tilespmem:s6+$0x90];
	v4 =	vmul.f32 $8.000000000e+00, v4;
	[tilespmem:v20+s29+$0x0] =	vst.idx.msk $0xffff, v15  }
0x348: {  	v15 =	vld [tilespmem:s6+$0xE0];
	[tilespmem:v18+s29+$0x0] =	vst.idx.msk $0xffff, v17  }
0x349: {  	v22 =	vadd.s32 v51, v13;
	v20 =	vld [tilespmem:s6+$0xFFFFFF20];
	[tilespmem:v19+s29+$0x0] =	vst.idx.msk $0xffff, v4  }
0x34a: {  	v9 =	vadd.s32 v55, v12;
	v2 =	vmul.f32 $8.000000000e+00, v2;
	v4 =	vld [tilespmem:$0x1FFF0]  }
0x34b: {  	v17 =	vadd.s32 v59, v11;
	v18 =	vld [tilespmem:s6+$0xFFFFFF60]  }
0x34c: {  	v19 =	vadd.s32 v36, v7;
	v3 =	vmul.f32 $8.000000000e+00, v3;
	[tilespmem:v21+s29+$0x0] =	vst.idx.msk $0xffff, v2;
	v2 =	vld [tilespmem:s6+$0xFFFFFFA0]  }
0x34d: {  	v6 =	vmul.f32 $8.000000000e+00, v6;
	v21 =	vadd.s32 v40, v16  }
0x34e: {  	[tilespmem:v22+s29+$0x0] =	vst.idx.msk $0xffff, v3;
	v3 =	vld [tilespmem:s6+$0xFFFFFFE0];
	v5 =	vmul.f32 $8.000000000e+00, v5;
	v22 =	vadd.s32 v44, v10  }
0x34f: {  	[tilespmem:v9+s29+$0x0] =	vst.idx.msk $0xffff, v6;
	v9 =	vmul.f32 $8.000000000e+00, v15;
	v15 =	vmul.f32 $8.000000000e+00, v20;
	v4 =	vadd.s32 v4, v8  }
0x350: {  	v6 =	vld [tilespmem:s6+$0x20];
	v20 =	vadd.s32 v48, v14;
	[tilespmem:v17+s29+$0x0] =	vst.idx.msk $0xffff, v5;
	v17 =	vmul.f32 $8.000000000e+00, v18  }
0x351: {  	[tilespmem:v19+s29+$0x0] =	vst.idx.msk $0xffff, v15;
	v2 =	vmul.f32 $8.000000000e+00, v2  }
0x352: {  	[tilespmem:v21+s29+$0x0] =	vst.idx.msk $0xffff, v17  }
0x353: {  	v5 =	vld [tilespmem:s6+$0x60];
	v3 =	vmul.f32 $8.000000000e+00, v3;
	[tilespmem:v22+s29+$0x0] =	vst.idx.msk $0xffff, v2  }
0x354: {  	[tilespmem:v4+s29+$0x0] =	vst.idx.msk $0xffff, v9;
	v4 =	vld [tilespmem:s6+$0xA0]  }
0x355: {  	v2 =	vmul.f32 $8.000000000e+00, v6;
	v6 =	vld [tilespmem:$0x1FE70];
	[tilespmem:v20+s29+$0x0] =	vst.idx.msk $0xffff, v3  }
0x356: {  	v7 =	vadd.s32 v0, v7;
	v18 =	vadd.s32 v52, v13;
	v0 =	vld [tilespmem:$0x1FFE0]  }
0x357: {  	v19 =	vld [tilespmem:s6+$0xFFFFFF30];
	v9 =	vadd.s32 v56, v12  }
0x358: {  	v17 =	vadd.s32 v60, v11;
	v15 =	vld [tilespmem:s6+$0xF0]  }
0x359: {  	v21 =	vld [tilespmem:s6+$0xFFFFFF70]  }
0x35a: {  	v3 =	vmul.f32 $8.000000000e+00, v5;
	v6 =	vadd.s32 v6, v8;
	v8 =	vld [tilespmem:s6+$0xFFFFFFB0]  }
0x35b: {  	[tilespmem:v18+s29+$0x0] =	vst.idx.msk $0xffff, v2;
	v2 =	vmul.f32 $8.000000000e+00, v4;
	v5 =	vadd.s32 v0, v16;
	v16 =	vld [tilespmem:s6+$0xFFFFFFF0]  }
0x35c: {  	v4 =	vadd.s32 v41, v10;
	v10 =	vld [tilespmem:s6+$0x30];
	[tilespmem:v9+s29+$0x0] =	vst.idx.msk $0xffff, v3;
	v9 =	vmul.f32 $8.000000000e+00, v19  }
0x35d: {  	v14 =	vadd.s32 v53, v14;
	v3 =	vmul.f32 $8.000000000e+00, v15;
	v15 =	vld [tilespmem:s6+$0x70];
	[tilespmem:v17+s29+$0x0] =	vst.idx.msk $0xffff, v2  }
0x35e: {  	v13 =	vadd.s32 v49, v13;
	v2 =	vmul.f32 $8.000000000e+00, v21;
	[tilespmem:v7+s29+$0x0] =	vst.idx.msk $0xffff, v9;
	v17 =	vld [tilespmem:s6+$0xB0]  }
0x35f: {  	[tilespmem:v6+s29+$0x0] =	vst.idx.msk $0xffff, v3;
	v3 =	vmul.f32 $8.000000000e+00, v8;
	v6 =	vadd.s32 v61, v12  }
0x360: {  	[tilespmem:v5+s29+$0x0] =	vst.idx.msk $0xffff, v2;
	v2 =	vmul.f32 $8.000000000e+00, v16;
	v5 =	vadd.s32 v57, v11  }
0x361: {  	[tilespmem:v4+s29+$0x0] =	vst.idx.msk $0xffff, v3;
	v3 =	vmul.f32 $8.000000000e+00, v10  }
0x362: {  	[tilespmem:v14+s29+$0x0] =	vst.idx.msk $0xffff, v2;
	v2 =	vmul.f32 $8.000000000e+00, v15  }
0x363: {  	[tilespmem:v13+s29+$0x0] =	vst.idx.msk $0xffff, v3;
	v3 =	vmul.f32 $8.000000000e+00, v17  }
0x364: {  	[tilespmem:v6+s29+$0x0] =	vst.idx.msk $0xffff, v2  }
0x365: {  	s17 =	simm.s32 $0x0;
	[tilespmem:v5+s29+$0x0] =	vst.idx.msk $0xffff, v3  }
0x366: {  	v4 =	vmov s17;
	v48 =	vld [tilespmem:$0x1FCC0]  }
0x367: {  	v2 =	vshrl.u32 v4, $0x3;
	v3 =	vld [tilespmem:s0+$0xFFFFFE90]  }
0x368: {  	v2 =	vshll.u32 v2, $0x3;
	v60 =	vld [tilespmem:$0x1FD40]  }
0x369: {  	v7 =	vbroadcast v2, $0x0;
	v2 =	vld [tilespmem:s0+$0xFFFFFF10]  }
0x36a: {  	v0 =	vld [tilespmem:$0x1FC40]  }
0x36b: {  	v55 =	vld [tilespmem:$0x1FD00];
	v4 =	vadd.s32 v48, v7;
	_ =	sdelay $0x1  }
0x36c: {  	v5 =	vld [tilespmem:s0+$0xFFFFFE10];
	v6 =	vadd.s32 v60, v7  }
0x36d: {  	v8 =	vld [tilespmem:s0+$0xFFFFFED0];
	v3 =	vmul.f32 $8.000000000e+00, v3  }
0x36e: {  	v10 =	vadd.s32 v0, v7  }
0x36f: {  	v9 =	vld [tilespmem:s0+$0xFFFFFF90];
	v11 =	vadd.s32 v55, v7;
	v2 =	vmul.f32 $8.000000000e+00, v2;
	[tilespmem:v4+s29+$0x0] =	vst.idx.msk $0xffff, v3  }
0x370: {  	v32 =	vld [tilespmem:$0x1FEF0]  }
0x371: {  	v5 =	vmul.f32 $8.000000000e+00, v5;
	v54 =	vld [tilespmem:$0x1FF70];
	[tilespmem:v6+s29+$0x0] =	vst.idx.msk $0xffff, v2  }
0x372: {  	v2 =	vmul.f32 $8.000000000e+00, v8;
	v51 =	vld [tilespmem:$0x1FCD0]  }
0x373: {  	v40 =	vld [tilespmem:$0x1FC80];
	[tilespmem:v10+s29+$0x0] =	vst.idx.msk $0xffff, v5  }
0x374: {  	v12 =	vld [tilespmem:s0+$0xFFFFFFD0];
	[tilespmem:v11+s29+$0x0] =	vst.idx.msk $0xffff, v2  }
0x375: {  	v49 =	vmov v61;
	v61 =	vld [tilespmem:$0x1FD50]  }
0x376: {  	v4 =	vld [tilespmem:s0+$0xFFFFFEA0];
	v3 =	vadd.s32 v32, v7  }
0x377: {  	v13 =	vld [tilespmem:s0+$0xFFFFFE50];
	v14 =	vadd.s32 v54, v7  }
0x378: {  	v8 =	vld [tilespmem:s0+$0xFFFFFF20];
	v6 =	vadd.s32 v51, v7  }
0x379: {  	v5 =	vmul.f32 $8.000000000e+00, v9;
	v16 =	vadd.s32 v40, v7  }
0x37a: {  	v2 =	vmul.f32 $8.000000000e+00, v12;
	v10 =	vadd.s32 v61, v7  }
0x37b: {  	[tilespmem:v3+s29+$0x0] =	vst.idx.msk $0xffff, v5;
	v3 =	vmul.f32 $8.000000000e+00, v4  }
0x37c: {  	v4 =	vmul.f32 $8.000000000e+00, v13;
	[tilespmem:v14+s29+$0x0] =	vst.idx.msk $0xffff, v2  }
0x37d: {  	v2 =	vmul.f32 $8.000000000e+00, v8;
	[tilespmem:v6+s29+$0x0] =	vst.idx.msk $0xffff, v3  }
0x37e: {  	[tilespmem:v16+s29+$0x0] =	vst.idx.msk $0xffff, v4  }
0x37f: {  	v15 =	vld [tilespmem:s0+$0xFFFFFF50];
	[tilespmem:v10+s29+$0x0] =	vst.idx.msk $0xffff, v2  }
0x380: {  	v28 =	vld [tilespmem:$0x1FE80]  }
0x381: {  	v9 =	vld [tilespmem:s0+$0xFFFFFE20]  }
0x382: {  	v37 =	vld [tilespmem:$0x1FC50]  }
0x383: {  	v41 =	vld [tilespmem:$0x1FC90]  }
0x384: {  	v62 =	vld [tilespmem:$0x1FD60]  }
0x385: {  	v52 =	vld [tilespmem:$0x1FCE0];
	v2 =	vadd.s32 v28, v7  }
0x386: {  	v4 =	vld [tilespmem:s0+$0xFFFFFE60]  }
0x387: {  	v6 =	vld [tilespmem:s0+$0xFFFFFF30];
	v8 =	vadd.s32 v37, v7  }
0x388: {  	v15 =	vmul.f32 $8.000000000e+00, v15;
	v3 =	vld [tilespmem:s0+$0xFFFFFEB0];
	v16 =	vadd.s32 v41, v7  }
0x389: {  	v18 =	vadd.s32 v62, v7  }
0x38a: {  	v9 =	vmul.f32 $8.000000000e+00, v9;
	v20 =	vadd.s32 v52, v7;
	[tilespmem:v2+s29+$0x0] =	vst.idx.msk $0xffff, v15  }
0x38b: {  	s6 =	simm.s32 $0x8;
	v4 =	vmul.f32 $8.000000000e+00, v4;
	v33 =	vld [tilespmem:$0x1FF90]  }
0x38c: {  	v13 =	vmov s6;
	v6 =	vmul.f32 $8.000000000e+00, v6;
	v56 =	vld [tilespmem:$0x1FD10];
	[tilespmem:v8+s29+$0x0] =	vst.idx.msk $0xffff, v9  }
0x38d: {  	v11 =	vld [tilespmem:s0+$0xFFFFFEE0];
	v13 =	vshrl.u32 v13, $0x3;
	v3 =	vmul.f32 $8.000000000e+00, v3;
	[tilespmem:v16+s29+$0x0] =	vst.idx.msk $0xffff, v4  }
0x38e: {  	s17 =	simm.s32 $0xC7F0;
	v12 =	vld [tilespmem:s0+$0xFFFFFFE0];
	v13 =	vshll.u32 v13, $0x3;
	[tilespmem:v18+s29+$0x0] =	vst.idx.msk $0xffff, v6  }
0x38f: {  	v15 =	vld [tilespmem:s17+$0xFFFFFE10];
	v2 =	vbroadcast v13, $0x0;
	[tilespmem:v20+s29+$0x0] =	vst.idx.msk $0xffff, v3  }
0x390: {  	v46 =	vld [tilespmem:$0x1FEA0]  }
0x391: {  	v9 =	vadd.s32 v0, v2;
	v43 =	vld [tilespmem:$0x1FF10]  }
0x392: {  	v10 =	vld [tilespmem:s17+$0xFFFFFE50];
	v13 =	vadd.s32 v33, v7  }
0x393: {  	v4 =	vld [tilespmem:s0+$0xFFFFFF60];
	v21 =	vadd.s32 v56, v7  }
0x394: {  	v5 =	vld [tilespmem:s0+$0xFFFFFFA0];
	v16 =	vadd.s32 v40, v2;
	v15 =	vmul.f32 $8.000000000e+00, v15  }
0x395: {  	v19 =	vld [tilespmem:s17+$0xFFFFFE90];
	v12 =	vmul.f32 $8.000000000e+00, v12;
	v3 =	vmul.f32 $8.000000000e+00, v11;
	v11 =	vadd.s32 v46, v7  }
0x396: {  	v22 =	vld [tilespmem:s17+$0xFFFFFED0];
	v18 =	vadd.s32 v43, v7;
	[tilespmem:v9+s29+$0x0] =	vst.idx.msk $0xffff, v15  }
0x397: {  	v14 =	vld [tilespmem:s17+$0xFFFFFF50];
	v10 =	vmul.f32 $8.000000000e+00, v10;
	[tilespmem:v13+s29+$0x0] =	vst.idx.msk $0xffff, v12;
	v12 =	vadd.s32 v48, v2  }
0x398: {  	v17 =	vld [tilespmem:s17+$0xFFFFFF10];
	v4 =	vmul.f32 $8.000000000e+00, v4;
	[tilespmem:v21+s29+$0x0] =	vst.idx.msk $0xffff, v3;
	v3 =	vadd.s32 v55, v2  }
0x399: {  	v5 =	vmul.f32 $8.000000000e+00, v5;
	v8 =	vld [tilespmem:s17+$0xFFFFFF90];
	v15 =	vadd.s32 v28, v2;
	[tilespmem:v16+s29+$0x0] =	vst.idx.msk $0xffff, v10  }
0x39a: {  	v6 =	vld [tilespmem:s0+$0xFFFFFE70];
	v10 =	vadd.s32 v60, v2;
	v16 =	vmul.f32 $8.000000000e+00, v19;
	[tilespmem:v11+s29+$0x0] =	vst.idx.msk $0xffff, v4  }
0x39b: {  	v11 =	vmul.f32 $8.000000000e+00, v22;
	v58 =	vld [tilespmem:$0x1FD20];
	[tilespmem:v18+s29+$0x0] =	vst.idx.msk $0xffff, v5  }
0x39c: {  	v14 =	vmul.f32 $8.000000000e+00, v14;
	v13 =	vld [tilespmem:s17+$0xFFFFFFD0];
	[tilespmem:v12+s29+$0x0] =	vst.idx.msk $0xffff, v16  }
0x39d: {  	v16 =	vmul.f32 $8.000000000e+00, v17;
	v30 =	vld [tilespmem:$0x1FFB0];
	[tilespmem:v3+s29+$0x0] =	vst.idx.msk $0xffff, v11  }
0x39e: {  	v9 =	vld [tilespmem:s0+$0xFFFFFEF0];
	[tilespmem:v15+s29+$0x0] =	vst.idx.msk $0xffff, v14  }
0x39f: {  	v4 =	vld [tilespmem:s0+$0xFFFFFFF0];
	v5 =	vadd.s32 v32, v2;
	[tilespmem:v10+s29+$0x0] =	vst.idx.msk $0xffff, v16  }
0x3a0: {  	v19 =	vadd.s32 v58, v7;
	v44 =	vld [tilespmem:$0x1FCA0]  }
0x3a1: {  	v21 =	vld [tilespmem:s17+$0xFFFFFE20];
	v18 =	vadd.s32 v54, v2  }
0x3a2: {  	v20 =	vld [tilespmem:s0+$0xFFFFFF40];
	v8 =	vmul.f32 $8.000000000e+00, v8;
	v17 =	vadd.s32 v30, v7  }
0x3a3: {  	v22 =	vld [tilespmem:s0+$0xFFFFFF70];
	v9 =	vmul.f32 $8.000000000e+00, v9;
	v14 =	vadd.s32 v37, v2  }
0x3a4: {  	v13 =	vmul.f32 $8.000000000e+00, v13;
	v23 =	vld [tilespmem:s17+$0xFFFFFEA0];
	[tilespmem:v5+s29+$0x0] =	vst.idx.msk $0xffff, v8  }
0x3a5: {  	v12 =	vld [tilespmem:s0+$0xFFFFFFB0];
	v15 =	vmul.f32 $8.000000000e+00, v4;
	[tilespmem:v19+s29+$0x0] =	vst.idx.msk $0xffff, v9;
	v16 =	vadd.s32 v44, v7  }
0x3a6: {  	v5 =	vmul.f32 $8.000000000e+00, v21;
	v9 =	vadd.s32 v51, v2;
	v42 =	vld [tilespmem:$0x1FF30];
	[tilespmem:v18+s29+$0x0] =	vst.idx.msk $0xffff, v13  }
0x3a7: {  	v11 =	vld [tilespmem:s0+$0xFFFFFEC0];
	[tilespmem:v17+s29+$0x0] =	vst.idx.msk $0xffff, v15  }
0x3a8: {  	v6 =	vmul.f32 $8.000000000e+00, v6;
	v38 =	vld [tilespmem:$0x1FC60];
	[tilespmem:v14+s29+$0x0] =	vst.idx.msk $0xffff, v5  }
0x3a9: {  	v5 =	vmul.f32 $8.000000000e+00, v23;
	v53 =	vld [tilespmem:$0x1FCF0]  }
0x3aa: {  	v50 =	vld [tilespmem:$0x1FEC0];
	[tilespmem:v16+s29+$0x0] =	vst.idx.msk $0xffff, v6  }
0x3ab: {  	v10 =	vld [tilespmem:s0+$0xFFFFFE30];
	[tilespmem:v9+s29+$0x0] =	vst.idx.msk $0xffff, v5  }
0x3ac: {  	v19 =	vadd.s32 v42, v7;
	v63 =	vld [tilespmem:$0x1FD70]  }
0x3ad: {  	v3 =	vld [tilespmem:s17+$0xFFFFFEE0];
	v13 =	vadd.s32 v38, v7  }
0x3ae: {  	v15 =	vld [tilespmem:s17+$0xFFFFFF20];
	v14 =	vadd.s32 v53, v7  }
0x3af: {  	v4 =	vld [tilespmem:s17+$0xFFFFFFA0];
	v6 =	vmul.f32 $8.000000000e+00, v12;
	v17 =	vadd.s32 v50, v7  }
0x3b0: {  	v59 =	vld [tilespmem:s0+$0xFFFFFF00];
	v23 =	vadd.s32 v61, v2;
	v9 =	vmul.f32 $8.000000000e+00, v10  }
0x3b1: {  	v11 =	vmul.f32 $8.000000000e+00, v11;
	v25 =	vld [tilespmem:s17+$0xFFFFFFE0];
	[tilespmem:v19+s29+$0x0] =	vst.idx.msk $0xffff, v6;
	v26 =	vadd.s32 v63, v7  }
0x3b2: {  	v21 =	vld [tilespmem:s0+$0x0];
	v12 =	vmul.f32 $8.000000000e+00, v22;
	[tilespmem:v13+s29+$0x0] =	vst.idx.msk $0xffff, v9  }
0x3b3: {  	v10 =	vld [tilespmem:s0+$0xFFFFFE80];
	v13 =	vmul.f32 $8.000000000e+00, v15;
	[tilespmem:v14+s29+$0x0] =	vst.idx.msk $0xffff, v11  }
0x3b4: {  	v27 =	vmul.f32 $8.000000000e+00, v20;
	v47 =	vld [tilespmem:$0x1FCB0];
	[tilespmem:v17+s29+$0x0] =	vst.idx.msk $0xffff, v12  }
0x3b5: {  	v29 =	vld [tilespmem:$0x1FF50];
	[tilespmem:v23+s29+$0x0] =	vst.idx.msk $0xffff, v13  }
0x3b6: {  	v39 =	vld [tilespmem:$0x1FC70];
	[tilespmem:v26+s29+$0x0] =	vst.idx.msk $0xffff, v27  }
0x3b7: {  	v9 =	vmul.f32 $8.000000000e+00, v59;
	v59 =	vld [tilespmem:$0x1FD30]  }
0x3b8: {  	v8 =	vld [tilespmem:s17+$0xFFFFFEB0]  }
0x3b9: {  	v13 =	vld [tilespmem:$0x1FEE0]  }
0x3ba: {  	v19 =	vld [tilespmem:s0+$0xFFFFFFC0]  }
0x3bb: {  	v20 =	vadd.s32 v45, v7;
	v5 =	vadd.s32 v56, v2;
	v15 =	vld [tilespmem:s0+$0xFFFFFE40]  }
0x3bc: {  	v6 =	vadd.s32 v43, v2;
	v12 =	vld [tilespmem:s17+$0xFFFFFE60];
	v23 =	vmul.f32 $8.000000000e+00, v21;
	v21 =	vadd.s32 v59, v7  }
0x3bd: {  	v22 =	vmul.f32 $8.000000000e+00, v10;
	v11 =	vmul.f32 $8.000000000e+00, v25;
	v14 =	vld [tilespmem:s0+$0xFFFFFF80];
	v16 =	vadd.s32 v47, v7  }
0x3be: {  	v57 =	vmovc v49;
	s0 =	simm.s32 $0xC9F0;
	v10 =	vld [tilespmem:s17+$0xFFFFFF30];
	v18 =	vadd.s32 v29, v7;
	v17 =	vadd.s32 v39, v7;
	v13 =	vadd.s32 v13, v7  }
.LBB2_9:
0x3bf: {  	_ =	sdelay $0x1  }
0x3c0: {  	[tilespmem:v21+s29+$0x0] =	vst.idx.msk $0xffff, v9  }
0x3c1: {  	s6 =	sadd.s32 $0x8, s6;
	v24 =	vld [tilespmem:s0+$0xFFFFFE50];
	v7 =	vmov v2;
	v3 =	vmul.f32 $8.000000000e+00, v3;
	[tilespmem:v20+s29+$0x0] =	vst.idx.msk $0xffff, v23  }
0x3c2: {  	v2 =	vmov s6;
	v20 =	vld [tilespmem:s0+$0xFFFFFF50];
	v23 =	vadd.s32 v41, v7;
	[tilespmem:v16+s29+$0x0] =	vst.idx.msk $0xffff, v22;
	v19 =	vmul.f32 $8.000000000e+00, v19  }
0x3c3: {  	v22 =	vadd.s32 v62, v7;
	v21 =	vld [tilespmem:s0+$0xFFFFFED0];
	v2 =	vshrl.u32 v2, $0x3;
	[tilespmem:v5+s29+$0x0] =	vst.idx.msk $0xffff, v3;
	v15 =	vmul.f32 $8.000000000e+00, v15  }
0x3c4: {  	v16 =	vld [tilespmem:s0+$0xFFFFFF10];
	v2 =	vshll.u32 v2, $0x3;
	v14 =	vmul.f32 $8.000000000e+00, v14;
	[tilespmem:v18+s29+$0x0] =	vst.idx.msk $0xffff, v19;
	v19 =	vadd.s32 v52, v7  }
0x3c5: {  	v2 =	vbroadcast v2, $0x0;
	v12 =	vmul.f32 $8.000000000e+00, v12;
	v18 =	vld [tilespmem:s0+$0xFFFFFE90];
	[tilespmem:v17+s29+$0x0] =	vst.idx.msk $0xffff, v15;
	v17 =	vadd.s32 v33, v7  }
0x3c6: {  	v10 =	vmul.f32 $8.000000000e+00, v10;
	[tilespmem:v13+s29+$0x0] =	vst.idx.msk $0xffff, v14;
	v15 =	vld [tilespmem:s0+$0xFFFFFE10]  }
0x3c7: {  	v8 =	vmul.f32 $8.000000000e+00, v8;
	[tilespmem:v23+s29+$0x0] =	vst.idx.msk $0xffff, v12;
	v12 =	vld [tilespmem:s17+$0xFFFFFF60];
	v14 =	vadd.s32 v40, v2  }
0x3c8: {  	v9 =	vld [tilespmem:s0+$0xFFFFFF90];
	v13 =	vadd.s32 v0, v2;
	[tilespmem:v22+s29+$0x0] =	vst.idx.msk $0xffff, v10  }
0x3c9: {  	v4 =	vmul.f32 $8.000000000e+00, v4;
	v5 =	vld [tilespmem:s17+$0xFFFFFEF0];
	[tilespmem:v19+s29+$0x0] =	vst.idx.msk $0xffff, v8;
	v8 =	vadd.s32 v46, v7  }
0x3ca: {  	v10 =	vadd.s32 v48, v2;
	v22 =	vld [tilespmem:s17+$0xFFFFFE70];
	[tilespmem:v17+s29+$0x0] =	vst.idx.msk $0xffff, v11;
	v11 =	vmul.f32 $8.000000000e+00, v24  }
0x3cb: {  	[tilespmem:v6+s29+$0x0] =	vst.idx.msk $0xffff, v4;
	v23 =	vld [tilespmem:s17+$0xFFFFFF40];
	v19 =	vadd.s32 v55, v2;
	v15 =	vmul.f32 $8.000000000e+00, v15  }
0x3cc: {  	v17 =	vadd.s32 v60, v2;
	v24 =	vld [tilespmem:s0+$0xFFFFFFD0];
	v12 =	vmul.f32 $8.000000000e+00, v12;
	[tilespmem:v14+s29+$0x0] =	vst.idx.msk $0xffff, v11  }
0x3cd: {  	v3 =	vmul.f32 $8.000000000e+00, v18;
	v4 =	vmul.f32 $8.000000000e+00, v9;
	v9 =	vld [tilespmem:s17+$0xFFFFFFB0];
	v14 =	vadd.s32 v32, v2;
	[tilespmem:v13+s29+$0x0] =	vst.idx.msk $0xffff, v15  }
0x3ce: {  	v11 =	vmul.f32 $8.000000000e+00, v21;
	v13 =	vadd.s32 v28, v2;
	[tilespmem:v8+s29+$0x0] =	vst.idx.msk $0xffff, v12;
	v8 =	vld [tilespmem:s17+$0xFFFFFFF0]  }
0x3cf: {  	v16 =	vmul.f32 $8.000000000e+00, v16;
	[tilespmem:v10+s29+$0x0] =	vst.idx.msk $0xffff, v3;
	v15 =	vld [tilespmem:s0+$0xFFFFFE20];
	v12 =	vmul.f32 $8.000000000e+00, v20;
	v20 =	vadd.s32 v58, v7  }
0x3d0: {  	v10 =	vadd.s32 v30, v7;
	[tilespmem:v19+s29+$0x0] =	vst.idx.msk $0xffff, v11;
	v11 =	vld [tilespmem:s17+$0xFFFFFEC0]  }
0x3d1: {  	v18 =	vadd.s32 v54, v2;
	v19 =	vld [tilespmem:s0+$0xFFFFFEA0];
	[tilespmem:v17+s29+$0x0] =	vst.idx.msk $0xffff, v16  }
0x3d2: {  	v25 =	vadd.s32 v37, v2;
	v6 =	vmul.f32 $8.000000000e+00, v5;
	v21 =	vld [tilespmem:s17+$0xFFFFFF70];
	[tilespmem:v14+s29+$0x0] =	vst.idx.msk $0xffff, v4  }
0x3d3: {  	v3 =	vld [tilespmem:s0+$0xFFFFFEE0];
	[tilespmem:v13+s29+$0x0] =	vst.idx.msk $0xffff, v12;
	v8 =	vmul.f32 $8.000000000e+00, v8  }
0x3d4: {  	v26 =	vadd.s32 v51, v2;
	v12 =	vmul.f32 $8.000000000e+00, v24;
	v4 =	vld [tilespmem:s0+$0xFFFFFFA0];
	[tilespmem:v20+s29+$0x0] =	vst.idx.msk $0xffff, v6  }
0x3d5: {  	v16 =	vadd.s32 v44, v7;
	v13 =	vmul.f32 $8.000000000e+00, v15;
	v15 =	vld [tilespmem:s17+$0xFFFFFE30];
	[tilespmem:v10+s29+$0x0] =	vst.idx.msk $0xffff, v8  }
0x3d6: {  	v20 =	vadd.s32 v42, v7;
	v14 =	vld [tilespmem:s17+$0xFFFFFF00];
	[tilespmem:v18+s29+$0x0] =	vst.idx.msk $0xffff, v12  }
0x3d7: {  	[tilespmem:v25+s29+$0x0] =	vst.idx.msk $0xffff, v13;
	v13 =	vmul.f32 $8.000000000e+00, v19;
	v18 =	vadd.s32 v53, v7;
	v24 =	vld [tilespmem:s0+$0xFFFFFFE0]  }
0x3d8: {  	v10 =	vld [tilespmem:s0+$0xFFFFFF20];
	v8 =	vmul.f32 $8.000000000e+00, v22;
	v22 =	vadd.s32 v50, v7  }
0x3d9: {  	v27 =	vmul.f32 $8.000000000e+00, v23;
	v9 =	vmul.f32 $8.000000000e+00, v9;
	v12 =	vadd.s32 v38, v7;
	[tilespmem:v26+s29+$0x0] =	vst.idx.msk $0xffff, v13;
	v23 =	vld [tilespmem:s17+$0x0]  }
0x3da: {  	v11 =	vmul.f32 $8.000000000e+00, v11;
	[tilespmem:v16+s29+$0x0] =	vst.idx.msk $0xffff, v8;
	v8 =	vld [tilespmem:s0+$0xFFFFFEB0]  }
0x3db: {  	v17 =	vadd.s32 v61, v2;
	v21 =	vmul.f32 $8.000000000e+00, v21;
	v25 =	vld [tilespmem:s17+$0xFFFFFE80];
	[tilespmem:v20+s29+$0x0] =	vst.idx.msk $0xffff, v9  }
0x3dc: {  	p0 =	slt.u32 s6, $0x78;
	v26 =	vadd.s32 v63, v7;
	v13 =	vmul.f32 $8.000000000e+00, v15;
	[tilespmem:v18+s29+$0x0] =	vst.idx.msk $0xffff, v11;
	v11 =	vmul.f32 $8.000000000e+00, v24;
	v24 =	vld [tilespmem:$0x1FEE0]  }
.Ltmp3:
0x3dd: {  	v5 =	vadd.s32 v56, v2;
	v19 =	vld [tilespmem:s17+$0xFFFFFFC0];
	[tilespmem:v22+s29+$0x0] =	vst.idx.msk $0xffff, v21;
	(pc) =	sbr.rel @p0 .LBB2_9-.Ltmp3, $4  }
0x3de: {  	v6 =	vadd.s32 v43, v2;
	v16 =	vadd.s32 v47, v7;
	v10 =	vmul.f32 $8.000000000e+00, v10;
	[tilespmem:v12+s29+$0x0] =	vst.idx.msk $0xffff, v13;
	v12 =	vld [tilespmem:s0+$0xFFFFFE60]  }
0x3df: {  	v20 =	vadd.s32 v45, v7;
	v9 =	vmul.f32 $8.000000000e+00, v14;
	v21 =	vadd.s32 v59, v7;
	v14 =	vld [tilespmem:s17+$0xFFFFFF80]  }
0x3e0: {  	v18 =	vadd.s32 v29, v7;
	v15 =	vld [tilespmem:s17+$0xFFFFFE40];
	[tilespmem:v17+s29+$0x0] =	vst.idx.msk $0xffff, v10;
	v17 =	vadd.s32 v39, v7;
	s17 =	smov.u32 s0  }
0x3e1: {  	v23 =	vmul.f32 $8.000000000e+00, v23;
	s0 =	sadd.s32 $0x200, s0;
	v22 =	vmul.f32 $8.000000000e+00, v25;
	v10 =	vld [tilespmem:s17+$0xFFFFFF30];
	[tilespmem:v26+s29+$0x0] =	vst.idx.msk $0xffff, v27;
	v13 =	vadd.s32 v24, v7  }
0x3e2: {  	_ =	sdelay $0x3  }
0x3e3: {  	v56 =	vadd.s32 v33, v2;
	[tilespmem:v21+s29+$0x0] =	vst.idx.msk $0xffff, v9  }
0x3e4: {  	v7 =	vmul.f32 $8.000000000e+00, v19;
	[tilespmem:v20+s29+$0x0] =	vst.idx.msk $0xffff, v23;
	v20 =	vadd.s32 v41, v2  }
0x3e5: {  	v4 =	vmul.f32 $8.000000000e+00, v4;
	[tilespmem:v16+s29+$0x0] =	vst.idx.msk $0xffff, v22  }
0x3e6: {  	v60 =	vld [tilespmem:s17+$0xFFFFFF60];
	[tilespmem:v18+s29+$0x0] =	vst.idx.msk $0xffff, v7  }
0x3e7: {  	v12 =	vmul.f32 $8.000000000e+00, v12;
	[tilespmem:v6+s29+$0x0] =	vst.idx.msk $0xffff, v4  }
0x3e8: {  	v9 =	vadd.s32 v46, v2;
	v3 =	vmul.f32 $8.000000000e+00, v3;
	[tilespmem:v56+s29+$0x0] =	vst.idx.msk $0xffff, v11  }
0x3e9: {  	v14 =	vmul.f32 $8.000000000e+00, v14;
	v11 =	vadd.s32 v52, v2;
	[tilespmem:v20+s29+$0x0] =	vst.idx.msk $0xffff, v12;
	v61 =	vld [tilespmem:s17+$0xFFFFFFF0]  }
0x3ea: {  	v32 =	vadd.s32 v62, v2;
	[tilespmem:v5+s29+$0x0] =	vst.idx.msk $0xffff, v3;
	v15 =	vmul.f32 $8.000000000e+00, v15;
	v33 =	vld [tilespmem:s17+$0xFFFFFE70]  }
0x3eb: {  	v40 =	vadd.s32 v30, v2;
	v6 =	vld [tilespmem:s17+$0xFFFFFFB0];
	[tilespmem:v13+s29+$0x0] =	vst.idx.msk $0xffff, v14;
	v37 =	vmul.f32 $8.000000000e+00, v60  }
0x3ec: {  	v8 =	vmul.f32 $8.000000000e+00, v8;
	v41 =	vadd.s32 v44, v2;
	v3 =	vld [tilespmem:s17+$0xFFFFFE30];
	[tilespmem:v17+s29+$0x0] =	vst.idx.msk $0xffff, v15  }
0x3ed: {  	v44 =	vadd.s32 v42, v2;
	v43 =	vld [tilespmem:s17+$0xFFFFFEF0];
	v10 =	vmul.f32 $8.000000000e+00, v10;
	[tilespmem:v9+s29+$0x0] =	vst.idx.msk $0xffff, v37  }
0x3ee: {  	[tilespmem:v11+s29+$0x0] =	vst.idx.msk $0xffff, v8;
	v8 =	vld [tilespmem:s17+$0xFFFFFF70];
	v11 =	vadd.s32 v38, v2;
	v9 =	vmul.f32 $8.000000000e+00, v61  }
0x3ef: {  	[tilespmem:v32+s29+$0x0] =	vst.idx.msk $0xffff, v10;
	v10 =	vadd.s32 v58, v2;
	v46 =	vld [tilespmem:s17+$0xFFFFFEC0];
	v48 =	vmul.f32 $8.000000000e+00, v33  }
0x3f0: {  	v49 =	vadd.s32 v50, v2;
	v15 =	vld [tilespmem:s17+$0xFFFFFF40];
	v6 =	vmul.f32 $8.000000000e+00, v6;
	[tilespmem:v40+s29+$0x0] =	vst.idx.msk $0xffff, v9  }
0x3f1: {  	v3 =	vmul.f32 $8.000000000e+00, v3;
	v9 =	vadd.s32 v53, v2;
	v50 =	vld [tilespmem:s17+$0x0];
	[tilespmem:v41+s29+$0x0] =	vst.idx.msk $0xffff, v48  }
0x3f2: {  	v51 =	vmul.f32 $8.000000000e+00, v43;
	[tilespmem:v44+s29+$0x0] =	vst.idx.msk $0xffff, v6;
	v53 =	vadd.s32 v63, v2;
	v52 =	vld [tilespmem:s17+$0xFFFFFE80]  }
0x3f3: {  	v0 =	vadd.s32 v45, v2;
	v54 =	vmul.f32 $8.000000000e+00, v8;
	[tilespmem:v11+s29+$0x0] =	vst.idx.msk $0xffff, v3;
	v3 =	vld [tilespmem:s17+$0xFFFFFFC0]  }
0x3f4: {  	[tilespmem:v10+s29+$0x0] =	vst.idx.msk $0xffff, v51;
	v8 =	vadd.s32 v47, v2;
	v55 =	vmul.f32 $8.000000000e+00, v46;
	v56 =	vld [tilespmem:s17+$0xFFFFFE40]  }
0x3f5: {  	v58 =	vadd.s32 v29, v2;
	v10 =	vmul.f32 $8.000000000e+00, v15;
	v11 =	vld [tilespmem:s17+$0xFFFFFF00];
	[tilespmem:v49+s29+$0x0] =	vst.idx.msk $0xffff, v54  }
0x3f6: {  	v60 =	vadd.s32 v39, v2;
	[tilespmem:v9+s29+$0x0] =	vst.idx.msk $0xffff, v55;
	v7 =	vld [tilespmem:s17+$0xFFFFFF80];
	v9 =	vmul.f32 $8.000000000e+00, v50  }
0x3f7: {  	v62 =	vadd.s32 v59, v2;
	s0 =	sshll.u32 s1, $0x1;
	[tilespmem:v53+s29+$0x0] =	vst.idx.msk $0xffff, v10;
	v61 =	vmul.f32 $8.000000000e+00, v52  }
0x3f8: {  	s0 =	sadd.s32 s5, s0;
	v2 =	vadd.s32 v24, v2;
	v3 =	vmul.f32 $8.000000000e+00, v3;
	[tilespmem:v0+s29+$0x0] =	vst.idx.msk $0xffff, v9  }
0x3f9: {  	s6 =	sshll.u32 s0, $0xD;
	s0 =	sshll.u32 s0, $0xA;
	v0 =	vmul.f32 $8.000000000e+00, v56;
	[tilespmem:v8+s29+$0x0] =	vst.idx.msk $0xffff, v61  }
0x3fa: {  	s1 =	sand.u32 $0x7FFC0000, s6;
	s0 =	sand.u32 $0x7800, s0;
	v63 =	vmul.f32 $8.000000000e+00, v11;
	[tilespmem:v58+s29+$0x0] =	vst.idx.msk $0xffff, v3  }
0x3fb: {  	s0 =	sor.u32 s0, s1;
	[tilespmem:v60+s29+$0x0] =	vst.idx.msk $0xffff, v0;
	v0 =	vmul.f32 $8.000000000e+00, v7  }
0x3fc: {  	s0 =	sshrl.u32 s0, $0x3;
	[tilespmem:v62+s29+$0x0] =	vst.idx.msk $0xffff, v63  }
0x3fd: {  	s1 =	sadd.s32 s2, s0;
	[tilespmem:v2+s29+$0x0] =	vst.idx.msk $0xffff, v0  }
0x3fe: {  	[hbm4b:s1+s3] =	stream.linear.scatter [tilespmem:s29], [sflag:$0x4], $0x80, $0x38;
	[tilespmem:$0x16C00] =	vst v63  }
0x3ff: {  	s14 =	simm.s32 $0x12888;
	s6 =	sadd.s32 $0x10, s1  }
0x400: {  	[hbm4b:s6+s3] =	stream.linear.scatter [tilespmem:s14], [sflag:$0x4], $0x80, $0x38;
	[tilespmem:$0x16C00] =	vst v63  }
0x401: {  	s17 =	simm.s32 $0x12910;
	s14 =	sadd.s32 $0x20, s1  }
0x402: {  	[hbm4b:s14+s3] =	stream.linear.scatter [tilespmem:s17], [sflag:$0x4], $0x80, $0x38;
	[tilespmem:$0x16C00] =	vst v63  }
0x403: {  	s14 =	sadd.s32 $0x30, s1;
	s17 =	simm.s32 $0x12998  }
0x404: {  	[hbm4b:s14+s3] =	stream.linear.scatter [tilespmem:s17], [sflag:$0x4], $0x80, $0x38;
	[tilespmem:$0x16C00] =	vst v63  }
0x405: {  	s14 =	sadd.s32 $0x40, s1;
	s17 =	simm.s32 $0x12A20  }
0x406: {  	[hbm4b:s14+s3] =	stream.linear.scatter [tilespmem:s17], [sflag:$0x4], $0x80, $0x38;
	[tilespmem:$0x16C00] =	vst v63  }
0x407: {  	s14 =	sadd.s32 $0x50, s1;
	s17 =	simm.s32 $0x12AA8  }
0x408: {  	[hbm4b:s14+s3] =	stream.linear.scatter [tilespmem:s17], [sflag:$0x4], $0x80, $0x38;
	[tilespmem:$0x16C00] =	vst v63  }
0x409: {  	s14 =	sadd.s32 $0x60, s1;
	s17 =	simm.s32 $0x12B30  }
0x40a: {  	[hbm4b:s14+s3] =	stream.linear.scatter [tilespmem:s17], [sflag:$0x4], $0x80, $0x38;
	[tilespmem:$0x16C00] =	vst v63  }
0x40b: {  	s1 =	sadd.s32 $0x70, s1;
	s14 =	simm.s32 $0x12BB8  }
0x40c: {  	[hbm4b:s1+s3] =	stream.linear.scatter [tilespmem:s14], [sflag:$0x4], $0x80, $0x38;
	[tilespmem:$0x16C00] =	vst v63  }
0x40d: {  	s17 =	simm.s32 $0x12C40;
	s1 =	sadd.s32 s0, s7  }
0x40e: {  	[hbm4b:s1+s3] =	stream.linear.scatter [tilespmem:s17], [sflag:$0x4], $0x80, $0x38;
	[tilespmem:$0x16C00] =	vst v63  }
0x40f: {  	s14 =	sadd.s32 $0x10, s1;
	s17 =	simm.s32 $0x12CC8  }
0x410: {  	[hbm4b:s14+s3] =	stream.linear.scatter [tilespmem:s17], [sflag:$0x4], $0x80, $0x38;
	[tilespmem:$0x16C00] =	vst v63  }
0x411: {  	s14 =	sadd.s32 $0x20, s1;
	s17 =	simm.s32 $0x12D50  }
0x412: {  	[hbm4b:s14+s3] =	stream.linear.scatter [tilespmem:s17], [sflag:$0x4], $0x80, $0x38;
	[tilespmem:$0x16C00] =	vst v63  }
0x413: {  	s14 =	sadd.s32 $0x30, s1;
	s17 =	simm.s32 $0x12DD8  }
0x414: {  	[hbm4b:s14+s3] =	stream.linear.scatter [tilespmem:s17], [sflag:$0x4], $0x80, $0x38;
	[tilespmem:$0x16C00] =	vst v63  }
0x415: {  	s14 =	sadd.s32 $0x40, s1;
	s17 =	simm.s32 $0x12E60  }
0x416: {  	[hbm4b:s14+s3] =	stream.linear.scatter [tilespmem:s17], [sflag:$0x4], $0x80, $0x38;
	[tilespmem:$0x16C00] =	vst v63  }
0x417: {  	s14 =	sadd.s32 $0x50, s1;
	s17 =	simm.s32 $0x12EE8  }
0x418: {  	[hbm4b:s14+s3] =	stream.linear.scatter [tilespmem:s17], [sflag:$0x4], $0x80, $0x38;
	[tilespmem:$0x16C00] =	vst v63  }
0x419: {  	s14 =	sadd.s32 $0x60, s1;
	s17 =	simm.s32 $0x12F70  }
0x41a: {  	[hbm4b:s14+s3] =	stream.linear.scatter [tilespmem:s17], [sflag:$0x4], $0x80, $0x38;
	[tilespmem:$0x16C00] =	vst v63  }
0x41b: {  	s1 =	sadd.s32 $0x70, s1;
	s14 =	simm.s32 $0x12FF8  }
0x41c: {  	[hbm4b:s1+s3] =	stream.linear.scatter [tilespmem:s14], [sflag:$0x4], $0x80, $0x38;
	[tilespmem:$0x16C00] =	vst v63  }
0x41d: {  	s17 =	simm.s32 $0x13080;
	s1 =	sadd.s32 s0, s8  }
0x41e: {  	[hbm4b:s1+s3] =	stream.linear.scatter [tilespmem:s17], [sflag:$0x4], $0x80, $0x38;
	[tilespmem:$0x16C00] =	vst v63  }
0x41f: {  	s14 =	sadd.s32 $0x10, s1;
	s17 =	simm.s32 $0x13108  }
0x420: {  	[hbm4b:s14+s3] =	stream.linear.scatter [tilespmem:s17], [sflag:$0x4], $0x80, $0x38;
	[tilespmem:$0x16C00] =	vst v63  }
0x421: {  	s14 =	sadd.s32 $0x20, s1;
	s17 =	simm.s32 $0x13190  }
0x422: {  	[hbm4b:s14+s3] =	stream.linear.scatter [tilespmem:s17], [sflag:$0x4], $0x80, $0x38;
	[tilespmem:$0x16C00] =	vst v63  }
0x423: {  	s14 =	sadd.s32 $0x30, s1;
	s17 =	simm.s32 $0x13218  }
0x424: {  	[hbm4b:s14+s3] =	stream.linear.scatter [tilespmem:s17], [sflag:$0x4], $0x80, $0x38;
	[tilespmem:$0x16C00] =	vst v63  }
0x425: {  	s14 =	sadd.s32 $0x40, s1;
	s17 =	simm.s32 $0x132A0  }
0x426: {  	[hbm4b:s14+s3] =	stream.linear.scatter [tilespmem:s17], [sflag:$0x4], $0x80, $0x38;
	[tilespmem:$0x16C00] =	vst v63  }
0x427: {  	s14 =	sadd.s32 $0x50, s1;
	s17 =	simm.s32 $0x13328  }
0x428: {  	[hbm4b:s14+s3] =	stream.linear.scatter [tilespmem:s17], [sflag:$0x4], $0x80, $0x38;
	[tilespmem:$0x16C00] =	vst v63  }
0x429: {  	s14 =	sadd.s32 $0x60, s1;
	s17 =	simm.s32 $0x133B0  }
0x42a: {  	[hbm4b:s14+s3] =	stream.linear.scatter [tilespmem:s17], [sflag:$0x4], $0x80, $0x38;
	[tilespmem:$0x16C00] =	vst v63  }
0x42b: {  	s1 =	sadd.s32 $0x70, s1;
	s14 =	simm.s32 $0x13438  }
0x42c: {  	[hbm4b:s1+s3] =	stream.linear.scatter [tilespmem:s14], [sflag:$0x4], $0x80, $0x38;
	[tilespmem:$0x16C00] =	vst v63  }
0x42d: {  	s17 =	simm.s32 $0x134C0;
	s1 =	sadd.s32 s0, s9  }
0x42e: {  	[hbm4b:s1+s3] =	stream.linear.scatter [tilespmem:s17], [sflag:$0x4], $0x80, $0x38;
	[tilespmem:$0x16C00] =	vst v63  }
0x42f: {  	s14 =	sadd.s32 $0x10, s1;
	s17 =	simm.s32 $0x13548  }
0x430: {  	[hbm4b:s14+s3] =	stream.linear.scatter [tilespmem:s17], [sflag:$0x4], $0x80, $0x38;
	[tilespmem:$0x16C00] =	vst v63  }
0x431: {  	s14 =	sadd.s32 $0x20, s1;
	s17 =	simm.s32 $0x135D0  }
0x432: {  	[hbm4b:s14+s3] =	stream.linear.scatter [tilespmem:s17], [sflag:$0x4], $0x80, $0x38;
	[tilespmem:$0x16C00] =	vst v63  }
0x433: {  	s14 =	sadd.s32 $0x30, s1;
	s17 =	simm.s32 $0x13658  }
0x434: {  	[hbm4b:s14+s3] =	stream.linear.scatter [tilespmem:s17], [sflag:$0x4], $0x80, $0x38;
	[tilespmem:$0x16C00] =	vst v63  }
0x435: {  	s14 =	sadd.s32 $0x40, s1;
	s17 =	simm.s32 $0x136E0  }
0x436: {  	[hbm4b:s14+s3] =	stream.linear.scatter [tilespmem:s17], [sflag:$0x4], $0x80, $0x38;
	[tilespmem:$0x16C00] =	vst v63  }
0x437: {  	s14 =	sadd.s32 $0x50, s1;
	s17 =	simm.s32 $0x13768  }
0x438: {  	[hbm4b:s14+s3] =	stream.linear.scatter [tilespmem:s17], [sflag:$0x4], $0x80, $0x38;
	[tilespmem:$0x16C00] =	vst v63  }
0x439: {  	s14 =	sadd.s32 $0x60, s1;
	s17 =	simm.s32 $0x137F0  }
0x43a: {  	[hbm4b:s14+s3] =	stream.linear.scatter [tilespmem:s17], [sflag:$0x4], $0x80, $0x38;
	[tilespmem:$0x16C00] =	vst v63  }
0x43b: {  	s1 =	sadd.s32 $0x70, s1;
	s14 =	simm.s32 $0x13878  }
0x43c: {  	[hbm4b:s1+s3] =	stream.linear.scatter [tilespmem:s14], [sflag:$0x4], $0x80, $0x38;
	[tilespmem:$0x16C00] =	vst v63  }
0x43d: {  	s17 =	simm.s32 $0x13900;
	s1 =	sadd.s32 s0, s10  }
0x43e: {  	[hbm4b:s1+s3] =	stream.linear.scatter [tilespmem:s17], [sflag:$0x4], $0x80, $0x38;
	[tilespmem:$0x16C00] =	vst v63  }
0x43f: {  	s14 =	sadd.s32 $0x10, s1;
	s17 =	simm.s32 $0x13988  }
0x440: {  	[hbm4b:s14+s3] =	stream.linear.scatter [tilespmem:s17], [sflag:$0x4], $0x80, $0x38;
	[tilespmem:$0x16C00] =	vst v63  }
0x441: {  	s14 =	sadd.s32 $0x20, s1;
	s17 =	simm.s32 $0x13A10  }
0x442: {  	[hbm4b:s14+s3] =	stream.linear.scatter [tilespmem:s17], [sflag:$0x4], $0x80, $0x38;
	[tilespmem:$0x16C00] =	vst v63  }
0x443: {  	s14 =	sadd.s32 $0x30, s1;
	s17 =	simm.s32 $0x13A98  }
0x444: {  	[hbm4b:s14+s3] =	stream.linear.scatter [tilespmem:s17], [sflag:$0x4], $0x80, $0x38;
	[tilespmem:$0x16C00] =	vst v63  }
0x445: {  	s14 =	sadd.s32 $0x40, s1;
	s17 =	simm.s32 $0x13B20  }
0x446: {  	[hbm4b:s14+s3] =	stream.linear.scatter [tilespmem:s17], [sflag:$0x4], $0x80, $0x38;
	[tilespmem:$0x16C00] =	vst v63  }
0x447: {  	s14 =	sadd.s32 $0x50, s1;
	s17 =	simm.s32 $0x13BA8  }
0x448: {  	[hbm4b:s14+s3] =	stream.linear.scatter [tilespmem:s17], [sflag:$0x4], $0x80, $0x38;
	[tilespmem:$0x16C00] =	vst v63  }
0x449: {  	s14 =	sadd.s32 $0x60, s1;
	s17 =	simm.s32 $0x13C30  }
0x44a: {  	[hbm4b:s14+s3] =	stream.linear.scatter [tilespmem:s17], [sflag:$0x4], $0x80, $0x38;
	[tilespmem:$0x16C00] =	vst v63  }
0x44b: {  	s1 =	sadd.s32 $0x70, s1;
	s14 =	simm.s32 $0x13CB8  }
0x44c: {  	[hbm4b:s1+s3] =	stream.linear.scatter [tilespmem:s14], [sflag:$0x4], $0x80, $0x38;
	[tilespmem:$0x16C00] =	vst v63  }
0x44d: {  	s17 =	simm.s32 $0x13D40;
	s1 =	sadd.s32 s0, s11  }
0x44e: {  	[hbm4b:s1+s3] =	stream.linear.scatter [tilespmem:s17], [sflag:$0x4], $0x80, $0x38;
	[tilespmem:$0x16C00] =	vst v63  }
0x44f: {  	s14 =	sadd.s32 $0x10, s1;
	s17 =	simm.s32 $0x13DC8  }
0x450: {  	[hbm4b:s14+s3] =	stream.linear.scatter [tilespmem:s17], [sflag:$0x4], $0x80, $0x38;
	[tilespmem:$0x16C00] =	vst v63  }
0x451: {  	s14 =	sadd.s32 $0x20, s1;
	s17 =	simm.s32 $0x13E50  }
0x452: {  	[hbm4b:s14+s3] =	stream.linear.scatter [tilespmem:s17], [sflag:$0x4], $0x80, $0x38;
	[tilespmem:$0x16C00] =	vst v63  }
0x453: {  	s14 =	sadd.s32 $0x30, s1;
	s17 =	simm.s32 $0x13ED8  }
0x454: {  	[hbm4b:s14+s3] =	stream.linear.scatter [tilespmem:s17], [sflag:$0x4], $0x80, $0x38;
	[tilespmem:$0x16C00] =	vst v63  }
0x455: {  	s14 =	sadd.s32 $0x40, s1;
	s17 =	simm.s32 $0x13F60  }
0x456: {  	[hbm4b:s14+s3] =	stream.linear.scatter [tilespmem:s17], [sflag:$0x4], $0x80, $0x38;
	[tilespmem:$0x16C00] =	vst v63  }
0x457: {  	s14 =	sadd.s32 $0x50, s1;
	s17 =	simm.s32 $0x13FE8  }
0x458: {  	[hbm4b:s14+s3] =	stream.linear.scatter [tilespmem:s17], [sflag:$0x4], $0x80, $0x38;
	[tilespmem:$0x16C00] =	vst v63  }
0x459: {  	s14 =	sadd.s32 $0x60, s1;
	s17 =	simm.s32 $0x14070  }
0x45a: {  	[hbm4b:s14+s3] =	stream.linear.scatter [tilespmem:s17], [sflag:$0x4], $0x80, $0x38;
	[tilespmem:$0x16C00] =	vst v63  }
0x45b: {  	s1 =	sadd.s32 $0x70, s1;
	s14 =	simm.s32 $0x140F8  }
0x45c: {  	[hbm4b:s1+s3] =	stream.linear.scatter [tilespmem:s14], [sflag:$0x4], $0x80, $0x38;
	[tilespmem:$0x16C00] =	vst v63  }
0x45d: {  	s17 =	simm.s32 $0x14180;
	s1 =	sadd.s32 s0, s12  }
0x45e: {  	[hbm4b:s1+s3] =	stream.linear.scatter [tilespmem:s17], [sflag:$0x4], $0x80, $0x38;
	[tilespmem:$0x16C00] =	vst v63  }
0x45f: {  	s14 =	sadd.s32 $0x10, s1;
	s17 =	simm.s32 $0x14208  }
0x460: {  	[hbm4b:s14+s3] =	stream.linear.scatter [tilespmem:s17], [sflag:$0x4], $0x80, $0x38;
	[tilespmem:$0x16C00] =	vst v63  }
0x461: {  	s14 =	sadd.s32 $0x20, s1;
	s17 =	simm.s32 $0x14290  }
0x462: {  	[hbm4b:s14+s3] =	stream.linear.scatter [tilespmem:s17], [sflag:$0x4], $0x80, $0x38;
	[tilespmem:$0x16C00] =	vst v63  }
0x463: {  	s14 =	sadd.s32 $0x30, s1;
	s17 =	simm.s32 $0x14318  }
0x464: {  	[hbm4b:s14+s3] =	stream.linear.scatter [tilespmem:s17], [sflag:$0x4], $0x80, $0x38;
	[tilespmem:$0x16C00] =	vst v63  }
0x465: {  	s14 =	sadd.s32 $0x40, s1;
	s17 =	simm.s32 $0x143A0  }
0x466: {  	[hbm4b:s14+s3] =	stream.linear.scatter [tilespmem:s17], [sflag:$0x4], $0x80, $0x38;
	[tilespmem:$0x16C00] =	vst v63  }
0x467: {  	s14 =	sadd.s32 $0x50, s1;
	s17 =	simm.s32 $0x14428  }
0x468: {  	[hbm4b:s14+s3] =	stream.linear.scatter [tilespmem:s17], [sflag:$0x4], $0x80, $0x38;
	[tilespmem:$0x16C00] =	vst v63  }
0x469: {  	s14 =	sadd.s32 $0x60, s1;
	s17 =	simm.s32 $0x144B0  }
0x46a: {  	[hbm4b:s14+s3] =	stream.linear.scatter [tilespmem:s17], [sflag:$0x4], $0x80, $0x38;
	[tilespmem:$0x16C00] =	vst v63  }
0x46b: {  	s1 =	sadd.s32 $0x70, s1;
	s14 =	simm.s32 $0x14538  }
0x46c: {  	[hbm4b:s1+s3] =	stream.linear.scatter [tilespmem:s14], [sflag:$0x4], $0x80, $0x38;
	[tilespmem:$0x16C00] =	vst v63  }
0x46d: {  	s17 =	simm.s32 $0x145C0;
	s1 =	sadd.s32 s0, s13  }
0x46e: {  	[hbm4b:s1+s3] =	stream.linear.scatter [tilespmem:s17], [sflag:$0x4], $0x80, $0x38;
	[tilespmem:$0x16C00] =	vst v63  }
0x46f: {  	s14 =	sadd.s32 $0x10, s1;
	s17 =	simm.s32 $0x14648  }
0x470: {  	[hbm4b:s14+s3] =	stream.linear.scatter [tilespmem:s17], [sflag:$0x4], $0x80, $0x38;
	[tilespmem:$0x16C00] =	vst v63  }
0x471: {  	s14 =	sadd.s32 $0x20, s1;
	s17 =	simm.s32 $0x146D0  }
0x472: {  	[hbm4b:s14+s3] =	stream.linear.scatter [tilespmem:s17], [sflag:$0x4], $0x80, $0x38;
	[tilespmem:$0x16C00] =	vst v63  }
0x473: {  	s14 =	sadd.s32 $0x30, s1;
	s17 =	simm.s32 $0x14758  }
0x474: {  	[hbm4b:s14+s3] =	stream.linear.scatter [tilespmem:s17], [sflag:$0x4], $0x80, $0x38;
	[tilespmem:$0x16C00] =	vst v63  }
0x475: {  	s14 =	sadd.s32 $0x40, s1  }
0x476: {  	[hbm4b:s14+s3] =	stream.linear.scatter [tilespmem:s19], [sflag:$0x4], $0x80, $0x38;
	[tilespmem:$0x16C00] =	vst v63  }
0x477: {  	s17 =	sadd.s32 $0x50, s1  }
0x478: {  	[hbm4b:s17+s3] =	stream.linear.scatter [tilespmem:s21], [sflag:$0x4], $0x80, $0x38;
	[tilespmem:$0x16C00] =	vst v63  }
0x479: {  	s14 =	sadd.s32 $0x60, s1  }
0x47a: {  	[hbm4b:s14+s3] =	stream.linear.scatter [tilespmem:s22], [sflag:$0x4], $0x80, $0x38;
	[tilespmem:$0x16C00] =	vst v63  }
0x47b: {  	s0 =	sor.u32 $0x80, s0;
	s1 =	sadd.s32 $0x70, s1  }
0x47c: {  	[hbm4b:s1+s3] =	stream.linear.scatter [tilespmem:s23], [sflag:$0x4], $0x80, $0x38;
	[tilespmem:$0x16C00] =	vst v63  }
0x47d: {  	s1 =	sadd.s32 s2, s0  }
0x47e: {  	[hbm4b:s1+s3] =	stream.linear.scatter [tilespmem:s24], [sflag:$0x4], $0x80, $0x38;
	[tilespmem:$0x16C00] =	vst v63  }
0x47f: {  	s17 =	sadd.s32 $0x10, s1  }
0x480: {  	[hbm4b:s17+s3] =	stream.linear.scatter [tilespmem:s16], [sflag:$0x4], $0x80, $0x38;
	[tilespmem:$0x16C00] =	vst v63  }
0x481: {  	s14 =	sadd.s32 $0x20, s1  }
0x482: {  	[hbm4b:s14+s3] =	stream.linear.scatter [tilespmem:s25], [sflag:$0x4], $0x80, $0x38;
	[tilespmem:$0x16C00] =	vst v63  }
0x483: {  	s17 =	sadd.s32 $0x30, s1  }
0x484: {  	[hbm4b:s17+s3] =	stream.linear.scatter [tilespmem:s15], [sflag:$0x4], $0x80, $0x38;
	[tilespmem:$0x16C00] =	vst v63  }
0x485: {  	s14 =	sadd.s32 $0x40, s1;
	s17 =	simm.s32 $0x14C20  }
0x486: {  	[hbm4b:s14+s3] =	stream.linear.scatter [tilespmem:s17], [sflag:$0x4], $0x80, $0x38;
	[tilespmem:$0x16C00] =	vst v63  }
0x487: {  	s14 =	sadd.s32 $0x50, s1;
	s17 =	simm.s32 $0x14CA8  }
0x488: {  	[hbm4b:s14+s3] =	stream.linear.scatter [tilespmem:s17], [sflag:$0x4], $0x80, $0x38;
	[tilespmem:$0x16C00] =	vst v63  }
0x489: {  	s14 =	sadd.s32 $0x60, s1;
	s17 =	simm.s32 $0x14D30  }
0x48a: {  	[hbm4b:s14+s3] =	stream.linear.scatter [tilespmem:s17], [sflag:$0x4], $0x80, $0x38;
	[tilespmem:$0x16C00] =	vst v63  }
0x48b: {  	s1 =	sadd.s32 $0x70, s1;
	s14 =	simm.s32 $0x14DB8  }
0x48c: {  	[hbm4b:s1+s3] =	stream.linear.scatter [tilespmem:s14], [sflag:$0x4], $0x80, $0x38;
	[tilespmem:$0x16C00] =	vst v63  }
0x48d: {  	s17 =	simm.s32 $0x14E40;
	s1 =	sadd.s32 s0, s7  }
0x48e: {  	[hbm4b:s1+s3] =	stream.linear.scatter [tilespmem:s17], [sflag:$0x4], $0x80, $0x38;
	[tilespmem:$0x16C00] =	vst v63  }
0x48f: {  	s14 =	sadd.s32 $0x10, s1;
	s17 =	simm.s32 $0x14EC8  }
0x490: {  	[hbm4b:s14+s3] =	stream.linear.scatter [tilespmem:s17], [sflag:$0x4], $0x80, $0x38;
	[tilespmem:$0x16C00] =	vst v63  }
0x491: {  	s14 =	sadd.s32 $0x20, s1;
	s17 =	simm.s32 $0x14F50  }
0x492: {  	[hbm4b:s14+s3] =	stream.linear.scatter [tilespmem:s17], [sflag:$0x4], $0x80, $0x38;
	[tilespmem:$0x16C00] =	vst v63  }
0x493: {  	s14 =	sadd.s32 $0x30, s1;
	s17 =	simm.s32 $0x14FD8  }
0x494: {  	[hbm4b:s14+s3] =	stream.linear.scatter [tilespmem:s17], [sflag:$0x4], $0x80, $0x38;
	[tilespmem:$0x16C00] =	vst v63  }
0x495: {  	s14 =	sadd.s32 $0x40, s1;
	s17 =	simm.s32 $0x15060  }
0x496: {  	[hbm4b:s14+s3] =	stream.linear.scatter [tilespmem:s17], [sflag:$0x4], $0x80, $0x38;
	[tilespmem:$0x16C00] =	vst v63  }
0x497: {  	s14 =	sadd.s32 $0x50, s1;
	s17 =	simm.s32 $0x150E8  }
0x498: {  	[hbm4b:s14+s3] =	stream.linear.scatter [tilespmem:s17], [sflag:$0x4], $0x80, $0x38;
	[tilespmem:$0x16C00] =	vst v63  }
0x499: {  	s14 =	sadd.s32 $0x60, s1;
	s17 =	simm.s32 $0x15170  }
0x49a: {  	[hbm4b:s14+s3] =	stream.linear.scatter [tilespmem:s17], [sflag:$0x4], $0x80, $0x38;
	[tilespmem:$0x16C00] =	vst v63  }
0x49b: {  	s1 =	sadd.s32 $0x70, s1;
	s14 =	simm.s32 $0x151F8  }
0x49c: {  	[hbm4b:s1+s3] =	stream.linear.scatter [tilespmem:s14], [sflag:$0x4], $0x80, $0x38;
	[tilespmem:$0x16C00] =	vst v63  }
0x49d: {  	s17 =	simm.s32 $0x15280;
	s1 =	sadd.s32 s0, s8  }
0x49e: {  	[hbm4b:s1+s3] =	stream.linear.scatter [tilespmem:s17], [sflag:$0x4], $0x80, $0x38;
	[tilespmem:$0x16C00] =	vst v63  }
0x49f: {  	s14 =	sadd.s32 $0x10, s1;
	s17 =	simm.s32 $0x15308  }
0x4a0: {  	[hbm4b:s14+s3] =	stream.linear.scatter [tilespmem:s17], [sflag:$0x4], $0x80, $0x38;
	[tilespmem:$0x16C00] =	vst v63  }
0x4a1: {  	s14 =	sadd.s32 $0x20, s1;
	s17 =	simm.s32 $0x15390  }
0x4a2: {  	[hbm4b:s14+s3] =	stream.linear.scatter [tilespmem:s17], [sflag:$0x4], $0x80, $0x38;
	[tilespmem:$0x16C00] =	vst v63  }
0x4a3: {  	s14 =	sadd.s32 $0x30, s1;
	s17 =	simm.s32 $0x15418  }
0x4a4: {  	[hbm4b:s14+s3] =	stream.linear.scatter [tilespmem:s17], [sflag:$0x4], $0x80, $0x38;
	[tilespmem:$0x16C00] =	vst v63  }
0x4a5: {  	s14 =	sadd.s32 $0x40, s1;
	s17 =	simm.s32 $0x154A0  }
0x4a6: {  	[hbm4b:s14+s3] =	stream.linear.scatter [tilespmem:s17], [sflag:$0x4], $0x80, $0x38;
	[tilespmem:$0x16C00] =	vst v63  }
0x4a7: {  	s14 =	sadd.s32 $0x50, s1;
	s17 =	simm.s32 $0x15528  }
0x4a8: {  	[hbm4b:s14+s3] =	stream.linear.scatter [tilespmem:s17], [sflag:$0x4], $0x80, $0x38;
	[tilespmem:$0x16C00] =	vst v63  }
0x4a9: {  	s14 =	sadd.s32 $0x60, s1;
	s17 =	simm.s32 $0x155B0  }
0x4aa: {  	[hbm4b:s14+s3] =	stream.linear.scatter [tilespmem:s17], [sflag:$0x4], $0x80, $0x38;
	[tilespmem:$0x16C00] =	vst v63  }
0x4ab: {  	s1 =	sadd.s32 $0x70, s1;
	s14 =	simm.s32 $0x15638  }
0x4ac: {  	[hbm4b:s1+s3] =	stream.linear.scatter [tilespmem:s14], [sflag:$0x4], $0x80, $0x38;
	[tilespmem:$0x16C00] =	vst v63  }
0x4ad: {  	s17 =	simm.s32 $0x156C0;
	s1 =	sadd.s32 s0, s9  }
0x4ae: {  	[hbm4b:s1+s3] =	stream.linear.scatter [tilespmem:s17], [sflag:$0x4], $0x80, $0x38;
	[tilespmem:$0x16C00] =	vst v63  }
0x4af: {  	s14 =	sadd.s32 $0x10, s1;
	s17 =	simm.s32 $0x15748  }
0x4b0: {  	[hbm4b:s14+s3] =	stream.linear.scatter [tilespmem:s17], [sflag:$0x4], $0x80, $0x38;
	[tilespmem:$0x16C00] =	vst v63  }
0x4b1: {  	s14 =	sadd.s32 $0x20, s1;
	s17 =	simm.s32 $0x157D0  }
0x4b2: {  	[hbm4b:s14+s3] =	stream.linear.scatter [tilespmem:s17], [sflag:$0x4], $0x80, $0x38;
	[tilespmem:$0x16C00] =	vst v63  }
0x4b3: {  	s14 =	sadd.s32 $0x30, s1;
	s17 =	simm.s32 $0x15858  }
0x4b4: {  	[hbm4b:s14+s3] =	stream.linear.scatter [tilespmem:s17], [sflag:$0x4], $0x80, $0x38;
	[tilespmem:$0x16C00] =	vst v63  }
0x4b5: {  	s14 =	sadd.s32 $0x40, s1;
	s17 =	simm.s32 $0x158E0  }
0x4b6: {  	[hbm4b:s14+s3] =	stream.linear.scatter [tilespmem:s17], [sflag:$0x4], $0x80, $0x38;
	[tilespmem:$0x16C00] =	vst v63  }
0x4b7: {  	s14 =	sadd.s32 $0x50, s1;
	s17 =	simm.s32 $0x15968  }
0x4b8: {  	[hbm4b:s14+s3] =	stream.linear.scatter [tilespmem:s17], [sflag:$0x4], $0x80, $0x38;
	[tilespmem:$0x16C00] =	vst v63  }
0x4b9: {  	s14 =	sadd.s32 $0x60, s1;
	s17 =	simm.s32 $0x159F0  }
0x4ba: {  	[hbm4b:s14+s3] =	stream.linear.scatter [tilespmem:s17], [sflag:$0x4], $0x80, $0x38;
	[tilespmem:$0x16C00] =	vst v63  }
0x4bb: {  	s1 =	sadd.s32 $0x70, s1;
	s14 =	simm.s32 $0x15A78  }
0x4bc: {  	[hbm4b:s1+s3] =	stream.linear.scatter [tilespmem:s14], [sflag:$0x4], $0x80, $0x38;
	[tilespmem:$0x16C00] =	vst v63  }
0x4bd: {  	s17 =	simm.s32 $0x15B00;
	s1 =	sadd.s32 s0, s10  }
0x4be: {  	[hbm4b:s1+s3] =	stream.linear.scatter [tilespmem:s17], [sflag:$0x4], $0x80, $0x38;
	[tilespmem:$0x16C00] =	vst v63  }
0x4bf: {  	s14 =	sadd.s32 $0x10, s1;
	s17 =	simm.s32 $0x15B88  }
0x4c0: {  	[hbm4b:s14+s3] =	stream.linear.scatter [tilespmem:s17], [sflag:$0x4], $0x80, $0x38;
	[tilespmem:$0x16C00] =	vst v63  }
0x4c1: {  	s14 =	sadd.s32 $0x20, s1;
	s17 =	simm.s32 $0x15C10  }
0x4c2: {  	[hbm4b:s14+s3] =	stream.linear.scatter [tilespmem:s17], [sflag:$0x4], $0x80, $0x38;
	[tilespmem:$0x16C00] =	vst v63  }
0x4c3: {  	s14 =	sadd.s32 $0x30, s1;
	s17 =	simm.s32 $0x15C98  }
0x4c4: {  	[hbm4b:s14+s3] =	stream.linear.scatter [tilespmem:s17], [sflag:$0x4], $0x80, $0x38;
	[tilespmem:$0x16C00] =	vst v63  }
0x4c5: {  	s14 =	sadd.s32 $0x40, s1;
	s17 =	simm.s32 $0x15D20  }
0x4c6: {  	[hbm4b:s14+s3] =	stream.linear.scatter [tilespmem:s17], [sflag:$0x4], $0x80, $0x38;
	[tilespmem:$0x16C00] =	vst v63  }
0x4c7: {  	s14 =	sadd.s32 $0x50, s1;
	s17 =	simm.s32 $0x15DA8  }
0x4c8: {  	[hbm4b:s14+s3] =	stream.linear.scatter [tilespmem:s17], [sflag:$0x4], $0x80, $0x38;
	[tilespmem:$0x16C00] =	vst v63  }
0x4c9: {  	s14 =	sadd.s32 $0x60, s1;
	s17 =	simm.s32 $0x15E30  }
0x4ca: {  	[hbm4b:s14+s3] =	stream.linear.scatter [tilespmem:s17], [sflag:$0x4], $0x80, $0x38;
	[tilespmem:$0x16C00] =	vst v63  }
0x4cb: {  	s1 =	sadd.s32 $0x70, s1;
	s14 =	simm.s32 $0x15EB8  }
0x4cc: {  	[hbm4b:s1+s3] =	stream.linear.scatter [tilespmem:s14], [sflag:$0x4], $0x80, $0x38;
	[tilespmem:$0x16C00] =	vst v63  }
0x4cd: {  	s17 =	simm.s32 $0x15F40;
	s1 =	sadd.s32 s0, s11  }
0x4ce: {  	[hbm4b:s1+s3] =	stream.linear.scatter [tilespmem:s17], [sflag:$0x4], $0x80, $0x38;
	[tilespmem:$0x16C00] =	vst v63  }
0x4cf: {  	s14 =	sadd.s32 $0x10, s1;
	s17 =	simm.s32 $0x15FC8  }
0x4d0: {  	[hbm4b:s14+s3] =	stream.linear.scatter [tilespmem:s17], [sflag:$0x4], $0x80, $0x38;
	[tilespmem:$0x16C00] =	vst v63  }
0x4d1: {  	s14 =	sadd.s32 $0x20, s1;
	s17 =	simm.s32 $0x16050  }
0x4d2: {  	[hbm4b:s14+s3] =	stream.linear.scatter [tilespmem:s17], [sflag:$0x4], $0x80, $0x38;
	[tilespmem:$0x16C00] =	vst v63  }
0x4d3: {  	s14 =	sadd.s32 $0x30, s1;
	s17 =	simm.s32 $0x160D8  }
0x4d4: {  	[hbm4b:s14+s3] =	stream.linear.scatter [tilespmem:s17], [sflag:$0x4], $0x80, $0x38;
	[tilespmem:$0x16C00] =	vst v63  }
0x4d5: {  	s14 =	sadd.s32 $0x40, s1;
	s17 =	simm.s32 $0x16160  }
0x4d6: {  	[hbm4b:s14+s3] =	stream.linear.scatter [tilespmem:s17], [sflag:$0x4], $0x80, $0x38;
	[tilespmem:$0x16C00] =	vst v63  }
0x4d7: {  	s14 =	sadd.s32 $0x50, s1;
	s17 =	simm.s32 $0x161E8  }
0x4d8: {  	[hbm4b:s14+s3] =	stream.linear.scatter [tilespmem:s17], [sflag:$0x4], $0x80, $0x38;
	[tilespmem:$0x16C00] =	vst v63  }
0x4d9: {  	s14 =	sadd.s32 $0x60, s1;
	s17 =	simm.s32 $0x16270  }
0x4da: {  	[hbm4b:s14+s3] =	stream.linear.scatter [tilespmem:s17], [sflag:$0x4], $0x80, $0x38;
	[tilespmem:$0x16C00] =	vst v63  }
0x4db: {  	s1 =	sadd.s32 $0x70, s1;
	s14 =	simm.s32 $0x162F8  }
0x4dc: {  	[hbm4b:s1+s3] =	stream.linear.scatter [tilespmem:s14], [sflag:$0x4], $0x80, $0x38;
	[tilespmem:$0x16C00] =	vst v63  }
0x4dd: {  	s17 =	simm.s32 $0x16380;
	s1 =	sadd.s32 s0, s12  }
0x4de: {  	[hbm4b:s1+s3] =	stream.linear.scatter [tilespmem:s17], [sflag:$0x4], $0x80, $0x38;
	[tilespmem:$0x16C00] =	vst v63  }
0x4df: {  	s14 =	sadd.s32 $0x10, s1;
	s17 =	simm.s32 $0x16408  }
0x4e0: {  	[hbm4b:s14+s3] =	stream.linear.scatter [tilespmem:s17], [sflag:$0x4], $0x80, $0x38;
	[tilespmem:$0x16C00] =	vst v63  }
0x4e1: {  	s14 =	sadd.s32 $0x20, s1;
	s17 =	simm.s32 $0x16490  }
0x4e2: {  	v40 =	vld [tilespmem:$0x1FD80];
	[hbm4b:s14+s3] =	stream.linear.scatter [tilespmem:s17], [sflag:$0x4], $0x80, $0x38  }
0x4e3: {  	v41 =	vld [tilespmem:$0x1FE90];
	s14 =	sadd.s32 $0x30, s1;
	s17 =	simm.s32 $0x16518  }
0x4e4: {  	v44 =	vld [tilespmem:$0x1FF20];
	[hbm4b:s14+s3] =	stream.linear.scatter [tilespmem:s17], [sflag:$0x4], $0x80, $0x38  }
0x4e5: {  	v48 =	vld [tilespmem:$0x1FFE0];
	s14 =	sadd.s32 $0x40, s1;
	s17 =	simm.s32 $0x165A0  }
0x4e6: {  	v56 =	vld [tilespmem:$0x1FDA0];
	[hbm4b:s14+s3] =	stream.linear.scatter [tilespmem:s17], [sflag:$0x4], $0x80, $0x38  }
0x4e7: {  	v58 =	vld [tilespmem:$0x1FEB0];
	s14 =	sadd.s32 $0x50, s1;
	s17 =	simm.s32 $0x16628  }
0x4e8: {  	v59 =	vld [tilespmem:$0x1FF40];
	[hbm4b:s14+s3] =	stream.linear.scatter [tilespmem:s17], [sflag:$0x4], $0x80, $0x38  }
0x4e9: {  	v45 =	vld [tilespmem:$0x1FD90];
	s14 =	sadd.s32 $0x60, s1;
	s17 =	simm.s32 $0x166B0  }
0x4ea: {  	v60 =	vld [tilespmem:$0x1FDB0];
	[hbm4b:s14+s3] =	stream.linear.scatter [tilespmem:s17], [sflag:$0x4], $0x80, $0x38  }
0x4eb: {  	v62 =	vld [tilespmem:$0x1FED0];
	s1 =	sadd.s32 $0x70, s1;
	s17 =	simm.s32 $0x16738  }
0x4ec: {  	v63 =	vld [tilespmem:$0x1FF60];
	[hbm4b:s1+s3] =	stream.linear.scatter [tilespmem:s17], [sflag:$0x4], $0x80, $0x38  }
0x4ed: {  	v37 =	vld [tilespmem:$0x1FDD0];
	s6 =	simm.s32 $0x167C0;
	s0 =	sadd.s32 s0, s13  }
0x4ee: {  	v49 =	vld [tilespmem:$0x1FF00];
	[hbm4b:s0+s3] =	stream.linear.scatter [tilespmem:s6], [sflag:$0x4], $0x80, $0x38  }
0x4ef: {  	v26 =	vld [tilespmem:$0x1FF80];
	s14 =	sadd.s32 $0x10, s0;
	s17 =	simm.s32 $0x16848  }
0x4f0: {  	v53 =	vld [tilespmem:$0x1FDE0];
	[hbm4b:s14+s3] =	stream.linear.scatter [tilespmem:s17], [sflag:$0x4], $0x80, $0x38  }
0x4f1: {  	v38 =	vld [tilespmem:$0x1FDF0];
	s14 =	sadd.s32 $0x20, s0;
	s17 =	simm.s32 $0x168D0  }
0x4f2: {  	v51 =	vld [tilespmem:$0x1FE00];
	[hbm4b:s14+s3] =	stream.linear.scatter [tilespmem:s17], [sflag:$0x4], $0x80, $0x38  }
0x4f3: {  	v52 =	vld [tilespmem:$0x1FFA0];
	s14 =	sadd.s32 $0x30, s0;
	s17 =	simm.s32 $0x16958  }
0x4f4: {  	v47 =	vld [tilespmem:$0x1FE20];
	[hbm4b:s14+s3] =	stream.linear.scatter [tilespmem:s17], [sflag:$0x4], $0x80, $0x38  }
0x4f5: {  	s31 =	sadd.s32 $0x1, s31;
	v55 =	vld [tilespmem:$0x1FE30];
	s14 =	sadd.s32 $0x40, s0;
	s17 =	simm.s32 $0x169E0  }
0x4f6: {  	v30 =	vld [tilespmem:$0x1FFC0];
	[hbm4b:s14+s3] =	stream.linear.scatter [tilespmem:s17], [sflag:$0x4], $0x80, $0x38  }
0x4f7: {  	p0 =	sne.s32 s31, $0x32;
	v61 =	vld [tilespmem:$0x1FE40];
	s14 =	sadd.s32 $0x50, s0;
	s17 =	simm.s32 $0x16A68  }
0x4f8: {  	v9 =	vld [tilespmem:$0x1FE50];
	[hbm4b:s14+s3] =	stream.linear.scatter [tilespmem:s17], [sflag:$0x4], $0x80, $0x38  }
.Ltmp4:
0x4f9: {  	v21 =	vld [tilespmem:$0x1FE60];
	(pc) =	sbr.rel @p0 .LBB2_2-.Ltmp4, $4  }
0x4fa: {  	v31 =	vld [tilespmem:$0x1FFF0];
	s6 =	sadd.s32 $0x60, s0;
	s14 =	simm.s32 $0x16AF0  }
0x4fb: {  	v27 =	vld [tilespmem:$0x1FE70];
	[hbm4b:s6+s3] =	stream.linear.scatter [tilespmem:s14], [sflag:$0x4], $0x80, $0x38  }
0x4fc: {  	v28 =	vld [tilespmem:$0x1FDC0];
	s0 =	sadd.s32 $0x70, s0;
	s17 =	simm.s32 $0x16B78  }
0x4fd: {  	v32 =	vmov v57;
	v39 =	vld [tilespmem:$0x1FFD0];
	[hbm4b:s0+s3] =	stream.linear.scatter [tilespmem:s17], [sflag:$0x4], $0x80, $0x38  }
0x4fe: {  	_ =	swait.ge [sflag:s26], $0x400  }
0x4ff: {  	[sflag:s26] =	ssyncset.done $0x0  }
0x500: {  	[sflag:s26] =	ssyncadd.s32 $0xFFFFFC00  }
0x501: {  	_ =	swait.ge [sflag:s26], $0x400  }
0x502: {  	[sflag:s26] =	ssyncset.done $0x0  }
0x503: {  	[sflag:s26] =	ssyncadd.s32 $0xFFFFFC00  }
0x504: {  	_ =	swait.ge [sflag:s26], $0x400  }
0x505: {  	[sflag:s26] =	ssyncset.done $0x0  }
0x506: {  	[sflag:s26] =	ssyncadd.s32 $0xFFFFFC00  }
0x507: {  	_ =	swait.ge [sflag:s26], $0x400  }
0x508: {  	[sflag:s26] =	ssyncset.done $0x0  }
0x509: {  	[sflag:s26] =	ssyncadd.s32 $0xFFFFFC00  }
0x50a: {  	_ =	swait.ge [sflag:s26], $0x400  }
0x50b: {  	[sflag:s26] =	ssyncset.done $0x0  }
0x50c: {  	[sflag:s26] =	ssyncadd.s32 $0xFFFFFC00  }
0x50d: {  	_ =	swait.ge [sflag:s26], $0x400  }
0x50e: {  	[sflag:s26] =	ssyncset.done $0x0  }
0x50f: {  	[sflag:s26] =	ssyncadd.s32 $0xFFFFFC00  }
0x510: {  	_ =	swait.ge [sflag:s26], $0x400  }
0x511: {  	[sflag:s26] =	ssyncset.done $0x0  }
0x512: {  	[sflag:s26] =	ssyncadd.s32 $0xFFFFFC00  }
0x513: {  	_ =	swait.ge [sflag:s26], $0x400  }
0x514: {  	[sflag:s26] =	ssyncset.done $0x0  }
0x515: {  	[sflag:s26] =	ssyncadd.s32 $0xFFFFFC00  }
0x516: {  	_ =	swait.ge [sflag:s26], $0x400  }
0x517: {  	[sflag:s26] =	ssyncset.done $0x0  }
0x518: {  	[sflag:s26] =	ssyncadd.s32 $0xFFFFFC00  }
0x519: {  	_ =	swait.ge [sflag:s26], $0x400  }
0x51a: {  	[sflag:s26] =	ssyncset.done $0x0  }
0x51b: {  	[sflag:s26] =	ssyncadd.s32 $0xFFFFFC00  }
0x51c: {  	_ =	swait.ge [sflag:s26], $0x400  }
0x51d: {  	[sflag:s26] =	ssyncset.done $0x0  }
0x51e: {  	[sflag:s26] =	ssyncadd.s32 $0xFFFFFC00  }
0x51f: {  	_ =	swait.ge [sflag:s26], $0x400  }
0x520: {  	[sflag:s26] =	ssyncset.done $0x0  }
0x521: {  	[sflag:s26] =	ssyncadd.s32 $0xFFFFFC00  }
0x522: {  	_ =	swait.ge [sflag:s26], $0x400  }
0x523: {  	[sflag:s26] =	ssyncset.done $0x0  }
0x524: {  	[sflag:s26] =	ssyncadd.s32 $0xFFFFFC00  }
0x525: {  	_ =	swait.ge [sflag:s26], $0x400  }
0x526: {  	[sflag:s26] =	ssyncset.done $0x0  }
0x527: {  	[sflag:s26] =	ssyncadd.s32 $0xFFFFFC00  }
0x528: {  	_ =	swait.ge [sflag:s26], $0x400  }
0x529: {  	[sflag:s26] =	ssyncset.done $0x0  }
0x52a: {  	[sflag:s26] =	ssyncadd.s32 $0xFFFFFC00  }
0x52b: {  	_ =	swait.ge [sflag:s26], $0x400  }
0x52c: {  	[sflag:s26] =	ssyncset.done $0x0  }
0x52d: {  	[sflag:s26] =	ssyncadd.s32 $0xFFFFFC00  }
0x52e: {  	_ =	swait.ge [sflag:s30], $0x400  }
0x52f: {  	[sflag:s30] =	ssyncset.done $0x0  }
0x530: {  	[sflag:s30] =	ssyncadd.s32 $0xFFFFFC00  }
0x531: {  	_ =	swait.ge [sflag:s30], $0x400  }
0x532: {  	[sflag:s30] =	ssyncset.done $0x0  }
0x533: {  	[sflag:s30] =	ssyncadd.s32 $0xFFFFFC00  }
0x534: {  	_ =	swait.ge [sflag:s30], $0x400  }
0x535: {  	[sflag:s30] =	ssyncset.done $0x0  }
0x536: {  	[sflag:s30] =	ssyncadd.s32 $0xFFFFFC00  }
0x537: {  	_ =	swait.ge [sflag:s30], $0x400  }
0x538: {  	[sflag:s30] =	ssyncset.done $0x0  }
0x539: {  	[sflag:s30] =	ssyncadd.s32 $0xFFFFFC00  }
0x53a: {  	_ =	swait.ge [sflag:s30], $0x400  }
0x53b: {  	[sflag:s30] =	ssyncset.done $0x0  }
0x53c: {  	[sflag:s30] =	ssyncadd.s32 $0xFFFFFC00  }
0x53d: {  	_ =	swait.ge [sflag:s30], $0x400  }
0x53e: {  	[sflag:s30] =	ssyncset.done $0x0  }
0x53f: {  	[sflag:s30] =	ssyncadd.s32 $0xFFFFFC00  }
0x540: {  	_ =	swait.ge [sflag:s30], $0x400  }
0x541: {  	[sflag:s30] =	ssyncset.done $0x0  }
0x542: {  	[sflag:s30] =	ssyncadd.s32 $0xFFFFFC00  }
0x543: {  	_ =	swait.ge [sflag:s30], $0x400  }
0x544: {  	[sflag:s30] =	ssyncset.done $0x0  }
0x545: {  	[sflag:s30] =	ssyncadd.s32 $0xFFFFFC00  }
0x546: {  	_ =	swait.ge [sflag:s30], $0x400  }
0x547: {  	[sflag:s30] =	ssyncset.done $0x0  }
0x548: {  	[sflag:s30] =	ssyncadd.s32 $0xFFFFFC00  }
0x549: {  	_ =	swait.ge [sflag:s30], $0x400  }
0x54a: {  	[sflag:s30] =	ssyncset.done $0x0  }
0x54b: {  	[sflag:s30] =	ssyncadd.s32 $0xFFFFFC00  }
0x54c: {  	_ =	swait.ge [sflag:s30], $0x400  }
0x54d: {  	[sflag:s30] =	ssyncset.done $0x0  }
0x54e: {  	[sflag:s30] =	ssyncadd.s32 $0xFFFFFC00  }
0x54f: {  	_ =	swait.ge [sflag:s30], $0x400  }
0x550: {  	[sflag:s30] =	ssyncset.done $0x0  }
0x551: {  	[sflag:s30] =	ssyncadd.s32 $0xFFFFFC00  }
0x552: {  	_ =	swait.ge [sflag:s30], $0x400  }
0x553: {  	[sflag:s30] =	ssyncset.done $0x0  }
0x554: {  	[sflag:s30] =	ssyncadd.s32 $0xFFFFFC00  }
0x555: {  	_ =	swait.ge [sflag:s30], $0x400  }
0x556: {  	[sflag:s30] =	ssyncset.done $0x0  }
0x557: {  	[sflag:s30] =	ssyncadd.s32 $0xFFFFFC00  }
0x558: {  	_ =	swait.ge [sflag:s30], $0x400  }
0x559: {  	[sflag:s30] =	ssyncset.done $0x0  }
0x55a: {  	[sflag:s30] =	ssyncadd.s32 $0xFFFFFC00  }
0x55b: {  	_ =	swait.ge [sflag:s30], $0x400  }
0x55c: {  	s1 =	rddreg [dreg:$0x5]  }
0x55d: {  	s0 =	rddreg [dreg:$0x4];
	s1 =	sadd.s32 $0x1, s1  }
0x55e: {  	p0 =	sne.s32 s1, s0  }
.Ltmp5:
0x55f: {  	_ = 	snop;
	(pc) =	sbr.rel @p0 .LBB2_1-.Ltmp5, $3  }
0x560: {  	_ =	sdelay $0x1  }
0x561: {  	[sflag:s30] =	ssyncset.done $0x0  }
0x562: {  	v2 =	vmov v38;
	v38 =	vmov v26;
	v26 =	vmov v37;
	[sflag:s30] =	ssyncadd.s32 $0xFFFFFC00  }
0x563: {  	_ =	sfence.sel $0x180000  }
0x564: {  	[bflag:$0x0] =	sbarrier.arrive $0xFFFF  }
0x565: {  	_ =	strace $0x90000047  }
0x566: {  	s0 =	stileid.u32;
	[bflag:$0x2] =	sbarrier.arrive $0xFFFF  }
0x567: {  	p0 =	sne.s32 s0, $0x0;
	s0 =	rddreg [dreg:$0x2]  }
0x568: {  	s0 =	sadd.s32 @!p0 $0x100000, s0  }
0x569: {  	[sflag:s0] =	ssyncadd.tile.s32 @!p0 $0x1;
	_ =	shalt  }
.Lfunc_end2:
_tile_overlayer_lowered:
.L_overlay_start_2:
0x56a: {  	(tag) =	ssettag $0x2  }
0x56b: {  	s0 =	rddreg [dreg:$0x0];
	s2 =	stileid.u32  }
0x56c: {  	s1 =	rddreg [dreg:$0x1];
	p0 =	sne.s32 s2, $0x0  }
0x56d: {  	s3 =	rddreg [dreg:$0x2];
	[bflag:$0x3] =	sbarrier.arrive $0xFFFF;
	s2 =	simm.s32 @!p0 $0x1C05  }
0x56e: {  	[timem:s3], [sflag:s2] =	dma.local @!p0 [hbm:s0], s1  }
0x56f: {  	s0 =	simm.s32 @!p0 $0x5  }
0x570: {  	_ =	swait.ge @!p0 [sflag:s0], s1  }
0x571: {  	s1 =	ssub.s32 @!p0 $0x0, s1;
	[sflag:s0] =	ssyncset.done @!p0 $0x0  }
0x572: {  	[sflag:s0] =	ssyncadd.s32 @!p0 s1  }
0x573: {  	[bflag:$0x3] =	sbarrier.arrive $0xFFFF  }
0x574: {  	_ =	shalt  }

</sc_bundles>
